<compile_context>
chip_gen: v7x
topology: tpu7x:2x2x1
jax: 0.10.2.dev20260603
libtpu: 0.0.44.dev20260713+nightly
codegen_flags: <defaults>
</compile_context>

<pallas_src>
import functools

import jax
import jax.numpy as jnp
from jax import lax
from jax.experimental import pallas as pl
from jax.experimental.pallas import tpu as pltpu
from jax.experimental.pallas import tpu_sc as plsc

BITS = 10
PATCH = 32
N = 8192
NB = 256
BINS = 256
NV = N // 16


def _codes_body(x_ref, o_ref):
    X0f, X1f, X2f = x_ref[0], x_ref[1], x_ref[2]
    maxv = (1 << BITS) - 1
    Xs = []
    for xf in (X0f, X1f, X2f):
        mn = xf.min(axis=-1, keepdims=True)
        mx = xf.max(axis=-1, keepdims=True)
        p = (xf - mn) / jnp.maximum(mx - mn, 1e-9)
        Xs.append(
            jnp.clip((p * (1 << BITS)).astype(jnp.int32), 0, maxv).astype(jnp.uint32)
        )
    X0, X1, X2 = Xs
    Q = 1 << (BITS - 1)
    while Q > 1:
        P = jnp.uint32(Q - 1)
        c0 = (X0 & Q) > 0
        X0 = jnp.where(c0, X0 ^ P, X0)
        c1 = (X1 & Q) > 0
        t = (X0 ^ X1) & P
        X0, X1 = jnp.where(c1, X0 ^ P, X0 ^ t), jnp.where(c1, X1, X1 ^ t)
        c2 = (X2 & Q) > 0
        t = (X0 ^ X2) & P
        X0, X2 = jnp.where(c2, X0 ^ P, X0 ^ t), jnp.where(c2, X2, X2 ^ t)
        Q >>= 1
    X1 = X1 ^ X0
    X2 = X2 ^ X1
    s = X2
    s = s ^ (s >> 1)
    s = s ^ (s >> 2)
    s = s ^ (s >> 4)
    s = s ^ (s >> 8)
    t = s >> 1
    X0, X1, X2 = X0 ^ t, X1 ^ t, X2 ^ t

    def spread(v):
        v = v & jnp.uint32(0x3FF)
        v = (v | (v << 16)) & jnp.uint32(0x030000FF)
        v = (v | (v << 8)) & jnp.uint32(0x0300F00F)
        v = (v | (v << 4)) & jnp.uint32(0x030C30C3)
        v = (v | (v << 2)) & jnp.uint32(0x09249249)
        return v

    code = (spread(X0) << 2) | (spread(X1) << 1) | spread(X2)
    o_ref[...] = lax.bitcast_convert_type(code, jnp.int32)


def _codes_tc(x, interpret=False):
    b, n, _ = x.shape
    x3 = jnp.transpose(x, (2, 0, 1))
    cb = 8
    grid = (b // cb,)
    return pl.pallas_call(
        _codes_body,
        grid=grid,
        in_specs=[pl.BlockSpec((3, cb, n), lambda i: (0, i, 0))],
        out_specs=pl.BlockSpec((cb, n), lambda i: (i, 0)),
        out_shape=jax.ShapeDtypeStruct((b, n), jnp.int32),
        compiler_params=pltpu.CompilerParams(
            dimension_semantics=("parallel",)
        ),
        interpret=interpret,
    )(x3)


def _make_sc_kernel(nc, ns):
    nw = nc * ns
    rpw = NB // nw
    mesh = plsc.VectorSubcoreMesh(core_axis_name="c", subcore_axis_name="s")

    @functools.partial(
        pl.kernel,
        mesh=mesh,
        out_type=[
            jax.ShapeDtypeStruct((NB, N * 3), jnp.float32),
            jax.ShapeDtypeStruct((NB, (N // PATCH) * 3), jnp.float32),
        ],
        compiler_params=pltpu.CompilerParams(
            needs_layout_passes=False, use_tc_tiling_on_sc=True
        ),
        scratch_types=[
            pltpu.VMEM((N,), jnp.int32),
            pltpu.VMEM((N,), jnp.int32),
            pltpu.VMEM((N,), jnp.int32),
            pltpu.VMEM((N,), jnp.int32),
            pltpu.VMEM((BINS * 16,), jnp.int32),
            pltpu.VMEM((BINS * 16,), jnp.int32),
            pltpu.VMEM((N * 3,), jnp.float32),
            pltpu.VMEM((N * 3,), jnp.float32),
            pltpu.VMEM(((N // PATCH) * 3,), jnp.float32),
            pltpu.VMEM((N,), jnp.int32),
            pltpu.VMEM((N,), jnp.int32),
            pltpu.SemaphoreType.DMA,
            pltpu.SemaphoreType.DMA,
            pltpu.SemaphoreType.DMA,
            pltpu.SemaphoreType.DMA,
        ],
    )
    def sc_kernel(codes_hbm, x_hbm, p_hbm, c_hbm,
                  keys_a, keys_b, vals_a, vals_b, hist, base, xrow, prow, crow,
                  cbuf0, cbuf1, semx, semp, semc, semk):
        lane = lax.iota(jnp.int32, 16)
        ones = jnp.zeros((16,), jnp.int32) + 1
        lane0 = lane == 0
        wid = lax.axis_index("s") * nc + lax.axis_index("c")
        zeros16 = jnp.zeros((16,), jnp.int32)
        nbins = (BINS, BINS, BINS, 64)
        shifts = (0, 8, 16, 24)

        def zero_body(i, c):
            hist[pl.ds(i * 16, 16)] = zeros16
            return c

        lax.fori_loop(0, BINS, zero_body, 0)

        def do_pass(keys_in, vals_in, keys_out, vals_out, pi):
            nb, shift = nbins[pi], shifts[pi]
            first, last = pi == 0, pi == 3

            def hist_body(i, c):
                k = keys_in[pl.ds(i * 16, 16)]
                d = ((k >> shift) & (nb - 1)) * 16 + lane
                plsc.addupdate_scatter(hist, [d], ones)
                return c

            lax.fori_loop(0, NV, hist_body, 0, unroll=4)

            def scan_body(i, carry):
                v = hist[pl.ds(i * 16, 16)]
                cs = plsc.cumsum(v)
                tot = jnp.sum(v)
                hist[pl.ds(i * 16, 16)] = zeros16
                base[pl.ds(i * 16, 16)] = cs - v + carry
                return carry + tot

            lax.fori_loop(0, nb, scan_body, jnp.int32(0))

            def perm_body(i, c):
                k = keys_in[pl.ds(i * 16, 16)]
                if first:
                    v = i * 16 + lane
                else:
                    v = vals_in[pl.ds(i * 16, 16)]
                d = ((k >> shift) & (nb - 1)) * 16 + lane
                t = plsc.load_gather(base, [d])
                plsc.store_scatter(base, [d], t + 1)
                if last:
                    plsc.store_scatter(vals_out, [t], v)
                else:
                    a = (t & (NV - 1)) * 16 + (t >> 9)
                    plsc.store_scatter(keys_out, [a], k)
                    plsc.store_scatter(vals_out, [a], v)
                return c

            lax.fori_loop(0, NV, perm_body, 0, unroll=2)

        inv = jnp.float32(1.0 / PATCH)
        lane3 = lane * 3

        def patch_body(j, c):
            s0 = jnp.zeros((16,), jnp.float32)
            s1 = jnp.zeros((16,), jnp.float32)
            s2 = jnp.zeros((16,), jnp.float32)
            for h in range(2):
                idx = vals_a[pl.ds(j * 32 + h * 16, 16)]
                i3 = idx * 3
                t3 = j * 96 + h * 48 + lane3
                vx0 = plsc.load_gather(xrow, [i3])
                vx1 = plsc.load_gather(xrow, [i3 + 1])
                vx2 = plsc.load_gather(xrow, [i3 + 2])
                plsc.store_scatter(prow, [t3], vx0)
                plsc.store_scatter(prow, [t3 + 1], vx1)
                plsc.store_scatter(prow, [t3 + 2], vx2)
                s0 = s0 + vx0
                s1 = s1 + vx1
                s2 = s2 + vx2
            for coord, s in ((0, s0), (1, s1), (2, s2)):
                m = jnp.sum(s) * inv
                plsc.store_scatter(
                    crow,
                    [jnp.zeros((16,), jnp.int32) + (j * 3 + coord)],
                    jnp.zeros((16,), jnp.float32) + m,
                    mask=lane0,
                )
            return c

        def half_row(row, cbuf, first_row):
            cpx = pltpu.async_copy(x_hbm.at[row], xrow, semx)
            do_pass(cbuf, None, keys_b, vals_b, 0)
            do_pass(keys_b, vals_b, keys_a, vals_a, 1)
            do_pass(keys_a, vals_a, keys_b, vals_b, 2)
            do_pass(keys_b, vals_b, keys_a, vals_a, 3)
            cpx.wait()

            if first_row:
                @pl.when(row > wid * rpw)
                def _():
                    pltpu.make_async_copy(prow, p_hbm.at[row], semp).wait()
                    pltpu.make_async_copy(crow, c_hbm.at[row], semc).wait()
            else:
                pltpu.make_async_copy(prow, p_hbm.at[row], semp).wait()
                pltpu.make_async_copy(crow, c_hbm.at[row], semc).wait()

            lax.fori_loop(0, N // PATCH, patch_body, 0, unroll=2)
            pltpu.async_copy(prow, p_hbm.at[row], semp)
            pltpu.async_copy(crow, c_hbm.at[row], semc)

        npair = rpw // 2
        pltpu.sync_copy(codes_hbm.at[wid * rpw], cbuf0)

        def pair_body(q, c):
            r0 = wid * rpw + 2 * q

            @pl.when(q > 0)
            def _():
                pltpu.make_async_copy(codes_hbm.at[r0], cbuf0, semk).wait()

            pltpu.async_copy(codes_hbm.at[r0 + 1], cbuf1, semk)
            half_row(r0, cbuf0, True)
            pltpu.make_async_copy(codes_hbm.at[r0 + 1], cbuf1, semk).wait()

            @pl.when(q < npair - 1)
            def _():
                pltpu.async_copy(codes_hbm.at[r0 + 2], cbuf0, semk)

            half_row(r0 + 1, cbuf1, False)
            return c

        lax.fori_loop(0, npair, pair_body, 0)
        last_row = wid * rpw + rpw - 1
        pltpu.make_async_copy(prow, p_hbm.at[last_row], semp).wait()
        pltpu.make_async_copy(crow, c_hbm.at[last_row], semc).wait()

    return sc_kernel


def kernel(x):
    b, n, _ = x.shape
    codes = _codes_tc(x)
    info = plsc.get_sparse_core_info()
    sc = _make_sc_kernel(info.num_cores, info.num_subcores)
    xf = x.reshape(b, n * 3)
    p_flat, c_flat = sc(codes, xf)
    s = n // PATCH
    return p_flat.reshape(b, s, PATCH, 3), c_flat.reshape(b, s, 3)

# --- scband reference (transcript-rebuilt; emitter-appended) ---
"""Pipeline reference for scband-group-hilbert-v2-73512660238514 (READ-ONLY COPY).

The authoritative reference and input builder live on the scoring server;
editing this copy changes nothing except your own understanding.
"""

import jax, jax.numpy as jnp
import numpy as np

BITS = 10
PATCH_SIZE = 32


def _hilbert_code(pts):
    # pts: (..., N, 3) float. Normalize each cloud to [0,1], quantize to BITS bits,
    # then compute the Hilbert curve index via Skilling's transpose algorithm.
    mn = pts.min(axis=-2, keepdims=True)
    mx = pts.max(axis=-2, keepdims=True)
    p = (pts - mn) / jnp.maximum(mx - mn, 1e-9)
    maxv = (1 << BITS) - 1
    Xi = jnp.clip((p * (1 << BITS)).astype(jnp.uint32), 0, maxv)
    n = 3
    Xs = [Xi[..., i] for i in range(n)]
    M = 1 << (BITS - 1)
    Q = M
    while Q > 1:
        P = Q - 1
        for i in range(n):
            cond = (Xs[i] & Q) > 0
            if i == 0:
                Xs[0] = jnp.where(cond, Xs[0] ^ P, Xs[0])
            else:
                t = (Xs[0] ^ Xs[i]) & P
                new0 = jnp.where(cond, Xs[0] ^ P, Xs[0] ^ t)
                newi = jnp.where(cond, Xs[i], Xs[i] ^ t)
                Xs[0], Xs[i] = new0, newi
        Q >>= 1
    # Gray encode
    for i in range(1, n):
        Xs[i] = Xs[i] ^ Xs[i - 1]
    t = jnp.zeros_like(Xs[0])
    Q = M
    while Q > 1:
        cond = (Xs[n - 1] & Q) > 0
        t = jnp.where(cond, t ^ (Q - 1), t)
        Q >>= 1
    Xs = [xx ^ t for xx in Xs]
    # Interleave bits (transpose -> single Hilbert integer), 3*10=30 bits fits uint32
    code = jnp.zeros_like(Xs[0])
    for b in range(BITS - 1, -1, -1):
        for i in range(n):
            code = (code << 1) | ((Xs[i] >> b) & jnp.uint32(1))
    return code


def setup_inputs(seed: int = 0) -> dict:
    key = jax.random.key(seed)
    x = jax.random.uniform(key, (256, 8192, 3), dtype=jnp.float32)
    return {"x": x}


def reference(x):
    # SpatialSort(HilbertCode): sort points along Hilbert curve
    code = _hilbert_code(jax.lax.stop_gradient(x))
    order = jnp.argsort(code, axis=-1)
    xs = jnp.take_along_axis(x, order[..., None], axis=-2)
    # GroupHilbert._group with patch_overlap == 1.0, sub=False
    s = xs.shape
    num_patch = s[-2] // PATCH_SIZE
    p = xs.reshape(*s[:-2], num_patch, PATCH_SIZE, 3)
    c = p.mean(axis=-2)  # keepdim=True then reshape(..., -1, 3) -> (..., S, 3)
    # recenter=False -> return grouped patches and centers
    return p, c

if __name__ == "__main__":
    import jax
    _d = setup_inputs()
    print(jax.jit(kernel)(*tuple(_d.values())))

</pallas_src>

<mosaic_0001>
#map = affine_map<(d0, d1) -> (0, 0)>
module attributes {stable_mosaic.version = 14 : i64} {
  func.func @sc_kernel(%arg0: i32, %arg1: i32, %arg2: memref<256x8192xi32, #tpu.memory_space<hbm>>, %arg3: memref<256x24576xf32, #tpu.memory_space<hbm>>, %arg4: memref<256x24576xf32, #tpu.memory_space<hbm>>, %arg5: memref<256x768xf32, #tpu.memory_space<hbm>>, %arg6: memref<8192xi32, #tpu.memory_space<vmem>>, %arg7: memref<8192xi32, #tpu.memory_space<vmem>>, %arg8: memref<8192xi32, #tpu.memory_space<vmem>>, %arg9: memref<8192xi32, #tpu.memory_space<vmem>>, %arg10: memref<4096xi32, #tpu.memory_space<vmem>>, %arg11: memref<4096xi32, #tpu.memory_space<vmem>>, %arg12: memref<24576xf32, #tpu.memory_space<vmem>>, %arg13: memref<24576xf32, #tpu.memory_space<vmem>>, %arg14: memref<768xf32, #tpu.memory_space<vmem>>, %arg15: memref<8192xi32, #tpu.memory_space<vmem>>, %arg16: memref<8192xi32, #tpu.memory_space<vmem>>, %arg17: memref<!tpu.dma_semaphore, #tpu.memory_space<semaphore_mem>>, %arg18: memref<!tpu.dma_semaphore, #tpu.memory_space<semaphore_mem>>, %arg19: memref<!tpu.dma_semaphore, #tpu.memory_space<semaphore_mem>>, %arg20: memref<!tpu.dma_semaphore, #tpu.memory_space<semaphore_mem>>) attributes {dimension_semantics = [#tpu.dimension_semantics<core_parallel>, #tpu.dimension_semantics<subcore_parallel>], iteration_bounds = array<i64: 2, 16>, scalar_prefetch = 0 : i64, scratch_operands = 15 : i64, tpu.core_type = #tpu.core_type<sc_vector_subcore>, window_params = [{transform_indices = #map}, {transform_indices = #map}, {transform_indices = #map}, {transform_indices = #map}]} {
    %iota3A = tpu.iota {dimensions = array<i32: 0>} : vector<16xi32>
    %broadcast_in_dim3A = arith.constant 0 : i32
    %broadcast_in_dim3A_0 = vector.broadcast %broadcast_in_dim3A : i32 to vector<16xi32>
    %add3A = arith.constant 1 : i32
    %add3A_1 = vector.broadcast %add3A : i32 to vector<16xi32>
    %add3A_2 = arith.addi %broadcast_in_dim3A_0, %add3A_1 : vector<16xi32>
    %eq3A = arith.constant 0 : i32
    %eq3A_3 = vector.broadcast %eq3A : i32 to vector<16xi32>
    %eq3A_4 = arith.cmpi eq, %iota3A, %eq3A_3 : vector<16xi32>
    %mul3A = arith.constant 2 : i32
    %mul3A_5 = arith.muli %arg1, %mul3A : i32
    %add3A_6 = arith.addi %mul3A_5, %arg0 : i32
    %broadcast_in_dim3A_7 = arith.constant 0 : i32
    %broadcast_in_dim3A_8 = vector.broadcast %broadcast_in_dim3A_7 : i32 to vector<16xi32>
    %scan3A = arith.constant 0 : i32
    %scan3A_9 = arith.constant 0 : i32
    %scan3A_10 = arith.constant 256 : i32
    %scan3A_11 = arith.addi %scan3A_9, %scan3A_10 : i32
    %scan3A_12 = arith.constant 1 : i32
    scf.for %scan3A_42 = %scan3A_9 to %scan3A_11 step %scan3A_12  : i32 {
      %mul3A_43 = arith.constant 16 : i32
      %mul3A_44 = arith.muli %scan3A_42, %mul3A_43 : i32
      %swap3A = arith.index_cast %mul3A_44 : i32 to index
      %swap3A_45 = tpu.vector_load %arg10[%swap3A] {strides = array<i32>} : memref<4096xi32, #tpu.memory_space<vmem>>, vector<16xi32>,
      tpu.vector_store %arg10[%swap3A], %broadcast_in_dim3A_8 {strides = array<i32>} : memref<4096xi32, #tpu.memory_space<vmem>>, vector<16xi32>,
    }
    %scan3A_13 = arith.constant 256 : i32
    %mul3A_14 = arith.constant 3 : i32
    %mul3A_15 = vector.broadcast %mul3A_14 : i32 to vector<16xi32>
    %mul3A_16 = arith.muli %iota3A, %mul3A_15 : vector<16xi32>
    %mul3A_17 = arith.constant 8 : i32
    %mul3A_18 = arith.muli %add3A_6, %mul3A_17 : i32
    "tpu.region"() ({
      %run_scoped3A = tpu.sem_alloc : memref<!tpu.dma_semaphore, #tpu.memory_space<semaphore_mem>>
      %dma_start3A = arith.constant 0 : i32
      %dma_start3A_42 = tpu.memref_slice %arg2[%mul3A_18, %dma_start3A] : memref<256x8192xi32, #tpu.memory_space<hbm>> -> memref<1x8192xi32, #tpu.memory_space<hbm>>
      %dma_start3A_43 = tpu.memref_squeeze %dma_start3A_42 : memref<1x8192xi32, #tpu.memory_space<hbm>> -> memref<8192xi32, #tpu.memory_space<hbm>>
      %dma_start3A_44 = arith.constant 0 : i32
      %dma_start3A_45 = tpu.memref_slice %arg2[%mul3A_18, %dma_start3A_44] : memref<256x8192xi32, #tpu.memory_space<hbm>> -> memref<1x8192xi32, #tpu.memory_space<hbm>>
      %dma_start3A_46 = tpu.memref_squeeze %dma_start3A_45 : memref<1x8192xi32, #tpu.memory_space<hbm>> -> memref<8192xi32, #tpu.memory_space<hbm>>
      tpu.enqueue_dma source(%dma_start3A_46 : memref<8192xi32, #tpu.memory_space<hbm>>) target(%arg15 : memref<8192xi32, #tpu.memory_space<vmem>>) target_semaphore(%run_scoped3A : memref<!tpu.dma_semaphore, #tpu.memory_space<semaphore_mem>>)
      %dma_wait3A_47 = arith.constant 0 : i32
      %dma_wait3A_48 = tpu.memref_slice %arg2[%mul3A_18, %dma_wait3A_47] : memref<256x8192xi32, #tpu.memory_space<hbm>> -> memref<1x8192xi32, #tpu.memory_space<hbm>>
      %dma_wait3A_49 = tpu.memref_squeeze %dma_wait3A_48 : memref<1x8192xi32, #tpu.memory_space<hbm>> -> memref<8192xi32, #tpu.memory_space<hbm>>
      %dma_wait3A_50 = arith.constant 0 : i32
      %dma_wait3A_51 = tpu.memref_slice %arg2[%mul3A_18, %dma_wait3A_50] : memref<256x8192xi32, #tpu.memory_space<hbm>> -> memref<1x8192xi32, #tpu.memory_space<hbm>>
      %dma_wait3A_52 = tpu.memref_squeeze %dma_wait3A_51 : memref<1x8192xi32, #tpu.memory_space<hbm>> -> memref<8192xi32, #tpu.memory_space<hbm>>
      tpu.wait_dma2 semaphore(%run_scoped3A : memref<!tpu.dma_semaphore, #tpu.memory_space<semaphore_mem>>) src(%dma_wait3A_52 : memref<8192xi32, #tpu.memory_space<hbm>>) dst(%arg15 : memref<8192xi32, #tpu.memory_space<vmem>>)
      tpu.yield
    }) : () -> ()
    %scan3A_19 = arith.constant 0 : i32
    %scan3A_20 = arith.constant 3.125000e-02 : f32
    %scan3A_21 = arith.constant 0 : i32
    %scan3A_22 = arith.constant 4 : i32
    %scan3A_23 = arith.addi %scan3A_21, %scan3A_22 : i32
    %scan3A_24 = arith.constant 1 : i32
    scf.for %scan3A_42 = %scan3A_21 to %scan3A_23 step %scan3A_24  : i32 {
      %mul3A_43 = arith.constant 8 : i32
      %mul3A_44 = arith.muli %add3A_6, %mul3A_43 : i32
      %mul3A_45 = arith.constant 2 : i32
      %mul3A_46 = arith.muli %mul3A_45, %scan3A_42 : i32
      %add3A_47 = arith.addi %mul3A_44, %mul3A_46 : i32
      %gt3A = arith.constant 0 : i32
      %gt3A_48 = arith.cmpi sgt, %scan3A_42, %gt3A : i32
      %convert_element_type3A = arith.extui %gt3A_48 : i1 to i32
      %cond3A = arith.constant 0 : i32
      %cond3A_49 = arith.cmpi ne, %convert_element_type3A, %cond3A : i32
      scf.if %cond3A_49 {
        %dma_wait3A_301 = arith.constant 0 : i32
        %dma_wait3A_302 = tpu.memref_slice %arg2[%add3A_47, %dma_wait3A_301] : memref<256x8192xi32, #tpu.memory_space<hbm>> -> memref<1x8192xi32, #tpu.memory_space<hbm>>
        %dma_wait3A_303 = tpu.memref_squeeze %dma_wait3A_302 : memref<1x8192xi32, #tpu.memory_space<hbm>> -> memref<8192xi32, #tpu.memory_space<hbm>>
        %dma_wait3A_304 = arith.constant 0 : i32
        %dma_wait3A_305 = tpu.memref_slice %arg2[%add3A_47, %dma_wait3A_304] : memref<256x8192xi32, #tpu.memory_space<hbm>> -> memref<1x8192xi32, #tpu.memory_space<hbm>>
        %dma_wait3A_306 = tpu.memref_squeeze %dma_wait3A_305 : memref<1x8192xi32, #tpu.memory_space<hbm>> -> memref<8192xi32, #tpu.memory_space<hbm>>
        tpu.wait_dma2 semaphore(%arg20 : memref<!tpu.dma_semaphore, #tpu.memory_space<semaphore_mem>>) src(%dma_wait3A_306 : memref<8192xi32, #tpu.memory_space<hbm>>) dst(%arg15 : memref<8192xi32, #tpu.memory_space<vmem>>)
      } else {
      }
      %add3A_50 = arith.constant 1 : i32
      %add3A_51 = arith.addi %add3A_47, %add3A_50 : i32
      %dma_start3A = arith.constant 0 : i32
      %dma_start3A_52 = tpu.memref_slice %arg2[%add3A_51, %dma_start3A] : memref<256x8192xi32, #tpu.memory_space<hbm>> -> memref<1x8192xi32, #tpu.memory_space<hbm>>
      %dma_start3A_53 = tpu.memref_squeeze %dma_start3A_52 : memref<1x8192xi32, #tpu.memory_space<hbm>> -> memref<8192xi32, #tpu.memory_space<hbm>>
      %dma_start3A_54 = arith.constant 0 : i32
      %dma_start3A_55 = tpu.memref_slice %arg2[%add3A_51, %dma_start3A_54] : memref<256x8192xi32, #tpu.memory_space<hbm>> -> memref<1x8192xi32, #tpu.memory_space<hbm>>
      %dma_start3A_56 = tpu.memref_squeeze %dma_start3A_55 : memref<1x8192xi32, #tpu.memory_space<hbm>> -> memref<8192xi32, #tpu.memory_space<hbm>>
      tpu.enqueue_dma source(%dma_start3A_56 : memref<8192xi32, #tpu.memory_space<hbm>>) target(%arg16 : memref<8192xi32, #tpu.memory_space<vmem>>) target_semaphore(%arg20 : memref<!tpu.dma_semaphore, #tpu.memory_space<semaphore_mem>>)
      %dma_start3A_57 = arith.constant 0 : i32
      %dma_start3A_58 = tpu.memref_slice %arg3[%add3A_47, %dma_start3A_57] : memref<256x24576xf32, #tpu.memory_space<hbm>> -> memref<1x24576xf32, #tpu.memory_space<hbm>>
      %dma_start3A_59 = tpu.memref_squeeze %dma_start3A_58 : memref<1x24576xf32, #tpu.memory_space<hbm>> -> memref<24576xf32, #tpu.memory_space<hbm>>
      %dma_start3A_60 = arith.constant 0 : i32
      %dma_start3A_61 = tpu.memref_slice %arg3[%add3A_47, %dma_start3A_60] : memref<256x24576xf32, #tpu.memory_space<hbm>> -> memref<1x24576xf32, #tpu.memory_space<hbm>>
      %dma_start3A_62 = tpu.memref_squeeze %dma_start3A_61 : memref<1x24576xf32, #tpu.memory_space<hbm>> -> memref<24576xf32, #tpu.memory_space<hbm>>
      tpu.enqueue_dma source(%dma_start3A_62 : memref<24576xf32, #tpu.memory_space<hbm>>) target(%arg12 : memref<24576xf32, #tpu.memory_space<vmem>>) target_semaphore(%arg17 : memref<!tpu.dma_semaphore, #tpu.memory_space<semaphore_mem>>)
      %scan3A_63 = arith.constant 0 : i32
      %scan3A_64 = arith.constant 0 : i32
      %scan3A_65 = arith.constant 512 : i32
      %scan3A_66 = arith.addi %scan3A_64, %scan3A_65 : i32
      %scan3A_67 = arith.constant 4 : i32
      scf.for %scan3A_301 = %scan3A_64 to %scan3A_66 step %scan3A_67  : i32 {
        %mul3A_302 = arith.constant 16 : i32
        %mul3A_303 = arith.muli %scan3A_301, %mul3A_302 : i32
        %get3A = arith.index_cast %mul3A_303 : i32 to index
        %get3A_304 = tpu.vector_load %arg15[%get3A] {strides = array<i32>} : memref<8192xi32, #tpu.memory_space<vmem>>, vector<16xi32>,
        %shift_right_arithmetic3A = arith.constant 0 : i32
        %shift_right_arithmetic3A_305 = vector.broadcast %shift_right_arithmetic3A : i32 to vector<16xi32>
        %shift_right_arithmetic3A_306 = arith.shrsi %get3A_304, %shift_right_arithmetic3A_305 : vector<16xi32>
        %and3A = arith.constant 255 : i32
        %and3A_307 = vector.broadcast %and3A : i32 to vector<16xi32>
        %and3A_308 = arith.andi %shift_right_arithmetic3A_306, %and3A_307 : vector<16xi32>
        %mul3A_309 = arith.constant 16 : i32
        %mul3A_310 = vector.broadcast %mul3A_309 : i32 to vector<16xi32>
        %mul3A_311 = arith.muli %and3A_308, %mul3A_310 : vector<16xi32>
        %add3A_312 = arith.addi %mul3A_311, %iota3A : vector<16xi32>
        tpu.vector_store_idx %arg10[%add3A_312], %add3A_2 {add = true} : memref<4096xi32, #tpu.memory_space<vmem>>[vector<16xi32>], vector<16xi32>,
        %scan3A_313 = arith.constant 1 : i32
        %scan3A_314 = arith.addi %scan3A_301, %scan3A_313 : i32
        %mul3A_315 = arith.constant 16 : i32
        %mul3A_316 = arith.muli %scan3A_314, %mul3A_315 : i32
        %get3A_317 = arith.index_cast %mul3A_316 : i32 to index
        %get3A_318 = tpu.vector_load %arg15[%get3A_317] {strides = array<i32>} : memref<8192xi32, #tpu.memory_space<vmem>>, vector<16xi32>,
        %shift_right_arithmetic3A_319 = arith.constant 0 : i32
        %shift_right_arithmetic3A_320 = vector.broadcast %shift_right_arithmetic3A_319 : i32 to vector<16xi32>
        %shift_right_arithmetic3A_321 = arith.shrsi %get3A_318, %shift_right_arithmetic3A_320 : vector<16xi32>
        %and3A_322 = arith.constant 255 : i32
        %and3A_323 = vector.broadcast %and3A_322 : i32 to vector<16xi32>
        %and3A_324 = arith.andi %shift_right_arithmetic3A_321, %and3A_323 : vector<16xi32>
        %mul3A_325 = arith.constant 16 : i32
        %mul3A_326 = vector.broadcast %mul3A_325 : i32 to vector<16xi32>
        %mul3A_327 = arith.muli %and3A_324, %mul3A_326 : vector<16xi32>
        %add3A_328 = arith.addi %mul3A_327, %iota3A : vector<16xi32>
        tpu.vector_store_idx %arg10[%add3A_328], %add3A_2 {add = true} : memref<4096xi32, #tpu.memory_space<vmem>>[vector<16xi32>], vector<16xi32>,
        %scan3A_329 = arith.constant 2 : i32
        %scan3A_330 = arith.addi %scan3A_301, %scan3A_329 : i32
        %mul3A_331 = arith.constant 16 : i32
        %mul3A_332 = arith.muli %scan3A_330, %mul3A_331 : i32
        %get3A_333 = arith.index_cast %mul3A_332 : i32 to index
        %get3A_334 = tpu.vector_load %arg15[%get3A_333] {strides = array<i32>} : memref<8192xi32, #tpu.memory_space<vmem>>, vector<16xi32>,
        %shift_right_arithmetic3A_335 = arith.constant 0 : i32
        %shift_right_arithmetic3A_336 = vector.broadcast %shift_right_arithmetic3A_335 : i32 to vector<16xi32>
        %shift_right_arithmetic3A_337 = arith.shrsi %get3A_334, %shift_right_arithmetic3A_336 : vector<16xi32>
        %and3A_338 = arith.constant 255 : i32
        %and3A_339 = vector.broadcast %and3A_338 : i32 to vector<16xi32>
        %and3A_340 = arith.andi %shift_right_arithmetic3A_337, %and3A_339 : vector<16xi32>
        %mul3A_341 = arith.constant 16 : i32
        %mul3A_342 = vector.broadcast %mul3A_341 : i32 to vector<16xi32>
        %mul3A_343 = arith.muli %and3A_340, %mul3A_342 : vector<16xi32>
        %add3A_344 = arith.addi %mul3A_343, %iota3A : vector<16xi32>
        tpu.vector_store_idx %arg10[%add3A_344], %add3A_2 {add = true} : memref<4096xi32, #tpu.memory_space<vmem>>[vector<16xi32>], vector<16xi32>,
        %scan3A_345 = arith.constant 3 : i32
        %scan3A_346 = arith.addi %scan3A_301, %scan3A_345 : i32
        %mul3A_347 = arith.constant 16 : i32
        %mul3A_348 = arith.muli %scan3A_346, %mul3A_347 : i32
        %get3A_349 = arith.index_cast %mul3A_348 : i32 to index
        %get3A_350 = tpu.vector_load %arg15[%get3A_349] {strides = array<i32>} : memref<8192xi32, #tpu.memory_space<vmem>>, vector<16xi32>,
        %shift_right_arithmetic3A_351 = arith.constant 0 : i32
        %shift_right_arithmetic3A_352 = vector.broadcast %shift_right_arithmetic3A_351 : i32 to vector<16xi32>
        %shift_right_arithmetic3A_353 = arith.shrsi %get3A_350, %shift_right_arithmetic3A_352 : vector<16xi32>
        %and3A_354 = arith.constant 255 : i32
        %and3A_355 = vector.broadcast %and3A_354 : i32 to vector<16xi32>
        %and3A_356 = arith.andi %shift_right_arithmetic3A_353, %and3A_355 : vector<16xi32>
        %mul3A_357 = arith.constant 16 : i32
        %mul3A_358 = vector.broadcast %mul3A_357 : i32 to vector<16xi32>
        %mul3A_359 = arith.muli %and3A_356, %mul3A_358 : vector<16xi32>
        %add3A_360 = arith.addi %mul3A_359, %iota3A : vector<16xi32>
        tpu.vector_store_idx %arg10[%add3A_360], %add3A_2 {add = true} : memref<4096xi32, #tpu.memory_space<vmem>>[vector<16xi32>], vector<16xi32>,
      }
      %scan3A_68 = arith.constant 512 : i32
      %scan3A_69 = arith.constant 0 : i32
      %scan3A_70 = arith.constant 0 : i32
      %scan3A_71 = arith.constant 256 : i32
      %scan3A_72 = arith.addi %scan3A_70, %scan3A_71 : i32
      %scan3A_73 = arith.constant 1 : i32
      %scan3A_74 = scf.for %scan3A_301 = %scan3A_70 to %scan3A_72 step %scan3A_73 iter_args(%scan3A_302 = %scan3A_69) -> (i32)  : i32 {
        %mul3A_303 = arith.constant 16 : i32
        %mul3A_304 = arith.muli %scan3A_301, %mul3A_303 : i32
        %get3A = arith.index_cast %mul3A_304 : i32 to index
        %get3A_305 = tpu.vector_load %arg10[%get3A] {strides = array<i32>} : memref<4096xi32, #tpu.memory_space<vmem>>, vector<16xi32>,
        %broadcast_in_dim3A_306 = arith.constant true
        %broadcast_in_dim3A_307 = vector.broadcast %broadcast_in_dim3A_306 : i1 to vector<16xi1>
        %masked_cumsum3A = tpu.scan <sum>, %get3A_305 masked %broadcast_in_dim3A_307 : vector<16xi32>, vector<16xi1> -> vector<16xi32>
        %reduce_sum3A = arith.constant true
        %reduce_sum3A_308 = vector.broadcast %reduce_sum3A : i1 to vector<16xi1>
        %reduce_sum3A_309 = tpu.scan <sum>, %get3A_305 masked %reduce_sum3A_308 : vector<16xi32>, vector<16xi1> -> vector<16xi32>
        %reduce_sum3A_310 = vector.extract %reduce_sum3A_309[15] : i32 from vector<16xi32>
        %mul3A_311 = arith.constant 16 : i32
        %mul3A_312 = arith.muli %scan3A_301, %mul3A_311 : i32
        %swap3A = arith.index_cast %mul3A_312 : i32 to index
        %swap3A_313 = tpu.vector_load %arg10[%swap3A] {strides = array<i32>} : memref<4096xi32, #tpu.memory_space<vmem>>, vector<16xi32>,
        tpu.vector_store %arg10[%swap3A], %broadcast_in_dim3A_8 {strides = array<i32>} : memref<4096xi32, #tpu.memory_space<vmem>>, vector<16xi32>,
        %sub3A_314 = arith.subi %masked_cumsum3A, %get3A_305 : vector<16xi32>
        %add3A_315 = vector.broadcast %scan3A_302 : i32 to vector<16xi32>
        %add3A_316 = arith.addi %sub3A_314, %add3A_315 : vector<16xi32>
        %mul3A_317 = arith.constant 16 : i32
        %mul3A_318 = arith.muli %scan3A_301, %mul3A_317 : i32
        %swap3A_319 = arith.index_cast %mul3A_318 : i32 to index
        %swap3A_320 = tpu.vector_load %arg11[%swap3A_319] {strides = array<i32>} : memref<4096xi32, #tpu.memory_space<vmem>>, vector<16xi32>,
        tpu.vector_store %arg11[%swap3A_319], %add3A_316 {strides = array<i32>} : memref<4096xi32, #tpu.memory_space<vmem>>, vector<16xi32>,
        %add3A_321 = arith.addi %scan3A_302, %reduce_sum3A_310 : i32
        scf.yield %add3A_321 : i32
      }
      %scan3A_75 = arith.constant 256 : i32
      %scan3A_76 = arith.constant 0 : i32
      %scan3A_77 = arith.constant 0 : i32
      %scan3A_78 = arith.constant 512 : i32
      %scan3A_79 = arith.addi %scan3A_77, %scan3A_78 : i32
      %scan3A_80 = arith.constant 2 : i32
      scf.for %scan3A_301 = %scan3A_77 to %scan3A_79 step %scan3A_80  : i32 {
        %mul3A_302 = arith.constant 16 : i32
        %mul3A_303 = arith.muli %scan3A_301, %mul3A_302 : i32
        %get3A = arith.index_cast %mul3A_303 : i32 to index
        %get3A_304 = tpu.vector_load %arg15[%get3A] {strides = array<i32>} : memref<8192xi32, #tpu.memory_space<vmem>>, vector<16xi32>,
        %mul3A_305 = arith.constant 16 : i32
        %mul3A_306 = arith.muli %scan3A_301, %mul3A_305 : i32
        %add3A_307 = vector.broadcast %mul3A_306 : i32 to vector<16xi32>
        %add3A_308 = arith.addi %add3A_307, %iota3A : vector<16xi32>
        %shift_right_arithmetic3A = arith.constant 0 : i32
        %shift_right_arithmetic3A_309 = vector.broadcast %shift_right_arithmetic3A : i32 to vector<16xi32>
        %shift_right_arithmetic3A_310 = arith.shrsi %get3A_304, %shift_right_arithmetic3A_309 : vector<16xi32>
        %and3A = arith.constant 255 : i32
        %and3A_311 = vector.broadcast %and3A : i32 to vector<16xi32>
        %and3A_312 = arith.andi %shift_right_arithmetic3A_310, %and3A_311 : vector<16xi32>
        %mul3A_313 = arith.constant 16 : i32
        %mul3A_314 = vector.broadcast %mul3A_313 : i32 to vector<16xi32>
        %mul3A_315 = arith.muli %and3A_312, %mul3A_314 : vector<16xi32>
        %add3A_316 = arith.addi %mul3A_315, %iota3A : vector<16xi32>
        %gather3A = tpu.vector_load_idx %arg11[%add3A_316] : memref<4096xi32, #tpu.memory_space<vmem>>[vector<16xi32>], vector<16xi32>,
        %add3A_317 = arith.constant 1 : i32
        %add3A_318 = vector.broadcast %add3A_317 : i32 to vector<16xi32>
        %add3A_319 = arith.addi %gather3A, %add3A_318 : vector<16xi32>
        tpu.vector_store_idx %arg11[%add3A_316], %add3A_319 : memref<4096xi32, #tpu.memory_space<vmem>>[vector<16xi32>], vector<16xi32>,
        %and3A_320 = arith.constant 511 : i32
        %and3A_321 = vector.broadcast %and3A_320 : i32 to vector<16xi32>
        %and3A_322 = arith.andi %gather3A, %and3A_321 : vector<16xi32>
        %mul3A_323 = arith.constant 16 : i32
        %mul3A_324 = vector.broadcast %mul3A_323 : i32 to vector<16xi32>
        %mul3A_325 = arith.muli %and3A_322, %mul3A_324 : vector<16xi32>
        %shift_right_arithmetic3A_326 = arith.constant 9 : i32
        %shift_right_arithmetic3A_327 = vector.broadcast %shift_right_arithmetic3A_326 : i32 to vector<16xi32>
        %shift_right_arithmetic3A_328 = arith.shrsi %gather3A, %shift_right_arithmetic3A_327 : vector<16xi32>
        %add3A_329 = arith.addi %mul3A_325, %shift_right_arithmetic3A_328 : vector<16xi32>
        tpu.vector_store_idx %arg7[%add3A_329], %get3A_304 : memref<8192xi32, #tpu.memory_space<vmem>>[vector<16xi32>], vector<16xi32>,
        tpu.vector_store_idx %arg9[%add3A_329], %add3A_308 : memref<8192xi32, #tpu.memory_space<vmem>>[vector<16xi32>], vector<16xi32>,
        %scan3A_330 = arith.constant 1 : i32
        %scan3A_331 = arith.addi %scan3A_301, %scan3A_330 : i32
        %mul3A_332 = arith.constant 16 : i32
        %mul3A_333 = arith.muli %scan3A_331, %mul3A_332 : i32
        %get3A_334 = arith.index_cast %mul3A_333 : i32 to index
        %get3A_335 = tpu.vector_load %arg15[%get3A_334] {strides = array<i32>} : memref<8192xi32, #tpu.memory_space<vmem>>, vector<16xi32>,
        %mul3A_336 = arith.constant 16 : i32
        %mul3A_337 = arith.muli %scan3A_331, %mul3A_336 : i32
        %add3A_338 = vector.broadcast %mul3A_337 : i32 to vector<16xi32>
        %add3A_339 = arith.addi %add3A_338, %iota3A : vector<16xi32>
        %shift_right_arithmetic3A_340 = arith.constant 0 : i32
        %shift_right_arithmetic3A_341 = vector.broadcast %shift_right_arithmetic3A_340 : i32 to vector<16xi32>
        %shift_right_arithmetic3A_342 = arith.shrsi %get3A_335, %shift_right_arithmetic3A_341 : vector<16xi32>
        %and3A_343 = arith.constant 255 : i32
        %and3A_344 = vector.broadcast %and3A_343 : i32 to vector<16xi32>
        %and3A_345 = arith.andi %shift_right_arithmetic3A_342, %and3A_344 : vector<16xi32>
        %mul3A_346 = arith.constant 16 : i32
        %mul3A_347 = vector.broadcast %mul3A_346 : i32 to vector<16xi32>
        %mul3A_348 = arith.muli %and3A_345, %mul3A_347 : vector<16xi32>
        %add3A_349 = arith.addi %mul3A_348, %iota3A : vector<16xi32>
        %gather3A_350 = tpu.vector_load_idx %arg11[%add3A_349] : memref<4096xi32, #tpu.memory_space<vmem>>[vector<16xi32>], vector<16xi32>,
        %add3A_351 = arith.constant 1 : i32
        %add3A_352 = vector.broadcast %add3A_351 : i32 to vector<16xi32>
        %add3A_353 = arith.addi %gather3A_350, %add3A_352 : vector<16xi32>
        tpu.vector_store_idx %arg11[%add3A_349], %add3A_353 : memref<4096xi32, #tpu.memory_space<vmem>>[vector<16xi32>], vector<16xi32>,
        %and3A_354 = arith.constant 511 : i32
        %and3A_355 = vector.broadcast %and3A_354 : i32 to vector<16xi32>
        %and3A_356 = arith.andi %gather3A_350, %and3A_355 : vector<16xi32>
        %mul3A_357 = arith.constant 16 : i32
        %mul3A_358 = vector.broadcast %mul3A_357 : i32 to vector<16xi32>
        %mul3A_359 = arith.muli %and3A_356, %mul3A_358 : vector<16xi32>
        %shift_right_arithmetic3A_360 = arith.constant 9 : i32
        %shift_right_arithmetic3A_361 = vector.broadcast %shift_right_arithmetic3A_360 : i32 to vector<16xi32>
        %shift_right_arithmetic3A_362 = arith.shrsi %gather3A_350, %shift_right_arithmetic3A_361 : vector<16xi32>
        %add3A_363 = arith.addi %mul3A_359, %shift_right_arithmetic3A_362 : vector<16xi32>
        tpu.vector_store_idx %arg7[%add3A_363], %get3A_335 : memref<8192xi32, #tpu.memory_space<vmem>>[vector<16xi32>], vector<16xi32>,
        tpu.vector_store_idx %arg9[%add3A_363], %add3A_339 : memref<8192xi32, #tpu.memory_space<vmem>>[vector<16xi32>], vector<16xi32>,
      }
      %scan3A_81 = arith.constant 512 : i32
      %scan3A_82 = arith.constant 0 : i32
      %scan3A_83 = arith.constant 0 : i32
      %scan3A_84 = arith.constant 512 : i32
      %scan3A_85 = arith.addi %scan3A_83, %scan3A_84 : i32
      %scan3A_86 = arith.constant 4 : i32
      scf.for %scan3A_301 = %scan3A_83 to %scan3A_85 step %scan3A_86  : i32 {
        %mul3A_302 = arith.constant 16 : i32
        %mul3A_303 = arith.muli %scan3A_301, %mul3A_302 : i32
        %get3A = arith.index_cast %mul3A_303 : i32 to index
        %get3A_304 = tpu.vector_load %arg7[%get3A] {strides = array<i32>} : memref<8192xi32, #tpu.memory_space<vmem>>, vector<16xi32>,
        %shift_right_arithmetic3A = arith.constant 8 : i32
        %shift_right_arithmetic3A_305 = vector.broadcast %shift_right_arithmetic3A : i32 to vector<16xi32>
        %shift_right_arithmetic3A_306 = arith.shrsi %get3A_304, %shift_right_arithmetic3A_305 : vector<16xi32>
        %and3A = arith.constant 255 : i32
        %and3A_307 = vector.broadcast %and3A : i32 to vector<16xi32>
        %and3A_308 = arith.andi %shift_right_arithmetic3A_306, %and3A_307 : vector<16xi32>
        %mul3A_309 = arith.constant 16 : i32
        %mul3A_310 = vector.broadcast %mul3A_309 : i32 to vector<16xi32>
        %mul3A_311 = arith.muli %and3A_308, %mul3A_310 : vector<16xi32>
        %add3A_312 = arith.addi %mul3A_311, %iota3A : vector<16xi32>
        tpu.vector_store_idx %arg10[%add3A_312], %add3A_2 {add = true} : memref<4096xi32, #tpu.memory_space<vmem>>[vector<16xi32>], vector<16xi32>,
        %scan3A_313 = arith.constant 1 : i32
        %scan3A_314 = arith.addi %scan3A_301, %scan3A_313 : i32
        %mul3A_315 = arith.constant 16 : i32
        %mul3A_316 = arith.muli %scan3A_314, %mul3A_315 : i32
        %get3A_317 = arith.index_cast %mul3A_316 : i32 to index
        %get3A_318 = tpu.vector_load %arg7[%get3A_317] {strides = array<i32>} : memref<8192xi32, #tpu.memory_space<vmem>>, vector<16xi32>,
        %shift_right_arithmetic3A_319 = arith.constant 8 : i32
        %shift_right_arithmetic3A_320 = vector.broadcast %shift_right_arithmetic3A_319 : i32 to vector<16xi32>
        %shift_right_arithmetic3A_321 = arith.shrsi %get3A_318, %shift_right_arithmetic3A_320 : vector<16xi32>
        %and3A_322 = arith.constant 255 : i32
        %and3A_323 = vector.broadcast %and3A_322 : i32 to vector<16xi32>
        %and3A_324 = arith.andi %shift_right_arithmetic3A_321, %and3A_323 : vector<16xi32>
        %mul3A_325 = arith.constant 16 : i32
        %mul3A_326 = vector.broadcast %mul3A_325 : i32 to vector<16xi32>
        %mul3A_327 = arith.muli %and3A_324, %mul3A_326 : vector<16xi32>
        %add3A_328 = arith.addi %mul3A_327, %iota3A : vector<16xi32>
        tpu.vector_store_idx %arg10[%add3A_328], %add3A_2 {add = true} : memref<4096xi32, #tpu.memory_space<vmem>>[vector<16xi32>], vector<16xi32>,
        %scan3A_329 = arith.constant 2 : i32
        %scan3A_330 = arith.addi %scan3A_301, %scan3A_329 : i32
        %mul3A_331 = arith.constant 16 : i32
        %mul3A_332 = arith.muli %scan3A_330, %mul3A_331 : i32
        %get3A_333 = arith.index_cast %mul3A_332 : i32 to index
        %get3A_334 = tpu.vector_load %arg7[%get3A_333] {strides = array<i32>} : memref<8192xi32, #tpu.memory_space<vmem>>, vector<16xi32>,
        %shift_right_arithmetic3A_335 = arith.constant 8 : i32
        %shift_right_arithmetic3A_336 = vector.broadcast %shift_right_arithmetic3A_335 : i32 to vector<16xi32>
        %shift_right_arithmetic3A_337 = arith.shrsi %get3A_334, %shift_right_arithmetic3A_336 : vector<16xi32>
        %and3A_338 = arith.constant 255 : i32
        %and3A_339 = vector.broadcast %and3A_338 : i32 to vector<16xi32>
        %and3A_340 = arith.andi %shift_right_arithmetic3A_337, %and3A_339 : vector<16xi32>
        %mul3A_341 = arith.constant 16 : i32
        %mul3A_342 = vector.broadcast %mul3A_341 : i32 to vector<16xi32>
        %mul3A_343 = arith.muli %and3A_340, %mul3A_342 : vector<16xi32>
        %add3A_344 = arith.addi %mul3A_343, %iota3A : vector<16xi32>
        tpu.vector_store_idx %arg10[%add3A_344], %add3A_2 {add = true} : memref<4096xi32, #tpu.memory_space<vmem>>[vector<16xi32>], vector<16xi32>,
        %scan3A_345 = arith.constant 3 : i32
        %scan3A_346 = arith.addi %scan3A_301, %scan3A_345 : i32
        %mul3A_347 = arith.constant 16 : i32
        %mul3A_348 = arith.muli %scan3A_346, %mul3A_347 : i32
        %get3A_349 = arith.index_cast %mul3A_348 : i32 to index
        %get3A_350 = tpu.vector_load %arg7[%get3A_349] {strides = array<i32>} : memref<8192xi32, #tpu.memory_space<vmem>>, vector<16xi32>,
        %shift_right_arithmetic3A_351 = arith.constant 8 : i32
        %shift_right_arithmetic3A_352 = vector.broadcast %shift_right_arithmetic3A_351 : i32 to vector<16xi32>
        %shift_right_arithmetic3A_353 = arith.shrsi %get3A_350, %shift_right_arithmetic3A_352 : vector<16xi32>
        %and3A_354 = arith.constant 255 : i32
        %and3A_355 = vector.broadcast %and3A_354 : i32 to vector<16xi32>
        %and3A_356 = arith.andi %shift_right_arithmetic3A_353, %and3A_355 : vector<16xi32>
        %mul3A_357 = arith.constant 16 : i32
        %mul3A_358 = vector.broadcast %mul3A_357 : i32 to vector<16xi32>
        %mul3A_359 = arith.muli %and3A_356, %mul3A_358 : vector<16xi32>
        %add3A_360 = arith.addi %mul3A_359, %iota3A : vector<16xi32>
        tpu.vector_store_idx %arg10[%add3A_360], %add3A_2 {add = true} : memref<4096xi32, #tpu.memory_space<vmem>>[vector<16xi32>], vector<16xi32>,
      }
      %scan3A_87 = arith.constant 512 : i32
      %scan3A_88 = arith.constant 0 : i32
      %scan3A_89 = arith.constant 0 : i32
      %scan3A_90 = arith.constant 256 : i32
      %scan3A_91 = arith.addi %scan3A_89, %scan3A_90 : i32
      %scan3A_92 = arith.constant 1 : i32
      %scan3A_93 = scf.for %scan3A_301 = %scan3A_89 to %scan3A_91 step %scan3A_92 iter_args(%scan3A_302 = %scan3A_88) -> (i32)  : i32 {
        %mul3A_303 = arith.constant 16 : i32
        %mul3A_304 = arith.muli %scan3A_301, %mul3A_303 : i32
        %get3A = arith.index_cast %mul3A_304 : i32 to index
        %get3A_305 = tpu.vector_load %arg10[%get3A] {strides = array<i32>} : memref<4096xi32, #tpu.memory_space<vmem>>, vector<16xi32>,
        %broadcast_in_dim3A_306 = arith.constant true
        %broadcast_in_dim3A_307 = vector.broadcast %broadcast_in_dim3A_306 : i1 to vector<16xi1>
        %masked_cumsum3A = tpu.scan <sum>, %get3A_305 masked %broadcast_in_dim3A_307 : vector<16xi32>, vector<16xi1> -> vector<16xi32>
        %reduce_sum3A = arith.constant true
        %reduce_sum3A_308 = vector.broadcast %reduce_sum3A : i1 to vector<16xi1>
        %reduce_sum3A_309 = tpu.scan <sum>, %get3A_305 masked %reduce_sum3A_308 : vector<16xi32>, vector<16xi1> -> vector<16xi32>
        %reduce_sum3A_310 = vector.extract %reduce_sum3A_309[15] : i32 from vector<16xi32>
        %mul3A_311 = arith.constant 16 : i32
        %mul3A_312 = arith.muli %scan3A_301, %mul3A_311 : i32
        %swap3A = arith.index_cast %mul3A_312 : i32 to index
        %swap3A_313 = tpu.vector_load %arg10[%swap3A] {strides = array<i32>} : memref<4096xi32, #tpu.memory_space<vmem>>, vector<16xi32>,
        tpu.vector_store %arg10[%swap3A], %broadcast_in_dim3A_8 {strides = array<i32>} : memref<4096xi32, #tpu.memory_space<vmem>>, vector<16xi32>,
        %sub3A_314 = arith.subi %masked_cumsum3A, %get3A_305 : vector<16xi32>
        %add3A_315 = vector.broadcast %scan3A_302 : i32 to vector<16xi32>
        %add3A_316 = arith.addi %sub3A_314, %add3A_315 : vector<16xi32>
        %mul3A_317 = arith.constant 16 : i32
        %mul3A_318 = arith.muli %scan3A_301, %mul3A_317 : i32
        %swap3A_319 = arith.index_cast %mul3A_318 : i32 to index
        %swap3A_320 = tpu.vector_load %arg11[%swap3A_319] {strides = array<i32>} : memref<4096xi32, #tpu.memory_space<vmem>>, vector<16xi32>,
        tpu.vector_store %arg11[%swap3A_319], %add3A_316 {strides = array<i32>} : memref<4096xi32, #tpu.memory_space<vmem>>, vector<16xi32>,
        %add3A_321 = arith.addi %scan3A_302, %reduce_sum3A_310 : i32
        scf.yield %add3A_321 : i32
      }
      %scan3A_94 = arith.constant 256 : i32
      %scan3A_95 = arith.constant 0 : i32
      %scan3A_96 = arith.constant 0 : i32
      %scan3A_97 = arith.constant 512 : i32
      %scan3A_98 = arith.addi %scan3A_96, %scan3A_97 : i32
      %scan3A_99 = arith.constant 2 : i32
      scf.for %scan3A_301 = %scan3A_96 to %scan3A_98 step %scan3A_99  : i32 {
        %mul3A_302 = arith.constant 16 : i32
        %mul3A_303 = arith.muli %scan3A_301, %mul3A_302 : i32
        %get3A = arith.index_cast %mul3A_303 : i32 to index
        %get3A_304 = tpu.vector_load %arg7[%get3A] {strides = array<i32>} : memref<8192xi32, #tpu.memory_space<vmem>>, vector<16xi32>,
        %mul3A_305 = arith.constant 16 : i32
        %mul3A_306 = arith.muli %scan3A_301, %mul3A_305 : i32
        %get3A_307 = arith.index_cast %mul3A_306 : i32 to index
        %get3A_308 = tpu.vector_load %arg9[%get3A_307] {strides = array<i32>} : memref<8192xi32, #tpu.memory_space<vmem>>, vector<16xi32>,
        %shift_right_arithmetic3A = arith.constant 8 : i32
        %shift_right_arithmetic3A_309 = vector.broadcast %shift_right_arithmetic3A : i32 to vector<16xi32>
        %shift_right_arithmetic3A_310 = arith.shrsi %get3A_304, %shift_right_arithmetic3A_309 : vector<16xi32>
        %and3A = arith.constant 255 : i32
        %and3A_311 = vector.broadcast %and3A : i32 to vector<16xi32>
        %and3A_312 = arith.andi %shift_right_arithmetic3A_310, %and3A_311 : vector<16xi32>
        %mul3A_313 = arith.constant 16 : i32
        %mul3A_314 = vector.broadcast %mul3A_313 : i32 to vector<16xi32>
        %mul3A_315 = arith.muli %and3A_312, %mul3A_314 : vector<16xi32>
        %add3A_316 = arith.addi %mul3A_315, %iota3A : vector<16xi32>
        %gather3A = tpu.vector_load_idx %arg11[%add3A_316] : memref<4096xi32, #tpu.memory_space<vmem>>[vector<16xi32>], vector<16xi32>,
        %add3A_317 = arith.constant 1 : i32
        %add3A_318 = vector.broadcast %add3A_317 : i32 to vector<16xi32>
        %add3A_319 = arith.addi %gather3A, %add3A_318 : vector<16xi32>
        tpu.vector_store_idx %arg11[%add3A_316], %add3A_319 : memref<4096xi32, #tpu.memory_space<vmem>>[vector<16xi32>], vector<16xi32>,
        %and3A_320 = arith.constant 511 : i32
        %and3A_321 = vector.broadcast %and3A_320 : i32 to vector<16xi32>
        %and3A_322 = arith.andi %gather3A, %and3A_321 : vector<16xi32>
        %mul3A_323 = arith.constant 16 : i32
        %mul3A_324 = vector.broadcast %mul3A_323 : i32 to vector<16xi32>
        %mul3A_325 = arith.muli %and3A_322, %mul3A_324 : vector<16xi32>
        %shift_right_arithmetic3A_326 = arith.constant 9 : i32
        %shift_right_arithmetic3A_327 = vector.broadcast %shift_right_arithmetic3A_326 : i32 to vector<16xi32>
        %shift_right_arithmetic3A_328 = arith.shrsi %gather3A, %shift_right_arithmetic3A_327 : vector<16xi32>
        %add3A_329 = arith.addi %mul3A_325, %shift_right_arithmetic3A_328 : vector<16xi32>
        tpu.vector_store_idx %arg6[%add3A_329], %get3A_304 : memref<8192xi32, #tpu.memory_space<vmem>>[vector<16xi32>], vector<16xi32>,
        tpu.vector_store_idx %arg8[%add3A_329], %get3A_308 : memref<8192xi32, #tpu.memory_space<vmem>>[vector<16xi32>], vector<16xi32>,
        %scan3A_330 = arith.constant 1 : i32
        %scan3A_331 = arith.addi %scan3A_301, %scan3A_330 : i32
        %mul3A_332 = arith.constant 16 : i32
        %mul3A_333 = arith.muli %scan3A_331, %mul3A_332 : i32
        %get3A_334 = arith.index_cast %mul3A_333 : i32 to index
        %get3A_335 = tpu.vector_load %arg7[%get3A_334] {strides = array<i32>} : memref<8192xi32, #tpu.memory_space<vmem>>, vector<16xi32>,
        %mul3A_336 = arith.constant 16 : i32
        %mul3A_337 = arith.muli %scan3A_331, %mul3A_336 : i32
        %get3A_338 = arith.index_cast %mul3A_337 : i32 to index
        %get3A_339 = tpu.vector_load %arg9[%get3A_338] {strides = array<i32>} : memref<8192xi32, #tpu.memory_space<vmem>>, vector<16xi32>,
        %shift_right_arithmetic3A_340 = arith.constant 8 : i32
        %shift_right_arithmetic3A_341 = vector.broadcast %shift_right_arithmetic3A_340 : i32 to vector<16xi32>
        %shift_right_arithmetic3A_342 = arith.shrsi %get3A_335, %shift_right_arithmetic3A_341 : vector<16xi32>
        %and3A_343 = arith.constant 255 : i32
        %and3A_344 = vector.broadcast %and3A_343 : i32 to vector<16xi32>
        %and3A_345 = arith.andi %shift_right_arithmetic3A_342, %and3A_344 : vector<16xi32>
        %mul3A_346 = arith.constant 16 : i32
        %mul3A_347 = vector.broadcast %mul3A_346 : i32 to vector<16xi32>
        %mul3A_348 = arith.muli %and3A_345, %mul3A_347 : vector<16xi32>
        %add3A_349 = arith.addi %mul3A_348, %iota3A : vector<16xi32>
        %gather3A_350 = tpu.vector_load_idx %arg11[%add3A_349] : memref<4096xi32, #tpu.memory_space<vmem>>[vector<16xi32>], vector<16xi32>,
        %add3A_351 = arith.constant 1 : i32
        %add3A_352 = vector.broadcast %add3A_351 : i32 to vector<16xi32>
        %add3A_353 = arith.addi %gather3A_350, %add3A_352 : vector<16xi32>
        tpu.vector_store_idx %arg11[%add3A_349], %add3A_353 : memref<4096xi32, #tpu.memory_space<vmem>>[vector<16xi32>], vector<16xi32>,
        %and3A_354 = arith.constant 511 : i32
        %and3A_355 = vector.broadcast %and3A_354 : i32 to vector<16xi32>
        %and3A_356 = arith.andi %gather3A_350, %and3A_355 : vector<16xi32>
        %mul3A_357 = arith.constant 16 : i32
        %mul3A_358 = vector.broadcast %mul3A_357 : i32 to vector<16xi32>
        %mul3A_359 = arith.muli %and3A_356, %mul3A_358 : vector<16xi32>
        %shift_right_arithmetic3A_360 = arith.constant 9 : i32
        %shift_right_arithmetic3A_361 = vector.broadcast %shift_right_arithmetic3A_360 : i32 to vector<16xi32>
        %shift_right_arithmetic3A_362 = arith.shrsi %gather3A_350, %shift_right_arithmetic3A_361 : vector<16xi32>
        %add3A_363 = arith.addi %mul3A_359, %shift_right_arithmetic3A_362 : vector<16xi32>
        tpu.vector_store_idx %arg6[%add3A_363], %get3A_335 : memref<8192xi32, #tpu.memory_space<vmem>>[vector<16xi32>], vector<16xi32>,
        tpu.vector_store_idx %arg8[%add3A_363], %get3A_339 : memref<8192xi32, #tpu.memory_space<vmem>>[vector<16xi32>], vector<16xi32>,
      }
      %scan3A_100 = arith.constant 512 : i32
      %scan3A_101 = arith.constant 0 : i32
      %scan3A_102 = arith.constant 0 : i32
      %scan3A_103 = arith.constant 512 : i32
      %scan3A_104 = arith.addi %scan3A_102, %scan3A_103 : i32
      %scan3A_105 = arith.constant 4 : i32
      scf.for %scan3A_301 = %scan3A_102 to %scan3A_104 step %scan3A_105  : i32 {
        %mul3A_302 = arith.constant 16 : i32
        %mul3A_303 = arith.muli %scan3A_301, %mul3A_302 : i32
        %get3A = arith.index_cast %mul3A_303 : i32 to index
        %get3A_304 = tpu.vector_load %arg6[%get3A] {strides = array<i32>} : memref<8192xi32, #tpu.memory_space<vmem>>, vector<16xi32>,
        %shift_right_arithmetic3A = arith.constant 16 : i32
        %shift_right_arithmetic3A_305 = vector.broadcast %shift_right_arithmetic3A : i32 to vector<16xi32>
        %shift_right_arithmetic3A_306 = arith.shrsi %get3A_304, %shift_right_arithmetic3A_305 : vector<16xi32>
        %and3A = arith.constant 255 : i32
        %and3A_307 = vector.broadcast %and3A : i32 to vector<16xi32>
        %and3A_308 = arith.andi %shift_right_arithmetic3A_306, %and3A_307 : vector<16xi32>
        %mul3A_309 = arith.constant 16 : i32
        %mul3A_310 = vector.broadcast %mul3A_309 : i32 to vector<16xi32>
        %mul3A_311 = arith.muli %and3A_308, %mul3A_310 : vector<16xi32>
        %add3A_312 = arith.addi %mul3A_311, %iota3A : vector<16xi32>
        tpu.vector_store_idx %arg10[%add3A_312], %add3A_2 {add = true} : memref<4096xi32, #tpu.memory_space<vmem>>[vector<16xi32>], vector<16xi32>,
        %scan3A_313 = arith.constant 1 : i32
        %scan3A_314 = arith.addi %scan3A_301, %scan3A_313 : i32
        %mul3A_315 = arith.constant 16 : i32
        %mul3A_316 = arith.muli %scan3A_314, %mul3A_315 : i32
        %get3A_317 = arith.index_cast %mul3A_316 : i32 to index
        %get3A_318 = tpu.vector_load %arg6[%get3A_317] {strides = array<i32>} : memref<8192xi32, #tpu.memory_space<vmem>>, vector<16xi32>,
        %shift_right_arithmetic3A_319 = arith.constant 16 : i32
        %shift_right_arithmetic3A_320 = vector.broadcast %shift_right_arithmetic3A_319 : i32 to vector<16xi32>
        %shift_right_arithmetic3A_321 = arith.shrsi %get3A_318, %shift_right_arithmetic3A_320 : vector<16xi32>
        %and3A_322 = arith.constant 255 : i32
        %and3A_323 = vector.broadcast %and3A_322 : i32 to vector<16xi32>
        %and3A_324 = arith.andi %shift_right_arithmetic3A_321, %and3A_323 : vector<16xi32>
        %mul3A_325 = arith.constant 16 : i32
        %mul3A_326 = vector.broadcast %mul3A_325 : i32 to vector<16xi32>
        %mul3A_327 = arith.muli %and3A_324, %mul3A_326 : vector<16xi32>
        %add3A_328 = arith.addi %mul3A_327, %iota3A : vector<16xi32>
        tpu.vector_store_idx %arg10[%add3A_328], %add3A_2 {add = true} : memref<4096xi32, #tpu.memory_space<vmem>>[vector<16xi32>], vector<16xi32>,
        %scan3A_329 = arith.constant 2 : i32
        %scan3A_330 = arith.addi %scan3A_301, %scan3A_329 : i32
        %mul3A_331 = arith.constant 16 : i32
        %mul3A_332 = arith.muli %scan3A_330, %mul3A_331 : i32
        %get3A_333 = arith.index_cast %mul3A_332 : i32 to index
        %get3A_334 = tpu.vector_load %arg6[%get3A_333] {strides = array<i32>} : memref<8192xi32, #tpu.memory_space<vmem>>, vector<16xi32>,
        %shift_right_arithmetic3A_335 = arith.constant 16 : i32
        %shift_right_arithmetic3A_336 = vector.broadcast %shift_right_arithmetic3A_335 : i32 to vector<16xi32>
        %shift_right_arithmetic3A_337 = arith.shrsi %get3A_334, %shift_right_arithmetic3A_336 : vector<16xi32>
        %and3A_338 = arith.constant 255 : i32
        %and3A_339 = vector.broadcast %and3A_338 : i32 to vector<16xi32>
        %and3A_340 = arith.andi %shift_right_arithmetic3A_337, %and3A_339 : vector<16xi32>
        %mul3A_341 = arith.constant 16 : i32
        %mul3A_342 = vector.broadcast %mul3A_341 : i32 to vector<16xi32>
        %mul3A_343 = arith.muli %and3A_340, %mul3A_342 : vector<16xi32>
        %add3A_344 = arith.addi %mul3A_343, %iota3A : vector<16xi32>
        tpu.vector_store_idx %arg10[%add3A_344], %add3A_2 {add = true} : memref<4096xi32, #tpu.memory_space<vmem>>[vector<16xi32>], vector<16xi32>,
        %scan3A_345 = arith.constant 3 : i32
        %scan3A_346 = arith.addi %scan3A_301, %scan3A_345 : i32
        %mul3A_347 = arith.constant 16 : i32
        %mul3A_348 = arith.muli %scan3A_346, %mul3A_347 : i32
        %get3A_349 = arith.index_cast %mul3A_348 : i32 to index
        %get3A_350 = tpu.vector_load %arg6[%get3A_349] {strides = array<i32>} : memref<8192xi32, #tpu.memory_space<vmem>>, vector<16xi32>,
        %shift_right_arithmetic3A_351 = arith.constant 16 : i32
        %shift_right_arithmetic3A_352 = vector.broadcast %shift_right_arithmetic3A_351 : i32 to vector<16xi32>
        %shift_right_arithmetic3A_353 = arith.shrsi %get3A_350, %shift_right_arithmetic3A_352 : vector<16xi32>
        %and3A_354 = arith.constant 255 : i32
        %and3A_355 = vector.broadcast %and3A_354 : i32 to vector<16xi32>
        %and3A_356 = arith.andi %shift_right_arithmetic3A_353, %and3A_355 : vector<16xi32>
        %mul3A_357 = arith.constant 16 : i32
        %mul3A_358 = vector.broadcast %mul3A_357 : i32 to vector<16xi32>
        %mul3A_359 = arith.muli %and3A_356, %mul3A_358 : vector<16xi32>
        %add3A_360 = arith.addi %mul3A_359, %iota3A : vector<16xi32>
        tpu.vector_store_idx %arg10[%add3A_360], %add3A_2 {add = true} : memref<4096xi32, #tpu.memory_space<vmem>>[vector<16xi32>], vector<16xi32>,
      }
      %scan3A_106 = arith.constant 512 : i32
      %scan3A_107 = arith.constant 0 : i32
      %scan3A_108 = arith.constant 0 : i32
      %scan3A_109 = arith.constant 256 : i32
      %scan3A_110 = arith.addi %scan3A_108, %scan3A_109 : i32
      %scan3A_111 = arith.constant 1 : i32
      %scan3A_112 = scf.for %scan3A_301 = %scan3A_108 to %scan3A_110 step %scan3A_111 iter_args(%scan3A_302 = %scan3A_107) -> (i32)  : i32 {
        %mul3A_303 = arith.constant 16 : i32
        %mul3A_304 = arith.muli %scan3A_301, %mul3A_303 : i32
        %get3A = arith.index_cast %mul3A_304 : i32 to index
        %get3A_305 = tpu.vector_load %arg10[%get3A] {strides = array<i32>} : memref<4096xi32, #tpu.memory_space<vmem>>, vector<16xi32>,
        %broadcast_in_dim3A_306 = arith.constant true
        %broadcast_in_dim3A_307 = vector.broadcast %broadcast_in_dim3A_306 : i1 to vector<16xi1>
        %masked_cumsum3A = tpu.scan <sum>, %get3A_305 masked %broadcast_in_dim3A_307 : vector<16xi32>, vector<16xi1> -> vector<16xi32>
        %reduce_sum3A = arith.constant true
        %reduce_sum3A_308 = vector.broadcast %reduce_sum3A : i1 to vector<16xi1>
        %reduce_sum3A_309 = tpu.scan <sum>, %get3A_305 masked %reduce_sum3A_308 : vector<16xi32>, vector<16xi1> -> vector<16xi32>
        %reduce_sum3A_310 = vector.extract %reduce_sum3A_309[15] : i32 from vector<16xi32>
        %mul3A_311 = arith.constant 16 : i32
        %mul3A_312 = arith.muli %scan3A_301, %mul3A_311 : i32
        %swap3A = arith.index_cast %mul3A_312 : i32 to index
        %swap3A_313 = tpu.vector_load %arg10[%swap3A] {strides = array<i32>} : memref<4096xi32, #tpu.memory_space<vmem>>, vector<16xi32>,
        tpu.vector_store %arg10[%swap3A], %broadcast_in_dim3A_8 {strides = array<i32>} : memref<4096xi32, #tpu.memory_space<vmem>>, vector<16xi32>,
        %sub3A_314 = arith.subi %masked_cumsum3A, %get3A_305 : vector<16xi32>
        %add3A_315 = vector.broadcast %scan3A_302 : i32 to vector<16xi32>
        %add3A_316 = arith.addi %sub3A_314, %add3A_315 : vector<16xi32>
        %mul3A_317 = arith.constant 16 : i32
        %mul3A_318 = arith.muli %scan3A_301, %mul3A_317 : i32
        %swap3A_319 = arith.index_cast %mul3A_318 : i32 to index
        %swap3A_320 = tpu.vector_load %arg11[%swap3A_319] {strides = array<i32>} : memref<4096xi32, #tpu.memory_space<vmem>>, vector<16xi32>,
        tpu.vector_store %arg11[%swap3A_319], %add3A_316 {strides = array<i32>} : memref<4096xi32, #tpu.memory_space<vmem>>, vector<16xi32>,
        %add3A_321 = arith.addi %scan3A_302, %reduce_sum3A_310 : i32
        scf.yield %add3A_321 : i32
      }
      %scan3A_113 = arith.constant 256 : i32
      %scan3A_114 = arith.constant 0 : i32
      %scan3A_115 = arith.constant 0 : i32
      %scan3A_116 = arith.constant 512 : i32
      %scan3A_117 = arith.addi %scan3A_115, %scan3A_116 : i32
      %scan3A_118 = arith.constant 2 : i32
      scf.for %scan3A_301 = %scan3A_115 to %scan3A_117 step %scan3A_118  : i32 {
        %mul3A_302 = arith.constant 16 : i32
        %mul3A_303 = arith.muli %scan3A_301, %mul3A_302 : i32
        %get3A = arith.index_cast %mul3A_303 : i32 to index
        %get3A_304 = tpu.vector_load %arg6[%get3A] {strides = array<i32>} : memref<8192xi32, #tpu.memory_space<vmem>>, vector<16xi32>,
        %mul3A_305 = arith.constant 16 : i32
        %mul3A_306 = arith.muli %scan3A_301, %mul3A_305 : i32
        %get3A_307 = arith.index_cast %mul3A_306 : i32 to index
        %get3A_308 = tpu.vector_load %arg8[%get3A_307] {strides = array<i32>} : memref<8192xi32, #tpu.memory_space<vmem>>, vector<16xi32>,
        %shift_right_arithmetic3A = arith.constant 16 : i32
        %shift_right_arithmetic3A_309 = vector.broadcast %shift_right_arithmetic3A : i32 to vector<16xi32>
        %shift_right_arithmetic3A_310 = arith.shrsi %get3A_304, %shift_right_arithmetic3A_309 : vector<16xi32>
        %and3A = arith.constant 255 : i32
        %and3A_311 = vector.broadcast %and3A : i32 to vector<16xi32>
        %and3A_312 = arith.andi %shift_right_arithmetic3A_310, %and3A_311 : vector<16xi32>
        %mul3A_313 = arith.constant 16 : i32
        %mul3A_314 = vector.broadcast %mul3A_313 : i32 to vector<16xi32>
        %mul3A_315 = arith.muli %and3A_312, %mul3A_314 : vector<16xi32>
        %add3A_316 = arith.addi %mul3A_315, %iota3A : vector<16xi32>
        %gather3A = tpu.vector_load_idx %arg11[%add3A_316] : memref<4096xi32, #tpu.memory_space<vmem>>[vector<16xi32>], vector<16xi32>,
        %add3A_317 = arith.constant 1 : i32
        %add3A_318 = vector.broadcast %add3A_317 : i32 to vector<16xi32>
        %add3A_319 = arith.addi %gather3A, %add3A_318 : vector<16xi32>
        tpu.vector_store_idx %arg11[%add3A_316], %add3A_319 : memref<4096xi32, #tpu.memory_space<vmem>>[vector<16xi32>], vector<16xi32>,
        %and3A_320 = arith.constant 511 : i32
        %and3A_321 = vector.broadcast %and3A_320 : i32 to vector<16xi32>
        %and3A_322 = arith.andi %gather3A, %and3A_321 : vector<16xi32>
        %mul3A_323 = arith.constant 16 : i32
        %mul3A_324 = vector.broadcast %mul3A_323 : i32 to vector<16xi32>
        %mul3A_325 = arith.muli %and3A_322, %mul3A_324 : vector<16xi32>
        %shift_right_arithmetic3A_326 = arith.constant 9 : i32
        %shift_right_arithmetic3A_327 = vector.broadcast %shift_right_arithmetic3A_326 : i32 to vector<16xi32>
        %shift_right_arithmetic3A_328 = arith.shrsi %gather3A, %shift_right_arithmetic3A_327 : vector<16xi32>
        %add3A_329 = arith.addi %mul3A_325, %shift_right_arithmetic3A_328 : vector<16xi32>
        tpu.vector_store_idx %arg7[%add3A_329], %get3A_304 : memref<8192xi32, #tpu.memory_space<vmem>>[vector<16xi32>], vector<16xi32>,
        tpu.vector_store_idx %arg9[%add3A_329], %get3A_308 : memref<8192xi32, #tpu.memory_space<vmem>>[vector<16xi32>], vector<16xi32>,
        %scan3A_330 = arith.constant 1 : i32
        %scan3A_331 = arith.addi %scan3A_301, %scan3A_330 : i32
        %mul3A_332 = arith.constant 16 : i32
        %mul3A_333 = arith.muli %scan3A_331, %mul3A_332 : i32
        %get3A_334 = arith.index_cast %mul3A_333 : i32 to index
        %get3A_335 = tpu.vector_load %arg6[%get3A_334] {strides = array<i32>} : memref<8192xi32, #tpu.memory_space<vmem>>, vector<16xi32>,
        %mul3A_336 = arith.constant 16 : i32
        %mul3A_337 = arith.muli %scan3A_331, %mul3A_336 : i32
        %get3A_338 = arith.index_cast %mul3A_337 : i32 to index
        %get3A_339 = tpu.vector_load %arg8[%get3A_338] {strides = array<i32>} : memref<8192xi32, #tpu.memory_space<vmem>>, vector<16xi32>,
        %shift_right_arithmetic3A_340 = arith.constant 16 : i32
        %shift_right_arithmetic3A_341 = vector.broadcast %shift_right_arithmetic3A_340 : i32 to vector<16xi32>
        %shift_right_arithmetic3A_342 = arith.shrsi %get3A_335, %shift_right_arithmetic3A_341 : vector<16xi32>
        %and3A_343 = arith.constant 255 : i32
        %and3A_344 = vector.broadcast %and3A_343 : i32 to vector<16xi32>
        %and3A_345 = arith.andi %shift_right_arithmetic3A_342, %and3A_344 : vector<16xi32>
        %mul3A_346 = arith.constant 16 : i32
        %mul3A_347 = vector.broadcast %mul3A_346 : i32 to vector<16xi32>
        %mul3A_348 = arith.muli %and3A_345, %mul3A_347 : vector<16xi32>
        %add3A_349 = arith.addi %mul3A_348, %iota3A : vector<16xi32>
        %gather3A_350 = tpu.vector_load_idx %arg11[%add3A_349] : memref<4096xi32, #tpu.memory_space<vmem>>[vector<16xi32>], vector<16xi32>,
        %add3A_351 = arith.constant 1 : i32
        %add3A_352 = vector.broadcast %add3A_351 : i32 to vector<16xi32>
        %add3A_353 = arith.addi %gather3A_350, %add3A_352 : vector<16xi32>
        tpu.vector_store_idx %arg11[%add3A_349], %add3A_353 : memref<4096xi32, #tpu.memory_space<vmem>>[vector<16xi32>], vector<16xi32>,
        %and3A_354 = arith.constant 511 : i32
        %and3A_355 = vector.broadcast %and3A_354 : i32 to vector<16xi32>
        %and3A_356 = arith.andi %gather3A_350, %and3A_355 : vector<16xi32>
        %mul3A_357 = arith.constant 16 : i32
        %mul3A_358 = vector.broadcast %mul3A_357 : i32 to vector<16xi32>
        %mul3A_359 = arith.muli %and3A_356, %mul3A_358 : vector<16xi32>
        %shift_right_arithmetic3A_360 = arith.constant 9 : i32
        %shift_right_arithmetic3A_361 = vector.broadcast %shift_right_arithmetic3A_360 : i32 to vector<16xi32>
        %shift_right_arithmetic3A_362 = arith.shrsi %gather3A_350, %shift_right_arithmetic3A_361 : vector<16xi32>
        %add3A_363 = arith.addi %mul3A_359, %shift_right_arithmetic3A_362 : vector<16xi32>
        tpu.vector_store_idx %arg7[%add3A_363], %get3A_335 : memref<8192xi32, #tpu.memory_space<vmem>>[vector<16xi32>], vector<16xi32>,
        tpu.vector_store_idx %arg9[%add3A_363], %get3A_339 : memref<8192xi32, #tpu.memory_space<vmem>>[vector<16xi32>], vector<16xi32>,
      }
      %scan3A_119 = arith.constant 512 : i32
      %scan3A_120 = arith.constant 0 : i32
      %scan3A_121 = arith.constant 0 : i32
      %scan3A_122 = arith.constant 512 : i32
      %scan3A_123 = arith.addi %scan3A_121, %scan3A_122 : i32
      %scan3A_124 = arith.constant 4 : i32
      scf.for %scan3A_301 = %scan3A_121 to %scan3A_123 step %scan3A_124  : i32 {
        %mul3A_302 = arith.constant 16 : i32
        %mul3A_303 = arith.muli %scan3A_301, %mul3A_302 : i32
        %get3A = arith.index_cast %mul3A_303 : i32 to index
        %get3A_304 = tpu.vector_load %arg7[%get3A] {strides = array<i32>} : memref<8192xi32, #tpu.memory_space<vmem>>, vector<16xi32>,
        %shift_right_arithmetic3A = arith.constant 24 : i32
        %shift_right_arithmetic3A_305 = vector.broadcast %shift_right_arithmetic3A : i32 to vector<16xi32>
        %shift_right_arithmetic3A_306 = arith.shrsi %get3A_304, %shift_right_arithmetic3A_305 : vector<16xi32>
        %and3A = arith.constant 63 : i32
        %and3A_307 = vector.broadcast %and3A : i32 to vector<16xi32>
        %and3A_308 = arith.andi %shift_right_arithmetic3A_306, %and3A_307 : vector<16xi32>
        %mul3A_309 = arith.constant 16 : i32
        %mul3A_310 = vector.broadcast %mul3A_309 : i32 to vector<16xi32>
        %mul3A_311 = arith.muli %and3A_308, %mul3A_310 : vector<16xi32>
        %add3A_312 = arith.addi %mul3A_311, %iota3A : vector<16xi32>
        tpu.vector_store_idx %arg10[%add3A_312], %add3A_2 {add = true} : memref<4096xi32, #tpu.memory_space<vmem>>[vector<16xi32>], vector<16xi32>,
        %scan3A_313 = arith.constant 1 : i32
        %scan3A_314 = arith.addi %scan3A_301, %scan3A_313 : i32
        %mul3A_315 = arith.constant 16 : i32
        %mul3A_316 = arith.muli %scan3A_314, %mul3A_315 : i32
        %get3A_317 = arith.index_cast %mul3A_316 : i32 to index
        %get3A_318 = tpu.vector_load %arg7[%get3A_317] {strides = array<i32>} : memref<8192xi32, #tpu.memory_space<vmem>>, vector<16xi32>,
        %shift_right_arithmetic3A_319 = arith.constant 24 : i32
        %shift_right_arithmetic3A_320 = vector.broadcast %shift_right_arithmetic3A_319 : i32 to vector<16xi32>
        %shift_right_arithmetic3A_321 = arith.shrsi %get3A_318, %shift_right_arithmetic3A_320 : vector<16xi32>
        %and3A_322 = arith.constant 63 : i32
        %and3A_323 = vector.broadcast %and3A_322 : i32 to vector<16xi32>
        %and3A_324 = arith.andi %shift_right_arithmetic3A_321, %and3A_323 : vector<16xi32>
        %mul3A_325 = arith.constant 16 : i32
        %mul3A_326 = vector.broadcast %mul3A_325 : i32 to vector<16xi32>
        %mul3A_327 = arith.muli %and3A_324, %mul3A_326 : vector<16xi32>
        %add3A_328 = arith.addi %mul3A_327, %iota3A : vector<16xi32>
        tpu.vector_store_idx %arg10[%add3A_328], %add3A_2 {add = true} : memref<4096xi32, #tpu.memory_space<vmem>>[vector<16xi32>], vector<16xi32>,
        %scan3A_329 = arith.constant 2 : i32
        %scan3A_330 = arith.addi %scan3A_301, %scan3A_329 : i32
        %mul3A_331 = arith.constant 16 : i32
        %mul3A_332 = arith.muli %scan3A_330, %mul3A_331 : i32
        %get3A_333 = arith.index_cast %mul3A_332 : i32 to index
        %get3A_334 = tpu.vector_load %arg7[%get3A_333] {strides = array<i32>} : memref<8192xi32, #tpu.memory_space<vmem>>, vector<16xi32>,
        %shift_right_arithmetic3A_335 = arith.constant 24 : i32
        %shift_right_arithmetic3A_336 = vector.broadcast %shift_right_arithmetic3A_335 : i32 to vector<16xi32>
        %shift_right_arithmetic3A_337 = arith.shrsi %get3A_334, %shift_right_arithmetic3A_336 : vector<16xi32>
        %and3A_338 = arith.constant 63 : i32
        %and3A_339 = vector.broadcast %and3A_338 : i32 to vector<16xi32>
        %and3A_340 = arith.andi %shift_right_arithmetic3A_337, %and3A_339 : vector<16xi32>
        %mul3A_341 = arith.constant 16 : i32
        %mul3A_342 = vector.broadcast %mul3A_341 : i32 to vector<16xi32>
        %mul3A_343 = arith.muli %and3A_340, %mul3A_342 : vector<16xi32>
        %add3A_344 = arith.addi %mul3A_343, %iota3A : vector<16xi32>
        tpu.vector_store_idx %arg10[%add3A_344], %add3A_2 {add = true} : memref<4096xi32, #tpu.memory_space<vmem>>[vector<16xi32>], vector<16xi32>,
        %scan3A_345 = arith.constant 3 : i32
        %scan3A_346 = arith.addi %scan3A_301, %scan3A_345 : i32
        %mul3A_347 = arith.constant 16 : i32
        %mul3A_348 = arith.muli %scan3A_346, %mul3A_347 : i32
        %get3A_349 = arith.index_cast %mul3A_348 : i32 to index
        %get3A_350 = tpu.vector_load %arg7[%get3A_349] {strides = array<i32>} : memref<8192xi32, #tpu.memory_space<vmem>>, vector<16xi32>,
        %shift_right_arithmetic3A_351 = arith.constant 24 : i32
        %shift_right_arithmetic3A_352 = vector.broadcast %shift_right_arithmetic3A_351 : i32 to vector<16xi32>
        %shift_right_arithmetic3A_353 = arith.shrsi %get3A_350, %shift_right_arithmetic3A_352 : vector<16xi32>
        %and3A_354 = arith.constant 63 : i32
        %and3A_355 = vector.broadcast %and3A_354 : i32 to vector<16xi32>
        %and3A_356 = arith.andi %shift_right_arithmetic3A_353, %and3A_355 : vector<16xi32>
        %mul3A_357 = arith.constant 16 : i32
        %mul3A_358 = vector.broadcast %mul3A_357 : i32 to vector<16xi32>
        %mul3A_359 = arith.muli %and3A_356, %mul3A_358 : vector<16xi32>
        %add3A_360 = arith.addi %mul3A_359, %iota3A : vector<16xi32>
        tpu.vector_store_idx %arg10[%add3A_360], %add3A_2 {add = true} : memref<4096xi32, #tpu.memory_space<vmem>>[vector<16xi32>], vector<16xi32>,
      }
      %scan3A_125 = arith.constant 512 : i32
      %scan3A_126 = arith.constant 0 : i32
      %scan3A_127 = arith.constant 0 : i32
      %scan3A_128 = arith.constant 64 : i32
      %scan3A_129 = arith.addi %scan3A_127, %scan3A_128 : i32
      %scan3A_130 = arith.constant 1 : i32
      %scan3A_131 = scf.for %scan3A_301 = %scan3A_127 to %scan3A_129 step %scan3A_130 iter_args(%scan3A_302 = %scan3A_126) -> (i32)  : i32 {
        %mul3A_303 = arith.constant 16 : i32
        %mul3A_304 = arith.muli %scan3A_301, %mul3A_303 : i32
        %get3A = arith.index_cast %mul3A_304 : i32 to index
        %get3A_305 = tpu.vector_load %arg10[%get3A] {strides = array<i32>} : memref<4096xi32, #tpu.memory_space<vmem>>, vector<16xi32>,
        %broadcast_in_dim3A_306 = arith.constant true
        %broadcast_in_dim3A_307 = vector.broadcast %broadcast_in_dim3A_306 : i1 to vector<16xi1>
        %masked_cumsum3A = tpu.scan <sum>, %get3A_305 masked %broadcast_in_dim3A_307 : vector<16xi32>, vector<16xi1> -> vector<16xi32>
        %reduce_sum3A = arith.constant true
        %reduce_sum3A_308 = vector.broadcast %reduce_sum3A : i1 to vector<16xi1>
        %reduce_sum3A_309 = tpu.scan <sum>, %get3A_305 masked %reduce_sum3A_308 : vector<16xi32>, vector<16xi1> -> vector<16xi32>
        %reduce_sum3A_310 = vector.extract %reduce_sum3A_309[15] : i32 from vector<16xi32>
        %mul3A_311 = arith.constant 16 : i32
        %mul3A_312 = arith.muli %scan3A_301, %mul3A_311 : i32
        %swap3A = arith.index_cast %mul3A_312 : i32 to index
        %swap3A_313 = tpu.vector_load %arg10[%swap3A] {strides = array<i32>} : memref<4096xi32, #tpu.memory_space<vmem>>, vector<16xi32>,
        tpu.vector_store %arg10[%swap3A], %broadcast_in_dim3A_8 {strides = array<i32>} : memref<4096xi32, #tpu.memory_space<vmem>>, vector<16xi32>,
        %sub3A_314 = arith.subi %masked_cumsum3A, %get3A_305 : vector<16xi32>
        %add3A_315 = vector.broadcast %scan3A_302 : i32 to vector<16xi32>
        %add3A_316 = arith.addi %sub3A_314, %add3A_315 : vector<16xi32>
        %mul3A_317 = arith.constant 16 : i32
        %mul3A_318 = arith.muli %scan3A_301, %mul3A_317 : i32
        %swap3A_319 = arith.index_cast %mul3A_318 : i32 to index
        %swap3A_320 = tpu.vector_load %arg11[%swap3A_319] {strides = array<i32>} : memref<4096xi32, #tpu.memory_space<vmem>>, vector<16xi32>,
        tpu.vector_store %arg11[%swap3A_319], %add3A_316 {strides = array<i32>} : memref<4096xi32, #tpu.memory_space<vmem>>, vector<16xi32>,
        %add3A_321 = arith.addi %scan3A_302, %reduce_sum3A_310 : i32
        scf.yield %add3A_321 : i32
      }
      %scan3A_132 = arith.constant 64 : i32
      %scan3A_133 = arith.constant 0 : i32
      %scan3A_134 = arith.constant 0 : i32
      %scan3A_135 = arith.constant 512 : i32
      %scan3A_136 = arith.addi %scan3A_134, %scan3A_135 : i32
      %scan3A_137 = arith.constant 2 : i32
      scf.for %scan3A_301 = %scan3A_134 to %scan3A_136 step %scan3A_137  : i32 {
        %mul3A_302 = arith.constant 16 : i32
        %mul3A_303 = arith.muli %scan3A_301, %mul3A_302 : i32
        %get3A = arith.index_cast %mul3A_303 : i32 to index
        %get3A_304 = tpu.vector_load %arg7[%get3A] {strides = array<i32>} : memref<8192xi32, #tpu.memory_space<vmem>>, vector<16xi32>,
        %mul3A_305 = arith.constant 16 : i32
        %mul3A_306 = arith.muli %scan3A_301, %mul3A_305 : i32
        %get3A_307 = arith.index_cast %mul3A_306 : i32 to index
        %get3A_308 = tpu.vector_load %arg9[%get3A_307] {strides = array<i32>} : memref<8192xi32, #tpu.memory_space<vmem>>, vector<16xi32>,
        %shift_right_arithmetic3A = arith.constant 24 : i32
        %shift_right_arithmetic3A_309 = vector.broadcast %shift_right_arithmetic3A : i32 to vector<16xi32>
        %shift_right_arithmetic3A_310 = arith.shrsi %get3A_304, %shift_right_arithmetic3A_309 : vector<16xi32>
        %and3A = arith.constant 63 : i32
        %and3A_311 = vector.broadcast %and3A : i32 to vector<16xi32>
        %and3A_312 = arith.andi %shift_right_arithmetic3A_310, %and3A_311 : vector<16xi32>
        %mul3A_313 = arith.constant 16 : i32
        %mul3A_314 = vector.broadcast %mul3A_313 : i32 to vector<16xi32>
        %mul3A_315 = arith.muli %and3A_312, %mul3A_314 : vector<16xi32>
        %add3A_316 = arith.addi %mul3A_315, %iota3A : vector<16xi32>
        %gather3A = tpu.vector_load_idx %arg11[%add3A_316] : memref<4096xi32, #tpu.memory_space<vmem>>[vector<16xi32>], vector<16xi32>,
        %add3A_317 = arith.constant 1 : i32
        %add3A_318 = vector.broadcast %add3A_317 : i32 to vector<16xi32>
        %add3A_319 = arith.addi %gather3A, %add3A_318 : vector<16xi32>
        tpu.vector_store_idx %arg11[%add3A_316], %add3A_319 : memref<4096xi32, #tpu.memory_space<vmem>>[vector<16xi32>], vector<16xi32>,
        tpu.vector_store_idx %arg8[%gather3A], %get3A_308 : memref<8192xi32, #tpu.memory_space<vmem>>[vector<16xi32>], vector<16xi32>,
        %scan3A_320 = arith.constant 1 : i32
        %scan3A_321 = arith.addi %scan3A_301, %scan3A_320 : i32
        %mul3A_322 = arith.constant 16 : i32
        %mul3A_323 = arith.muli %scan3A_321, %mul3A_322 : i32
        %get3A_324 = arith.index_cast %mul3A_323 : i32 to index
        %get3A_325 = tpu.vector_load %arg7[%get3A_324] {strides = array<i32>} : memref<8192xi32, #tpu.memory_space<vmem>>, vector<16xi32>,
        %mul3A_326 = arith.constant 16 : i32
        %mul3A_327 = arith.muli %scan3A_321, %mul3A_326 : i32
        %get3A_328 = arith.index_cast %mul3A_327 : i32 to index
        %get3A_329 = tpu.vector_load %arg9[%get3A_328] {strides = array<i32>} : memref<8192xi32, #tpu.memory_space<vmem>>, vector<16xi32>,
        %shift_right_arithmetic3A_330 = arith.constant 24 : i32
        %shift_right_arithmetic3A_331 = vector.broadcast %shift_right_arithmetic3A_330 : i32 to vector<16xi32>
        %shift_right_arithmetic3A_332 = arith.shrsi %get3A_325, %shift_right_arithmetic3A_331 : vector<16xi32>
        %and3A_333 = arith.constant 63 : i32
        %and3A_334 = vector.broadcast %and3A_333 : i32 to vector<16xi32>
        %and3A_335 = arith.andi %shift_right_arithmetic3A_332, %and3A_334 : vector<16xi32>
        %mul3A_336 = arith.constant 16 : i32
        %mul3A_337 = vector.broadcast %mul3A_336 : i32 to vector<16xi32>
        %mul3A_338 = arith.muli %and3A_335, %mul3A_337 : vector<16xi32>
        %add3A_339 = arith.addi %mul3A_338, %iota3A : vector<16xi32>
        %gather3A_340 = tpu.vector_load_idx %arg11[%add3A_339] : memref<4096xi32, #tpu.memory_space<vmem>>[vector<16xi32>], vector<16xi32>,
        %add3A_341 = arith.constant 1 : i32
        %add3A_342 = vector.broadcast %add3A_341 : i32 to vector<16xi32>
        %add3A_343 = arith.addi %gather3A_340, %add3A_342 : vector<16xi32>
        tpu.vector_store_idx %arg11[%add3A_339], %add3A_343 : memref<4096xi32, #tpu.memory_space<vmem>>[vector<16xi32>], vector<16xi32>,
        tpu.vector_store_idx %arg8[%gather3A_340], %get3A_329 : memref<8192xi32, #tpu.memory_space<vmem>>[vector<16xi32>], vector<16xi32>,
      }
      %scan3A_138 = arith.constant 512 : i32
      %dma_wait3A_139 = arith.constant 0 : i32
      %dma_wait3A_140 = tpu.memref_slice %arg3[%add3A_47, %dma_wait3A_139] : memref<256x24576xf32, #tpu.memory_space<hbm>> -> memref<1x24576xf32, #tpu.memory_space<hbm>>
      %dma_wait3A_141 = tpu.memref_squeeze %dma_wait3A_140 : memref<1x24576xf32, #tpu.memory_space<hbm>> -> memref<24576xf32, #tpu.memory_space<hbm>>
      %dma_wait3A_142 = arith.constant 0 : i32
      %dma_wait3A_143 = tpu.memref_slice %arg3[%add3A_47, %dma_wait3A_142] : memref<256x24576xf32, #tpu.memory_space<hbm>> -> memref<1x24576xf32, #tpu.memory_space<hbm>>
      %dma_wait3A_144 = tpu.memref_squeeze %dma_wait3A_143 : memref<1x24576xf32, #tpu.memory_space<hbm>> -> memref<24576xf32, #tpu.memory_space<hbm>>
      tpu.wait_dma2 semaphore(%arg17 : memref<!tpu.dma_semaphore, #tpu.memory_space<semaphore_mem>>) src(%dma_wait3A_144 : memref<24576xf32, #tpu.memory_space<hbm>>) dst(%arg12 : memref<24576xf32, #tpu.memory_space<vmem>>)
      %mul3A_145 = arith.constant 8 : i32
      %mul3A_146 = arith.muli %add3A_6, %mul3A_145 : i32
      %gt3A_147 = arith.cmpi sgt, %add3A_47, %mul3A_146 : i32
      %convert_element_type3A_148 = arith.extui %gt3A_147 : i1 to i32
      %cond3A_149 = arith.constant 0 : i32
      %cond3A_150 = arith.cmpi ne, %convert_element_type3A_148, %cond3A_149 : i32
      scf.if %cond3A_150 {
        %dma_wait3A_301 = arith.constant 0 : i32
        %dma_wait3A_302 = tpu.memref_slice %arg4[%add3A_47, %dma_wait3A_301] : memref<256x24576xf32, #tpu.memory_space<hbm>> -> memref<1x24576xf32, #tpu.memory_space<hbm>>
        %dma_wait3A_303 = tpu.memref_squeeze %dma_wait3A_302 : memref<1x24576xf32, #tpu.memory_space<hbm>> -> memref<24576xf32, #tpu.memory_space<hbm>>
        %dma_wait3A_304 = arith.constant 0 : i32
        %dma_wait3A_305 = tpu.memref_slice %arg4[%add3A_47, %dma_wait3A_304] : memref<256x24576xf32, #tpu.memory_space<hbm>> -> memref<1x24576xf32, #tpu.memory_space<hbm>>
        %dma_wait3A_306 = tpu.memref_squeeze %dma_wait3A_305 : memref<1x24576xf32, #tpu.memory_space<hbm>> -> memref<24576xf32, #tpu.memory_space<hbm>>
        tpu.wait_dma2 semaphore(%arg18 : memref<!tpu.dma_semaphore, #tpu.memory_space<semaphore_mem>>) src(%arg13 : memref<24576xf32, #tpu.memory_space<vmem>>) dst(%dma_wait3A_306 : memref<24576xf32, #tpu.memory_space<hbm>>)
        %dma_wait3A_307 = arith.constant 0 : i32
        %dma_wait3A_308 = tpu.memref_slice %arg5[%add3A_47, %dma_wait3A_307] : memref<256x768xf32, #tpu.memory_space<hbm>> -> memref<1x768xf32, #tpu.memory_space<hbm>>
        %dma_wait3A_309 = tpu.memref_squeeze %dma_wait3A_308 : memref<1x768xf32, #tpu.memory_space<hbm>> -> memref<768xf32, #tpu.memory_space<hbm>>
        %dma_wait3A_310 = arith.constant 0 : i32
        %dma_wait3A_311 = tpu.memref_slice %arg5[%add3A_47, %dma_wait3A_310] : memref<256x768xf32, #tpu.memory_space<hbm>> -> memref<1x768xf32, #tpu.memory_space<hbm>>
        %dma_wait3A_312 = tpu.memref_squeeze %dma_wait3A_311 : memref<1x768xf32, #tpu.memory_space<hbm>> -> memref<768xf32, #tpu.memory_space<hbm>>
        tpu.wait_dma2 semaphore(%arg19 : memref<!tpu.dma_semaphore, #tpu.memory_space<semaphore_mem>>) src(%arg14 : memref<768xf32, #tpu.memory_space<vmem>>) dst(%dma_wait3A_312 : memref<768xf32, #tpu.memory_space<hbm>>)
      } else {
      }
      %scan3A_151 = arith.constant 0 : i32
      %scan3A_152 = arith.constant 0 : i32
      %scan3A_153 = arith.constant 256 : i32
      %scan3A_154 = arith.addi %scan3A_152, %scan3A_153 : i32
      %scan3A_155 = arith.constant 2 : i32
      scf.for %scan3A_301 = %scan3A_152 to %scan3A_154 step %scan3A_155  : i32 {
        %broadcast_in_dim3A_302 = arith.constant 0.000000e+00 : f32
        %broadcast_in_dim3A_303 = vector.broadcast %broadcast_in_dim3A_302 : f32 to vector<16xf32>
        %broadcast_in_dim3A_304 = arith.constant 0.000000e+00 : f32
        %broadcast_in_dim3A_305 = vector.broadcast %broadcast_in_dim3A_304 : f32 to vector<16xf32>
        %broadcast_in_dim3A_306 = arith.constant 0.000000e+00 : f32
        %broadcast_in_dim3A_307 = vector.broadcast %broadcast_in_dim3A_306 : f32 to vector<16xf32>
        %mul3A_308 = arith.constant 32 : i32
        %mul3A_309 = arith.muli %scan3A_301, %mul3A_308 : i32
        %add3A_310 = arith.constant 0 : i32
        %add3A_311 = arith.addi %mul3A_309, %add3A_310 : i32
        %get3A = arith.index_cast %add3A_311 : i32 to index
        %get3A_312 = tpu.vector_load %arg8[%get3A] {strides = array<i32>} : memref<8192xi32, #tpu.memory_space<vmem>>, vector<16xi32>,
        %mul3A_313 = arith.constant 3 : i32
        %mul3A_314 = vector.broadcast %mul3A_313 : i32 to vector<16xi32>
        %mul3A_315 = arith.muli %get3A_312, %mul3A_314 : vector<16xi32>
        %mul3A_316 = arith.constant 96 : i32
        %mul3A_317 = arith.muli %scan3A_301, %mul3A_316 : i32
        %add3A_318 = arith.constant 0 : i32
        %add3A_319 = arith.addi %mul3A_317, %add3A_318 : i32
        %add3A_320 = vector.broadcast %add3A_319 : i32 to vector<16xi32>
        %add3A_321 = arith.addi %add3A_320, %mul3A_16 : vector<16xi32>
        %gather3A = tpu.vector_load_idx %arg12[%mul3A_315] : memref<24576xf32, #tpu.memory_space<vmem>>[vector<16xi32>], vector<16xf32>,
        %add3A_322 = arith.constant 1 : i32
        %add3A_323 = vector.broadcast %add3A_322 : i32 to vector<16xi32>
        %add3A_324 = arith.addi %mul3A_315, %add3A_323 : vector<16xi32>
        %gather3A_325 = tpu.vector_load_idx %arg12[%add3A_324] : memref<24576xf32, #tpu.memory_space<vmem>>[vector<16xi32>], vector<16xf32>,
        %add3A_326 = arith.constant 2 : i32
        %add3A_327 = vector.broadcast %add3A_326 : i32 to vector<16xi32>
        %add3A_328 = arith.addi %mul3A_315, %add3A_327 : vector<16xi32>
        %gather3A_329 = tpu.vector_load_idx %arg12[%add3A_328] : memref<24576xf32, #tpu.memory_space<vmem>>[vector<16xi32>], vector<16xf32>,
        tpu.vector_store_idx %arg13[%add3A_321], %gather3A : memref<24576xf32, #tpu.memory_space<vmem>>[vector<16xi32>], vector<16xf32>,
        %add3A_330 = arith.constant 1 : i32
        %add3A_331 = vector.broadcast %add3A_330 : i32 to vector<16xi32>
        %add3A_332 = arith.addi %add3A_321, %add3A_331 : vector<16xi32>
        tpu.vector_store_idx %arg13[%add3A_332], %gather3A_325 : memref<24576xf32, #tpu.memory_space<vmem>>[vector<16xi32>], vector<16xf32>,
        %add3A_333 = arith.constant 2 : i32
        %add3A_334 = vector.broadcast %add3A_333 : i32 to vector<16xi32>
        %add3A_335 = arith.addi %add3A_321, %add3A_334 : vector<16xi32>
        tpu.vector_store_idx %arg13[%add3A_335], %gather3A_329 : memref<24576xf32, #tpu.memory_space<vmem>>[vector<16xi32>], vector<16xf32>,
        %add3A_336 = arith.addf %broadcast_in_dim3A_303, %gather3A : vector<16xf32>
        %add3A_337 = arith.addf %broadcast_in_dim3A_305, %gather3A_325 : vector<16xf32>
        %add3A_338 = arith.addf %broadcast_in_dim3A_307, %gather3A_329 : vector<16xf32>
        %mul3A_339 = arith.constant 32 : i32
        %mul3A_340 = arith.muli %scan3A_301, %mul3A_339 : i32
        %add3A_341 = arith.constant 16 : i32
        %add3A_342 = arith.addi %mul3A_340, %add3A_341 : i32
        %get3A_343 = arith.index_cast %add3A_342 : i32 to index
        %get3A_344 = tpu.vector_load %arg8[%get3A_343] {strides = array<i32>} : memref<8192xi32, #tpu.memory_space<vmem>>, vector<16xi32>,
        %mul3A_345 = arith.constant 3 : i32
        %mul3A_346 = vector.broadcast %mul3A_345 : i32 to vector<16xi32>
        %mul3A_347 = arith.muli %get3A_344, %mul3A_346 : vector<16xi32>
        %mul3A_348 = arith.constant 96 : i32
        %mul3A_349 = arith.muli %scan3A_301, %mul3A_348 : i32
        %add3A_350 = arith.constant 48 : i32
        %add3A_351 = arith.addi %mul3A_349, %add3A_350 : i32
        %add3A_352 = vector.broadcast %add3A_351 : i32 to vector<16xi32>
        %add3A_353 = arith.addi %add3A_352, %mul3A_16 : vector<16xi32>
        %gather3A_354 = tpu.vector_load_idx %arg12[%mul3A_347] : memref<24576xf32, #tpu.memory_space<vmem>>[vector<16xi32>], vector<16xf32>,
        %add3A_355 = arith.constant 1 : i32
        %add3A_356 = vector.broadcast %add3A_355 : i32 to vector<16xi32>
        %add3A_357 = arith.addi %mul3A_347, %add3A_356 : vector<16xi32>
        %gather3A_358 = tpu.vector_load_idx %arg12[%add3A_357] : memref<24576xf32, #tpu.memory_space<vmem>>[vector<16xi32>], vector<16xf32>,
        %add3A_359 = arith.constant 2 : i32
        %add3A_360 = vector.broadcast %add3A_359 : i32 to vector<16xi32>
        %add3A_361 = arith.addi %mul3A_347, %add3A_360 : vector<16xi32>
        %gather3A_362 = tpu.vector_load_idx %arg12[%add3A_361] : memref<24576xf32, #tpu.memory_space<vmem>>[vector<16xi32>], vector<16xf32>,
        tpu.vector_store_idx %arg13[%add3A_353], %gather3A_354 : memref<24576xf32, #tpu.memory_space<vmem>>[vector<16xi32>], vector<16xf32>,
        %add3A_363 = arith.constant 1 : i32
        %add3A_364 = vector.broadcast %add3A_363 : i32 to vector<16xi32>
        %add3A_365 = arith.addi %add3A_353, %add3A_364 : vector<16xi32>
        tpu.vector_store_idx %arg13[%add3A_365], %gather3A_358 : memref<24576xf32, #tpu.memory_space<vmem>>[vector<16xi32>], vector<16xf32>,
        %add3A_366 = arith.constant 2 : i32
        %add3A_367 = vector.broadcast %add3A_366 : i32 to vector<16xi32>
        %add3A_368 = arith.addi %add3A_353, %add3A_367 : vector<16xi32>
        tpu.vector_store_idx %arg13[%add3A_368], %gather3A_362 : memref<24576xf32, #tpu.memory_space<vmem>>[vector<16xi32>], vector<16xf32>,
        %add3A_369 = arith.addf %add3A_336, %gather3A_354 : vector<16xf32>
        %add3A_370 = arith.addf %add3A_337, %gather3A_358 : vector<16xf32>
        %add3A_371 = arith.addf %add3A_338, %gather3A_362 : vector<16xf32>
        %reduce_sum3A = arith.constant true
        %reduce_sum3A_372 = vector.broadcast %reduce_sum3A : i1 to vector<16xi1>
        %reduce_sum3A_373 = tpu.scan <sum>, %add3A_369 masked %reduce_sum3A_372 : vector<16xf32>, vector<16xi1> -> vector<16xf32>
        %reduce_sum3A_374 = vector.extract %reduce_sum3A_373[15] : f32 from vector<16xf32>
        %mul3A_375 = arith.mulf %reduce_sum3A_374, %scan3A_20 : f32
        %broadcast_in_dim3A_376 = arith.constant 0 : i32
        %broadcast_in_dim3A_377 = vector.broadcast %broadcast_in_dim3A_376 : i32 to vector<16xi32>
        %mul3A_378 = arith.constant 3 : i32
        %mul3A_379 = arith.muli %scan3A_301, %mul3A_378 : i32
        %add3A_380 = arith.constant 0 : i32
        %add3A_381 = arith.addi %mul3A_379, %add3A_380 : i32
        %add3A_382 = vector.broadcast %add3A_381 : i32 to vector<16xi32>
        %add3A_383 = arith.addi %broadcast_in_dim3A_377, %add3A_382 : vector<16xi32>
        %broadcast_in_dim3A_384 = arith.constant 0.000000e+00 : f32
        %broadcast_in_dim3A_385 = vector.broadcast %broadcast_in_dim3A_384 : f32 to vector<16xf32>
        %add3A_386 = vector.broadcast %mul3A_375 : f32 to vector<16xf32>
        %add3A_387 = arith.addf %broadcast_in_dim3A_385, %add3A_386 : vector<16xf32>
        tpu.vector_store_idx %arg14[%add3A_383], %add3A_387 masked %eq3A_4 : memref<768xf32, #tpu.memory_space<vmem>>[vector<16xi32>], vector<16xf32>, vector<16xi1>
        %reduce_sum3A_388 = arith.constant true
        %reduce_sum3A_389 = vector.broadcast %reduce_sum3A_388 : i1 to vector<16xi1>
        %reduce_sum3A_390 = tpu.scan <sum>, %add3A_370 masked %reduce_sum3A_389 : vector<16xf32>, vector<16xi1> -> vector<16xf32>
        %reduce_sum3A_391 = vector.extract %reduce_sum3A_390[15] : f32 from vector<16xf32>
        %mul3A_392 = arith.mulf %reduce_sum3A_391, %scan3A_20 : f32
        %broadcast_in_dim3A_393 = arith.constant 0 : i32
        %broadcast_in_dim3A_394 = vector.broadcast %broadcast_in_dim3A_393 : i32 to vector<16xi32>
        %mul3A_395 = arith.constant 3 : i32
        %mul3A_396 = arith.muli %scan3A_301, %mul3A_395 : i32
        %add3A_397 = arith.constant 1 : i32
        %add3A_398 = arith.addi %mul3A_396, %add3A_397 : i32
        %add3A_399 = vector.broadcast %add3A_398 : i32 to vector<16xi32>
        %add3A_400 = arith.addi %broadcast_in_dim3A_394, %add3A_399 : vector<16xi32>
        %broadcast_in_dim3A_401 = arith.constant 0.000000e+00 : f32
        %broadcast_in_dim3A_402 = vector.broadcast %broadcast_in_dim3A_401 : f32 to vector<16xf32>
        %add3A_403 = vector.broadcast %mul3A_392 : f32 to vector<16xf32>
        %add3A_404 = arith.addf %broadcast_in_dim3A_402, %add3A_403 : vector<16xf32>
        tpu.vector_store_idx %arg14[%add3A_400], %add3A_404 masked %eq3A_4 : memref<768xf32, #tpu.memory_space<vmem>>[vector<16xi32>], vector<16xf32>, vector<16xi1>
        %reduce_sum3A_405 = arith.constant true
        %reduce_sum3A_406 = vector.broadcast %reduce_sum3A_405 : i1 to vector<16xi1>
        %reduce_sum3A_407 = tpu.scan <sum>, %add3A_371 masked %reduce_sum3A_406 : vector<16xf32>, vector<16xi1> -> vector<16xf32>
        %reduce_sum3A_408 = vector.extract %reduce_sum3A_407[15] : f32 from vector<16xf32>
        %mul3A_409 = arith.mulf %reduce_sum3A_408, %scan3A_20 : f32
        %broadcast_in_dim3A_410 = arith.constant 0 : i32
        %broadcast_in_dim3A_411 = vector.broadcast %broadcast_in_dim3A_410 : i32 to vector<16xi32>
        %mul3A_412 = arith.constant 3 : i32
        %mul3A_413 = arith.muli %scan3A_301, %mul3A_412 : i32
        %add3A_414 = arith.constant 2 : i32
        %add3A_415 = arith.addi %mul3A_413, %add3A_414 : i32
        %add3A_416 = vector.broadcast %add3A_415 : i32 to vector<16xi32>
        %add3A_417 = arith.addi %broadcast_in_dim3A_411, %add3A_416 : vector<16xi32>
        %broadcast_in_dim3A_418 = arith.constant 0.000000e+00 : f32
        %broadcast_in_dim3A_419 = vector.broadcast %broadcast_in_dim3A_418 : f32 to vector<16xf32>
        %add3A_420 = vector.broadcast %mul3A_409 : f32 to vector<16xf32>
        %add3A_421 = arith.addf %broadcast_in_dim3A_419, %add3A_420 : vector<16xf32>
        tpu.vector_store_idx %arg14[%add3A_417], %add3A_421 masked %eq3A_4 : memref<768xf32, #tpu.memory_space<vmem>>[vector<16xi32>], vector<16xf32>, vector<16xi1>
        %scan3A_422 = arith.constant 1 : i32
        %scan3A_423 = arith.addi %scan3A_301, %scan3A_422 : i32
        %broadcast_in_dim3A_424 = arith.constant 0.000000e+00 : f32
        %broadcast_in_dim3A_425 = vector.broadcast %broadcast_in_dim3A_424 : f32 to vector<16xf32>
        %broadcast_in_dim3A_426 = arith.constant 0.000000e+00 : f32
        %broadcast_in_dim3A_427 = vector.broadcast %broadcast_in_dim3A_426 : f32 to vector<16xf32>
        %broadcast_in_dim3A_428 = arith.constant 0.000000e+00 : f32
        %broadcast_in_dim3A_429 = vector.broadcast %broadcast_in_dim3A_428 : f32 to vector<16xf32>
        %mul3A_430 = arith.constant 32 : i32
        %mul3A_431 = arith.muli %scan3A_423, %mul3A_430 : i32
        %add3A_432 = arith.constant 0 : i32
        %add3A_433 = arith.addi %mul3A_431, %add3A_432 : i32
        %get3A_434 = arith.index_cast %add3A_433 : i32 to index
        %get3A_435 = tpu.vector_load %arg8[%get3A_434] {strides = array<i32>} : memref<8192xi32, #tpu.memory_space<vmem>>, vector<16xi32>,
        %mul3A_436 = arith.constant 3 : i32
        %mul3A_437 = vector.broadcast %mul3A_436 : i32 to vector<16xi32>
        %mul3A_438 = arith.muli %get3A_435, %mul3A_437 : vector<16xi32>
        %mul3A_439 = arith.constant 96 : i32
        %mul3A_440 = arith.muli %scan3A_423, %mul3A_439 : i32
        %add3A_441 = arith.constant 0 : i32
        %add3A_442 = arith.addi %mul3A_440, %add3A_441 : i32
        %add3A_443 = vector.broadcast %add3A_442 : i32 to vector<16xi32>
        %add3A_444 = arith.addi %add3A_443, %mul3A_16 : vector<16xi32>
        %gather3A_445 = tpu.vector_load_idx %arg12[%mul3A_438] : memref<24576xf32, #tpu.memory_space<vmem>>[vector<16xi32>], vector<16xf32>,
        %add3A_446 = arith.constant 1 : i32
        %add3A_447 = vector.broadcast %add3A_446 : i32 to vector<16xi32>
        %add3A_448 = arith.addi %mul3A_438, %add3A_447 : vector<16xi32>
        %gather3A_449 = tpu.vector_load_idx %arg12[%add3A_448] : memref<24576xf32, #tpu.memory_space<vmem>>[vector<16xi32>], vector<16xf32>,
        %add3A_450 = arith.constant 2 : i32
        %add3A_451 = vector.broadcast %add3A_450 : i32 to vector<16xi32>
        %add3A_452 = arith.addi %mul3A_438, %add3A_451 : vector<16xi32>
        %gather3A_453 = tpu.vector_load_idx %arg12[%add3A_452] : memref<24576xf32, #tpu.memory_space<vmem>>[vector<16xi32>], vector<16xf32>,
        tpu.vector_store_idx %arg13[%add3A_444], %gather3A_445 : memref<24576xf32, #tpu.memory_space<vmem>>[vector<16xi32>], vector<16xf32>,
        %add3A_454 = arith.constant 1 : i32
        %add3A_455 = vector.broadcast %add3A_454 : i32 to vector<16xi32>
        %add3A_456 = arith.addi %add3A_444, %add3A_455 : vector<16xi32>
        tpu.vector_store_idx %arg13[%add3A_456], %gather3A_449 : memref<24576xf32, #tpu.memory_space<vmem>>[vector<16xi32>], vector<16xf32>,
        %add3A_457 = arith.constant 2 : i32
        %add3A_458 = vector.broadcast %add3A_457 : i32 to vector<16xi32>
        %add3A_459 = arith.addi %add3A_444, %add3A_458 : vector<16xi32>
        tpu.vector_store_idx %arg13[%add3A_459], %gather3A_453 : memref<24576xf32, #tpu.memory_space<vmem>>[vector<16xi32>], vector<16xf32>,
        %add3A_460 = arith.addf %broadcast_in_dim3A_425, %gather3A_445 : vector<16xf32>
        %add3A_461 = arith.addf %broadcast_in_dim3A_427, %gather3A_449 : vector<16xf32>
        %add3A_462 = arith.addf %broadcast_in_dim3A_429, %gather3A_453 : vector<16xf32>
        %mul3A_463 = arith.constant 32 : i32
        %mul3A_464 = arith.muli %scan3A_423, %mul3A_463 : i32
        %add3A_465 = arith.constant 16 : i32
        %add3A_466 = arith.addi %mul3A_464, %add3A_465 : i32
        %get3A_467 = arith.index_cast %add3A_466 : i32 to index
        %get3A_468 = tpu.vector_load %arg8[%get3A_467] {strides = array<i32>} : memref<8192xi32, #tpu.memory_space<vmem>>, vector<16xi32>,
        %mul3A_469 = arith.constant 3 : i32
        %mul3A_470 = vector.broadcast %mul3A_469 : i32 to vector<16xi32>
        %mul3A_471 = arith.muli %get3A_468, %mul3A_470 : vector<16xi32>
        %mul3A_472 = arith.constant 96 : i32
        %mul3A_473 = arith.muli %scan3A_423, %mul3A_472 : i32
        %add3A_474 = arith.constant 48 : i32
        %add3A_475 = arith.addi %mul3A_473, %add3A_474 : i32
        %add3A_476 = vector.broadcast %add3A_475 : i32 to vector<16xi32>
        %add3A_477 = arith.addi %add3A_476, %mul3A_16 : vector<16xi32>
        %gather3A_478 = tpu.vector_load_idx %arg12[%mul3A_471] : memref<24576xf32, #tpu.memory_space<vmem>>[vector<16xi32>], vector<16xf32>,
        %add3A_479 = arith.constant 1 : i32
        %add3A_480 = vector.broadcast %add3A_479 : i32 to vector<16xi32>
        %add3A_481 = arith.addi %mul3A_471, %add3A_480 : vector<16xi32>
        %gather3A_482 = tpu.vector_load_idx %arg12[%add3A_481] : memref<24576xf32, #tpu.memory_space<vmem>>[vector<16xi32>], vector<16xf32>,
        %add3A_483 = arith.constant 2 : i32
        %add3A_484 = vector.broadcast %add3A_483 : i32 to vector<16xi32>
        %add3A_485 = arith.addi %mul3A_471, %add3A_484 : vector<16xi32>
        %gather3A_486 = tpu.vector_load_idx %arg12[%add3A_485] : memref<24576xf32, #tpu.memory_space<vmem>>[vector<16xi32>], vector<16xf32>,
        tpu.vector_store_idx %arg13[%add3A_477], %gather3A_478 : memref<24576xf32, #tpu.memory_space<vmem>>[vector<16xi32>], vector<16xf32>,
        %add3A_487 = arith.constant 1 : i32
        %add3A_488 = vector.broadcast %add3A_487 : i32 to vector<16xi32>
        %add3A_489 = arith.addi %add3A_477, %add3A_488 : vector<16xi32>
        tpu.vector_store_idx %arg13[%add3A_489], %gather3A_482 : memref<24576xf32, #tpu.memory_space<vmem>>[vector<16xi32>], vector<16xf32>,
        %add3A_490 = arith.constant 2 : i32
        %add3A_491 = vector.broadcast %add3A_490 : i32 to vector<16xi32>
        %add3A_492 = arith.addi %add3A_477, %add3A_491 : vector<16xi32>
        tpu.vector_store_idx %arg13[%add3A_492], %gather3A_486 : memref<24576xf32, #tpu.memory_space<vmem>>[vector<16xi32>], vector<16xf32>,
        %add3A_493 = arith.addf %add3A_460, %gather3A_478 : vector<16xf32>
        %add3A_494 = arith.addf %add3A_461, %gather3A_482 : vector<16xf32>
        %add3A_495 = arith.addf %add3A_462, %gather3A_486 : vector<16xf32>
        %reduce_sum3A_496 = arith.constant true
        %reduce_sum3A_497 = vector.broadcast %reduce_sum3A_496 : i1 to vector<16xi1>
        %reduce_sum3A_498 = tpu.scan <sum>, %add3A_493 masked %reduce_sum3A_497 : vector<16xf32>, vector<16xi1> -> vector<16xf32>
        %reduce_sum3A_499 = vector.extract %reduce_sum3A_498[15] : f32 from vector<16xf32>
        %mul3A_500 = arith.mulf %reduce_sum3A_499, %scan3A_20 : f32
        %broadcast_in_dim3A_501 = arith.constant 0 : i32
        %broadcast_in_dim3A_502 = vector.broadcast %broadcast_in_dim3A_501 : i32 to vector<16xi32>
        %mul3A_503 = arith.constant 3 : i32
        %mul3A_504 = arith.muli %scan3A_423, %mul3A_503 : i32
        %add3A_505 = arith.constant 0 : i32
        %add3A_506 = arith.addi %mul3A_504, %add3A_505 : i32
        %add3A_507 = vector.broadcast %add3A_506 : i32 to vector<16xi32>
        %add3A_508 = arith.addi %broadcast_in_dim3A_502, %add3A_507 : vector<16xi32>
        %broadcast_in_dim3A_509 = arith.constant 0.000000e+00 : f32
        %broadcast_in_dim3A_510 = vector.broadcast %broadcast_in_dim3A_509 : f32 to vector<16xf32>
        %add3A_511 = vector.broadcast %mul3A_500 : f32 to vector<16xf32>
        %add3A_512 = arith.addf %broadcast_in_dim3A_510, %add3A_511 : vector<16xf32>
        tpu.vector_store_idx %arg14[%add3A_508], %add3A_512 masked %eq3A_4 : memref<768xf32, #tpu.memory_space<vmem>>[vector<16xi32>], vector<16xf32>, vector<16xi1>
        %reduce_sum3A_513 = arith.constant true
        %reduce_sum3A_514 = vector.broadcast %reduce_sum3A_513 : i1 to vector<16xi1>
        %reduce_sum3A_515 = tpu.scan <sum>, %add3A_494 masked %reduce_sum3A_514 : vector<16xf32>, vector<16xi1> -> vector<16xf32>
        %reduce_sum3A_516 = vector.extract %reduce_sum3A_515[15] : f32 from vector<16xf32>
        %mul3A_517 = arith.mulf %reduce_sum3A_516, %scan3A_20 : f32
        %broadcast_in_dim3A_518 = arith.constant 0 : i32
        %broadcast_in_dim3A_519 = vector.broadcast %broadcast_in_dim3A_518 : i32 to vector<16xi32>
        %mul3A_520 = arith.constant 3 : i32
        %mul3A_521 = arith.muli %scan3A_423, %mul3A_520 : i32
        %add3A_522 = arith.constant 1 : i32
        %add3A_523 = arith.addi %mul3A_521, %add3A_522 : i32
        %add3A_524 = vector.broadcast %add3A_523 : i32 to vector<16xi32>
        %add3A_525 = arith.addi %broadcast_in_dim3A_519, %add3A_524 : vector<16xi32>
        %broadcast_in_dim3A_526 = arith.constant 0.000000e+00 : f32
        %broadcast_in_dim3A_527 = vector.broadcast %broadcast_in_dim3A_526 : f32 to vector<16xf32>
        %add3A_528 = vector.broadcast %mul3A_517 : f32 to vector<16xf32>
        %add3A_529 = arith.addf %broadcast_in_dim3A_527, %add3A_528 : vector<16xf32>
        tpu.vector_store_idx %arg14[%add3A_525], %add3A_529 masked %eq3A_4 : memref<768xf32, #tpu.memory_space<vmem>>[vector<16xi32>], vector<16xf32>, vector<16xi1>
        %reduce_sum3A_530 = arith.constant true
        %reduce_sum3A_531 = vector.broadcast %reduce_sum3A_530 : i1 to vector<16xi1>
        %reduce_sum3A_532 = tpu.scan <sum>, %add3A_495 masked %reduce_sum3A_531 : vector<16xf32>, vector<16xi1> -> vector<16xf32>
        %reduce_sum3A_533 = vector.extract %reduce_sum3A_532[15] : f32 from vector<16xf32>
        %mul3A_534 = arith.mulf %reduce_sum3A_533, %scan3A_20 : f32
        %broadcast_in_dim3A_535 = arith.constant 0 : i32
        %broadcast_in_dim3A_536 = vector.broadcast %broadcast_in_dim3A_535 : i32 to vector<16xi32>
        %mul3A_537 = arith.constant 3 : i32
        %mul3A_538 = arith.muli %scan3A_423, %mul3A_537 : i32
        %add3A_539 = arith.constant 2 : i32
        %add3A_540 = arith.addi %mul3A_538, %add3A_539 : i32
        %add3A_541 = vector.broadcast %add3A_540 : i32 to vector<16xi32>
        %add3A_542 = arith.addi %broadcast_in_dim3A_536, %add3A_541 : vector<16xi32>
        %broadcast_in_dim3A_543 = arith.constant 0.000000e+00 : f32
        %broadcast_in_dim3A_544 = vector.broadcast %broadcast_in_dim3A_543 : f32 to vector<16xf32>
        %add3A_545 = vector.broadcast %mul3A_534 : f32 to vector<16xf32>
        %add3A_546 = arith.addf %broadcast_in_dim3A_544, %add3A_545 : vector<16xf32>
        tpu.vector_store_idx %arg14[%add3A_542], %add3A_546 masked %eq3A_4 : memref<768xf32, #tpu.memory_space<vmem>>[vector<16xi32>], vector<16xf32>, vector<16xi1>
      }
      %scan3A_156 = arith.constant 256 : i32
      %dma_start3A_157 = arith.constant 0 : i32
      %dma_start3A_158 = tpu.memref_slice %arg4[%add3A_47, %dma_start3A_157] : memref<256x24576xf32, #tpu.memory_space<hbm>> -> memref<1x24576xf32, #tpu.memory_space<hbm>>
      %dma_start3A_159 = tpu.memref_squeeze %dma_start3A_158 : memref<1x24576xf32, #tpu.memory_space<hbm>> -> memref<24576xf32, #tpu.memory_space<hbm>>
      %dma_start3A_160 = arith.constant 0 : i32
      %dma_start3A_161 = tpu.memref_slice %arg4[%add3A_47, %dma_start3A_160] : memref<256x24576xf32, #tpu.memory_space<hbm>> -> memref<1x24576xf32, #tpu.memory_space<hbm>>
      %dma_start3A_162 = tpu.memref_squeeze %dma_start3A_161 : memref<1x24576xf32, #tpu.memory_space<hbm>> -> memref<24576xf32, #tpu.memory_space<hbm>>
      tpu.enqueue_dma source(%arg13 : memref<24576xf32, #tpu.memory_space<vmem>>) target(%dma_start3A_162 : memref<24576xf32, #tpu.memory_space<hbm>>) target_semaphore(%arg18 : memref<!tpu.dma_semaphore, #tpu.memory_space<semaphore_mem>>)
      %dma_start3A_163 = arith.constant 0 : i32
      %dma_start3A_164 = tpu.memref_slice %arg5[%add3A_47, %dma_start3A_163] : memref<256x768xf32, #tpu.memory_space<hbm>> -> memref<1x768xf32, #tpu.memory_space<hbm>>
      %dma_start3A_165 = tpu.memref_squeeze %dma_start3A_164 : memref<1x768xf32, #tpu.memory_space<hbm>> -> memref<768xf32, #tpu.memory_space<hbm>>
      %dma_start3A_166 = arith.constant 0 : i32
      %dma_start3A_167 = tpu.memref_slice %arg5[%add3A_47, %dma_start3A_166] : memref<256x768xf32, #tpu.memory_space<hbm>> -> memref<1x768xf32, #tpu.memory_space<hbm>>
      %dma_start3A_168 = tpu.memref_squeeze %dma_start3A_167 : memref<1x768xf32, #tpu.memory_space<hbm>> -> memref<768xf32, #tpu.memory_space<hbm>>
      tpu.enqueue_dma source(%arg14 : memref<768xf32, #tpu.memory_space<vmem>>) target(%dma_start3A_168 : memref<768xf32, #tpu.memory_space<hbm>>) target_semaphore(%arg19 : memref<!tpu.dma_semaphore, #tpu.memory_space<semaphore_mem>>)
      %add3A_169 = arith.constant 1 : i32
      %add3A_170 = arith.addi %add3A_47, %add3A_169 : i32
      %dma_wait3A_171 = arith.constant 0 : i32
      %dma_wait3A_172 = tpu.memref_slice %arg2[%add3A_170, %dma_wait3A_171] : memref<256x8192xi32, #tpu.memory_space<hbm>> -> memref<1x8192xi32, #tpu.memory_space<hbm>>
      %dma_wait3A_173 = tpu.memref_squeeze %dma_wait3A_172 : memref<1x8192xi32, #tpu.memory_space<hbm>> -> memref<8192xi32, #tpu.memory_space<hbm>>
      %dma_wait3A_174 = arith.constant 0 : i32
      %dma_wait3A_175 = tpu.memref_slice %arg2[%add3A_170, %dma_wait3A_174] : memref<256x8192xi32, #tpu.memory_space<hbm>> -> memref<1x8192xi32, #tpu.memory_space<hbm>>
      %dma_wait3A_176 = tpu.memref_squeeze %dma_wait3A_175 : memref<1x8192xi32, #tpu.memory_space<hbm>> -> memref<8192xi32, #tpu.memory_space<hbm>>
      tpu.wait_dma2 semaphore(%arg20 : memref<!tpu.dma_semaphore, #tpu.memory_space<semaphore_mem>>) src(%dma_wait3A_176 : memref<8192xi32, #tpu.memory_space<hbm>>) dst(%arg16 : memref<8192xi32, #tpu.memory_space<vmem>>)
      %lt3A = arith.constant 3 : i32
      %lt3A_177 = arith.cmpi slt, %scan3A_42, %lt3A : i32
      %convert_element_type3A_178 = arith.extui %lt3A_177 : i1 to i32
      %cond3A_179 = arith.constant 0 : i32
      %cond3A_180 = arith.cmpi ne, %convert_element_type3A_178, %cond3A_179 : i32
      scf.if %cond3A_180 {
        %add3A_301 = arith.constant 2 : i32
        %add3A_302 = arith.addi %add3A_47, %add3A_301 : i32
        %dma_start3A_303 = arith.constant 0 : i32
        %dma_start3A_304 = tpu.memref_slice %arg2[%add3A_302, %dma_start3A_303] : memref<256x8192xi32, #tpu.memory_space<hbm>> -> memref<1x8192xi32, #tpu.memory_space<hbm>>
        %dma_start3A_305 = tpu.memref_squeeze %dma_start3A_304 : memref<1x8192xi32, #tpu.memory_space<hbm>> -> memref<8192xi32, #tpu.memory_space<hbm>>
        %dma_start3A_306 = arith.constant 0 : i32
        %dma_start3A_307 = tpu.memref_slice %arg2[%add3A_302, %dma_start3A_306] : memref<256x8192xi32, #tpu.memory_space<hbm>> -> memref<1x8192xi32, #tpu.memory_space<hbm>>
        %dma_start3A_308 = tpu.memref_squeeze %dma_start3A_307 : memref<1x8192xi32, #tpu.memory_space<hbm>> -> memref<8192xi32, #tpu.memory_space<hbm>>
        tpu.enqueue_dma source(%dma_start3A_308 : memref<8192xi32, #tpu.memory_space<hbm>>) target(%arg15 : memref<8192xi32, #tpu.memory_space<vmem>>) target_semaphore(%arg20 : memref<!tpu.dma_semaphore, #tpu.memory_space<semaphore_mem>>)
      } else {
      }
      %add3A_181 = arith.constant 1 : i32
      %add3A_182 = arith.addi %add3A_47, %add3A_181 : i32
      %dma_start3A_183 = arith.constant 0 : i32
      %dma_start3A_184 = tpu.memref_slice %arg3[%add3A_182, %dma_start3A_183] : memref<256x24576xf32, #tpu.memory_space<hbm>> -> memref<1x24576xf32, #tpu.memory_space<hbm>>
      %dma_start3A_185 = tpu.memref_squeeze %dma_start3A_184 : memref<1x24576xf32, #tpu.memory_space<hbm>> -> memref<24576xf32, #tpu.memory_space<hbm>>
      %dma_start3A_186 = arith.constant 0 : i32
      %dma_start3A_187 = tpu.memref_slice %arg3[%add3A_182, %dma_start3A_186] : memref<256x24576xf32, #tpu.memory_space<hbm>> -> memref<1x24576xf32, #tpu.memory_space<hbm>>
      %dma_start3A_188 = tpu.memref_squeeze %dma_start3A_187 : memref<1x24576xf32, #tpu.memory_space<hbm>> -> memref<24576xf32, #tpu.memory_space<hbm>>
      tpu.enqueue_dma source(%dma_start3A_188 : memref<24576xf32, #tpu.memory_space<hbm>>) target(%arg12 : memref<24576xf32, #tpu.memory_space<vmem>>) target_semaphore(%arg17 : memref<!tpu.dma_semaphore, #tpu.memory_space<semaphore_mem>>)
      %scan3A_189 = arith.constant 0 : i32
      %scan3A_190 = arith.constant 0 : i32
      %scan3A_191 = arith.constant 512 : i32
      %scan3A_192 = arith.addi %scan3A_190, %scan3A_191 : i32
      %scan3A_193 = arith.constant 4 : i32
      scf.for %scan3A_301 = %scan3A_190 to %scan3A_192 step %scan3A_193  : i32 {
        %mul3A_302 = arith.constant 16 : i32
        %mul3A_303 = arith.muli %scan3A_301, %mul3A_302 : i32
        %get3A = arith.index_cast %mul3A_303 : i32 to index
        %get3A_304 = tpu.vector_load %arg16[%get3A] {strides = array<i32>} : memref<8192xi32, #tpu.memory_space<vmem>>, vector<16xi32>,
        %shift_right_arithmetic3A = arith.constant 0 : i32
        %shift_right_arithmetic3A_305 = vector.broadcast %shift_right_arithmetic3A : i32 to vector<16xi32>
        %shift_right_arithmetic3A_306 = arith.shrsi %get3A_304, %shift_right_arithmetic3A_305 : vector<16xi32>
        %and3A = arith.constant 255 : i32
        %and3A_307 = vector.broadcast %and3A : i32 to vector<16xi32>
        %and3A_308 = arith.andi %shift_right_arithmetic3A_306, %and3A_307 : vector<16xi32>
        %mul3A_309 = arith.constant 16 : i32
        %mul3A_310 = vector.broadcast %mul3A_309 : i32 to vector<16xi32>
        %mul3A_311 = arith.muli %and3A_308, %mul3A_310 : vector<16xi32>
        %add3A_312 = arith.addi %mul3A_311, %iota3A : vector<16xi32>
        tpu.vector_store_idx %arg10[%add3A_312], %add3A_2 {add = true} : memref<4096xi32, #tpu.memory_space<vmem>>[vector<16xi32>], vector<16xi32>,
        %scan3A_313 = arith.constant 1 : i32
        %scan3A_314 = arith.addi %scan3A_301, %scan3A_313 : i32
        %mul3A_315 = arith.constant 16 : i32
        %mul3A_316 = arith.muli %scan3A_314, %mul3A_315 : i32
        %get3A_317 = arith.index_cast %mul3A_316 : i32 to index
        %get3A_318 = tpu.vector_load %arg16[%get3A_317] {strides = array<i32>} : memref<8192xi32, #tpu.memory_space<vmem>>, vector<16xi32>,
        %shift_right_arithmetic3A_319 = arith.constant 0 : i32
        %shift_right_arithmetic3A_320 = vector.broadcast %shift_right_arithmetic3A_319 : i32 to vector<16xi32>
        %shift_right_arithmetic3A_321 = arith.shrsi %get3A_318, %shift_right_arithmetic3A_320 : vector<16xi32>
        %and3A_322 = arith.constant 255 : i32
        %and3A_323 = vector.broadcast %and3A_322 : i32 to vector<16xi32>
        %and3A_324 = arith.andi %shift_right_arithmetic3A_321, %and3A_323 : vector<16xi32>
        %mul3A_325 = arith.constant 16 : i32
        %mul3A_326 = vector.broadcast %mul3A_325 : i32 to vector<16xi32>
        %mul3A_327 = arith.muli %and3A_324, %mul3A_326 : vector<16xi32>
        %add3A_328 = arith.addi %mul3A_327, %iota3A : vector<16xi32>
        tpu.vector_store_idx %arg10[%add3A_328], %add3A_2 {add = true} : memref<4096xi32, #tpu.memory_space<vmem>>[vector<16xi32>], vector<16xi32>,
        %scan3A_329 = arith.constant 2 : i32
        %scan3A_330 = arith.addi %scan3A_301, %scan3A_329 : i32
        %mul3A_331 = arith.constant 16 : i32
        %mul3A_332 = arith.muli %scan3A_330, %mul3A_331 : i32
        %get3A_333 = arith.index_cast %mul3A_332 : i32 to index
        %get3A_334 = tpu.vector_load %arg16[%get3A_333] {strides = array<i32>} : memref<8192xi32, #tpu.memory_space<vmem>>, vector<16xi32>,
        %shift_right_arithmetic3A_335 = arith.constant 0 : i32
        %shift_right_arithmetic3A_336 = vector.broadcast %shift_right_arithmetic3A_335 : i32 to vector<16xi32>
        %shift_right_arithmetic3A_337 = arith.shrsi %get3A_334, %shift_right_arithmetic3A_336 : vector<16xi32>
        %and3A_338 = arith.constant 255 : i32
        %and3A_339 = vector.broadcast %and3A_338 : i32 to vector<16xi32>
        %and3A_340 = arith.andi %shift_right_arithmetic3A_337, %and3A_339 : vector<16xi32>
        %mul3A_341 = arith.constant 16 : i32
        %mul3A_342 = vector.broadcast %mul3A_341 : i32 to vector<16xi32>
        %mul3A_343 = arith.muli %and3A_340, %mul3A_342 : vector<16xi32>
        %add3A_344 = arith.addi %mul3A_343, %iota3A : vector<16xi32>
        tpu.vector_store_idx %arg10[%add3A_344], %add3A_2 {add = true} : memref<4096xi32, #tpu.memory_space<vmem>>[vector<16xi32>], vector<16xi32>,
        %scan3A_345 = arith.constant 3 : i32
        %scan3A_346 = arith.addi %scan3A_301, %scan3A_345 : i32
        %mul3A_347 = arith.constant 16 : i32
        %mul3A_348 = arith.muli %scan3A_346, %mul3A_347 : i32
        %get3A_349 = arith.index_cast %mul3A_348 : i32 to index
        %get3A_350 = tpu.vector_load %arg16[%get3A_349] {strides = array<i32>} : memref<8192xi32, #tpu.memory_space<vmem>>, vector<16xi32>,
        %shift_right_arithmetic3A_351 = arith.constant 0 : i32
        %shift_right_arithmetic3A_352 = vector.broadcast %shift_right_arithmetic3A_351 : i32 to vector<16xi32>
        %shift_right_arithmetic3A_353 = arith.shrsi %get3A_350, %shift_right_arithmetic3A_352 : vector<16xi32>
        %and3A_354 = arith.constant 255 : i32
        %and3A_355 = vector.broadcast %and3A_354 : i32 to vector<16xi32>
        %and3A_356 = arith.andi %shift_right_arithmetic3A_353, %and3A_355 : vector<16xi32>
        %mul3A_357 = arith.constant 16 : i32
        %mul3A_358 = vector.broadcast %mul3A_357 : i32 to vector<16xi32>
        %mul3A_359 = arith.muli %and3A_356, %mul3A_358 : vector<16xi32>
        %add3A_360 = arith.addi %mul3A_359, %iota3A : vector<16xi32>
        tpu.vector_store_idx %arg10[%add3A_360], %add3A_2 {add = true} : memref<4096xi32, #tpu.memory_space<vmem>>[vector<16xi32>], vector<16xi32>,
      }
      %scan3A_194 = arith.constant 512 : i32
      %scan3A_195 = arith.constant 0 : i32
      %scan3A_196 = arith.constant 0 : i32
      %scan3A_197 = arith.constant 256 : i32
      %scan3A_198 = arith.addi %scan3A_196, %scan3A_197 : i32
      %scan3A_199 = arith.constant 1 : i32
      %scan3A_200 = scf.for %scan3A_301 = %scan3A_196 to %scan3A_198 step %scan3A_199 iter_args(%scan3A_302 = %scan3A_195) -> (i32)  : i32 {
        %mul3A_303 = arith.constant 16 : i32
        %mul3A_304 = arith.muli %scan3A_301, %mul3A_303 : i32
        %get3A = arith.index_cast %mul3A_304 : i32 to index
        %get3A_305 = tpu.vector_load %arg10[%get3A] {strides = array<i32>} : memref<4096xi32, #tpu.memory_space<vmem>>, vector<16xi32>,
        %broadcast_in_dim3A_306 = arith.constant true
        %broadcast_in_dim3A_307 = vector.broadcast %broadcast_in_dim3A_306 : i1 to vector<16xi1>
        %masked_cumsum3A = tpu.scan <sum>, %get3A_305 masked %broadcast_in_dim3A_307 : vector<16xi32>, vector<16xi1> -> vector<16xi32>
        %reduce_sum3A = arith.constant true
        %reduce_sum3A_308 = vector.broadcast %reduce_sum3A : i1 to vector<16xi1>
        %reduce_sum3A_309 = tpu.scan <sum>, %get3A_305 masked %reduce_sum3A_308 : vector<16xi32>, vector<16xi1> -> vector<16xi32>
        %reduce_sum3A_310 = vector.extract %reduce_sum3A_309[15] : i32 from vector<16xi32>
        %mul3A_311 = arith.constant 16 : i32
        %mul3A_312 = arith.muli %scan3A_301, %mul3A_311 : i32
        %swap3A = arith.index_cast %mul3A_312 : i32 to index
        %swap3A_313 = tpu.vector_load %arg10[%swap3A] {strides = array<i32>} : memref<4096xi32, #tpu.memory_space<vmem>>, vector<16xi32>,
        tpu.vector_store %arg10[%swap3A], %broadcast_in_dim3A_8 {strides = array<i32>} : memref<4096xi32, #tpu.memory_space<vmem>>, vector<16xi32>,
        %sub3A_314 = arith.subi %masked_cumsum3A, %get3A_305 : vector<16xi32>
        %add3A_315 = vector.broadcast %scan3A_302 : i32 to vector<16xi32>
        %add3A_316 = arith.addi %sub3A_314, %add3A_315 : vector<16xi32>
        %mul3A_317 = arith.constant 16 : i32
        %mul3A_318 = arith.muli %scan3A_301, %mul3A_317 : i32
        %swap3A_319 = arith.index_cast %mul3A_318 : i32 to index
        %swap3A_320 = tpu.vector_load %arg11[%swap3A_319] {strides = array<i32>} : memref<4096xi32, #tpu.memory_space<vmem>>, vector<16xi32>,
        tpu.vector_store %arg11[%swap3A_319], %add3A_316 {strides = array<i32>} : memref<4096xi32, #tpu.memory_space<vmem>>, vector<16xi32>,
        %add3A_321 = arith.addi %scan3A_302, %reduce_sum3A_310 : i32
        scf.yield %add3A_321 : i32
      }
      %scan3A_201 = arith.constant 256 : i32
      %scan3A_202 = arith.constant 0 : i32
      %scan3A_203 = arith.constant 0 : i32
      %scan3A_204 = arith.constant 512 : i32
      %scan3A_205 = arith.addi %scan3A_203, %scan3A_204 : i32
      %scan3A_206 = arith.constant 2 : i32
      scf.for %scan3A_301 = %scan3A_203 to %scan3A_205 step %scan3A_206  : i32 {
        %mul3A_302 = arith.constant 16 : i32
        %mul3A_303 = arith.muli %scan3A_301, %mul3A_302 : i32
        %get3A = arith.index_cast %mul3A_303 : i32 to index
        %get3A_304 = tpu.vector_load %arg16[%get3A] {strides = array<i32>} : memref<8192xi32, #tpu.memory_space<vmem>>, vector<16xi32>,
        %mul3A_305 = arith.constant 16 : i32
        %mul3A_306 = arith.muli %scan3A_301, %mul3A_305 : i32
        %add3A_307 = vector.broadcast %mul3A_306 : i32 to vector<16xi32>
        %add3A_308 = arith.addi %add3A_307, %iota3A : vector<16xi32>
        %shift_right_arithmetic3A = arith.constant 0 : i32
        %shift_right_arithmetic3A_309 = vector.broadcast %shift_right_arithmetic3A : i32 to vector<16xi32>
        %shift_right_arithmetic3A_310 = arith.shrsi %get3A_304, %shift_right_arithmetic3A_309 : vector<16xi32>
        %and3A = arith.constant 255 : i32
        %and3A_311 = vector.broadcast %and3A : i32 to vector<16xi32>
        %and3A_312 = arith.andi %shift_right_arithmetic3A_310, %and3A_311 : vector<16xi32>
        %mul3A_313 = arith.constant 16 : i32
        %mul3A_314 = vector.broadcast %mul3A_313 : i32 to vector<16xi32>
        %mul3A_315 = arith.muli %and3A_312, %mul3A_314 : vector<16xi32>
        %add3A_316 = arith.addi %mul3A_315, %iota3A : vector<16xi32>
        %gather3A = tpu.vector_load_idx %arg11[%add3A_316] : memref<4096xi32, #tpu.memory_space<vmem>>[vector<16xi32>], vector<16xi32>,
        %add3A_317 = arith.constant 1 : i32
        %add3A_318 = vector.broadcast %add3A_317 : i32 to vector<16xi32>
        %add3A_319 = arith.addi %gather3A, %add3A_318 : vector<16xi32>
        tpu.vector_store_idx %arg11[%add3A_316], %add3A_319 : memref<4096xi32, #tpu.memory_space<vmem>>[vector<16xi32>], vector<16xi32>,
        %and3A_320 = arith.constant 511 : i32
        %and3A_321 = vector.broadcast %and3A_320 : i32 to vector<16xi32>
        %and3A_322 = arith.andi %gather3A, %and3A_321 : vector<16xi32>
        %mul3A_323 = arith.constant 16 : i32
        %mul3A_324 = vector.broadcast %mul3A_323 : i32 to vector<16xi32>
        %mul3A_325 = arith.muli %and3A_322, %mul3A_324 : vector<16xi32>
        %shift_right_arithmetic3A_326 = arith.constant 9 : i32
        %shift_right_arithmetic3A_327 = vector.broadcast %shift_right_arithmetic3A_326 : i32 to vector<16xi32>
        %shift_right_arithmetic3A_328 = arith.shrsi %gather3A, %shift_right_arithmetic3A_327 : vector<16xi32>
        %add3A_329 = arith.addi %mul3A_325, %shift_right_arithmetic3A_328 : vector<16xi32>
        tpu.vector_store_idx %arg7[%add3A_329], %get3A_304 : memref<8192xi32, #tpu.memory_space<vmem>>[vector<16xi32>], vector<16xi32>,
        tpu.vector_store_idx %arg9[%add3A_329], %add3A_308 : memref<8192xi32, #tpu.memory_space<vmem>>[vector<16xi32>], vector<16xi32>,
        %scan3A_330 = arith.constant 1 : i32
        %scan3A_331 = arith.addi %scan3A_301, %scan3A_330 : i32
        %mul3A_332 = arith.constant 16 : i32
        %mul3A_333 = arith.muli %scan3A_331, %mul3A_332 : i32
        %get3A_334 = arith.index_cast %mul3A_333 : i32 to index
        %get3A_335 = tpu.vector_load %arg16[%get3A_334] {strides = array<i32>} : memref<8192xi32, #tpu.memory_space<vmem>>, vector<16xi32>,
        %mul3A_336 = arith.constant 16 : i32
        %mul3A_337 = arith.muli %scan3A_331, %mul3A_336 : i32
        %add3A_338 = vector.broadcast %mul3A_337 : i32 to vector<16xi32>
        %add3A_339 = arith.addi %add3A_338, %iota3A : vector<16xi32>
        %shift_right_arithmetic3A_340 = arith.constant 0 : i32
        %shift_right_arithmetic3A_341 = vector.broadcast %shift_right_arithmetic3A_340 : i32 to vector<16xi32>
        %shift_right_arithmetic3A_342 = arith.shrsi %get3A_335, %shift_right_arithmetic3A_341 : vector<16xi32>
        %and3A_343 = arith.constant 255 : i32
        %and3A_344 = vector.broadcast %and3A_343 : i32 to vector<16xi32>
        %and3A_345 = arith.andi %shift_right_arithmetic3A_342, %and3A_344 : vector<16xi32>
        %mul3A_346 = arith.constant 16 : i32
        %mul3A_347 = vector.broadcast %mul3A_346 : i32 to vector<16xi32>
        %mul3A_348 = arith.muli %and3A_345, %mul3A_347 : vector<16xi32>
        %add3A_349 = arith.addi %mul3A_348, %iota3A : vector<16xi32>
        %gather3A_350 = tpu.vector_load_idx %arg11[%add3A_349] : memref<4096xi32, #tpu.memory_space<vmem>>[vector<16xi32>], vector<16xi32>,
        %add3A_351 = arith.constant 1 : i32
        %add3A_352 = vector.broadcast %add3A_351 : i32 to vector<16xi32>
        %add3A_353 = arith.addi %gather3A_350, %add3A_352 : vector<16xi32>
        tpu.vector_store_idx %arg11[%add3A_349], %add3A_353 : memref<4096xi32, #tpu.memory_space<vmem>>[vector<16xi32>], vector<16xi32>,
        %and3A_354 = arith.constant 511 : i32
        %and3A_355 = vector.broadcast %and3A_354 : i32 to vector<16xi32>
        %and3A_356 = arith.andi %gather3A_350, %and3A_355 : vector<16xi32>
        %mul3A_357 = arith.constant 16 : i32
        %mul3A_358 = vector.broadcast %mul3A_357 : i32 to vector<16xi32>
        %mul3A_359 = arith.muli %and3A_356, %mul3A_358 : vector<16xi32>
        %shift_right_arithmetic3A_360 = arith.constant 9 : i32
        %shift_right_arithmetic3A_361 = vector.broadcast %shift_right_arithmetic3A_360 : i32 to vector<16xi32>
        %shift_right_arithmetic3A_362 = arith.shrsi %gather3A_350, %shift_right_arithmetic3A_361 : vector<16xi32>
        %add3A_363 = arith.addi %mul3A_359, %shift_right_arithmetic3A_362 : vector<16xi32>
        tpu.vector_store_idx %arg7[%add3A_363], %get3A_335 : memref<8192xi32, #tpu.memory_space<vmem>>[vector<16xi32>], vector<16xi32>,
        tpu.vector_store_idx %arg9[%add3A_363], %add3A_339 : memref<8192xi32, #tpu.memory_space<vmem>>[vector<16xi32>], vector<16xi32>,
      }
      %scan3A_207 = arith.constant 512 : i32
      %scan3A_208 = arith.constant 0 : i32
      %scan3A_209 = arith.constant 0 : i32
      %scan3A_210 = arith.constant 512 : i32
      %scan3A_211 = arith.addi %scan3A_209, %scan3A_210 : i32
      %scan3A_212 = arith.constant 4 : i32
      scf.for %scan3A_301 = %scan3A_209 to %scan3A_211 step %scan3A_212  : i32 {
        %mul3A_302 = arith.constant 16 : i32
        %mul3A_303 = arith.muli %scan3A_301, %mul3A_302 : i32
        %get3A = arith.index_cast %mul3A_303 : i32 to index
        %get3A_304 = tpu.vector_load %arg7[%get3A] {strides = array<i32>} : memref<8192xi32, #tpu.memory_space<vmem>>, vector<16xi32>,
        %shift_right_arithmetic3A = arith.constant 8 : i32
        %shift_right_arithmetic3A_305 = vector.broadcast %shift_right_arithmetic3A : i32 to vector<16xi32>
        %shift_right_arithmetic3A_306 = arith.shrsi %get3A_304, %shift_right_arithmetic3A_305 : vector<16xi32>
        %and3A = arith.constant 255 : i32
        %and3A_307 = vector.broadcast %and3A : i32 to vector<16xi32>
        %and3A_308 = arith.andi %shift_right_arithmetic3A_306, %and3A_307 : vector<16xi32>
        %mul3A_309 = arith.constant 16 : i32
        %mul3A_310 = vector.broadcast %mul3A_309 : i32 to vector<16xi32>
        %mul3A_311 = arith.muli %and3A_308, %mul3A_310 : vector<16xi32>
        %add3A_312 = arith.addi %mul3A_311, %iota3A : vector<16xi32>
        tpu.vector_store_idx %arg10[%add3A_312], %add3A_2 {add = true} : memref<4096xi32, #tpu.memory_space<vmem>>[vector<16xi32>], vector<16xi32>,
        %scan3A_313 = arith.constant 1 : i32
        %scan3A_314 = arith.addi %scan3A_301, %scan3A_313 : i32
        %mul3A_315 = arith.constant 16 : i32
        %mul3A_316 = arith.muli %scan3A_314, %mul3A_315 : i32
        %get3A_317 = arith.index_cast %mul3A_316 : i32 to index
        %get3A_318 = tpu.vector_load %arg7[%get3A_317] {strides = array<i32>} : memref<8192xi32, #tpu.memory_space<vmem>>, vector<16xi32>,
        %shift_right_arithmetic3A_319 = arith.constant 8 : i32
        %shift_right_arithmetic3A_320 = vector.broadcast %shift_right_arithmetic3A_319 : i32 to vector<16xi32>
        %shift_right_arithmetic3A_321 = arith.shrsi %get3A_318, %shift_right_arithmetic3A_320 : vector<16xi32>
        %and3A_322 = arith.constant 255 : i32
        %and3A_323 = vector.broadcast %and3A_322 : i32 to vector<16xi32>
        %and3A_324 = arith.andi %shift_right_arithmetic3A_321, %and3A_323 : vector<16xi32>
        %mul3A_325 = arith.constant 16 : i32
        %mul3A_326 = vector.broadcast %mul3A_325 : i32 to vector<16xi32>
        %mul3A_327 = arith.muli %and3A_324, %mul3A_326 : vector<16xi32>
        %add3A_328 = arith.addi %mul3A_327, %iota3A : vector<16xi32>
        tpu.vector_store_idx %arg10[%add3A_328], %add3A_2 {add = true} : memref<4096xi32, #tpu.memory_space<vmem>>[vector<16xi32>], vector<16xi32>,
        %scan3A_329 = arith.constant 2 : i32
        %scan3A_330 = arith.addi %scan3A_301, %scan3A_329 : i32
        %mul3A_331 = arith.constant 16 : i32
        %mul3A_332 = arith.muli %scan3A_330, %mul3A_331 : i32
        %get3A_333 = arith.index_cast %mul3A_332 : i32 to index
        %get3A_334 = tpu.vector_load %arg7[%get3A_333] {strides = array<i32>} : memref<8192xi32, #tpu.memory_space<vmem>>, vector<16xi32>,
        %shift_right_arithmetic3A_335 = arith.constant 8 : i32
        %shift_right_arithmetic3A_336 = vector.broadcast %shift_right_arithmetic3A_335 : i32 to vector<16xi32>
        %shift_right_arithmetic3A_337 = arith.shrsi %get3A_334, %shift_right_arithmetic3A_336 : vector<16xi32>
        %and3A_338 = arith.constant 255 : i32
        %and3A_339 = vector.broadcast %and3A_338 : i32 to vector<16xi32>
        %and3A_340 = arith.andi %shift_right_arithmetic3A_337, %and3A_339 : vector<16xi32>
        %mul3A_341 = arith.constant 16 : i32
        %mul3A_342 = vector.broadcast %mul3A_341 : i32 to vector<16xi32>
        %mul3A_343 = arith.muli %and3A_340, %mul3A_342 : vector<16xi32>
        %add3A_344 = arith.addi %mul3A_343, %iota3A : vector<16xi32>
        tpu.vector_store_idx %arg10[%add3A_344], %add3A_2 {add = true} : memref<4096xi32, #tpu.memory_space<vmem>>[vector<16xi32>], vector<16xi32>,
        %scan3A_345 = arith.constant 3 : i32
        %scan3A_346 = arith.addi %scan3A_301, %scan3A_345 : i32
        %mul3A_347 = arith.constant 16 : i32
        %mul3A_348 = arith.muli %scan3A_346, %mul3A_347 : i32
        %get3A_349 = arith.index_cast %mul3A_348 : i32 to index
        %get3A_350 = tpu.vector_load %arg7[%get3A_349] {strides = array<i32>} : memref<8192xi32, #tpu.memory_space<vmem>>, vector<16xi32>,
        %shift_right_arithmetic3A_351 = arith.constant 8 : i32
        %shift_right_arithmetic3A_352 = vector.broadcast %shift_right_arithmetic3A_351 : i32 to vector<16xi32>
        %shift_right_arithmetic3A_353 = arith.shrsi %get3A_350, %shift_right_arithmetic3A_352 : vector<16xi32>
        %and3A_354 = arith.constant 255 : i32
        %and3A_355 = vector.broadcast %and3A_354 : i32 to vector<16xi32>
        %and3A_356 = arith.andi %shift_right_arithmetic3A_353, %and3A_355 : vector<16xi32>
        %mul3A_357 = arith.constant 16 : i32
        %mul3A_358 = vector.broadcast %mul3A_357 : i32 to vector<16xi32>
        %mul3A_359 = arith.muli %and3A_356, %mul3A_358 : vector<16xi32>
        %add3A_360 = arith.addi %mul3A_359, %iota3A : vector<16xi32>
        tpu.vector_store_idx %arg10[%add3A_360], %add3A_2 {add = true} : memref<4096xi32, #tpu.memory_space<vmem>>[vector<16xi32>], vector<16xi32>,
      }
      %scan3A_213 = arith.constant 512 : i32
      %scan3A_214 = arith.constant 0 : i32
      %scan3A_215 = arith.constant 0 : i32
      %scan3A_216 = arith.constant 256 : i32
      %scan3A_217 = arith.addi %scan3A_215, %scan3A_216 : i32
      %scan3A_218 = arith.constant 1 : i32
      %scan3A_219 = scf.for %scan3A_301 = %scan3A_215 to %scan3A_217 step %scan3A_218 iter_args(%scan3A_302 = %scan3A_214) -> (i32)  : i32 {
        %mul3A_303 = arith.constant 16 : i32
        %mul3A_304 = arith.muli %scan3A_301, %mul3A_303 : i32
        %get3A = arith.index_cast %mul3A_304 : i32 to index
        %get3A_305 = tpu.vector_load %arg10[%get3A] {strides = array<i32>} : memref<4096xi32, #tpu.memory_space<vmem>>, vector<16xi32>,
        %broadcast_in_dim3A_306 = arith.constant true
        %broadcast_in_dim3A_307 = vector.broadcast %broadcast_in_dim3A_306 : i1 to vector<16xi1>
        %masked_cumsum3A = tpu.scan <sum>, %get3A_305 masked %broadcast_in_dim3A_307 : vector<16xi32>, vector<16xi1> -> vector<16xi32>
        %reduce_sum3A = arith.constant true
        %reduce_sum3A_308 = vector.broadcast %reduce_sum3A : i1 to vector<16xi1>
        %reduce_sum3A_309 = tpu.scan <sum>, %get3A_305 masked %reduce_sum3A_308 : vector<16xi32>, vector<16xi1> -> vector<16xi32>
        %reduce_sum3A_310 = vector.extract %reduce_sum3A_309[15] : i32 from vector<16xi32>
        %mul3A_311 = arith.constant 16 : i32
        %mul3A_312 = arith.muli %scan3A_301, %mul3A_311 : i32
        %swap3A = arith.index_cast %mul3A_312 : i32 to index
        %swap3A_313 = tpu.vector_load %arg10[%swap3A] {strides = array<i32>} : memref<4096xi32, #tpu.memory_space<vmem>>, vector<16xi32>,
        tpu.vector_store %arg10[%swap3A], %broadcast_in_dim3A_8 {strides = array<i32>} : memref<4096xi32, #tpu.memory_space<vmem>>, vector<16xi32>,
        %sub3A_314 = arith.subi %masked_cumsum3A, %get3A_305 : vector<16xi32>
        %add3A_315 = vector.broadcast %scan3A_302 : i32 to vector<16xi32>
        %add3A_316 = arith.addi %sub3A_314, %add3A_315 : vector<16xi32>
        %mul3A_317 = arith.constant 16 : i32
        %mul3A_318 = arith.muli %scan3A_301, %mul3A_317 : i32
        %swap3A_319 = arith.index_cast %mul3A_318 : i32 to index
        %swap3A_320 = tpu.vector_load %arg11[%swap3A_319] {strides = array<i32>} : memref<4096xi32, #tpu.memory_space<vmem>>, vector<16xi32>,
        tpu.vector_store %arg11[%swap3A_319], %add3A_316 {strides = array<i32>} : memref<4096xi32, #tpu.memory_space<vmem>>, vector<16xi32>,
        %add3A_321 = arith.addi %scan3A_302, %reduce_sum3A_310 : i32
        scf.yield %add3A_321 : i32
      }
      %scan3A_220 = arith.constant 256 : i32
      %scan3A_221 = arith.constant 0 : i32
      %scan3A_222 = arith.constant 0 : i32
      %scan3A_223 = arith.constant 512 : i32
      %scan3A_224 = arith.addi %scan3A_222, %scan3A_223 : i32
      %scan3A_225 = arith.constant 2 : i32
      scf.for %scan3A_301 = %scan3A_222 to %scan3A_224 step %scan3A_225  : i32 {
        %mul3A_302 = arith.constant 16 : i32
        %mul3A_303 = arith.muli %scan3A_301, %mul3A_302 : i32
        %get3A = arith.index_cast %mul3A_303 : i32 to index
        %get3A_304 = tpu.vector_load %arg7[%get3A] {strides = array<i32>} : memref<8192xi32, #tpu.memory_space<vmem>>, vector<16xi32>,
        %mul3A_305 = arith.constant 16 : i32
        %mul3A_306 = arith.muli %scan3A_301, %mul3A_305 : i32
        %get3A_307 = arith.index_cast %mul3A_306 : i32 to index
        %get3A_308 = tpu.vector_load %arg9[%get3A_307] {strides = array<i32>} : memref<8192xi32, #tpu.memory_space<vmem>>, vector<16xi32>,
        %shift_right_arithmetic3A = arith.constant 8 : i32
        %shift_right_arithmetic3A_309 = vector.broadcast %shift_right_arithmetic3A : i32 to vector<16xi32>
        %shift_right_arithmetic3A_310 = arith.shrsi %get3A_304, %shift_right_arithmetic3A_309 : vector<16xi32>
        %and3A = arith.constant 255 : i32
        %and3A_311 = vector.broadcast %and3A : i32 to vector<16xi32>
        %and3A_312 = arith.andi %shift_right_arithmetic3A_310, %and3A_311 : vector<16xi32>
        %mul3A_313 = arith.constant 16 : i32
        %mul3A_314 = vector.broadcast %mul3A_313 : i32 to vector<16xi32>
        %mul3A_315 = arith.muli %and3A_312, %mul3A_314 : vector<16xi32>
        %add3A_316 = arith.addi %mul3A_315, %iota3A : vector<16xi32>
        %gather3A = tpu.vector_load_idx %arg11[%add3A_316] : memref<4096xi32, #tpu.memory_space<vmem>>[vector<16xi32>], vector<16xi32>,
        %add3A_317 = arith.constant 1 : i32
        %add3A_318 = vector.broadcast %add3A_317 : i32 to vector<16xi32>
        %add3A_319 = arith.addi %gather3A, %add3A_318 : vector<16xi32>
        tpu.vector_store_idx %arg11[%add3A_316], %add3A_319 : memref<4096xi32, #tpu.memory_space<vmem>>[vector<16xi32>], vector<16xi32>,
        %and3A_320 = arith.constant 511 : i32
        %and3A_321 = vector.broadcast %and3A_320 : i32 to vector<16xi32>
        %and3A_322 = arith.andi %gather3A, %and3A_321 : vector<16xi32>
        %mul3A_323 = arith.constant 16 : i32
        %mul3A_324 = vector.broadcast %mul3A_323 : i32 to vector<16xi32>
        %mul3A_325 = arith.muli %and3A_322, %mul3A_324 : vector<16xi32>
        %shift_right_arithmetic3A_326 = arith.constant 9 : i32
        %shift_right_arithmetic3A_327 = vector.broadcast %shift_right_arithmetic3A_326 : i32 to vector<16xi32>
        %shift_right_arithmetic3A_328 = arith.shrsi %gather3A, %shift_right_arithmetic3A_327 : vector<16xi32>
        %add3A_329 = arith.addi %mul3A_325, %shift_right_arithmetic3A_328 : vector<16xi32>
        tpu.vector_store_idx %arg6[%add3A_329], %get3A_304 : memref<8192xi32, #tpu.memory_space<vmem>>[vector<16xi32>], vector<16xi32>,
        tpu.vector_store_idx %arg8[%add3A_329], %get3A_308 : memref<8192xi32, #tpu.memory_space<vmem>>[vector<16xi32>], vector<16xi32>,
        %scan3A_330 = arith.constant 1 : i32
        %scan3A_331 = arith.addi %scan3A_301, %scan3A_330 : i32
        %mul3A_332 = arith.constant 16 : i32
        %mul3A_333 = arith.muli %scan3A_331, %mul3A_332 : i32
        %get3A_334 = arith.index_cast %mul3A_333 : i32 to index
        %get3A_335 = tpu.vector_load %arg7[%get3A_334] {strides = array<i32>} : memref<8192xi32, #tpu.memory_space<vmem>>, vector<16xi32>,
        %mul3A_336 = arith.constant 16 : i32
        %mul3A_337 = arith.muli %scan3A_331, %mul3A_336 : i32
        %get3A_338 = arith.index_cast %mul3A_337 : i32 to index
        %get3A_339 = tpu.vector_load %arg9[%get3A_338] {strides = array<i32>} : memref<8192xi32, #tpu.memory_space<vmem>>, vector<16xi32>,
        %shift_right_arithmetic3A_340 = arith.constant 8 : i32
        %shift_right_arithmetic3A_341 = vector.broadcast %shift_right_arithmetic3A_340 : i32 to vector<16xi32>
        %shift_right_arithmetic3A_342 = arith.shrsi %get3A_335, %shift_right_arithmetic3A_341 : vector<16xi32>
        %and3A_343 = arith.constant 255 : i32
        %and3A_344 = vector.broadcast %and3A_343 : i32 to vector<16xi32>
        %and3A_345 = arith.andi %shift_right_arithmetic3A_342, %and3A_344 : vector<16xi32>
        %mul3A_346 = arith.constant 16 : i32
        %mul3A_347 = vector.broadcast %mul3A_346 : i32 to vector<16xi32>
        %mul3A_348 = arith.muli %and3A_345, %mul3A_347 : vector<16xi32>
        %add3A_349 = arith.addi %mul3A_348, %iota3A : vector<16xi32>
        %gather3A_350 = tpu.vector_load_idx %arg11[%add3A_349] : memref<4096xi32, #tpu.memory_space<vmem>>[vector<16xi32>], vector<16xi32>,
        %add3A_351 = arith.constant 1 : i32
        %add3A_352 = vector.broadcast %add3A_351 : i32 to vector<16xi32>
        %add3A_353 = arith.addi %gather3A_350, %add3A_352 : vector<16xi32>
        tpu.vector_store_idx %arg11[%add3A_349], %add3A_353 : memref<4096xi32, #tpu.memory_space<vmem>>[vector<16xi32>], vector<16xi32>,
        %and3A_354 = arith.constant 511 : i32
        %and3A_355 = vector.broadcast %and3A_354 : i32 to vector<16xi32>
        %and3A_356 = arith.andi %gather3A_350, %and3A_355 : vector<16xi32>
        %mul3A_357 = arith.constant 16 : i32
        %mul3A_358 = vector.broadcast %mul3A_357 : i32 to vector<16xi32>
        %mul3A_359 = arith.muli %and3A_356, %mul3A_358 : vector<16xi32>
        %shift_right_arithmetic3A_360 = arith.constant 9 : i32
        %shift_right_arithmetic3A_361 = vector.broadcast %shift_right_arithmetic3A_360 : i32 to vector<16xi32>
        %shift_right_arithmetic3A_362 = arith.shrsi %gather3A_350, %shift_right_arithmetic3A_361 : vector<16xi32>
        %add3A_363 = arith.addi %mul3A_359, %shift_right_arithmetic3A_362 : vector<16xi32>
        tpu.vector_store_idx %arg6[%add3A_363], %get3A_335 : memref<8192xi32, #tpu.memory_space<vmem>>[vector<16xi32>], vector<16xi32>,
        tpu.vector_store_idx %arg8[%add3A_363], %get3A_339 : memref<8192xi32, #tpu.memory_space<vmem>>[vector<16xi32>], vector<16xi32>,
      }
      %scan3A_226 = arith.constant 512 : i32
      %scan3A_227 = arith.constant 0 : i32
      %scan3A_228 = arith.constant 0 : i32
      %scan3A_229 = arith.constant 512 : i32
      %scan3A_230 = arith.addi %scan3A_228, %scan3A_229 : i32
      %scan3A_231 = arith.constant 4 : i32
      scf.for %scan3A_301 = %scan3A_228 to %scan3A_230 step %scan3A_231  : i32 {
        %mul3A_302 = arith.constant 16 : i32
        %mul3A_303 = arith.muli %scan3A_301, %mul3A_302 : i32
        %get3A = arith.index_cast %mul3A_303 : i32 to index
        %get3A_304 = tpu.vector_load %arg6[%get3A] {strides = array<i32>} : memref<8192xi32, #tpu.memory_space<vmem>>, vector<16xi32>,
        %shift_right_arithmetic3A = arith.constant 16 : i32
        %shift_right_arithmetic3A_305 = vector.broadcast %shift_right_arithmetic3A : i32 to vector<16xi32>
        %shift_right_arithmetic3A_306 = arith.shrsi %get3A_304, %shift_right_arithmetic3A_305 : vector<16xi32>
        %and3A = arith.constant 255 : i32
        %and3A_307 = vector.broadcast %and3A : i32 to vector<16xi32>
        %and3A_308 = arith.andi %shift_right_arithmetic3A_306, %and3A_307 : vector<16xi32>
        %mul3A_309 = arith.constant 16 : i32
        %mul3A_310 = vector.broadcast %mul3A_309 : i32 to vector<16xi32>
        %mul3A_311 = arith.muli %and3A_308, %mul3A_310 : vector<16xi32>
        %add3A_312 = arith.addi %mul3A_311, %iota3A : vector<16xi32>
        tpu.vector_store_idx %arg10[%add3A_312], %add3A_2 {add = true} : memref<4096xi32, #tpu.memory_space<vmem>>[vector<16xi32>], vector<16xi32>,
        %scan3A_313 = arith.constant 1 : i32
        %scan3A_314 = arith.addi %scan3A_301, %scan3A_313 : i32
        %mul3A_315 = arith.constant 16 : i32
        %mul3A_316 = arith.muli %scan3A_314, %mul3A_315 : i32
        %get3A_317 = arith.index_cast %mul3A_316 : i32 to index
        %get3A_318 = tpu.vector_load %arg6[%get3A_317] {strides = array<i32>} : memref<8192xi32, #tpu.memory_space<vmem>>, vector<16xi32>,
        %shift_right_arithmetic3A_319 = arith.constant 16 : i32
        %shift_right_arithmetic3A_320 = vector.broadcast %shift_right_arithmetic3A_319 : i32 to vector<16xi32>
        %shift_right_arithmetic3A_321 = arith.shrsi %get3A_318, %shift_right_arithmetic3A_320 : vector<16xi32>
        %and3A_322 = arith.constant 255 : i32
        %and3A_323 = vector.broadcast %and3A_322 : i32 to vector<16xi32>
        %and3A_324 = arith.andi %shift_right_arithmetic3A_321, %and3A_323 : vector<16xi32>
        %mul3A_325 = arith.constant 16 : i32
        %mul3A_326 = vector.broadcast %mul3A_325 : i32 to vector<16xi32>
        %mul3A_327 = arith.muli %and3A_324, %mul3A_326 : vector<16xi32>
        %add3A_328 = arith.addi %mul3A_327, %iota3A : vector<16xi32>
        tpu.vector_store_idx %arg10[%add3A_328], %add3A_2 {add = true} : memref<4096xi32, #tpu.memory_space<vmem>>[vector<16xi32>], vector<16xi32>,
        %scan3A_329 = arith.constant 2 : i32
        %scan3A_330 = arith.addi %scan3A_301, %scan3A_329 : i32
        %mul3A_331 = arith.constant 16 : i32
        %mul3A_332 = arith.muli %scan3A_330, %mul3A_331 : i32
        %get3A_333 = arith.index_cast %mul3A_332 : i32 to index
        %get3A_334 = tpu.vector_load %arg6[%get3A_333] {strides = array<i32>} : memref<8192xi32, #tpu.memory_space<vmem>>, vector<16xi32>,
        %shift_right_arithmetic3A_335 = arith.constant 16 : i32
        %shift_right_arithmetic3A_336 = vector.broadcast %shift_right_arithmetic3A_335 : i32 to vector<16xi32>
        %shift_right_arithmetic3A_337 = arith.shrsi %get3A_334, %shift_right_arithmetic3A_336 : vector<16xi32>
        %and3A_338 = arith.constant 255 : i32
        %and3A_339 = vector.broadcast %and3A_338 : i32 to vector<16xi32>
        %and3A_340 = arith.andi %shift_right_arithmetic3A_337, %and3A_339 : vector<16xi32>
        %mul3A_341 = arith.constant 16 : i32
        %mul3A_342 = vector.broadcast %mul3A_341 : i32 to vector<16xi32>
        %mul3A_343 = arith.muli %and3A_340, %mul3A_342 : vector<16xi32>
        %add3A_344 = arith.addi %mul3A_343, %iota3A : vector<16xi32>
        tpu.vector_store_idx %arg10[%add3A_344], %add3A_2 {add = true} : memref<4096xi32, #tpu.memory_space<vmem>>[vector<16xi32>], vector<16xi32>,
        %scan3A_345 = arith.constant 3 : i32
        %scan3A_346 = arith.addi %scan3A_301, %scan3A_345 : i32
        %mul3A_347 = arith.constant 16 : i32
        %mul3A_348 = arith.muli %scan3A_346, %mul3A_347 : i32
        %get3A_349 = arith.index_cast %mul3A_348 : i32 to index
        %get3A_350 = tpu.vector_load %arg6[%get3A_349] {strides = array<i32>} : memref<8192xi32, #tpu.memory_space<vmem>>, vector<16xi32>,
        %shift_right_arithmetic3A_351 = arith.constant 16 : i32
        %shift_right_arithmetic3A_352 = vector.broadcast %shift_right_arithmetic3A_351 : i32 to vector<16xi32>
        %shift_right_arithmetic3A_353 = arith.shrsi %get3A_350, %shift_right_arithmetic3A_352 : vector<16xi32>
        %and3A_354 = arith.constant 255 : i32
        %and3A_355 = vector.broadcast %and3A_354 : i32 to vector<16xi32>
        %and3A_356 = arith.andi %shift_right_arithmetic3A_353, %and3A_355 : vector<16xi32>
        %mul3A_357 = arith.constant 16 : i32
        %mul3A_358 = vector.broadcast %mul3A_357 : i32 to vector<16xi32>
        %mul3A_359 = arith.muli %and3A_356, %mul3A_358 : vector<16xi32>
        %add3A_360 = arith.addi %mul3A_359, %iota3A : vector<16xi32>
        tpu.vector_store_idx %arg10[%add3A_360], %add3A_2 {add = true} : memref<4096xi32, #tpu.memory_space<vmem>>[vector<16xi32>], vector<16xi32>,
      }
      %scan3A_232 = arith.constant 512 : i32
      %scan3A_233 = arith.constant 0 : i32
      %scan3A_234 = arith.constant 0 : i32
      %scan3A_235 = arith.constant 256 : i32
      %scan3A_236 = arith.addi %scan3A_234, %scan3A_235 : i32
      %scan3A_237 = arith.constant 1 : i32
      %scan3A_238 = scf.for %scan3A_301 = %scan3A_234 to %scan3A_236 step %scan3A_237 iter_args(%scan3A_302 = %scan3A_233) -> (i32)  : i32 {
        %mul3A_303 = arith.constant 16 : i32
        %mul3A_304 = arith.muli %scan3A_301, %mul3A_303 : i32
        %get3A = arith.index_cast %mul3A_304 : i32 to index
        %get3A_305 = tpu.vector_load %arg10[%get3A] {strides = array<i32>} : memref<4096xi32, #tpu.memory_space<vmem>>, vector<16xi32>,
        %broadcast_in_dim3A_306 = arith.constant true
        %broadcast_in_dim3A_307 = vector.broadcast %broadcast_in_dim3A_306 : i1 to vector<16xi1>
        %masked_cumsum3A = tpu.scan <sum>, %get3A_305 masked %broadcast_in_dim3A_307 : vector<16xi32>, vector<16xi1> -> vector<16xi32>
        %reduce_sum3A = arith.constant true
        %reduce_sum3A_308 = vector.broadcast %reduce_sum3A : i1 to vector<16xi1>
        %reduce_sum3A_309 = tpu.scan <sum>, %get3A_305 masked %reduce_sum3A_308 : vector<16xi32>, vector<16xi1> -> vector<16xi32>
        %reduce_sum3A_310 = vector.extract %reduce_sum3A_309[15] : i32 from vector<16xi32>
        %mul3A_311 = arith.constant 16 : i32
        %mul3A_312 = arith.muli %scan3A_301, %mul3A_311 : i32
        %swap3A = arith.index_cast %mul3A_312 : i32 to index
        %swap3A_313 = tpu.vector_load %arg10[%swap3A] {strides = array<i32>} : memref<4096xi32, #tpu.memory_space<vmem>>, vector<16xi32>,
        tpu.vector_store %arg10[%swap3A], %broadcast_in_dim3A_8 {strides = array<i32>} : memref<4096xi32, #tpu.memory_space<vmem>>, vector<16xi32>,
        %sub3A_314 = arith.subi %masked_cumsum3A, %get3A_305 : vector<16xi32>
        %add3A_315 = vector.broadcast %scan3A_302 : i32 to vector<16xi32>
        %add3A_316 = arith.addi %sub3A_314, %add3A_315 : vector<16xi32>
        %mul3A_317 = arith.constant 16 : i32
        %mul3A_318 = arith.muli %scan3A_301, %mul3A_317 : i32
        %swap3A_319 = arith.index_cast %mul3A_318 : i32 to index
        %swap3A_320 = tpu.vector_load %arg11[%swap3A_319] {strides = array<i32>} : memref<4096xi32, #tpu.memory_space<vmem>>, vector<16xi32>,
        tpu.vector_store %arg11[%swap3A_319], %add3A_316 {strides = array<i32>} : memref<4096xi32, #tpu.memory_space<vmem>>, vector<16xi32>,
        %add3A_321 = arith.addi %scan3A_302, %reduce_sum3A_310 : i32
        scf.yield %add3A_321 : i32
      }
      %scan3A_239 = arith.constant 256 : i32
      %scan3A_240 = arith.constant 0 : i32
      %scan3A_241 = arith.constant 0 : i32
      %scan3A_242 = arith.constant 512 : i32
      %scan3A_243 = arith.addi %scan3A_241, %scan3A_242 : i32
      %scan3A_244 = arith.constant 2 : i32
      scf.for %scan3A_301 = %scan3A_241 to %scan3A_243 step %scan3A_244  : i32 {
        %mul3A_302 = arith.constant 16 : i32
        %mul3A_303 = arith.muli %scan3A_301, %mul3A_302 : i32
        %get3A = arith.index_cast %mul3A_303 : i32 to index
        %get3A_304 = tpu.vector_load %arg6[%get3A] {strides = array<i32>} : memref<8192xi32, #tpu.memory_space<vmem>>, vector<16xi32>,
        %mul3A_305 = arith.constant 16 : i32
        %mul3A_306 = arith.muli %scan3A_301, %mul3A_305 : i32
        %get3A_307 = arith.index_cast %mul3A_306 : i32 to index
        %get3A_308 = tpu.vector_load %arg8[%get3A_307] {strides = array<i32>} : memref<8192xi32, #tpu.memory_space<vmem>>, vector<16xi32>,
        %shift_right_arithmetic3A = arith.constant 16 : i32
        %shift_right_arithmetic3A_309 = vector.broadcast %shift_right_arithmetic3A : i32 to vector<16xi32>
        %shift_right_arithmetic3A_310 = arith.shrsi %get3A_304, %shift_right_arithmetic3A_309 : vector<16xi32>
        %and3A = arith.constant 255 : i32
        %and3A_311 = vector.broadcast %and3A : i32 to vector<16xi32>
        %and3A_312 = arith.andi %shift_right_arithmetic3A_310, %and3A_311 : vector<16xi32>
        %mul3A_313 = arith.constant 16 : i32
        %mul3A_314 = vector.broadcast %mul3A_313 : i32 to vector<16xi32>
        %mul3A_315 = arith.muli %and3A_312, %mul3A_314 : vector<16xi32>
        %add3A_316 = arith.addi %mul3A_315, %iota3A : vector<16xi32>
        %gather3A = tpu.vector_load_idx %arg11[%add3A_316] : memref<4096xi32, #tpu.memory_space<vmem>>[vector<16xi32>], vector<16xi32>,
        %add3A_317 = arith.constant 1 : i32
        %add3A_318 = vector.broadcast %add3A_317 : i32 to vector<16xi32>
        %add3A_319 = arith.addi %gather3A, %add3A_318 : vector<16xi32>
        tpu.vector_store_idx %arg11[%add3A_316], %add3A_319 : memref<4096xi32, #tpu.memory_space<vmem>>[vector<16xi32>], vector<16xi32>,
        %and3A_320 = arith.constant 511 : i32
        %and3A_321 = vector.broadcast %and3A_320 : i32 to vector<16xi32>
        %and3A_322 = arith.andi %gather3A, %and3A_321 : vector<16xi32>
        %mul3A_323 = arith.constant 16 : i32
        %mul3A_324 = vector.broadcast %mul3A_323 : i32 to vector<16xi32>
        %mul3A_325 = arith.muli %and3A_322, %mul3A_324 : vector<16xi32>
        %shift_right_arithmetic3A_326 = arith.constant 9 : i32
        %shift_right_arithmetic3A_327 = vector.broadcast %shift_right_arithmetic3A_326 : i32 to vector<16xi32>
        %shift_right_arithmetic3A_328 = arith.shrsi %gather3A, %shift_right_arithmetic3A_327 : vector<16xi32>
        %add3A_329 = arith.addi %mul3A_325, %shift_right_arithmetic3A_328 : vector<16xi32>
        tpu.vector_store_idx %arg7[%add3A_329], %get3A_304 : memref<8192xi32, #tpu.memory_space<vmem>>[vector<16xi32>], vector<16xi32>,
        tpu.vector_store_idx %arg9[%add3A_329], %get3A_308 : memref<8192xi32, #tpu.memory_space<vmem>>[vector<16xi32>], vector<16xi32>,
        %scan3A_330 = arith.constant 1 : i32
        %scan3A_331 = arith.addi %scan3A_301, %scan3A_330 : i32
        %mul3A_332 = arith.constant 16 : i32
        %mul3A_333 = arith.muli %scan3A_331, %mul3A_332 : i32
        %get3A_334 = arith.index_cast %mul3A_333 : i32 to index
        %get3A_335 = tpu.vector_load %arg6[%get3A_334] {strides = array<i32>} : memref<8192xi32, #tpu.memory_space<vmem>>, vector<16xi32>,
        %mul3A_336 = arith.constant 16 : i32
        %mul3A_337 = arith.muli %scan3A_331, %mul3A_336 : i32
        %get3A_338 = arith.index_cast %mul3A_337 : i32 to index
        %get3A_339 = tpu.vector_load %arg8[%get3A_338] {strides = array<i32>} : memref<8192xi32, #tpu.memory_space<vmem>>, vector<16xi32>,
        %shift_right_arithmetic3A_340 = arith.constant 16 : i32
        %shift_right_arithmetic3A_341 = vector.broadcast %shift_right_arithmetic3A_340 : i32 to vector<16xi32>
        %shift_right_arithmetic3A_342 = arith.shrsi %get3A_335, %shift_right_arithmetic3A_341 : vector<16xi32>
        %and3A_343 = arith.constant 255 : i32
        %and3A_344 = vector.broadcast %and3A_343 : i32 to vector<16xi32>
        %and3A_345 = arith.andi %shift_right_arithmetic3A_342, %and3A_344 : vector<16xi32>
        %mul3A_346 = arith.constant 16 : i32
        %mul3A_347 = vector.broadcast %mul3A_346 : i32 to vector<16xi32>
        %mul3A_348 = arith.muli %and3A_345, %mul3A_347 : vector<16xi32>
        %add3A_349 = arith.addi %mul3A_348, %iota3A : vector<16xi32>
        %gather3A_350 = tpu.vector_load_idx %arg11[%add3A_349] : memref<4096xi32, #tpu.memory_space<vmem>>[vector<16xi32>], vector<16xi32>,
        %add3A_351 = arith.constant 1 : i32
        %add3A_352 = vector.broadcast %add3A_351 : i32 to vector<16xi32>
        %add3A_353 = arith.addi %gather3A_350, %add3A_352 : vector<16xi32>
        tpu.vector_store_idx %arg11[%add3A_349], %add3A_353 : memref<4096xi32, #tpu.memory_space<vmem>>[vector<16xi32>], vector<16xi32>,
        %and3A_354 = arith.constant 511 : i32
        %and3A_355 = vector.broadcast %and3A_354 : i32 to vector<16xi32>
        %and3A_356 = arith.andi %gather3A_350, %and3A_355 : vector<16xi32>
        %mul3A_357 = arith.constant 16 : i32
        %mul3A_358 = vector.broadcast %mul3A_357 : i32 to vector<16xi32>
        %mul3A_359 = arith.muli %and3A_356, %mul3A_358 : vector<16xi32>
        %shift_right_arithmetic3A_360 = arith.constant 9 : i32
        %shift_right_arithmetic3A_361 = vector.broadcast %shift_right_arithmetic3A_360 : i32 to vector<16xi32>
        %shift_right_arithmetic3A_362 = arith.shrsi %gather3A_350, %shift_right_arithmetic3A_361 : vector<16xi32>
        %add3A_363 = arith.addi %mul3A_359, %shift_right_arithmetic3A_362 : vector<16xi32>
        tpu.vector_store_idx %arg7[%add3A_363], %get3A_335 : memref<8192xi32, #tpu.memory_space<vmem>>[vector<16xi32>], vector<16xi32>,
        tpu.vector_store_idx %arg9[%add3A_363], %get3A_339 : memref<8192xi32, #tpu.memory_space<vmem>>[vector<16xi32>], vector<16xi32>,
      }
      %scan3A_245 = arith.constant 512 : i32
      %scan3A_246 = arith.constant 0 : i32
      %scan3A_247 = arith.constant 0 : i32
      %scan3A_248 = arith.constant 512 : i32
      %scan3A_249 = arith.addi %scan3A_247, %scan3A_248 : i32
      %scan3A_250 = arith.constant 4 : i32
      scf.for %scan3A_301 = %scan3A_247 to %scan3A_249 step %scan3A_250  : i32 {
        %mul3A_302 = arith.constant 16 : i32
        %mul3A_303 = arith.muli %scan3A_301, %mul3A_302 : i32
        %get3A = arith.index_cast %mul3A_303 : i32 to index
        %get3A_304 = tpu.vector_load %arg7[%get3A] {strides = array<i32>} : memref<8192xi32, #tpu.memory_space<vmem>>, vector<16xi32>,
        %shift_right_arithmetic3A = arith.constant 24 : i32
        %shift_right_arithmetic3A_305 = vector.broadcast %shift_right_arithmetic3A : i32 to vector<16xi32>
        %shift_right_arithmetic3A_306 = arith.shrsi %get3A_304, %shift_right_arithmetic3A_305 : vector<16xi32>
        %and3A = arith.constant 63 : i32
        %and3A_307 = vector.broadcast %and3A : i32 to vector<16xi32>
        %and3A_308 = arith.andi %shift_right_arithmetic3A_306, %and3A_307 : vector<16xi32>
        %mul3A_309 = arith.constant 16 : i32
        %mul3A_310 = vector.broadcast %mul3A_309 : i32 to vector<16xi32>
        %mul3A_311 = arith.muli %and3A_308, %mul3A_310 : vector<16xi32>
        %add3A_312 = arith.addi %mul3A_311, %iota3A : vector<16xi32>
        tpu.vector_store_idx %arg10[%add3A_312], %add3A_2 {add = true} : memref<4096xi32, #tpu.memory_space<vmem>>[vector<16xi32>], vector<16xi32>,
        %scan3A_313 = arith.constant 1 : i32
        %scan3A_314 = arith.addi %scan3A_301, %scan3A_313 : i32
        %mul3A_315 = arith.constant 16 : i32
        %mul3A_316 = arith.muli %scan3A_314, %mul3A_315 : i32
        %get3A_317 = arith.index_cast %mul3A_316 : i32 to index
        %get3A_318 = tpu.vector_load %arg7[%get3A_317] {strides = array<i32>} : memref<8192xi32, #tpu.memory_space<vmem>>, vector<16xi32>,
        %shift_right_arithmetic3A_319 = arith.constant 24 : i32
        %shift_right_arithmetic3A_320 = vector.broadcast %shift_right_arithmetic3A_319 : i32 to vector<16xi32>
        %shift_right_arithmetic3A_321 = arith.shrsi %get3A_318, %shift_right_arithmetic3A_320 : vector<16xi32>
        %and3A_322 = arith.constant 63 : i32
        %and3A_323 = vector.broadcast %and3A_322 : i32 to vector<16xi32>
        %and3A_324 = arith.andi %shift_right_arithmetic3A_321, %and3A_323 : vector<16xi32>
        %mul3A_325 = arith.constant 16 : i32
        %mul3A_326 = vector.broadcast %mul3A_325 : i32 to vector<16xi32>
        %mul3A_327 = arith.muli %and3A_324, %mul3A_326 : vector<16xi32>
        %add3A_328 = arith.addi %mul3A_327, %iota3A : vector<16xi32>
        tpu.vector_store_idx %arg10[%add3A_328], %add3A_2 {add = true} : memref<4096xi32, #tpu.memory_space<vmem>>[vector<16xi32>], vector<16xi32>,
        %scan3A_329 = arith.constant 2 : i32
        %scan3A_330 = arith.addi %scan3A_301, %scan3A_329 : i32
        %mul3A_331 = arith.constant 16 : i32
        %mul3A_332 = arith.muli %scan3A_330, %mul3A_331 : i32
        %get3A_333 = arith.index_cast %mul3A_332 : i32 to index
        %get3A_334 = tpu.vector_load %arg7[%get3A_333] {strides = array<i32>} : memref<8192xi32, #tpu.memory_space<vmem>>, vector<16xi32>,
        %shift_right_arithmetic3A_335 = arith.constant 24 : i32
        %shift_right_arithmetic3A_336 = vector.broadcast %shift_right_arithmetic3A_335 : i32 to vector<16xi32>
        %shift_right_arithmetic3A_337 = arith.shrsi %get3A_334, %shift_right_arithmetic3A_336 : vector<16xi32>
        %and3A_338 = arith.constant 63 : i32
        %and3A_339 = vector.broadcast %and3A_338 : i32 to vector<16xi32>
        %and3A_340 = arith.andi %shift_right_arithmetic3A_337, %and3A_339 : vector<16xi32>
        %mul3A_341 = arith.constant 16 : i32
        %mul3A_342 = vector.broadcast %mul3A_341 : i32 to vector<16xi32>
        %mul3A_343 = arith.muli %and3A_340, %mul3A_342 : vector<16xi32>
        %add3A_344 = arith.addi %mul3A_343, %iota3A : vector<16xi32>
        tpu.vector_store_idx %arg10[%add3A_344], %add3A_2 {add = true} : memref<4096xi32, #tpu.memory_space<vmem>>[vector<16xi32>], vector<16xi32>,
        %scan3A_345 = arith.constant 3 : i32
        %scan3A_346 = arith.addi %scan3A_301, %scan3A_345 : i32
        %mul3A_347 = arith.constant 16 : i32
        %mul3A_348 = arith.muli %scan3A_346, %mul3A_347 : i32
        %get3A_349 = arith.index_cast %mul3A_348 : i32 to index
        %get3A_350 = tpu.vector_load %arg7[%get3A_349] {strides = array<i32>} : memref<8192xi32, #tpu.memory_space<vmem>>, vector<16xi32>,
        %shift_right_arithmetic3A_351 = arith.constant 24 : i32
        %shift_right_arithmetic3A_352 = vector.broadcast %shift_right_arithmetic3A_351 : i32 to vector<16xi32>
        %shift_right_arithmetic3A_353 = arith.shrsi %get3A_350, %shift_right_arithmetic3A_352 : vector<16xi32>
        %and3A_354 = arith.constant 63 : i32
        %and3A_355 = vector.broadcast %and3A_354 : i32 to vector<16xi32>
        %and3A_356 = arith.andi %shift_right_arithmetic3A_353, %and3A_355 : vector<16xi32>
        %mul3A_357 = arith.constant 16 : i32
        %mul3A_358 = vector.broadcast %mul3A_357 : i32 to vector<16xi32>
        %mul3A_359 = arith.muli %and3A_356, %mul3A_358 : vector<16xi32>
        %add3A_360 = arith.addi %mul3A_359, %iota3A : vector<16xi32>
        tpu.vector_store_idx %arg10[%add3A_360], %add3A_2 {add = true} : memref<4096xi32, #tpu.memory_space<vmem>>[vector<16xi32>], vector<16xi32>,
      }
      %scan3A_251 = arith.constant 512 : i32
      %scan3A_252 = arith.constant 0 : i32
      %scan3A_253 = arith.constant 0 : i32
      %scan3A_254 = arith.constant 64 : i32
      %scan3A_255 = arith.addi %scan3A_253, %scan3A_254 : i32
      %scan3A_256 = arith.constant 1 : i32
      %scan3A_257 = scf.for %scan3A_301 = %scan3A_253 to %scan3A_255 step %scan3A_256 iter_args(%scan3A_302 = %scan3A_252) -> (i32)  : i32 {
        %mul3A_303 = arith.constant 16 : i32
        %mul3A_304 = arith.muli %scan3A_301, %mul3A_303 : i32
        %get3A = arith.index_cast %mul3A_304 : i32 to index
        %get3A_305 = tpu.vector_load %arg10[%get3A] {strides = array<i32>} : memref<4096xi32, #tpu.memory_space<vmem>>, vector<16xi32>,
        %broadcast_in_dim3A_306 = arith.constant true
        %broadcast_in_dim3A_307 = vector.broadcast %broadcast_in_dim3A_306 : i1 to vector<16xi1>
        %masked_cumsum3A = tpu.scan <sum>, %get3A_305 masked %broadcast_in_dim3A_307 : vector<16xi32>, vector<16xi1> -> vector<16xi32>
        %reduce_sum3A = arith.constant true
        %reduce_sum3A_308 = vector.broadcast %reduce_sum3A : i1 to vector<16xi1>
        %reduce_sum3A_309 = tpu.scan <sum>, %get3A_305 masked %reduce_sum3A_308 : vector<16xi32>, vector<16xi1> -> vector<16xi32>
        %reduce_sum3A_310 = vector.extract %reduce_sum3A_309[15] : i32 from vector<16xi32>
        %mul3A_311 = arith.constant 16 : i32
        %mul3A_312 = arith.muli %scan3A_301, %mul3A_311 : i32
        %swap3A = arith.index_cast %mul3A_312 : i32 to index
        %swap3A_313 = tpu.vector_load %arg10[%swap3A] {strides = array<i32>} : memref<4096xi32, #tpu.memory_space<vmem>>, vector<16xi32>,
        tpu.vector_store %arg10[%swap3A], %broadcast_in_dim3A_8 {strides = array<i32>} : memref<4096xi32, #tpu.memory_space<vmem>>, vector<16xi32>,
        %sub3A_314 = arith.subi %masked_cumsum3A, %get3A_305 : vector<16xi32>
        %add3A_315 = vector.broadcast %scan3A_302 : i32 to vector<16xi32>
        %add3A_316 = arith.addi %sub3A_314, %add3A_315 : vector<16xi32>
        %mul3A_317 = arith.constant 16 : i32
        %mul3A_318 = arith.muli %scan3A_301, %mul3A_317 : i32
        %swap3A_319 = arith.index_cast %mul3A_318 : i32 to index
        %swap3A_320 = tpu.vector_load %arg11[%swap3A_319] {strides = array<i32>} : memref<4096xi32, #tpu.memory_space<vmem>>, vector<16xi32>,
        tpu.vector_store %arg11[%swap3A_319], %add3A_316 {strides = array<i32>} : memref<4096xi32, #tpu.memory_space<vmem>>, vector<16xi32>,
        %add3A_321 = arith.addi %scan3A_302, %reduce_sum3A_310 : i32
        scf.yield %add3A_321 : i32
      }
      %scan3A_258 = arith.constant 64 : i32
      %scan3A_259 = arith.constant 0 : i32
      %scan3A_260 = arith.constant 0 : i32
      %scan3A_261 = arith.constant 512 : i32
      %scan3A_262 = arith.addi %scan3A_260, %scan3A_261 : i32
      %scan3A_263 = arith.constant 2 : i32
      scf.for %scan3A_301 = %scan3A_260 to %scan3A_262 step %scan3A_263  : i32 {
        %mul3A_302 = arith.constant 16 : i32
        %mul3A_303 = arith.muli %scan3A_301, %mul3A_302 : i32
        %get3A = arith.index_cast %mul3A_303 : i32 to index
        %get3A_304 = tpu.vector_load %arg7[%get3A] {strides = array<i32>} : memref<8192xi32, #tpu.memory_space<vmem>>, vector<16xi32>,
        %mul3A_305 = arith.constant 16 : i32
        %mul3A_306 = arith.muli %scan3A_301, %mul3A_305 : i32
        %get3A_307 = arith.index_cast %mul3A_306 : i32 to index
        %get3A_308 = tpu.vector_load %arg9[%get3A_307] {strides = array<i32>} : memref<8192xi32, #tpu.memory_space<vmem>>, vector<16xi32>,
        %shift_right_arithmetic3A = arith.constant 24 : i32
        %shift_right_arithmetic3A_309 = vector.broadcast %shift_right_arithmetic3A : i32 to vector<16xi32>
        %shift_right_arithmetic3A_310 = arith.shrsi %get3A_304, %shift_right_arithmetic3A_309 : vector<16xi32>
        %and3A = arith.constant 63 : i32
        %and3A_311 = vector.broadcast %and3A : i32 to vector<16xi32>
        %and3A_312 = arith.andi %shift_right_arithmetic3A_310, %and3A_311 : vector<16xi32>
        %mul3A_313 = arith.constant 16 : i32
        %mul3A_314 = vector.broadcast %mul3A_313 : i32 to vector<16xi32>
        %mul3A_315 = arith.muli %and3A_312, %mul3A_314 : vector<16xi32>
        %add3A_316 = arith.addi %mul3A_315, %iota3A : vector<16xi32>
        %gather3A = tpu.vector_load_idx %arg11[%add3A_316] : memref<4096xi32, #tpu.memory_space<vmem>>[vector<16xi32>], vector<16xi32>,
        %add3A_317 = arith.constant 1 : i32
        %add3A_318 = vector.broadcast %add3A_317 : i32 to vector<16xi32>
        %add3A_319 = arith.addi %gather3A, %add3A_318 : vector<16xi32>
        tpu.vector_store_idx %arg11[%add3A_316], %add3A_319 : memref<4096xi32, #tpu.memory_space<vmem>>[vector<16xi32>], vector<16xi32>,
        tpu.vector_store_idx %arg8[%gather3A], %get3A_308 : memref<8192xi32, #tpu.memory_space<vmem>>[vector<16xi32>], vector<16xi32>,
        %scan3A_320 = arith.constant 1 : i32
        %scan3A_321 = arith.addi %scan3A_301, %scan3A_320 : i32
        %mul3A_322 = arith.constant 16 : i32
        %mul3A_323 = arith.muli %scan3A_321, %mul3A_322 : i32
        %get3A_324 = arith.index_cast %mul3A_323 : i32 to index
        %get3A_325 = tpu.vector_load %arg7[%get3A_324] {strides = array<i32>} : memref<8192xi32, #tpu.memory_space<vmem>>, vector<16xi32>,
        %mul3A_326 = arith.constant 16 : i32
        %mul3A_327 = arith.muli %scan3A_321, %mul3A_326 : i32
        %get3A_328 = arith.index_cast %mul3A_327 : i32 to index
        %get3A_329 = tpu.vector_load %arg9[%get3A_328] {strides = array<i32>} : memref<8192xi32, #tpu.memory_space<vmem>>, vector<16xi32>,
        %shift_right_arithmetic3A_330 = arith.constant 24 : i32
        %shift_right_arithmetic3A_331 = vector.broadcast %shift_right_arithmetic3A_330 : i32 to vector<16xi32>
        %shift_right_arithmetic3A_332 = arith.shrsi %get3A_325, %shift_right_arithmetic3A_331 : vector<16xi32>
        %and3A_333 = arith.constant 63 : i32
        %and3A_334 = vector.broadcast %and3A_333 : i32 to vector<16xi32>
        %and3A_335 = arith.andi %shift_right_arithmetic3A_332, %and3A_334 : vector<16xi32>
        %mul3A_336 = arith.constant 16 : i32
        %mul3A_337 = vector.broadcast %mul3A_336 : i32 to vector<16xi32>
        %mul3A_338 = arith.muli %and3A_335, %mul3A_337 : vector<16xi32>
        %add3A_339 = arith.addi %mul3A_338, %iota3A : vector<16xi32>
        %gather3A_340 = tpu.vector_load_idx %arg11[%add3A_339] : memref<4096xi32, #tpu.memory_space<vmem>>[vector<16xi32>], vector<16xi32>,
        %add3A_341 = arith.constant 1 : i32
        %add3A_342 = vector.broadcast %add3A_341 : i32 to vector<16xi32>
        %add3A_343 = arith.addi %gather3A_340, %add3A_342 : vector<16xi32>
        tpu.vector_store_idx %arg11[%add3A_339], %add3A_343 : memref<4096xi32, #tpu.memory_space<vmem>>[vector<16xi32>], vector<16xi32>,
        tpu.vector_store_idx %arg8[%gather3A_340], %get3A_329 : memref<8192xi32, #tpu.memory_space<vmem>>[vector<16xi32>], vector<16xi32>,
      }
      %scan3A_264 = arith.constant 512 : i32
      %dma_wait3A_265 = arith.constant 0 : i32
      %dma_wait3A_266 = tpu.memref_slice %arg3[%add3A_182, %dma_wait3A_265] : memref<256x24576xf32, #tpu.memory_space<hbm>> -> memref<1x24576xf32, #tpu.memory_space<hbm>>
      %dma_wait3A_267 = tpu.memref_squeeze %dma_wait3A_266 : memref<1x24576xf32, #tpu.memory_space<hbm>> -> memref<24576xf32, #tpu.memory_space<hbm>>
      %dma_wait3A_268 = arith.constant 0 : i32
      %dma_wait3A_269 = tpu.memref_slice %arg3[%add3A_182, %dma_wait3A_268] : memref<256x24576xf32, #tpu.memory_space<hbm>> -> memref<1x24576xf32, #tpu.memory_space<hbm>>
      %dma_wait3A_270 = tpu.memref_squeeze %dma_wait3A_269 : memref<1x24576xf32, #tpu.memory_space<hbm>> -> memref<24576xf32, #tpu.memory_space<hbm>>
      tpu.wait_dma2 semaphore(%arg17 : memref<!tpu.dma_semaphore, #tpu.memory_space<semaphore_mem>>) src(%dma_wait3A_270 : memref<24576xf32, #tpu.memory_space<hbm>>) dst(%arg12 : memref<24576xf32, #tpu.memory_space<vmem>>)
      %dma_wait3A_271 = arith.constant 0 : i32
      %dma_wait3A_272 = tpu.memref_slice %arg4[%add3A_182, %dma_wait3A_271] : memref<256x24576xf32, #tpu.memory_space<hbm>> -> memref<1x24576xf32, #tpu.memory_space<hbm>>
      %dma_wait3A_273 = tpu.memref_squeeze %dma_wait3A_272 : memref<1x24576xf32, #tpu.memory_space<hbm>> -> memref<24576xf32, #tpu.memory_space<hbm>>
      %dma_wait3A_274 = arith.constant 0 : i32
      %dma_wait3A_275 = tpu.memref_slice %arg4[%add3A_182, %dma_wait3A_274] : memref<256x24576xf32, #tpu.memory_space<hbm>> -> memref<1x24576xf32, #tpu.memory_space<hbm>>
      %dma_wait3A_276 = tpu.memref_squeeze %dma_wait3A_275 : memref<1x24576xf32, #tpu.memory_space<hbm>> -> memref<24576xf32, #tpu.memory_space<hbm>>
      tpu.wait_dma2 semaphore(%arg18 : memref<!tpu.dma_semaphore, #tpu.memory_space<semaphore_mem>>) src(%arg13 : memref<24576xf32, #tpu.memory_space<vmem>>) dst(%dma_wait3A_276 : memref<24576xf32, #tpu.memory_space<hbm>>)
      %dma_wait3A_277 = arith.constant 0 : i32
      %dma_wait3A_278 = tpu.memref_slice %arg5[%add3A_182, %dma_wait3A_277] : memref<256x768xf32, #tpu.memory_space<hbm>> -> memref<1x768xf32, #tpu.memory_space<hbm>>
      %dma_wait3A_279 = tpu.memref_squeeze %dma_wait3A_278 : memref<1x768xf32, #tpu.memory_space<hbm>> -> memref<768xf32, #tpu.memory_space<hbm>>
      %dma_wait3A_280 = arith.constant 0 : i32
      %dma_wait3A_281 = tpu.memref_slice %arg5[%add3A_182, %dma_wait3A_280] : memref<256x768xf32, #tpu.memory_space<hbm>> -> memref<1x768xf32, #tpu.memory_space<hbm>>
      %dma_wait3A_282 = tpu.memref_squeeze %dma_wait3A_281 : memref<1x768xf32, #tpu.memory_space<hbm>> -> memref<768xf32, #tpu.memory_space<hbm>>
      tpu.wait_dma2 semaphore(%arg19 : memref<!tpu.dma_semaphore, #tpu.memory_space<semaphore_mem>>) src(%arg14 : memref<768xf32, #tpu.memory_space<vmem>>) dst(%dma_wait3A_282 : memref<768xf32, #tpu.memory_space<hbm>>)
      %scan3A_283 = arith.constant 0 : i32
      %scan3A_284 = arith.constant 0 : i32
      %scan3A_285 = arith.constant 256 : i32
      %scan3A_286 = arith.addi %scan3A_284, %scan3A_285 : i32
      %scan3A_287 = arith.constant 2 : i32
      scf.for %scan3A_301 = %scan3A_284 to %scan3A_286 step %scan3A_287  : i32 {
        %broadcast_in_dim3A_302 = arith.constant 0.000000e+00 : f32
        %broadcast_in_dim3A_303 = vector.broadcast %broadcast_in_dim3A_302 : f32 to vector<16xf32>
        %broadcast_in_dim3A_304 = arith.constant 0.000000e+00 : f32
        %broadcast_in_dim3A_305 = vector.broadcast %broadcast_in_dim3A_304 : f32 to vector<16xf32>
        %broadcast_in_dim3A_306 = arith.constant 0.000000e+00 : f32
        %broadcast_in_dim3A_307 = vector.broadcast %broadcast_in_dim3A_306 : f32 to vector<16xf32>
        %mul3A_308 = arith.constant 32 : i32
        %mul3A_309 = arith.muli %scan3A_301, %mul3A_308 : i32
        %add3A_310 = arith.constant 0 : i32
        %add3A_311 = arith.addi %mul3A_309, %add3A_310 : i32
        %get3A = arith.index_cast %add3A_311 : i32 to index
        %get3A_312 = tpu.vector_load %arg8[%get3A] {strides = array<i32>} : memref<8192xi32, #tpu.memory_space<vmem>>, vector<16xi32>,
        %mul3A_313 = arith.constant 3 : i32
        %mul3A_314 = vector.broadcast %mul3A_313 : i32 to vector<16xi32>
        %mul3A_315 = arith.muli %get3A_312, %mul3A_314 : vector<16xi32>
        %mul3A_316 = arith.constant 96 : i32
        %mul3A_317 = arith.muli %scan3A_301, %mul3A_316 : i32
        %add3A_318 = arith.constant 0 : i32
        %add3A_319 = arith.addi %mul3A_317, %add3A_318 : i32
        %add3A_320 = vector.broadcast %add3A_319 : i32 to vector<16xi32>
        %add3A_321 = arith.addi %add3A_320, %mul3A_16 : vector<16xi32>
        %gather3A = tpu.vector_load_idx %arg12[%mul3A_315] : memref<24576xf32, #tpu.memory_space<vmem>>[vector<16xi32>], vector<16xf32>,
        %add3A_322 = arith.constant 1 : i32
        %add3A_323 = vector.broadcast %add3A_322 : i32 to vector<16xi32>
        %add3A_324 = arith.addi %mul3A_315, %add3A_323 : vector<16xi32>
        %gather3A_325 = tpu.vector_load_idx %arg12[%add3A_324] : memref<24576xf32, #tpu.memory_space<vmem>>[vector<16xi32>], vector<16xf32>,
        %add3A_326 = arith.constant 2 : i32
        %add3A_327 = vector.broadcast %add3A_326 : i32 to vector<16xi32>
        %add3A_328 = arith.addi %mul3A_315, %add3A_327 : vector<16xi32>
        %gather3A_329 = tpu.vector_load_idx %arg12[%add3A_328] : memref<24576xf32, #tpu.memory_space<vmem>>[vector<16xi32>], vector<16xf32>,
        tpu.vector_store_idx %arg13[%add3A_321], %gather3A : memref<24576xf32, #tpu.memory_space<vmem>>[vector<16xi32>], vector<16xf32>,
        %add3A_330 = arith.constant 1 : i32
        %add3A_331 = vector.broadcast %add3A_330 : i32 to vector<16xi32>
        %add3A_332 = arith.addi %add3A_321, %add3A_331 : vector<16xi32>
        tpu.vector_store_idx %arg13[%add3A_332], %gather3A_325 : memref<24576xf32, #tpu.memory_space<vmem>>[vector<16xi32>], vector<16xf32>,
        %add3A_333 = arith.constant 2 : i32
        %add3A_334 = vector.broadcast %add3A_333 : i32 to vector<16xi32>
        %add3A_335 = arith.addi %add3A_321, %add3A_334 : vector<16xi32>
        tpu.vector_store_idx %arg13[%add3A_335], %gather3A_329 : memref<24576xf32, #tpu.memory_space<vmem>>[vector<16xi32>], vector<16xf32>,
        %add3A_336 = arith.addf %broadcast_in_dim3A_303, %gather3A : vector<16xf32>
        %add3A_337 = arith.addf %broadcast_in_dim3A_305, %gather3A_325 : vector<16xf32>
        %add3A_338 = arith.addf %broadcast_in_dim3A_307, %gather3A_329 : vector<16xf32>
        %mul3A_339 = arith.constant 32 : i32
        %mul3A_340 = arith.muli %scan3A_301, %mul3A_339 : i32
        %add3A_341 = arith.constant 16 : i32
        %add3A_342 = arith.addi %mul3A_340, %add3A_341 : i32
        %get3A_343 = arith.index_cast %add3A_342 : i32 to index
        %get3A_344 = tpu.vector_load %arg8[%get3A_343] {strides = array<i32>} : memref<8192xi32, #tpu.memory_space<vmem>>, vector<16xi32>,
        %mul3A_345 = arith.constant 3 : i32
        %mul3A_346 = vector.broadcast %mul3A_345 : i32 to vector<16xi32>
        %mul3A_347 = arith.muli %get3A_344, %mul3A_346 : vector<16xi32>
        %mul3A_348 = arith.constant 96 : i32
        %mul3A_349 = arith.muli %scan3A_301, %mul3A_348 : i32
        %add3A_350 = arith.constant 48 : i32
        %add3A_351 = arith.addi %mul3A_349, %add3A_350 : i32
        %add3A_352 = vector.broadcast %add3A_351 : i32 to vector<16xi32>
        %add3A_353 = arith.addi %add3A_352, %mul3A_16 : vector<16xi32>
        %gather3A_354 = tpu.vector_load_idx %arg12[%mul3A_347] : memref<24576xf32, #tpu.memory_space<vmem>>[vector<16xi32>], vector<16xf32>,
        %add3A_355 = arith.constant 1 : i32
        %add3A_356 = vector.broadcast %add3A_355 : i32 to vector<16xi32>
        %add3A_357 = arith.addi %mul3A_347, %add3A_356 : vector<16xi32>
        %gather3A_358 = tpu.vector_load_idx %arg12[%add3A_357] : memref<24576xf32, #tpu.memory_space<vmem>>[vector<16xi32>], vector<16xf32>,
        %add3A_359 = arith.constant 2 : i32
        %add3A_360 = vector.broadcast %add3A_359 : i32 to vector<16xi32>
        %add3A_361 = arith.addi %mul3A_347, %add3A_360 : vector<16xi32>
        %gather3A_362 = tpu.vector_load_idx %arg12[%add3A_361] : memref<24576xf32, #tpu.memory_space<vmem>>[vector<16xi32>], vector<16xf32>,
        tpu.vector_store_idx %arg13[%add3A_353], %gather3A_354 : memref<24576xf32, #tpu.memory_space<vmem>>[vector<16xi32>], vector<16xf32>,
        %add3A_363 = arith.constant 1 : i32
        %add3A_364 = vector.broadcast %add3A_363 : i32 to vector<16xi32>
        %add3A_365 = arith.addi %add3A_353, %add3A_364 : vector<16xi32>
        tpu.vector_store_idx %arg13[%add3A_365], %gather3A_358 : memref<24576xf32, #tpu.memory_space<vmem>>[vector<16xi32>], vector<16xf32>,
        %add3A_366 = arith.constant 2 : i32
        %add3A_367 = vector.broadcast %add3A_366 : i32 to vector<16xi32>
        %add3A_368 = arith.addi %add3A_353, %add3A_367 : vector<16xi32>
        tpu.vector_store_idx %arg13[%add3A_368], %gather3A_362 : memref<24576xf32, #tpu.memory_space<vmem>>[vector<16xi32>], vector<16xf32>,
        %add3A_369 = arith.addf %add3A_336, %gather3A_354 : vector<16xf32>
        %add3A_370 = arith.addf %add3A_337, %gather3A_358 : vector<16xf32>
        %add3A_371 = arith.addf %add3A_338, %gather3A_362 : vector<16xf32>
        %reduce_sum3A = arith.constant true
        %reduce_sum3A_372 = vector.broadcast %reduce_sum3A : i1 to vector<16xi1>
        %reduce_sum3A_373 = tpu.scan <sum>, %add3A_369 masked %reduce_sum3A_372 : vector<16xf32>, vector<16xi1> -> vector<16xf32>
        %reduce_sum3A_374 = vector.extract %reduce_sum3A_373[15] : f32 from vector<16xf32>
        %mul3A_375 = arith.mulf %reduce_sum3A_374, %scan3A_20 : f32
        %broadcast_in_dim3A_376 = arith.constant 0 : i32
        %broadcast_in_dim3A_377 = vector.broadcast %broadcast_in_dim3A_376 : i32 to vector<16xi32>
        %mul3A_378 = arith.constant 3 : i32
        %mul3A_379 = arith.muli %scan3A_301, %mul3A_378 : i32
        %add3A_380 = arith.constant 0 : i32
        %add3A_381 = arith.addi %mul3A_379, %add3A_380 : i32
        %add3A_382 = vector.broadcast %add3A_381 : i32 to vector<16xi32>
        %add3A_383 = arith.addi %broadcast_in_dim3A_377, %add3A_382 : vector<16xi32>
        %broadcast_in_dim3A_384 = arith.constant 0.000000e+00 : f32
        %broadcast_in_dim3A_385 = vector.broadcast %broadcast_in_dim3A_384 : f32 to vector<16xf32>
        %add3A_386 = vector.broadcast %mul3A_375 : f32 to vector<16xf32>
        %add3A_387 = arith.addf %broadcast_in_dim3A_385, %add3A_386 : vector<16xf32>
        tpu.vector_store_idx %arg14[%add3A_383], %add3A_387 masked %eq3A_4 : memref<768xf32, #tpu.memory_space<vmem>>[vector<16xi32>], vector<16xf32>, vector<16xi1>
        %reduce_sum3A_388 = arith.constant true
        %reduce_sum3A_389 = vector.broadcast %reduce_sum3A_388 : i1 to vector<16xi1>
        %reduce_sum3A_390 = tpu.scan <sum>, %add3A_370 masked %reduce_sum3A_389 : vector<16xf32>, vector<16xi1> -> vector<16xf32>
        %reduce_sum3A_391 = vector.extract %reduce_sum3A_390[15] : f32 from vector<16xf32>
        %mul3A_392 = arith.mulf %reduce_sum3A_391, %scan3A_20 : f32
        %broadcast_in_dim3A_393 = arith.constant 0 : i32
        %broadcast_in_dim3A_394 = vector.broadcast %broadcast_in_dim3A_393 : i32 to vector<16xi32>
        %mul3A_395 = arith.constant 3 : i32
        %mul3A_396 = arith.muli %scan3A_301, %mul3A_395 : i32
        %add3A_397 = arith.constant 1 : i32
        %add3A_398 = arith.addi %mul3A_396, %add3A_397 : i32
        %add3A_399 = vector.broadcast %add3A_398 : i32 to vector<16xi32>
        %add3A_400 = arith.addi %broadcast_in_dim3A_394, %add3A_399 : vector<16xi32>
        %broadcast_in_dim3A_401 = arith.constant 0.000000e+00 : f32
        %broadcast_in_dim3A_402 = vector.broadcast %broadcast_in_dim3A_401 : f32 to vector<16xf32>
        %add3A_403 = vector.broadcast %mul3A_392 : f32 to vector<16xf32>
        %add3A_404 = arith.addf %broadcast_in_dim3A_402, %add3A_403 : vector<16xf32>
        tpu.vector_store_idx %arg14[%add3A_400], %add3A_404 masked %eq3A_4 : memref<768xf32, #tpu.memory_space<vmem>>[vector<16xi32>], vector<16xf32>, vector<16xi1>
        %reduce_sum3A_405 = arith.constant true
        %reduce_sum3A_406 = vector.broadcast %reduce_sum3A_405 : i1 to vector<16xi1>
        %reduce_sum3A_407 = tpu.scan <sum>, %add3A_371 masked %reduce_sum3A_406 : vector<16xf32>, vector<16xi1> -> vector<16xf32>
        %reduce_sum3A_408 = vector.extract %reduce_sum3A_407[15] : f32 from vector<16xf32>
        %mul3A_409 = arith.mulf %reduce_sum3A_408, %scan3A_20 : f32
        %broadcast_in_dim3A_410 = arith.constant 0 : i32
        %broadcast_in_dim3A_411 = vector.broadcast %broadcast_in_dim3A_410 : i32 to vector<16xi32>
        %mul3A_412 = arith.constant 3 : i32
        %mul3A_413 = arith.muli %scan3A_301, %mul3A_412 : i32
        %add3A_414 = arith.constant 2 : i32
        %add3A_415 = arith.addi %mul3A_413, %add3A_414 : i32
        %add3A_416 = vector.broadcast %add3A_415 : i32 to vector<16xi32>
        %add3A_417 = arith.addi %broadcast_in_dim3A_411, %add3A_416 : vector<16xi32>
        %broadcast_in_dim3A_418 = arith.constant 0.000000e+00 : f32
        %broadcast_in_dim3A_419 = vector.broadcast %broadcast_in_dim3A_418 : f32 to vector<16xf32>
        %add3A_420 = vector.broadcast %mul3A_409 : f32 to vector<16xf32>
        %add3A_421 = arith.addf %broadcast_in_dim3A_419, %add3A_420 : vector<16xf32>
        tpu.vector_store_idx %arg14[%add3A_417], %add3A_421 masked %eq3A_4 : memref<768xf32, #tpu.memory_space<vmem>>[vector<16xi32>], vector<16xf32>, vector<16xi1>
        %scan3A_422 = arith.constant 1 : i32
        %scan3A_423 = arith.addi %scan3A_301, %scan3A_422 : i32
        %broadcast_in_dim3A_424 = arith.constant 0.000000e+00 : f32
        %broadcast_in_dim3A_425 = vector.broadcast %broadcast_in_dim3A_424 : f32 to vector<16xf32>
        %broadcast_in_dim3A_426 = arith.constant 0.000000e+00 : f32
        %broadcast_in_dim3A_427 = vector.broadcast %broadcast_in_dim3A_426 : f32 to vector<16xf32>
        %broadcast_in_dim3A_428 = arith.constant 0.000000e+00 : f32
        %broadcast_in_dim3A_429 = vector.broadcast %broadcast_in_dim3A_428 : f32 to vector<16xf32>
        %mul3A_430 = arith.constant 32 : i32
        %mul3A_431 = arith.muli %scan3A_423, %mul3A_430 : i32
        %add3A_432 = arith.constant 0 : i32
        %add3A_433 = arith.addi %mul3A_431, %add3A_432 : i32
        %get3A_434 = arith.index_cast %add3A_433 : i32 to index
        %get3A_435 = tpu.vector_load %arg8[%get3A_434] {strides = array<i32>} : memref<8192xi32, #tpu.memory_space<vmem>>, vector<16xi32>,
        %mul3A_436 = arith.constant 3 : i32
        %mul3A_437 = vector.broadcast %mul3A_436 : i32 to vector<16xi32>
        %mul3A_438 = arith.muli %get3A_435, %mul3A_437 : vector<16xi32>
        %mul3A_439 = arith.constant 96 : i32
        %mul3A_440 = arith.muli %scan3A_423, %mul3A_439 : i32
        %add3A_441 = arith.constant 0 : i32
        %add3A_442 = arith.addi %mul3A_440, %add3A_441 : i32
        %add3A_443 = vector.broadcast %add3A_442 : i32 to vector<16xi32>
        %add3A_444 = arith.addi %add3A_443, %mul3A_16 : vector<16xi32>
        %gather3A_445 = tpu.vector_load_idx %arg12[%mul3A_438] : memref<24576xf32, #tpu.memory_space<vmem>>[vector<16xi32>], vector<16xf32>,
        %add3A_446 = arith.constant 1 : i32
        %add3A_447 = vector.broadcast %add3A_446 : i32 to vector<16xi32>
        %add3A_448 = arith.addi %mul3A_438, %add3A_447 : vector<16xi32>
        %gather3A_449 = tpu.vector_load_idx %arg12[%add3A_448] : memref<24576xf32, #tpu.memory_space<vmem>>[vector<16xi32>], vector<16xf32>,
        %add3A_450 = arith.constant 2 : i32
        %add3A_451 = vector.broadcast %add3A_450 : i32 to vector<16xi32>
        %add3A_452 = arith.addi %mul3A_438, %add3A_451 : vector<16xi32>
        %gather3A_453 = tpu.vector_load_idx %arg12[%add3A_452] : memref<24576xf32, #tpu.memory_space<vmem>>[vector<16xi32>], vector<16xf32>,
        tpu.vector_store_idx %arg13[%add3A_444], %gather3A_445 : memref<24576xf32, #tpu.memory_space<vmem>>[vector<16xi32>], vector<16xf32>,
        %add3A_454 = arith.constant 1 : i32
        %add3A_455 = vector.broadcast %add3A_454 : i32 to vector<16xi32>
        %add3A_456 = arith.addi %add3A_444, %add3A_455 : vector<16xi32>
        tpu.vector_store_idx %arg13[%add3A_456], %gather3A_449 : memref<24576xf32, #tpu.memory_space<vmem>>[vector<16xi32>], vector<16xf32>,
        %add3A_457 = arith.constant 2 : i32
        %add3A_458 = vector.broadcast %add3A_457 : i32 to vector<16xi32>
        %add3A_459 = arith.addi %add3A_444, %add3A_458 : vector<16xi32>
        tpu.vector_store_idx %arg13[%add3A_459], %gather3A_453 : memref<24576xf32, #tpu.memory_space<vmem>>[vector<16xi32>], vector<16xf32>,
        %add3A_460 = arith.addf %broadcast_in_dim3A_425, %gather3A_445 : vector<16xf32>
        %add3A_461 = arith.addf %broadcast_in_dim3A_427, %gather3A_449 : vector<16xf32>
        %add3A_462 = arith.addf %broadcast_in_dim3A_429, %gather3A_453 : vector<16xf32>
        %mul3A_463 = arith.constant 32 : i32
        %mul3A_464 = arith.muli %scan3A_423, %mul3A_463 : i32
        %add3A_465 = arith.constant 16 : i32
        %add3A_466 = arith.addi %mul3A_464, %add3A_465 : i32
        %get3A_467 = arith.index_cast %add3A_466 : i32 to index
        %get3A_468 = tpu.vector_load %arg8[%get3A_467] {strides = array<i32>} : memref<8192xi32, #tpu.memory_space<vmem>>, vector<16xi32>,
        %mul3A_469 = arith.constant 3 : i32
        %mul3A_470 = vector.broadcast %mul3A_469 : i32 to vector<16xi32>
        %mul3A_471 = arith.muli %get3A_468, %mul3A_470 : vector<16xi32>
        %mul3A_472 = arith.constant 96 : i32
        %mul3A_473 = arith.muli %scan3A_423, %mul3A_472 : i32
        %add3A_474 = arith.constant 48 : i32
        %add3A_475 = arith.addi %mul3A_473, %add3A_474 : i32
        %add3A_476 = vector.broadcast %add3A_475 : i32 to vector<16xi32>
        %add3A_477 = arith.addi %add3A_476, %mul3A_16 : vector<16xi32>
        %gather3A_478 = tpu.vector_load_idx %arg12[%mul3A_471] : memref<24576xf32, #tpu.memory_space<vmem>>[vector<16xi32>], vector<16xf32>,
        %add3A_479 = arith.constant 1 : i32
        %add3A_480 = vector.broadcast %add3A_479 : i32 to vector<16xi32>
        %add3A_481 = arith.addi %mul3A_471, %add3A_480 : vector<16xi32>
        %gather3A_482 = tpu.vector_load_idx %arg12[%add3A_481] : memref<24576xf32, #tpu.memory_space<vmem>>[vector<16xi32>], vector<16xf32>,
        %add3A_483 = arith.constant 2 : i32
        %add3A_484 = vector.broadcast %add3A_483 : i32 to vector<16xi32>
        %add3A_485 = arith.addi %mul3A_471, %add3A_484 : vector<16xi32>
        %gather3A_486 = tpu.vector_load_idx %arg12[%add3A_485] : memref<24576xf32, #tpu.memory_space<vmem>>[vector<16xi32>], vector<16xf32>,
        tpu.vector_store_idx %arg13[%add3A_477], %gather3A_478 : memref<24576xf32, #tpu.memory_space<vmem>>[vector<16xi32>], vector<16xf32>,
        %add3A_487 = arith.constant 1 : i32
        %add3A_488 = vector.broadcast %add3A_487 : i32 to vector<16xi32>
        %add3A_489 = arith.addi %add3A_477, %add3A_488 : vector<16xi32>
        tpu.vector_store_idx %arg13[%add3A_489], %gather3A_482 : memref<24576xf32, #tpu.memory_space<vmem>>[vector<16xi32>], vector<16xf32>,
        %add3A_490 = arith.constant 2 : i32
        %add3A_491 = vector.broadcast %add3A_490 : i32 to vector<16xi32>
        %add3A_492 = arith.addi %add3A_477, %add3A_491 : vector<16xi32>
        tpu.vector_store_idx %arg13[%add3A_492], %gather3A_486 : memref<24576xf32, #tpu.memory_space<vmem>>[vector<16xi32>], vector<16xf32>,
        %add3A_493 = arith.addf %add3A_460, %gather3A_478 : vector<16xf32>
        %add3A_494 = arith.addf %add3A_461, %gather3A_482 : vector<16xf32>
        %add3A_495 = arith.addf %add3A_462, %gather3A_486 : vector<16xf32>
        %reduce_sum3A_496 = arith.constant true
        %reduce_sum3A_497 = vector.broadcast %reduce_sum3A_496 : i1 to vector<16xi1>
        %reduce_sum3A_498 = tpu.scan <sum>, %add3A_493 masked %reduce_sum3A_497 : vector<16xf32>, vector<16xi1> -> vector<16xf32>
        %reduce_sum3A_499 = vector.extract %reduce_sum3A_498[15] : f32 from vector<16xf32>
        %mul3A_500 = arith.mulf %reduce_sum3A_499, %scan3A_20 : f32
        %broadcast_in_dim3A_501 = arith.constant 0 : i32
        %broadcast_in_dim3A_502 = vector.broadcast %broadcast_in_dim3A_501 : i32 to vector<16xi32>
        %mul3A_503 = arith.constant 3 : i32
        %mul3A_504 = arith.muli %scan3A_423, %mul3A_503 : i32
        %add3A_505 = arith.constant 0 : i32
        %add3A_506 = arith.addi %mul3A_504, %add3A_505 : i32
        %add3A_507 = vector.broadcast %add3A_506 : i32 to vector<16xi32>
        %add3A_508 = arith.addi %broadcast_in_dim3A_502, %add3A_507 : vector<16xi32>
        %broadcast_in_dim3A_509 = arith.constant 0.000000e+00 : f32
        %broadcast_in_dim3A_510 = vector.broadcast %broadcast_in_dim3A_509 : f32 to vector<16xf32>
        %add3A_511 = vector.broadcast %mul3A_500 : f32 to vector<16xf32>
        %add3A_512 = arith.addf %broadcast_in_dim3A_510, %add3A_511 : vector<16xf32>
        tpu.vector_store_idx %arg14[%add3A_508], %add3A_512 masked %eq3A_4 : memref<768xf32, #tpu.memory_space<vmem>>[vector<16xi32>], vector<16xf32>, vector<16xi1>
        %reduce_sum3A_513 = arith.constant true
        %reduce_sum3A_514 = vector.broadcast %reduce_sum3A_513 : i1 to vector<16xi1>
        %reduce_sum3A_515 = tpu.scan <sum>, %add3A_494 masked %reduce_sum3A_514 : vector<16xf32>, vector<16xi1> -> vector<16xf32>
        %reduce_sum3A_516 = vector.extract %reduce_sum3A_515[15] : f32 from vector<16xf32>
        %mul3A_517 = arith.mulf %reduce_sum3A_516, %scan3A_20 : f32
        %broadcast_in_dim3A_518 = arith.constant 0 : i32
        %broadcast_in_dim3A_519 = vector.broadcast %broadcast_in_dim3A_518 : i32 to vector<16xi32>
        %mul3A_520 = arith.constant 3 : i32
        %mul3A_521 = arith.muli %scan3A_423, %mul3A_520 : i32
        %add3A_522 = arith.constant 1 : i32
        %add3A_523 = arith.addi %mul3A_521, %add3A_522 : i32
        %add3A_524 = vector.broadcast %add3A_523 : i32 to vector<16xi32>
        %add3A_525 = arith.addi %broadcast_in_dim3A_519, %add3A_524 : vector<16xi32>
        %broadcast_in_dim3A_526 = arith.constant 0.000000e+00 : f32
        %broadcast_in_dim3A_527 = vector.broadcast %broadcast_in_dim3A_526 : f32 to vector<16xf32>
        %add3A_528 = vector.broadcast %mul3A_517 : f32 to vector<16xf32>
        %add3A_529 = arith.addf %broadcast_in_dim3A_527, %add3A_528 : vector<16xf32>
        tpu.vector_store_idx %arg14[%add3A_525], %add3A_529 masked %eq3A_4 : memref<768xf32, #tpu.memory_space<vmem>>[vector<16xi32>], vector<16xf32>, vector<16xi1>
        %reduce_sum3A_530 = arith.constant true
        %reduce_sum3A_531 = vector.broadcast %reduce_sum3A_530 : i1 to vector<16xi1>
        %reduce_sum3A_532 = tpu.scan <sum>, %add3A_495 masked %reduce_sum3A_531 : vector<16xf32>, vector<16xi1> -> vector<16xf32>
        %reduce_sum3A_533 = vector.extract %reduce_sum3A_532[15] : f32 from vector<16xf32>
        %mul3A_534 = arith.mulf %reduce_sum3A_533, %scan3A_20 : f32
        %broadcast_in_dim3A_535 = arith.constant 0 : i32
        %broadcast_in_dim3A_536 = vector.broadcast %broadcast_in_dim3A_535 : i32 to vector<16xi32>
        %mul3A_537 = arith.constant 3 : i32
        %mul3A_538 = arith.muli %scan3A_423, %mul3A_537 : i32
        %add3A_539 = arith.constant 2 : i32
        %add3A_540 = arith.addi %mul3A_538, %add3A_539 : i32
        %add3A_541 = vector.broadcast %add3A_540 : i32 to vector<16xi32>
        %add3A_542 = arith.addi %broadcast_in_dim3A_536, %add3A_541 : vector<16xi32>
        %broadcast_in_dim3A_543 = arith.constant 0.000000e+00 : f32
        %broadcast_in_dim3A_544 = vector.broadcast %broadcast_in_dim3A_543 : f32 to vector<16xf32>
        %add3A_545 = vector.broadcast %mul3A_534 : f32 to vector<16xf32>
        %add3A_546 = arith.addf %broadcast_in_dim3A_544, %add3A_545 : vector<16xf32>
        tpu.vector_store_idx %arg14[%add3A_542], %add3A_546 masked %eq3A_4 : memref<768xf32, #tpu.memory_space<vmem>>[vector<16xi32>], vector<16xf32>, vector<16xi1>
      }
      %scan3A_288 = arith.constant 256 : i32
      %dma_start3A_289 = arith.constant 0 : i32
      %dma_start3A_290 = tpu.memref_slice %arg4[%add3A_182, %dma_start3A_289] : memref<256x24576xf32, #tpu.memory_space<hbm>> -> memref<1x24576xf32, #tpu.memory_space<hbm>>
      %dma_start3A_291 = tpu.memref_squeeze %dma_start3A_290 : memref<1x24576xf32, #tpu.memory_space<hbm>> -> memref<24576xf32, #tpu.memory_space<hbm>>
      %dma_start3A_292 = arith.constant 0 : i32
      %dma_start3A_293 = tpu.memref_slice %arg4[%add3A_182, %dma_start3A_292] : memref<256x24576xf32, #tpu.memory_space<hbm>> -> memref<1x24576xf32, #tpu.memory_space<hbm>>
      %dma_start3A_294 = tpu.memref_squeeze %dma_start3A_293 : memref<1x24576xf32, #tpu.memory_space<hbm>> -> memref<24576xf32, #tpu.memory_space<hbm>>
      tpu.enqueue_dma source(%arg13 : memref<24576xf32, #tpu.memory_space<vmem>>) target(%dma_start3A_294 : memref<24576xf32, #tpu.memory_space<hbm>>) target_semaphore(%arg18 : memref<!tpu.dma_semaphore, #tpu.memory_space<semaphore_mem>>)
      %dma_start3A_295 = arith.constant 0 : i32
      %dma_start3A_296 = tpu.memref_slice %arg5[%add3A_182, %dma_start3A_295] : memref<256x768xf32, #tpu.memory_space<hbm>> -> memref<1x768xf32, #tpu.memory_space<hbm>>
      %dma_start3A_297 = tpu.memref_squeeze %dma_start3A_296 : memref<1x768xf32, #tpu.memory_space<hbm>> -> memref<768xf32, #tpu.memory_space<hbm>>
      %dma_start3A_298 = arith.constant 0 : i32
      %dma_start3A_299 = tpu.memref_slice %arg5[%add3A_182, %dma_start3A_298] : memref<256x768xf32, #tpu.memory_space<hbm>> -> memref<1x768xf32, #tpu.memory_space<hbm>>
      %dma_start3A_300 = tpu.memref_squeeze %dma_start3A_299 : memref<1x768xf32, #tpu.memory_space<hbm>> -> memref<768xf32, #tpu.memory_space<hbm>>
      tpu.enqueue_dma source(%arg14 : memref<768xf32, #tpu.memory_space<vmem>>) target(%dma_start3A_300 : memref<768xf32, #tpu.memory_space<hbm>>) target_semaphore(%arg19 : memref<!tpu.dma_semaphore, #tpu.memory_space<semaphore_mem>>)
    }
    %scan3A_25 = arith.constant 4 : i32
    %mul3A_26 = arith.constant 8 : i32
    %mul3A_27 = arith.muli %add3A_6, %mul3A_26 : i32
    %add3A_28 = arith.constant 8 : i32
    %add3A_29 = arith.addi %mul3A_27, %add3A_28 : i32
    %sub3A = arith.constant 1 : i32
    %sub3A_30 = arith.subi %add3A_29, %sub3A : i32
    %dma_wait3A = arith.constant 0 : i32
    %dma_wait3A_31 = tpu.memref_slice %arg4[%sub3A_30, %dma_wait3A] : memref<256x24576xf32, #tpu.memory_space<hbm>> -> memref<1x24576xf32, #tpu.memory_space<hbm>>
    %dma_wait3A_32 = tpu.memref_squeeze %dma_wait3A_31 : memref<1x24576xf32, #tpu.memory_space<hbm>> -> memref<24576xf32, #tpu.memory_space<hbm>>
    %dma_wait3A_33 = arith.constant 0 : i32
    %dma_wait3A_34 = tpu.memref_slice %arg4[%sub3A_30, %dma_wait3A_33] : memref<256x24576xf32, #tpu.memory_space<hbm>> -> memref<1x24576xf32, #tpu.memory_space<hbm>>
    %dma_wait3A_35 = tpu.memref_squeeze %dma_wait3A_34 : memref<1x24576xf32, #tpu.memory_space<hbm>> -> memref<24576xf32, #tpu.memory_space<hbm>>
    tpu.wait_dma2 semaphore(%arg18 : memref<!tpu.dma_semaphore, #tpu.memory_space<semaphore_mem>>) src(%arg13 : memref<24576xf32, #tpu.memory_space<vmem>>) dst(%dma_wait3A_35 : memref<24576xf32, #tpu.memory_space<hbm>>)
    %dma_wait3A_36 = arith.constant 0 : i32
    %dma_wait3A_37 = tpu.memref_slice %arg5[%sub3A_30, %dma_wait3A_36] : memref<256x768xf32, #tpu.memory_space<hbm>> -> memref<1x768xf32, #tpu.memory_space<hbm>>
    %dma_wait3A_38 = tpu.memref_squeeze %dma_wait3A_37 : memref<1x768xf32, #tpu.memory_space<hbm>> -> memref<768xf32, #tpu.memory_space<hbm>>
    %dma_wait3A_39 = arith.constant 0 : i32
    %dma_wait3A_40 = tpu.memref_slice %arg5[%sub3A_30, %dma_wait3A_39] : memref<256x768xf32, #tpu.memory_space<hbm>> -> memref<1x768xf32, #tpu.memory_space<hbm>>
    %dma_wait3A_41 = tpu.memref_squeeze %dma_wait3A_40 : memref<1x768xf32, #tpu.memory_space<hbm>> -> memref<768xf32, #tpu.memory_space<hbm>>
    tpu.wait_dma2 semaphore(%arg19 : memref<!tpu.dma_semaphore, #tpu.memory_space<semaphore_mem>>) src(%arg14 : memref<768xf32, #tpu.memory_space<vmem>>) dst(%dma_wait3A_41 : memref<768xf32, #tpu.memory_space<hbm>>)
    return
  }
}

module attributes {stable_mosaic.version = 14 : i64} {
  func.func @_codes_body(%arg0: i32, %arg1: memref<3x8x8192xf32, #tpu.memory_space<vmem>>, %arg2: memref<8x8192xi32, #tpu.memory_space<vmem>>) attributes {dimension_semantics = [#tpu.dimension_semantics<parallel>], iteration_bounds = array<i64: 32>, scalar_prefetch = 0 : i64, scratch_operands = 0 : i64, tpu.core_type = #tpu.core_type<tc>, window_params = [{transform_indices = @transform_0, window_bounds = array<i64: 3, 8, 8192>}, {transform_indices = @transform_1, window_bounds = array<i64: 8, 8192>}]} {
    %get3A = arith.constant 0 : index
    %get3A_0 = arith.constant 0 : index
    %get3A_1 = arith.constant 0 : index
    %get3A_2 = vector.load %arg1[%get3A, %get3A_0, %get3A_1] : memref<3x8x8192xf32, #tpu.memory_space<vmem>>, vector<1x8x8192xf32>
    %get3A_3 = vector.shape_cast %get3A_2 : vector<1x8x8192xf32> to vector<8x8192xf32>
    %get3A_4 = arith.constant 1 : index
    %get3A_5 = arith.constant 0 : index
    %get3A_6 = arith.constant 0 : index
    %get3A_7 = vector.load %arg1[%get3A_4, %get3A_5, %get3A_6] : memref<3x8x8192xf32, #tpu.memory_space<vmem>>, vector<1x8x8192xf32>
    %get3A_8 = vector.shape_cast %get3A_7 : vector<1x8x8192xf32> to vector<8x8192xf32>
    %get3A_9 = arith.constant 2 : index
    %get3A_10 = arith.constant 0 : index
    %get3A_11 = arith.constant 0 : index
    %get3A_12 = vector.load %arg1[%get3A_9, %get3A_10, %get3A_11] : memref<3x8x8192xf32, #tpu.memory_space<vmem>>, vector<1x8x8192xf32>
    %get3A_13 = vector.shape_cast %get3A_12 : vector<1x8x8192xf32> to vector<8x8192xf32>
    %reduce_min3A = arith.constant dense<0x7F800000> : vector<8xf32>
    %reduce_min3A_14 = vector.multi_reduction <minimumf>, %get3A_3, %reduce_min3A [1] : vector<8x8192xf32> to vector<8xf32>
    %broadcast_in_dim3A = vector.shape_cast %reduce_min3A_14 : vector<8xf32> to vector<8x1xf32>
    %reduce_max3A = arith.constant dense<0xFF800000> : vector<8xf32>
    %reduce_max3A_15 = vector.multi_reduction <maximumf>, %get3A_3, %reduce_max3A [1] : vector<8x8192xf32> to vector<8xf32>
    %broadcast_in_dim3A_16 = vector.shape_cast %reduce_max3A_15 : vector<8xf32> to vector<8x1xf32>
    %sub3A = vector.broadcast %broadcast_in_dim3A : vector<8x1xf32> to vector<8x8192xf32>
    %sub3A_17 = arith.subf %get3A_3, %sub3A : vector<8x8192xf32>
    %sub3A_18 = arith.subf %broadcast_in_dim3A_16, %broadcast_in_dim3A : vector<8x1xf32>
    %max3A = arith.constant 9.99999971E-10 : f32
    %max3A_19 = vector.broadcast %max3A : f32 to vector<8x1xf32>
    %max3A_20 = arith.maximumf %sub3A_18, %max3A_19 : vector<8x1xf32>
    %div3A = vector.broadcast %max3A_20 : vector<8x1xf32> to vector<8x8192xf32>
    %div3A_21 = arith.divf %sub3A_17, %div3A : vector<8x8192xf32>
    %mul3A = arith.constant 1.024000e+03 : f32
    %mul3A_22 = vector.broadcast %mul3A : f32 to vector<8x8192xf32>
    %mul3A_23 = arith.mulf %div3A_21, %mul3A_22 : vector<8x8192xf32>
    %convert_element_type3A = arith.fptosi %mul3A_23 : vector<8x8192xf32> to vector<8x8192xi32>
    %jit3A = arith.constant 0 : i32
    %jit3A_24 = arith.constant 1023 : i32
    %max3A_25 = vector.broadcast %jit3A : i32 to vector<8x8192xi32>
    %max3A_26 = arith.maxsi %max3A_25, %convert_element_type3A : vector<8x8192xi32>
    %min3A = vector.broadcast %jit3A_24 : i32 to vector<8x8192xi32>
    %min3A_27 = arith.minsi %min3A, %max3A_26 : vector<8x8192xi32>
    %reduce_min3A_28 = arith.constant dense<0x7F800000> : vector<8xf32>
    %reduce_min3A_29 = vector.multi_reduction <minimumf>, %get3A_8, %reduce_min3A_28 [1] : vector<8x8192xf32> to vector<8xf32>
    %broadcast_in_dim3A_30 = vector.shape_cast %reduce_min3A_29 : vector<8xf32> to vector<8x1xf32>
    %reduce_max3A_31 = arith.constant dense<0xFF800000> : vector<8xf32>
    %reduce_max3A_32 = vector.multi_reduction <maximumf>, %get3A_8, %reduce_max3A_31 [1] : vector<8x8192xf32> to vector<8xf32>
    %broadcast_in_dim3A_33 = vector.shape_cast %reduce_max3A_32 : vector<8xf32> to vector<8x1xf32>
    %sub3A_34 = vector.broadcast %broadcast_in_dim3A_30 : vector<8x1xf32> to vector<8x8192xf32>
    %sub3A_35 = arith.subf %get3A_8, %sub3A_34 : vector<8x8192xf32>
    %sub3A_36 = arith.subf %broadcast_in_dim3A_33, %broadcast_in_dim3A_30 : vector<8x1xf32>
    %max3A_37 = arith.constant 9.99999971E-10 : f32
    %max3A_38 = vector.broadcast %max3A_37 : f32 to vector<8x1xf32>
    %max3A_39 = arith.maximumf %sub3A_36, %max3A_38 : vector<8x1xf32>
    %div3A_40 = vector.broadcast %max3A_39 : vector<8x1xf32> to vector<8x8192xf32>
    %div3A_41 = arith.divf %sub3A_35, %div3A_40 : vector<8x8192xf32>
    %mul3A_42 = arith.constant 1.024000e+03 : f32
    %mul3A_43 = vector.broadcast %mul3A_42 : f32 to vector<8x8192xf32>
    %mul3A_44 = arith.mulf %div3A_41, %mul3A_43 : vector<8x8192xf32>
    %convert_element_type3A_45 = arith.fptosi %mul3A_44 : vector<8x8192xf32> to vector<8x8192xi32>
    %jit3A_46 = arith.constant 0 : i32
    %jit3A_47 = arith.constant 1023 : i32
    %max3A_48 = vector.broadcast %jit3A_46 : i32 to vector<8x8192xi32>
    %max3A_49 = arith.maxsi %max3A_48, %convert_element_type3A_45 : vector<8x8192xi32>
    %min3A_50 = vector.broadcast %jit3A_47 : i32 to vector<8x8192xi32>
    %min3A_51 = arith.minsi %min3A_50, %max3A_49 : vector<8x8192xi32>
    %reduce_min3A_52 = arith.constant dense<0x7F800000> : vector<8xf32>
    %reduce_min3A_53 = vector.multi_reduction <minimumf>, %get3A_13, %reduce_min3A_52 [1] : vector<8x8192xf32> to vector<8xf32>
    %broadcast_in_dim3A_54 = vector.shape_cast %reduce_min3A_53 : vector<8xf32> to vector<8x1xf32>
    %reduce_max3A_55 = arith.constant dense<0xFF800000> : vector<8xf32>
    %reduce_max3A_56 = vector.multi_reduction <maximumf>, %get3A_13, %reduce_max3A_55 [1] : vector<8x8192xf32> to vector<8xf32>
    %broadcast_in_dim3A_57 = vector.shape_cast %reduce_max3A_56 : vector<8xf32> to vector<8x1xf32>
    %sub3A_58 = vector.broadcast %broadcast_in_dim3A_54 : vector<8x1xf32> to vector<8x8192xf32>
    %sub3A_59 = arith.subf %get3A_13, %sub3A_58 : vector<8x8192xf32>
    %sub3A_60 = arith.subf %broadcast_in_dim3A_57, %broadcast_in_dim3A_54 : vector<8x1xf32>
    %max3A_61 = arith.constant 9.99999971E-10 : f32
    %max3A_62 = vector.broadcast %max3A_61 : f32 to vector<8x1xf32>
    %max3A_63 = arith.maximumf %sub3A_60, %max3A_62 : vector<8x1xf32>
    %div3A_64 = vector.broadcast %max3A_63 : vector<8x1xf32> to vector<8x8192xf32>
    %div3A_65 = arith.divf %sub3A_59, %div3A_64 : vector<8x8192xf32>
    %mul3A_66 = arith.constant 1.024000e+03 : f32
    %mul3A_67 = vector.broadcast %mul3A_66 : f32 to vector<8x8192xf32>
    %mul3A_68 = arith.mulf %div3A_65, %mul3A_67 : vector<8x8192xf32>
    %convert_element_type3A_69 = arith.fptosi %mul3A_68 : vector<8x8192xf32> to vector<8x8192xi32>
    %jit3A_70 = arith.constant 0 : i32
    %jit3A_71 = arith.constant 1023 : i32
    %max3A_72 = vector.broadcast %jit3A_70 : i32 to vector<8x8192xi32>
    %max3A_73 = arith.maxsi %max3A_72, %convert_element_type3A_69 : vector<8x8192xi32>
    %min3A_74 = vector.broadcast %jit3A_71 : i32 to vector<8x8192xi32>
    %min3A_75 = arith.minsi %min3A_74, %max3A_73 : vector<8x8192xi32>
    %and3A = arith.constant 512 : i32
    %and3A_76 = vector.broadcast %and3A : i32 to vector<8x8192xi32>
    %and3A_77 = arith.andi %min3A_27, %and3A_76 : vector<8x8192xi32>
    %gt3A = arith.constant 0 : i32
    %gt3A_78 = vector.broadcast %gt3A : i32 to vector<8x8192xi32>
    %gt3A_79 = arith.cmpi ugt, %and3A_77, %gt3A_78 : vector<8x8192xi32>
    %xor3A = arith.constant 511 : i32
    %xor3A_80 = vector.broadcast %xor3A : i32 to vector<8x8192xi32>
    %xor3A_81 = arith.xori %min3A_27, %xor3A_80 : vector<8x8192xi32>
    %select_n3A = arith.select %gt3A_79, %xor3A_81, %min3A_27 : vector<8x8192xi1>, vector<8x8192xi32>
    %and3A_82 = arith.constant 512 : i32
    %and3A_83 = vector.broadcast %and3A_82 : i32 to vector<8x8192xi32>
    %and3A_84 = arith.andi %min3A_51, %and3A_83 : vector<8x8192xi32>
    %gt3A_85 = arith.constant 0 : i32
    %gt3A_86 = vector.broadcast %gt3A_85 : i32 to vector<8x8192xi32>
    %gt3A_87 = arith.cmpi ugt, %and3A_84, %gt3A_86 : vector<8x8192xi32>
    %xor3A_88 = arith.xori %select_n3A, %min3A_51 : vector<8x8192xi32>
    %and3A_89 = arith.constant 511 : i32
    %and3A_90 = vector.broadcast %and3A_89 : i32 to vector<8x8192xi32>
    %and3A_91 = arith.andi %xor3A_88, %and3A_90 : vector<8x8192xi32>
    %xor3A_92 = arith.constant 511 : i32
    %xor3A_93 = vector.broadcast %xor3A_92 : i32 to vector<8x8192xi32>
    %xor3A_94 = arith.xori %select_n3A, %xor3A_93 : vector<8x8192xi32>
    %xor3A_95 = arith.xori %select_n3A, %and3A_91 : vector<8x8192xi32>
    %select_n3A_96 = arith.select %gt3A_87, %xor3A_94, %xor3A_95 : vector<8x8192xi1>, vector<8x8192xi32>
    %xor3A_97 = arith.xori %min3A_51, %and3A_91 : vector<8x8192xi32>
    %select_n3A_98 = arith.select %gt3A_87, %min3A_51, %xor3A_97 : vector<8x8192xi1>, vector<8x8192xi32>
    %and3A_99 = arith.constant 512 : i32
    %and3A_100 = vector.broadcast %and3A_99 : i32 to vector<8x8192xi32>
    %and3A_101 = arith.andi %min3A_75, %and3A_100 : vector<8x8192xi32>
    %gt3A_102 = arith.constant 0 : i32
    %gt3A_103 = vector.broadcast %gt3A_102 : i32 to vector<8x8192xi32>
    %gt3A_104 = arith.cmpi ugt, %and3A_101, %gt3A_103 : vector<8x8192xi32>
    %xor3A_105 = arith.xori %select_n3A_96, %min3A_75 : vector<8x8192xi32>
    %and3A_106 = arith.constant 511 : i32
    %and3A_107 = vector.broadcast %and3A_106 : i32 to vector<8x8192xi32>
    %and3A_108 = arith.andi %xor3A_105, %and3A_107 : vector<8x8192xi32>
    %xor3A_109 = arith.constant 511 : i32
    %xor3A_110 = vector.broadcast %xor3A_109 : i32 to vector<8x8192xi32>
    %xor3A_111 = arith.xori %select_n3A_96, %xor3A_110 : vector<8x8192xi32>
    %xor3A_112 = arith.xori %select_n3A_96, %and3A_108 : vector<8x8192xi32>
    %select_n3A_113 = arith.select %gt3A_104, %xor3A_111, %xor3A_112 : vector<8x8192xi1>, vector<8x8192xi32>
    %xor3A_114 = arith.xori %min3A_75, %and3A_108 : vector<8x8192xi32>
    %select_n3A_115 = arith.select %gt3A_104, %min3A_75, %xor3A_114 : vector<8x8192xi1>, vector<8x8192xi32>
    %and3A_116 = arith.constant 256 : i32
    %and3A_117 = vector.broadcast %and3A_116 : i32 to vector<8x8192xi32>
    %and3A_118 = arith.andi %select_n3A_113, %and3A_117 : vector<8x8192xi32>
    %gt3A_119 = arith.constant 0 : i32
    %gt3A_120 = vector.broadcast %gt3A_119 : i32 to vector<8x8192xi32>
    %gt3A_121 = arith.cmpi ugt, %and3A_118, %gt3A_120 : vector<8x8192xi32>
    %xor3A_122 = arith.constant 255 : i32
    %xor3A_123 = vector.broadcast %xor3A_122 : i32 to vector<8x8192xi32>
    %xor3A_124 = arith.xori %select_n3A_113, %xor3A_123 : vector<8x8192xi32>
    %select_n3A_125 = arith.select %gt3A_121, %xor3A_124, %select_n3A_113 : vector<8x8192xi1>, vector<8x8192xi32>
    %and3A_126 = arith.constant 256 : i32
    %and3A_127 = vector.broadcast %and3A_126 : i32 to vector<8x8192xi32>
    %and3A_128 = arith.andi %select_n3A_98, %and3A_127 : vector<8x8192xi32>
    %gt3A_129 = arith.constant 0 : i32
    %gt3A_130 = vector.broadcast %gt3A_129 : i32 to vector<8x8192xi32>
    %gt3A_131 = arith.cmpi ugt, %and3A_128, %gt3A_130 : vector<8x8192xi32>
    %xor3A_132 = arith.xori %select_n3A_125, %select_n3A_98 : vector<8x8192xi32>
    %and3A_133 = arith.constant 255 : i32
    %and3A_134 = vector.broadcast %and3A_133 : i32 to vector<8x8192xi32>
    %and3A_135 = arith.andi %xor3A_132, %and3A_134 : vector<8x8192xi32>
    %xor3A_136 = arith.constant 255 : i32
    %xor3A_137 = vector.broadcast %xor3A_136 : i32 to vector<8x8192xi32>
    %xor3A_138 = arith.xori %select_n3A_125, %xor3A_137 : vector<8x8192xi32>
    %xor3A_139 = arith.xori %select_n3A_125, %and3A_135 : vector<8x8192xi32>
    %select_n3A_140 = arith.select %gt3A_131, %xor3A_138, %xor3A_139 : vector<8x8192xi1>, vector<8x8192xi32>
    %xor3A_141 = arith.xori %select_n3A_98, %and3A_135 : vector<8x8192xi32>
    %select_n3A_142 = arith.select %gt3A_131, %select_n3A_98, %xor3A_141 : vector<8x8192xi1>, vector<8x8192xi32>
    %and3A_143 = arith.constant 256 : i32
    %and3A_144 = vector.broadcast %and3A_143 : i32 to vector<8x8192xi32>
    %and3A_145 = arith.andi %select_n3A_115, %and3A_144 : vector<8x8192xi32>
    %gt3A_146 = arith.constant 0 : i32
    %gt3A_147 = vector.broadcast %gt3A_146 : i32 to vector<8x8192xi32>
    %gt3A_148 = arith.cmpi ugt, %and3A_145, %gt3A_147 : vector<8x8192xi32>
    %xor3A_149 = arith.xori %select_n3A_140, %select_n3A_115 : vector<8x8192xi32>
    %and3A_150 = arith.constant 255 : i32
    %and3A_151 = vector.broadcast %and3A_150 : i32 to vector<8x8192xi32>
    %and3A_152 = arith.andi %xor3A_149, %and3A_151 : vector<8x8192xi32>
    %xor3A_153 = arith.constant 255 : i32
    %xor3A_154 = vector.broadcast %xor3A_153 : i32 to vector<8x8192xi32>
    %xor3A_155 = arith.xori %select_n3A_140, %xor3A_154 : vector<8x8192xi32>
    %xor3A_156 = arith.xori %select_n3A_140, %and3A_152 : vector<8x8192xi32>
    %select_n3A_157 = arith.select %gt3A_148, %xor3A_155, %xor3A_156 : vector<8x8192xi1>, vector<8x8192xi32>
    %xor3A_158 = arith.xori %select_n3A_115, %and3A_152 : vector<8x8192xi32>
    %select_n3A_159 = arith.select %gt3A_148, %select_n3A_115, %xor3A_158 : vector<8x8192xi1>, vector<8x8192xi32>
    %and3A_160 = arith.constant 128 : i32
    %and3A_161 = vector.broadcast %and3A_160 : i32 to vector<8x8192xi32>
    %and3A_162 = arith.andi %select_n3A_157, %and3A_161 : vector<8x8192xi32>
    %gt3A_163 = arith.constant 0 : i32
    %gt3A_164 = vector.broadcast %gt3A_163 : i32 to vector<8x8192xi32>
    %gt3A_165 = arith.cmpi ugt, %and3A_162, %gt3A_164 : vector<8x8192xi32>
    %xor3A_166 = arith.constant 127 : i32
    %xor3A_167 = vector.broadcast %xor3A_166 : i32 to vector<8x8192xi32>
    %xor3A_168 = arith.xori %select_n3A_157, %xor3A_167 : vector<8x8192xi32>
    %select_n3A_169 = arith.select %gt3A_165, %xor3A_168, %select_n3A_157 : vector<8x8192xi1>, vector<8x8192xi32>
    %and3A_170 = arith.constant 128 : i32
    %and3A_171 = vector.broadcast %and3A_170 : i32 to vector<8x8192xi32>
    %and3A_172 = arith.andi %select_n3A_142, %and3A_171 : vector<8x8192xi32>
    %gt3A_173 = arith.constant 0 : i32
    %gt3A_174 = vector.broadcast %gt3A_173 : i32 to vector<8x8192xi32>
    %gt3A_175 = arith.cmpi ugt, %and3A_172, %gt3A_174 : vector<8x8192xi32>
    %xor3A_176 = arith.xori %select_n3A_169, %select_n3A_142 : vector<8x8192xi32>
    %and3A_177 = arith.constant 127 : i32
    %and3A_178 = vector.broadcast %and3A_177 : i32 to vector<8x8192xi32>
    %and3A_179 = arith.andi %xor3A_176, %and3A_178 : vector<8x8192xi32>
    %xor3A_180 = arith.constant 127 : i32
    %xor3A_181 = vector.broadcast %xor3A_180 : i32 to vector<8x8192xi32>
    %xor3A_182 = arith.xori %select_n3A_169, %xor3A_181 : vector<8x8192xi32>
    %xor3A_183 = arith.xori %select_n3A_169, %and3A_179 : vector<8x8192xi32>
    %select_n3A_184 = arith.select %gt3A_175, %xor3A_182, %xor3A_183 : vector<8x8192xi1>, vector<8x8192xi32>
    %xor3A_185 = arith.xori %select_n3A_142, %and3A_179 : vector<8x8192xi32>
    %select_n3A_186 = arith.select %gt3A_175, %select_n3A_142, %xor3A_185 : vector<8x8192xi1>, vector<8x8192xi32>
    %and3A_187 = arith.constant 128 : i32
    %and3A_188 = vector.broadcast %and3A_187 : i32 to vector<8x8192xi32>
    %and3A_189 = arith.andi %select_n3A_159, %and3A_188 : vector<8x8192xi32>
    %gt3A_190 = arith.constant 0 : i32
    %gt3A_191 = vector.broadcast %gt3A_190 : i32 to vector<8x8192xi32>
    %gt3A_192 = arith.cmpi ugt, %and3A_189, %gt3A_191 : vector<8x8192xi32>
    %xor3A_193 = arith.xori %select_n3A_184, %select_n3A_159 : vector<8x8192xi32>
    %and3A_194 = arith.constant 127 : i32
    %and3A_195 = vector.broadcast %and3A_194 : i32 to vector<8x8192xi32>
    %and3A_196 = arith.andi %xor3A_193, %and3A_195 : vector<8x8192xi32>
    %xor3A_197 = arith.constant 127 : i32
    %xor3A_198 = vector.broadcast %xor3A_197 : i32 to vector<8x8192xi32>
    %xor3A_199 = arith.xori %select_n3A_184, %xor3A_198 : vector<8x8192xi32>
    %xor3A_200 = arith.xori %select_n3A_184, %and3A_196 : vector<8x8192xi32>
    %select_n3A_201 = arith.select %gt3A_192, %xor3A_199, %xor3A_200 : vector<8x8192xi1>, vector<8x8192xi32>
    %xor3A_202 = arith.xori %select_n3A_159, %and3A_196 : vector<8x8192xi32>
    %select_n3A_203 = arith.select %gt3A_192, %select_n3A_159, %xor3A_202 : vector<8x8192xi1>, vector<8x8192xi32>
    %and3A_204 = arith.constant 64 : i32
    %and3A_205 = vector.broadcast %and3A_204 : i32 to vector<8x8192xi32>
    %and3A_206 = arith.andi %select_n3A_201, %and3A_205 : vector<8x8192xi32>
    %gt3A_207 = arith.constant 0 : i32
    %gt3A_208 = vector.broadcast %gt3A_207 : i32 to vector<8x8192xi32>
    %gt3A_209 = arith.cmpi ugt, %and3A_206, %gt3A_208 : vector<8x8192xi32>
    %xor3A_210 = arith.constant 63 : i32
    %xor3A_211 = vector.broadcast %xor3A_210 : i32 to vector<8x8192xi32>
    %xor3A_212 = arith.xori %select_n3A_201, %xor3A_211 : vector<8x8192xi32>
    %select_n3A_213 = arith.select %gt3A_209, %xor3A_212, %select_n3A_201 : vector<8x8192xi1>, vector<8x8192xi32>
    %and3A_214 = arith.constant 64 : i32
    %and3A_215 = vector.broadcast %and3A_214 : i32 to vector<8x8192xi32>
    %and3A_216 = arith.andi %select_n3A_186, %and3A_215 : vector<8x8192xi32>
    %gt3A_217 = arith.constant 0 : i32
    %gt3A_218 = vector.broadcast %gt3A_217 : i32 to vector<8x8192xi32>
    %gt3A_219 = arith.cmpi ugt, %and3A_216, %gt3A_218 : vector<8x8192xi32>
    %xor3A_220 = arith.xori %select_n3A_213, %select_n3A_186 : vector<8x8192xi32>
    %and3A_221 = arith.constant 63 : i32
    %and3A_222 = vector.broadcast %and3A_221 : i32 to vector<8x8192xi32>
    %and3A_223 = arith.andi %xor3A_220, %and3A_222 : vector<8x8192xi32>
    %xor3A_224 = arith.constant 63 : i32
    %xor3A_225 = vector.broadcast %xor3A_224 : i32 to vector<8x8192xi32>
    %xor3A_226 = arith.xori %select_n3A_213, %xor3A_225 : vector<8x8192xi32>
    %xor3A_227 = arith.xori %select_n3A_213, %and3A_223 : vector<8x8192xi32>
    %select_n3A_228 = arith.select %gt3A_219, %xor3A_226, %xor3A_227 : vector<8x8192xi1>, vector<8x8192xi32>
    %xor3A_229 = arith.xori %select_n3A_186, %and3A_223 : vector<8x8192xi32>
    %select_n3A_230 = arith.select %gt3A_219, %select_n3A_186, %xor3A_229 : vector<8x8192xi1>, vector<8x8192xi32>
    %and3A_231 = arith.constant 64 : i32
    %and3A_232 = vector.broadcast %and3A_231 : i32 to vector<8x8192xi32>
    %and3A_233 = arith.andi %select_n3A_203, %and3A_232 : vector<8x8192xi32>
    %gt3A_234 = arith.constant 0 : i32
    %gt3A_235 = vector.broadcast %gt3A_234 : i32 to vector<8x8192xi32>
    %gt3A_236 = arith.cmpi ugt, %and3A_233, %gt3A_235 : vector<8x8192xi32>
    %xor3A_237 = arith.xori %select_n3A_228, %select_n3A_203 : vector<8x8192xi32>
    %and3A_238 = arith.constant 63 : i32
    %and3A_239 = vector.broadcast %and3A_238 : i32 to vector<8x8192xi32>
    %and3A_240 = arith.andi %xor3A_237, %and3A_239 : vector<8x8192xi32>
    %xor3A_241 = arith.constant 63 : i32
    %xor3A_242 = vector.broadcast %xor3A_241 : i32 to vector<8x8192xi32>
    %xor3A_243 = arith.xori %select_n3A_228, %xor3A_242 : vector<8x8192xi32>
    %xor3A_244 = arith.xori %select_n3A_228, %and3A_240 : vector<8x8192xi32>
    %select_n3A_245 = arith.select %gt3A_236, %xor3A_243, %xor3A_244 : vector<8x8192xi1>, vector<8x8192xi32>
    %xor3A_246 = arith.xori %select_n3A_203, %and3A_240 : vector<8x8192xi32>
    %select_n3A_247 = arith.select %gt3A_236, %select_n3A_203, %xor3A_246 : vector<8x8192xi1>, vector<8x8192xi32>
    %and3A_248 = arith.constant 32 : i32
    %and3A_249 = vector.broadcast %and3A_248 : i32 to vector<8x8192xi32>
    %and3A_250 = arith.andi %select_n3A_245, %and3A_249 : vector<8x8192xi32>
    %gt3A_251 = arith.constant 0 : i32
    %gt3A_252 = vector.broadcast %gt3A_251 : i32 to vector<8x8192xi32>
    %gt3A_253 = arith.cmpi ugt, %and3A_250, %gt3A_252 : vector<8x8192xi32>
    %xor3A_254 = arith.constant 31 : i32
    %xor3A_255 = vector.broadcast %xor3A_254 : i32 to vector<8x8192xi32>
    %xor3A_256 = arith.xori %select_n3A_245, %xor3A_255 : vector<8x8192xi32>
    %select_n3A_257 = arith.select %gt3A_253, %xor3A_256, %select_n3A_245 : vector<8x8192xi1>, vector<8x8192xi32>
    %and3A_258 = arith.constant 32 : i32
    %and3A_259 = vector.broadcast %and3A_258 : i32 to vector<8x8192xi32>
    %and3A_260 = arith.andi %select_n3A_230, %and3A_259 : vector<8x8192xi32>
    %gt3A_261 = arith.constant 0 : i32
    %gt3A_262 = vector.broadcast %gt3A_261 : i32 to vector<8x8192xi32>
    %gt3A_263 = arith.cmpi ugt, %and3A_260, %gt3A_262 : vector<8x8192xi32>
    %xor3A_264 = arith.xori %select_n3A_257, %select_n3A_230 : vector<8x8192xi32>
    %and3A_265 = arith.constant 31 : i32
    %and3A_266 = vector.broadcast %and3A_265 : i32 to vector<8x8192xi32>
    %and3A_267 = arith.andi %xor3A_264, %and3A_266 : vector<8x8192xi32>
    %xor3A_268 = arith.constant 31 : i32
    %xor3A_269 = vector.broadcast %xor3A_268 : i32 to vector<8x8192xi32>
    %xor3A_270 = arith.xori %select_n3A_257, %xor3A_269 : vector<8x8192xi32>
    %xor3A_271 = arith.xori %select_n3A_257, %and3A_267 : vector<8x8192xi32>
    %select_n3A_272 = arith.select %gt3A_263, %xor3A_270, %xor3A_271 : vector<8x8192xi1>, vector<8x8192xi32>
    %xor3A_273 = arith.xori %select_n3A_230, %and3A_267 : vector<8x8192xi32>
    %select_n3A_274 = arith.select %gt3A_263, %select_n3A_230, %xor3A_273 : vector<8x8192xi1>, vector<8x8192xi32>
    %and3A_275 = arith.constant 32 : i32
    %and3A_276 = vector.broadcast %and3A_275 : i32 to vector<8x8192xi32>
    %and3A_277 = arith.andi %select_n3A_247, %and3A_276 : vector<8x8192xi32>
    %gt3A_278 = arith.constant 0 : i32
    %gt3A_279 = vector.broadcast %gt3A_278 : i32 to vector<8x8192xi32>
    %gt3A_280 = arith.cmpi ugt, %and3A_277, %gt3A_279 : vector<8x8192xi32>
    %xor3A_281 = arith.xori %select_n3A_272, %select_n3A_247 : vector<8x8192xi32>
    %and3A_282 = arith.constant 31 : i32
    %and3A_283 = vector.broadcast %and3A_282 : i32 to vector<8x8192xi32>
    %and3A_284 = arith.andi %xor3A_281, %and3A_283 : vector<8x8192xi32>
    %xor3A_285 = arith.constant 31 : i32
    %xor3A_286 = vector.broadcast %xor3A_285 : i32 to vector<8x8192xi32>
    %xor3A_287 = arith.xori %select_n3A_272, %xor3A_286 : vector<8x8192xi32>
    %xor3A_288 = arith.xori %select_n3A_272, %and3A_284 : vector<8x8192xi32>
    %select_n3A_289 = arith.select %gt3A_280, %xor3A_287, %xor3A_288 : vector<8x8192xi1>, vector<8x8192xi32>
    %xor3A_290 = arith.xori %select_n3A_247, %and3A_284 : vector<8x8192xi32>
    %select_n3A_291 = arith.select %gt3A_280, %select_n3A_247, %xor3A_290 : vector<8x8192xi1>, vector<8x8192xi32>
    %and3A_292 = arith.constant 16 : i32
    %and3A_293 = vector.broadcast %and3A_292 : i32 to vector<8x8192xi32>
    %and3A_294 = arith.andi %select_n3A_289, %and3A_293 : vector<8x8192xi32>
    %gt3A_295 = arith.constant 0 : i32
    %gt3A_296 = vector.broadcast %gt3A_295 : i32 to vector<8x8192xi32>
    %gt3A_297 = arith.cmpi ugt, %and3A_294, %gt3A_296 : vector<8x8192xi32>
    %xor3A_298 = arith.constant 15 : i32
    %xor3A_299 = vector.broadcast %xor3A_298 : i32 to vector<8x8192xi32>
    %xor3A_300 = arith.xori %select_n3A_289, %xor3A_299 : vector<8x8192xi32>
    %select_n3A_301 = arith.select %gt3A_297, %xor3A_300, %select_n3A_289 : vector<8x8192xi1>, vector<8x8192xi32>
    %and3A_302 = arith.constant 16 : i32
    %and3A_303 = vector.broadcast %and3A_302 : i32 to vector<8x8192xi32>
    %and3A_304 = arith.andi %select_n3A_274, %and3A_303 : vector<8x8192xi32>
    %gt3A_305 = arith.constant 0 : i32
    %gt3A_306 = vector.broadcast %gt3A_305 : i32 to vector<8x8192xi32>
    %gt3A_307 = arith.cmpi ugt, %and3A_304, %gt3A_306 : vector<8x8192xi32>
    %xor3A_308 = arith.xori %select_n3A_301, %select_n3A_274 : vector<8x8192xi32>
    %and3A_309 = arith.constant 15 : i32
    %and3A_310 = vector.broadcast %and3A_309 : i32 to vector<8x8192xi32>
    %and3A_311 = arith.andi %xor3A_308, %and3A_310 : vector<8x8192xi32>
    %xor3A_312 = arith.constant 15 : i32
    %xor3A_313 = vector.broadcast %xor3A_312 : i32 to vector<8x8192xi32>
    %xor3A_314 = arith.xori %select_n3A_301, %xor3A_313 : vector<8x8192xi32>
    %xor3A_315 = arith.xori %select_n3A_301, %and3A_311 : vector<8x8192xi32>
    %select_n3A_316 = arith.select %gt3A_307, %xor3A_314, %xor3A_315 : vector<8x8192xi1>, vector<8x8192xi32>
    %xor3A_317 = arith.xori %select_n3A_274, %and3A_311 : vector<8x8192xi32>
    %select_n3A_318 = arith.select %gt3A_307, %select_n3A_274, %xor3A_317 : vector<8x8192xi1>, vector<8x8192xi32>
    %and3A_319 = arith.constant 16 : i32
    %and3A_320 = vector.broadcast %and3A_319 : i32 to vector<8x8192xi32>
    %and3A_321 = arith.andi %select_n3A_291, %and3A_320 : vector<8x8192xi32>
    %gt3A_322 = arith.constant 0 : i32
    %gt3A_323 = vector.broadcast %gt3A_322 : i32 to vector<8x8192xi32>
    %gt3A_324 = arith.cmpi ugt, %and3A_321, %gt3A_323 : vector<8x8192xi32>
    %xor3A_325 = arith.xori %select_n3A_316, %select_n3A_291 : vector<8x8192xi32>
    %and3A_326 = arith.constant 15 : i32
    %and3A_327 = vector.broadcast %and3A_326 : i32 to vector<8x8192xi32>
    %and3A_328 = arith.andi %xor3A_325, %and3A_327 : vector<8x8192xi32>
    %xor3A_329 = arith.constant 15 : i32
    %xor3A_330 = vector.broadcast %xor3A_329 : i32 to vector<8x8192xi32>
    %xor3A_331 = arith.xori %select_n3A_316, %xor3A_330 : vector<8x8192xi32>
    %xor3A_332 = arith.xori %select_n3A_316, %and3A_328 : vector<8x8192xi32>
    %select_n3A_333 = arith.select %gt3A_324, %xor3A_331, %xor3A_332 : vector<8x8192xi1>, vector<8x8192xi32>
    %xor3A_334 = arith.xori %select_n3A_291, %and3A_328 : vector<8x8192xi32>
    %select_n3A_335 = arith.select %gt3A_324, %select_n3A_291, %xor3A_334 : vector<8x8192xi1>, vector<8x8192xi32>
    %and3A_336 = arith.constant 8 : i32
    %and3A_337 = vector.broadcast %and3A_336 : i32 to vector<8x8192xi32>
    %and3A_338 = arith.andi %select_n3A_333, %and3A_337 : vector<8x8192xi32>
    %gt3A_339 = arith.constant 0 : i32
    %gt3A_340 = vector.broadcast %gt3A_339 : i32 to vector<8x8192xi32>
    %gt3A_341 = arith.cmpi ugt, %and3A_338, %gt3A_340 : vector<8x8192xi32>
    %xor3A_342 = arith.constant 7 : i32
    %xor3A_343 = vector.broadcast %xor3A_342 : i32 to vector<8x8192xi32>
    %xor3A_344 = arith.xori %select_n3A_333, %xor3A_343 : vector<8x8192xi32>
    %select_n3A_345 = arith.select %gt3A_341, %xor3A_344, %select_n3A_333 : vector<8x8192xi1>, vector<8x8192xi32>
    %and3A_346 = arith.constant 8 : i32
    %and3A_347 = vector.broadcast %and3A_346 : i32 to vector<8x8192xi32>
    %and3A_348 = arith.andi %select_n3A_318, %and3A_347 : vector<8x8192xi32>
    %gt3A_349 = arith.constant 0 : i32
    %gt3A_350 = vector.broadcast %gt3A_349 : i32 to vector<8x8192xi32>
    %gt3A_351 = arith.cmpi ugt, %and3A_348, %gt3A_350 : vector<8x8192xi32>
    %xor3A_352 = arith.xori %select_n3A_345, %select_n3A_318 : vector<8x8192xi32>
    %and3A_353 = arith.constant 7 : i32
    %and3A_354 = vector.broadcast %and3A_353 : i32 to vector<8x8192xi32>
    %and3A_355 = arith.andi %xor3A_352, %and3A_354 : vector<8x8192xi32>
    %xor3A_356 = arith.constant 7 : i32
    %xor3A_357 = vector.broadcast %xor3A_356 : i32 to vector<8x8192xi32>
    %xor3A_358 = arith.xori %select_n3A_345, %xor3A_357 : vector<8x8192xi32>
    %xor3A_359 = arith.xori %select_n3A_345, %and3A_355 : vector<8x8192xi32>
    %select_n3A_360 = arith.select %gt3A_351, %xor3A_358, %xor3A_359 : vector<8x8192xi1>, vector<8x8192xi32>
    %xor3A_361 = arith.xori %select_n3A_318, %and3A_355 : vector<8x8192xi32>
    %select_n3A_362 = arith.select %gt3A_351, %select_n3A_318, %xor3A_361 : vector<8x8192xi1>, vector<8x8192xi32>
    %and3A_363 = arith.constant 8 : i32
    %and3A_364 = vector.broadcast %and3A_363 : i32 to vector<8x8192xi32>
    %and3A_365 = arith.andi %select_n3A_335, %and3A_364 : vector<8x8192xi32>
    %gt3A_366 = arith.constant 0 : i32
    %gt3A_367 = vector.broadcast %gt3A_366 : i32 to vector<8x8192xi32>
    %gt3A_368 = arith.cmpi ugt, %and3A_365, %gt3A_367 : vector<8x8192xi32>
    %xor3A_369 = arith.xori %select_n3A_360, %select_n3A_335 : vector<8x8192xi32>
    %and3A_370 = arith.constant 7 : i32
    %and3A_371 = vector.broadcast %and3A_370 : i32 to vector<8x8192xi32>
    %and3A_372 = arith.andi %xor3A_369, %and3A_371 : vector<8x8192xi32>
    %xor3A_373 = arith.constant 7 : i32
    %xor3A_374 = vector.broadcast %xor3A_373 : i32 to vector<8x8192xi32>
    %xor3A_375 = arith.xori %select_n3A_360, %xor3A_374 : vector<8x8192xi32>
    %xor3A_376 = arith.xori %select_n3A_360, %and3A_372 : vector<8x8192xi32>
    %select_n3A_377 = arith.select %gt3A_368, %xor3A_375, %xor3A_376 : vector<8x8192xi1>, vector<8x8192xi32>
    %xor3A_378 = arith.xori %select_n3A_335, %and3A_372 : vector<8x8192xi32>
    %select_n3A_379 = arith.select %gt3A_368, %select_n3A_335, %xor3A_378 : vector<8x8192xi1>, vector<8x8192xi32>
    %and3A_380 = arith.constant 4 : i32
    %and3A_381 = vector.broadcast %and3A_380 : i32 to vector<8x8192xi32>
    %and3A_382 = arith.andi %select_n3A_377, %and3A_381 : vector<8x8192xi32>
    %gt3A_383 = arith.constant 0 : i32
    %gt3A_384 = vector.broadcast %gt3A_383 : i32 to vector<8x8192xi32>
    %gt3A_385 = arith.cmpi ugt, %and3A_382, %gt3A_384 : vector<8x8192xi32>
    %xor3A_386 = arith.constant 3 : i32
    %xor3A_387 = vector.broadcast %xor3A_386 : i32 to vector<8x8192xi32>
    %xor3A_388 = arith.xori %select_n3A_377, %xor3A_387 : vector<8x8192xi32>
    %select_n3A_389 = arith.select %gt3A_385, %xor3A_388, %select_n3A_377 : vector<8x8192xi1>, vector<8x8192xi32>
    %and3A_390 = arith.constant 4 : i32
    %and3A_391 = vector.broadcast %and3A_390 : i32 to vector<8x8192xi32>
    %and3A_392 = arith.andi %select_n3A_362, %and3A_391 : vector<8x8192xi32>
    %gt3A_393 = arith.constant 0 : i32
    %gt3A_394 = vector.broadcast %gt3A_393 : i32 to vector<8x8192xi32>
    %gt3A_395 = arith.cmpi ugt, %and3A_392, %gt3A_394 : vector<8x8192xi32>
    %xor3A_396 = arith.xori %select_n3A_389, %select_n3A_362 : vector<8x8192xi32>
    %and3A_397 = arith.constant 3 : i32
    %and3A_398 = vector.broadcast %and3A_397 : i32 to vector<8x8192xi32>
    %and3A_399 = arith.andi %xor3A_396, %and3A_398 : vector<8x8192xi32>
    %xor3A_400 = arith.constant 3 : i32
    %xor3A_401 = vector.broadcast %xor3A_400 : i32 to vector<8x8192xi32>
    %xor3A_402 = arith.xori %select_n3A_389, %xor3A_401 : vector<8x8192xi32>
    %xor3A_403 = arith.xori %select_n3A_389, %and3A_399 : vector<8x8192xi32>
    %select_n3A_404 = arith.select %gt3A_395, %xor3A_402, %xor3A_403 : vector<8x8192xi1>, vector<8x8192xi32>
    %xor3A_405 = arith.xori %select_n3A_362, %and3A_399 : vector<8x8192xi32>
    %select_n3A_406 = arith.select %gt3A_395, %select_n3A_362, %xor3A_405 : vector<8x8192xi1>, vector<8x8192xi32>
    %and3A_407 = arith.constant 4 : i32
    %and3A_408 = vector.broadcast %and3A_407 : i32 to vector<8x8192xi32>
    %and3A_409 = arith.andi %select_n3A_379, %and3A_408 : vector<8x8192xi32>
    %gt3A_410 = arith.constant 0 : i32
    %gt3A_411 = vector.broadcast %gt3A_410 : i32 to vector<8x8192xi32>
    %gt3A_412 = arith.cmpi ugt, %and3A_409, %gt3A_411 : vector<8x8192xi32>
    %xor3A_413 = arith.xori %select_n3A_404, %select_n3A_379 : vector<8x8192xi32>
    %and3A_414 = arith.constant 3 : i32
    %and3A_415 = vector.broadcast %and3A_414 : i32 to vector<8x8192xi32>
    %and3A_416 = arith.andi %xor3A_413, %and3A_415 : vector<8x8192xi32>
    %xor3A_417 = arith.constant 3 : i32
    %xor3A_418 = vector.broadcast %xor3A_417 : i32 to vector<8x8192xi32>
    %xor3A_419 = arith.xori %select_n3A_404, %xor3A_418 : vector<8x8192xi32>
    %xor3A_420 = arith.xori %select_n3A_404, %and3A_416 : vector<8x8192xi32>
    %select_n3A_421 = arith.select %gt3A_412, %xor3A_419, %xor3A_420 : vector<8x8192xi1>, vector<8x8192xi32>
    %xor3A_422 = arith.xori %select_n3A_379, %and3A_416 : vector<8x8192xi32>
    %select_n3A_423 = arith.select %gt3A_412, %select_n3A_379, %xor3A_422 : vector<8x8192xi1>, vector<8x8192xi32>
    %and3A_424 = arith.constant 2 : i32
    %and3A_425 = vector.broadcast %and3A_424 : i32 to vector<8x8192xi32>
    %and3A_426 = arith.andi %select_n3A_421, %and3A_425 : vector<8x8192xi32>
    %gt3A_427 = arith.constant 0 : i32
    %gt3A_428 = vector.broadcast %gt3A_427 : i32 to vector<8x8192xi32>
    %gt3A_429 = arith.cmpi ugt, %and3A_426, %gt3A_428 : vector<8x8192xi32>
    %xor3A_430 = arith.constant 1 : i32
    %xor3A_431 = vector.broadcast %xor3A_430 : i32 to vector<8x8192xi32>
    %xor3A_432 = arith.xori %select_n3A_421, %xor3A_431 : vector<8x8192xi32>
    %select_n3A_433 = arith.select %gt3A_429, %xor3A_432, %select_n3A_421 : vector<8x8192xi1>, vector<8x8192xi32>
    %and3A_434 = arith.constant 2 : i32
    %and3A_435 = vector.broadcast %and3A_434 : i32 to vector<8x8192xi32>
    %and3A_436 = arith.andi %select_n3A_406, %and3A_435 : vector<8x8192xi32>
    %gt3A_437 = arith.constant 0 : i32
    %gt3A_438 = vector.broadcast %gt3A_437 : i32 to vector<8x8192xi32>
    %gt3A_439 = arith.cmpi ugt, %and3A_436, %gt3A_438 : vector<8x8192xi32>
    %xor3A_440 = arith.xori %select_n3A_433, %select_n3A_406 : vector<8x8192xi32>
    %and3A_441 = arith.constant 1 : i32
    %and3A_442 = vector.broadcast %and3A_441 : i32 to vector<8x8192xi32>
    %and3A_443 = arith.andi %xor3A_440, %and3A_442 : vector<8x8192xi32>
    %xor3A_444 = arith.constant 1 : i32
    %xor3A_445 = vector.broadcast %xor3A_444 : i32 to vector<8x8192xi32>
    %xor3A_446 = arith.xori %select_n3A_433, %xor3A_445 : vector<8x8192xi32>
    %xor3A_447 = arith.xori %select_n3A_433, %and3A_443 : vector<8x8192xi32>
    %select_n3A_448 = arith.select %gt3A_439, %xor3A_446, %xor3A_447 : vector<8x8192xi1>, vector<8x8192xi32>
    %xor3A_449 = arith.xori %select_n3A_406, %and3A_443 : vector<8x8192xi32>
    %select_n3A_450 = arith.select %gt3A_439, %select_n3A_406, %xor3A_449 : vector<8x8192xi1>, vector<8x8192xi32>
    %and3A_451 = arith.constant 2 : i32
    %and3A_452 = vector.broadcast %and3A_451 : i32 to vector<8x8192xi32>
    %and3A_453 = arith.andi %select_n3A_423, %and3A_452 : vector<8x8192xi32>
    %gt3A_454 = arith.constant 0 : i32
    %gt3A_455 = vector.broadcast %gt3A_454 : i32 to vector<8x8192xi32>
    %gt3A_456 = arith.cmpi ugt, %and3A_453, %gt3A_455 : vector<8x8192xi32>
    %xor3A_457 = arith.xori %select_n3A_448, %select_n3A_423 : vector<8x8192xi32>
    %and3A_458 = arith.constant 1 : i32
    %and3A_459 = vector.broadcast %and3A_458 : i32 to vector<8x8192xi32>
    %and3A_460 = arith.andi %xor3A_457, %and3A_459 : vector<8x8192xi32>
    %xor3A_461 = arith.constant 1 : i32
    %xor3A_462 = vector.broadcast %xor3A_461 : i32 to vector<8x8192xi32>
    %xor3A_463 = arith.xori %select_n3A_448, %xor3A_462 : vector<8x8192xi32>
    %xor3A_464 = arith.xori %select_n3A_448, %and3A_460 : vector<8x8192xi32>
    %select_n3A_465 = arith.select %gt3A_456, %xor3A_463, %xor3A_464 : vector<8x8192xi1>, vector<8x8192xi32>
    %xor3A_466 = arith.xori %select_n3A_423, %and3A_460 : vector<8x8192xi32>
    %select_n3A_467 = arith.select %gt3A_456, %select_n3A_423, %xor3A_466 : vector<8x8192xi1>, vector<8x8192xi32>
    %xor3A_468 = arith.xori %select_n3A_450, %select_n3A_465 : vector<8x8192xi32>
    %xor3A_469 = arith.xori %select_n3A_467, %xor3A_468 : vector<8x8192xi32>
    %shift_right_logical3A = arith.constant 1 : i32
    %shift_right_logical3A_470 = vector.broadcast %shift_right_logical3A : i32 to vector<8x8192xi32>
    %shift_right_logical3A_471 = arith.shrui %xor3A_469, %shift_right_logical3A_470 : vector<8x8192xi32>
    %xor3A_472 = arith.xori %xor3A_469, %shift_right_logical3A_471 : vector<8x8192xi32>
    %shift_right_logical3A_473 = arith.constant 2 : i32
    %shift_right_logical3A_474 = vector.broadcast %shift_right_logical3A_473 : i32 to vector<8x8192xi32>
    %shift_right_logical3A_475 = arith.shrui %xor3A_472, %shift_right_logical3A_474 : vector<8x8192xi32>
    %xor3A_476 = arith.xori %xor3A_472, %shift_right_logical3A_475 : vector<8x8192xi32>
    %shift_right_logical3A_477 = arith.constant 4 : i32
    %shift_right_logical3A_478 = vector.broadcast %shift_right_logical3A_477 : i32 to vector<8x8192xi32>
    %shift_right_logical3A_479 = arith.shrui %xor3A_476, %shift_right_logical3A_478 : vector<8x8192xi32>
    %xor3A_480 = arith.xori %xor3A_476, %shift_right_logical3A_479 : vector<8x8192xi32>
    %shift_right_logical3A_481 = arith.constant 8 : i32
    %shift_right_logical3A_482 = vector.broadcast %shift_right_logical3A_481 : i32 to vector<8x8192xi32>
    %shift_right_logical3A_483 = arith.shrui %xor3A_480, %shift_right_logical3A_482 : vector<8x8192xi32>
    %xor3A_484 = arith.xori %xor3A_480, %shift_right_logical3A_483 : vector<8x8192xi32>
    %shift_right_logical3A_485 = arith.constant 1 : i32
    %shift_right_logical3A_486 = vector.broadcast %shift_right_logical3A_485 : i32 to vector<8x8192xi32>
    %shift_right_logical3A_487 = arith.shrui %xor3A_484, %shift_right_logical3A_486 : vector<8x8192xi32>
    %xor3A_488 = arith.xori %select_n3A_465, %shift_right_logical3A_487 : vector<8x8192xi32>
    %xor3A_489 = arith.xori %xor3A_468, %shift_right_logical3A_487 : vector<8x8192xi32>
    %xor3A_490 = arith.xori %xor3A_469, %shift_right_logical3A_487 : vector<8x8192xi32>
    %and3A_491 = arith.constant 1023 : i32
    %and3A_492 = vector.broadcast %and3A_491 : i32 to vector<8x8192xi32>
    %and3A_493 = arith.andi %xor3A_488, %and3A_492 : vector<8x8192xi32>
    %shift_left3A = arith.constant 16 : i32
    %shift_left3A_494 = vector.broadcast %shift_left3A : i32 to vector<8x8192xi32>
    %shift_left3A_495 = arith.shli %and3A_493, %shift_left3A_494 : vector<8x8192xi32>
    %or3A = arith.ori %and3A_493, %shift_left3A_495 : vector<8x8192xi32>
    %and3A_496 = arith.constant 50331903 : i32
    %and3A_497 = vector.broadcast %and3A_496 : i32 to vector<8x8192xi32>
    %and3A_498 = arith.andi %or3A, %and3A_497 : vector<8x8192xi32>
    %shift_left3A_499 = arith.constant 8 : i32
    %shift_left3A_500 = vector.broadcast %shift_left3A_499 : i32 to vector<8x8192xi32>
    %shift_left3A_501 = arith.shli %and3A_498, %shift_left3A_500 : vector<8x8192xi32>
    %or3A_502 = arith.ori %and3A_498, %shift_left3A_501 : vector<8x8192xi32>
    %and3A_503 = arith.constant 50393103 : i32
    %and3A_504 = vector.broadcast %and3A_503 : i32 to vector<8x8192xi32>
    %and3A_505 = arith.andi %or3A_502, %and3A_504 : vector<8x8192xi32>
    %shift_left3A_506 = arith.constant 4 : i32
    %shift_left3A_507 = vector.broadcast %shift_left3A_506 : i32 to vector<8x8192xi32>
    %shift_left3A_508 = arith.shli %and3A_505, %shift_left3A_507 : vector<8x8192xi32>
    %or3A_509 = arith.ori %and3A_505, %shift_left3A_508 : vector<8x8192xi32>
    %and3A_510 = arith.constant 51130563 : i32
    %and3A_511 = vector.broadcast %and3A_510 : i32 to vector<8x8192xi32>
    %and3A_512 = arith.andi %or3A_509, %and3A_511 : vector<8x8192xi32>
    %shift_left3A_513 = arith.constant 2 : i32
    %shift_left3A_514 = vector.broadcast %shift_left3A_513 : i32 to vector<8x8192xi32>
    %shift_left3A_515 = arith.shli %and3A_512, %shift_left3A_514 : vector<8x8192xi32>
    %or3A_516 = arith.ori %and3A_512, %shift_left3A_515 : vector<8x8192xi32>
    %and3A_517 = arith.constant 153391689 : i32
    %and3A_518 = vector.broadcast %and3A_517 : i32 to vector<8x8192xi32>
    %and3A_519 = arith.andi %or3A_516, %and3A_518 : vector<8x8192xi32>
    %shift_left3A_520 = arith.constant 2 : i32
    %shift_left3A_521 = vector.broadcast %shift_left3A_520 : i32 to vector<8x8192xi32>
    %shift_left3A_522 = arith.shli %and3A_519, %shift_left3A_521 : vector<8x8192xi32>
    %and3A_523 = arith.constant 1023 : i32
    %and3A_524 = vector.broadcast %and3A_523 : i32 to vector<8x8192xi32>
    %and3A_525 = arith.andi %xor3A_489, %and3A_524 : vector<8x8192xi32>
    %shift_left3A_526 = arith.constant 16 : i32
    %shift_left3A_527 = vector.broadcast %shift_left3A_526 : i32 to vector<8x8192xi32>
    %shift_left3A_528 = arith.shli %and3A_525, %shift_left3A_527 : vector<8x8192xi32>
    %or3A_529 = arith.ori %and3A_525, %shift_left3A_528 : vector<8x8192xi32>
    %and3A_530 = arith.constant 50331903 : i32
    %and3A_531 = vector.broadcast %and3A_530 : i32 to vector<8x8192xi32>
    %and3A_532 = arith.andi %or3A_529, %and3A_531 : vector<8x8192xi32>
    %shift_left3A_533 = arith.constant 8 : i32
    %shift_left3A_534 = vector.broadcast %shift_left3A_533 : i32 to vector<8x8192xi32>
    %shift_left3A_535 = arith.shli %and3A_532, %shift_left3A_534 : vector<8x8192xi32>
    %or3A_536 = arith.ori %and3A_532, %shift_left3A_535 : vector<8x8192xi32>
    %and3A_537 = arith.constant 50393103 : i32
    %and3A_538 = vector.broadcast %and3A_537 : i32 to vector<8x8192xi32>
    %and3A_539 = arith.andi %or3A_536, %and3A_538 : vector<8x8192xi32>
    %shift_left3A_540 = arith.constant 4 : i32
    %shift_left3A_541 = vector.broadcast %shift_left3A_540 : i32 to vector<8x8192xi32>
    %shift_left3A_542 = arith.shli %and3A_539, %shift_left3A_541 : vector<8x8192xi32>
    %or3A_543 = arith.ori %and3A_539, %shift_left3A_542 : vector<8x8192xi32>
    %and3A_544 = arith.constant 51130563 : i32
    %and3A_545 = vector.broadcast %and3A_544 : i32 to vector<8x8192xi32>
    %and3A_546 = arith.andi %or3A_543, %and3A_545 : vector<8x8192xi32>
    %shift_left3A_547 = arith.constant 2 : i32
    %shift_left3A_548 = vector.broadcast %shift_left3A_547 : i32 to vector<8x8192xi32>
    %shift_left3A_549 = arith.shli %and3A_546, %shift_left3A_548 : vector<8x8192xi32>
    %or3A_550 = arith.ori %and3A_546, %shift_left3A_549 : vector<8x8192xi32>
    %and3A_551 = arith.constant 153391689 : i32
    %and3A_552 = vector.broadcast %and3A_551 : i32 to vector<8x8192xi32>
    %and3A_553 = arith.andi %or3A_550, %and3A_552 : vector<8x8192xi32>
    %shift_left3A_554 = arith.constant 1 : i32
    %shift_left3A_555 = vector.broadcast %shift_left3A_554 : i32 to vector<8x8192xi32>
    %shift_left3A_556 = arith.shli %and3A_553, %shift_left3A_555 : vector<8x8192xi32>
    %or3A_557 = arith.ori %shift_left3A_522, %shift_left3A_556 : vector<8x8192xi32>
    %and3A_558 = arith.constant 1023 : i32
    %and3A_559 = vector.broadcast %and3A_558 : i32 to vector<8x8192xi32>
    %and3A_560 = arith.andi %xor3A_490, %and3A_559 : vector<8x8192xi32>
    %shift_left3A_561 = arith.constant 16 : i32
    %shift_left3A_562 = vector.broadcast %shift_left3A_561 : i32 to vector<8x8192xi32>
    %shift_left3A_563 = arith.shli %and3A_560, %shift_left3A_562 : vector<8x8192xi32>
    %or3A_564 = arith.ori %and3A_560, %shift_left3A_563 : vector<8x8192xi32>
    %and3A_565 = arith.constant 50331903 : i32
    %and3A_566 = vector.broadcast %and3A_565 : i32 to vector<8x8192xi32>
    %and3A_567 = arith.andi %or3A_564, %and3A_566 : vector<8x8192xi32>
    %shift_left3A_568 = arith.constant 8 : i32
    %shift_left3A_569 = vector.broadcast %shift_left3A_568 : i32 to vector<8x8192xi32>
    %shift_left3A_570 = arith.shli %and3A_567, %shift_left3A_569 : vector<8x8192xi32>
    %or3A_571 = arith.ori %and3A_567, %shift_left3A_570 : vector<8x8192xi32>
    %and3A_572 = arith.constant 50393103 : i32
    %and3A_573 = vector.broadcast %and3A_572 : i32 to vector<8x8192xi32>
    %and3A_574 = arith.andi %or3A_571, %and3A_573 : vector<8x8192xi32>
    %shift_left3A_575 = arith.constant 4 : i32
    %shift_left3A_576 = vector.broadcast %shift_left3A_575 : i32 to vector<8x8192xi32>
    %shift_left3A_577 = arith.shli %and3A_574, %shift_left3A_576 : vector<8x8192xi32>
    %or3A_578 = arith.ori %and3A_574, %shift_left3A_577 : vector<8x8192xi32>
    %and3A_579 = arith.constant 51130563 : i32
    %and3A_580 = vector.broadcast %and3A_579 : i32 to vector<8x8192xi32>
    %and3A_581 = arith.andi %or3A_578, %and3A_580 : vector<8x8192xi32>
    %shift_left3A_582 = arith.constant 2 : i32
    %shift_left3A_583 = vector.broadcast %shift_left3A_582 : i32 to vector<8x8192xi32>
    %shift_left3A_584 = arith.shli %and3A_581, %shift_left3A_583 : vector<8x8192xi32>
    %or3A_585 = arith.ori %and3A_581, %shift_left3A_584 : vector<8x8192xi32>
    %and3A_586 = arith.constant 153391689 : i32
    %and3A_587 = vector.broadcast %and3A_586 : i32 to vector<8x8192xi32>
    %and3A_588 = arith.andi %or3A_585, %and3A_587 : vector<8x8192xi32>
    %or3A_589 = arith.ori %or3A_557, %and3A_588 : vector<8x8192xi32>
    %bitcast_convert_type3A = tpu.bitcast %or3A_589 : vector<8x8192xi32> -> vector<8x8192xi32>
    %swap3A = arith.constant 0 : index
    %swap3A_590 = arith.constant 0 : index
    %swap3A_591 = vector.load %arg2[%swap3A, %swap3A_590] : memref<8x8192xi32, #tpu.memory_space<vmem>>, vector<8x8192xi32>
    tpu.vector_store %arg2[%swap3A, %swap3A_590], %bitcast_convert_type3A {strides = array<i32>} : memref<8x8192xi32, #tpu.memory_space<vmem>>, vector<8x8192xi32>,
    return
  }
  func.func @transform_0(%arg0: i32) -> (i32, i32, i32) {
    %c0_i32 = arith.constant 0 : i32
    %c0_i32_0 = arith.constant 0 : i32
    %c0_i32_1 = arith.constant 0 : i32
    return %c0_i32, %arg0, %c0_i32_0 : i32, i32, i32
  }
  func.func @transform_1(%arg0: i32) -> (i32, i32) {
    %c0_i32 = arith.constant 0 : i32
    %c0_i32_0 = arith.constant 0 : i32
    return %arg0, %c0_i32 : i32, i32
  }
}

</mosaic_0001>

<sc_bundles>
// kernel: kernel.4.cloned.1.call-start
scs
__scs_entry_jumppad:
0x0: {  	(pc) =	sbr.rel $0x88, $3  }
0x1: {  	(tag) =	ssettag $0x0;
	lr =	simm.s32 $0x1  }
0x2: {  	[smem:$0x3FA0] =	sst lr;
	_ =	strace $0xD0000000  }
0x3: {  	_ = 	snop  }
0x4: {  	_ = 	snop  }
0x5: {  	_ = 	snop  }
0x6: {  	_ = 	snop  }
0x7: {  	_ = 	snop  }
__scs_overlays_trampoline_lowered:
0x8: {  	[smem:$0x3FAF] =	sst s0  }
0x9: {  	[smem:$0x3FB0] =	sst s1  }
0xa: {  	[smem:$0x3FB1] =	sst s2  }
0xb: {  	[smem:$0x3FB2] =	sst s3  }
0xc: {  	[smem:$0x3FB3] =	sst s4  }
0xd: {  	[smem:$0x3FB4] =	sst s5  }
0xe: {  	[smem:$0x3FB5] =	sst s6  }
0xf: {  	[smem:$0x3FB6] =	sst s7  }
0x10: {  	[smem:$0x3FB7] =	sst s8  }
0x11: {  	[smem:$0x3FB8] =	sst s9;
	s0 =	simm.s32 @!p0 $0x0  }
0x12: {  	s1 =	sld [smem:$0x3F9E];
	s0 =	simm.s32 @p0 $0x1  }
0x13: {  	[smem:$0x3FB9] =	sst s0;
	s0 =	simm.s32 @!p1 $0x0  }
0x14: {  	s2 =	sld [smem:$0x3F9D];
	s0 =	simm.s32 @p1 $0x1  }
0x15: {  	[smem:$0x3FBA] =	sst s0;
	s0 =	simm.s32 @!p2 $0x0  }
0x16: {  	s3 =	sld [smem:$0x3FDB];
	s0 =	simm.s32 @p2 $0x1  }
0x17: {  	s4 =	simm.s32 $0x1BF5;
	[smem:$0x3FBC] =	sst s0  }
0x18: {  	s0 =	sld [smem:$0x3F9F];
	_ =	swait.ge [sflag:s4], $0x0  }
0x19: {  	s7 =	sld [smem:$0x3FA0]  }
0x1a: {  	s8 =	sadd.s32 $0xFFFFE003, lr  }
0x1b: {  	s9 =	sadd.s32 $0xFFFFFEF7, lr;
	s5 =	simm.s32 $0xFFFFFFFF;
	p2 =	slt.u32 s8, $0xFFFFF086  }
0x1c: {  	p1 =	slt.u32 s9, $0xF7A;
	s5 =	simm.s32 @!p2 $0x0  }
0x1d: {  	s5 =	simm.s32 @p1 $0x1;
	p0 =	seq.s32 s7, s2  }
0x1e: {  	s7 =	smul.u32 @!p0 $0xF7A, s2;
	p2 =	seq.s32 @!p0 s5, $0x0  }
0x1f: {  	s9 =	smul.u32 $0xF7A, s1;
	s8 =	simm.s32 @!p0 $0x1BF5;
	p2 =	por !p2, p0  }
0x20: {  	[sflag:s8] =	ssyncset.s32 @!p0 $0xFFFFF086;
	s6 =	sadd.s32 @!p0 s3, s7;
	s7 =	simm.s32 @!p0 $0x108  }
0x21: {  	s3 =	sadd.s32 s3, s9;
	s6 =	sadd.s32 @!p0 $0x88, s6;
	s7 =	simm.s32 @p2 $0x1082  }
0x22: {  	[simem:s7], [sflag:s8] =	dma.local @!p0 [hbm:s6], $0xF7A  }
0x23: {  	s9 =	sor.u32 $0xD0000000, s2;
	s6 =	simm.s32 $0x108;
	_ =	swait.ge @!p0 [sflag:s8], $0x0  }
0x24: {  	s3 =	sadd.s32 $0x88, s3;
	s6 =	simm.s32 @!p1 $0x1082;
	[sflag:s4] =	ssyncset.s32 $0xFFFFF086  }
0x25: {  	[simem:s6], [sflag:s4] =	dma.local [hbm:s3], $0xF7A  }
0x26: {  	[smem:$0x3FA0] =	sst s1;
	(tag) =	ssettag s2;
	_ =	strace s9  }
0x27: {  	s1 =	sld [smem:$0x3FB0]  }
0x28: {  	s2 =	sld [smem:$0x3FB1]  }
0x29: {  	s4 =	sld [smem:$0x3FB3]  }
0x2a: {  	p0 =	seq.s32 s5, $0x0;
	s5 =	sld [smem:$0x3FB4]  }
0x2b: {  	s6 =	sld [smem:$0x3FB5]  }
0x2c: {  	s7 =	sld [smem:$0x3FB6]  }
0x2d: {  	s3 =	simm.s32 $0x108;
	s8 =	sld [smem:$0x3FB7]  }
0x2e: {  	s3 =	simm.s32 @!p0 $0x1082;
	s9 =	sld [smem:$0x3FB8]  }
0x2f: {  	lr =	sadd.s32 s0, s3;
	s0 =	sld [smem:$0x3FAF]  }
0x30: {  	s3 =	sld [smem:$0x3FB2]  }
0x31: {  	[smem:$0x3FBB] =	sst s10  }
0x32: {  	s10 =	sld [smem:$0x3FB9];
	_ =	sdelay $0x3  }
0x33: {  	p0 =	seq.s32 s10, $0x1;
	s10 =	sld [smem:$0x3FBB];
	_ =	sdelay $0x3  }
0x34: {  	[smem:$0x3FBB] =	sst s10  }
0x35: {  	s10 =	sld [smem:$0x3FBA];
	_ =	sdelay $0x3  }
0x36: {  	p1 =	seq.s32 s10, $0x1;
	s10 =	sld [smem:$0x3FBB];
	_ =	sdelay $0x3  }
0x37: {  	[smem:$0x3FBB] =	sst s10  }
0x38: {  	s10 =	sld [smem:$0x3FBC]  }
0x39: {  	_ = 	snop;
	(pc) =	sbr.ind lr, $3  }
0x3a: {  	_ = 	snop  }
0x3b: {  	_ = 	snop  }
0x3c: {  	p2 =	seq.s32 s10, $0x1;
	s10 =	sld [smem:$0x3FBB]  }
0x3d: {  	_ =	shalt  }
0x3e: {  	_ =	shalt  }
0x3f: {  	_ =	shalt  }
0x40: {  	_ =	shalt  }
0x41: {  	_ =	shalt  }
0x42: {  	_ =	shalt  }
0x43: {  	_ =	shalt  }
0x44: {  	_ =	shalt  }
0x45: {  	_ =	shalt  }
0x46: {  	_ =	shalt  }
0x47: {  	_ =	shalt  }
0x48: {  	_ =	shalt  }
0x49: {  	_ =	shalt  }
0x4a: {  	_ =	shalt  }
0x4b: {  	_ =	shalt  }
0x4c: {  	_ =	shalt  }
0x4d: {  	_ =	shalt  }
0x4e: {  	_ =	shalt  }
0x4f: {  	_ =	shalt  }
0x50: {  	_ =	shalt  }
0x51: {  	_ =	shalt  }
0x52: {  	_ =	shalt  }
0x53: {  	_ =	shalt  }
0x54: {  	_ =	shalt  }
0x55: {  	_ =	shalt  }
0x56: {  	_ =	shalt  }
0x57: {  	_ =	shalt  }
0x58: {  	_ =	shalt  }
0x59: {  	_ =	shalt  }
0x5a: {  	_ =	shalt  }
0x5b: {  	_ =	shalt  }
0x5c: {  	_ =	shalt  }
0x5d: {  	_ =	shalt  }
0x5e: {  	_ =	shalt  }
0x5f: {  	_ =	shalt  }
0x60: {  	_ =	shalt  }
0x61: {  	_ =	shalt  }
0x62: {  	_ =	shalt  }
0x63: {  	_ =	shalt  }
0x64: {  	_ =	shalt  }
0x65: {  	_ =	shalt  }
0x66: {  	_ =	shalt  }
0x67: {  	_ =	shalt  }
0x68: {  	_ =	shalt  }
0x69: {  	_ =	shalt  }
0x6a: {  	_ =	shalt  }
0x6b: {  	_ =	shalt  }
0x6c: {  	_ =	shalt  }
0x6d: {  	_ =	shalt  }
0x6e: {  	_ =	shalt  }
0x6f: {  	_ =	shalt  }
0x70: {  	_ =	shalt  }
0x71: {  	_ =	shalt  }
0x72: {  	_ =	shalt  }
0x73: {  	_ =	shalt  }
0x74: {  	_ =	shalt  }
0x75: {  	_ =	shalt  }
0x76: {  	_ =	shalt  }
0x77: {  	_ =	shalt  }
0x78: {  	_ =	shalt  }
0x79: {  	_ =	shalt  }
0x7a: {  	_ =	shalt  }
0x7b: {  	_ =	shalt  }
0x7c: {  	_ =	shalt  }
0x7d: {  	_ =	shalt  }
0x7e: {  	_ =	shalt  }
0x7f: {  	_ =	shalt  }
0x80: {  	_ =	shalt  }
0x81: {  	_ =	shalt  }
0x82: {  	_ =	shalt  }
0x83: {  	_ =	shalt  }
0x84: {  	_ =	shalt  }
0x85: {  	_ =	shalt  }
0x86: {  	_ =	shalt  }
0x87: {  	_ =	shalt  }
.Lfunc_end0:
.L_simem_size_0:
called_computation_lowered:
.L_overlay_start_0:
0x88: {  	s2 =	sld [smem:$0x3FD9]  }
0x89: {  	s3 =	sld [smem:$0x3FFE];
	_ =	sdelay $0x1  }
0x8a: {  	s1 =	srdreg.scid  }
0x8b: {  	s0 =	sand.u32 $0x1, s1  }
0x8c: {  	s14 =	sshll.u32 s0, $0xA;
	s2 =	sadd.s32 s3, s2  }
0x8d: {  	s2 =	sadd.s32 s2, s14  }
0x8e: {  	[smem:$0x3FC7] =	sst s2  }
0x8f: {  	_ = 	snop  }
0x90: {  	s2 =	sld [smem:$0x3FD0];
	_ =	sdelay $0x2  }
0x91: {  	s15 =	simm.s32 $0xA;
	s4 =	simm.s32 $0x10  }
0x92: {  	[smem:s4], [sflag:s15] =	dma.local [hbm:s2], $0x1  }
0x93: {  	_ =	swait.eq [sflag:s15], $0x1  }
0x94: {  	[sflag:s15] =	ssyncset.done $0x0  }
0x95: {  	s16 =	sld [smem:$0x10];
	[sflag:s15] =	ssyncadd.s32 $0xFFFFFFFF  }
0x96: {  	s17 =	sld [smem:$0x11];
	(tm) =	ssettm $0x1  }
0x97: {  	s18 =	sld [smem:$0x3FFB];
	_ =	sdelay $0x3  }
0x98: {  	_ =	strace s18  }
0x99: {  	s4 =	sld [smem:$0x3FFC];
	_ =	sdelay $0x3  }
0x9a: {  	_ =	strace s4  }
0x9b: {  	s4 =	sld [smem:$0x3FFD];
	_ =	sdelay $0x3  }
0x9c: {  	_ =	strace s4  }
0x9d: {  	_ =	strace $0x8FFFFFFF  }
0x9e: {  	s19 =	sld [smem:$0x3FDB];
	_ =	sdelay $0x1  }
0x9f: {  	s5 =	simm.s32 $_scs_section_size  }
0xa0: {  	s6 =	simm.s32 $_size__tile_overlayer_lowered;
	s7 =	simm.s32 $_tile_overlayer_lowered  }
0xa1: {  	s22 =	simm.s32 $0x1BFF;
	s21 =	sshll.u32 s7, $0x1;
	s4 =	sadd.s32 s5, s19  }
0xa2: {  	s8 =	simm.s32 $0x0;
	s20 =	sshll.u32 s6, $0x1;
	s6 =	sadd.s32 s21, s4  }
0xa3: {  	[timem:s8], [sflag:s22] =	dma.local [hbm:s6], s20  }
0xa4: {  	_ =	swait.ge [sflag:s22], s20  }
0xa5: {  	s5 =	ssub.s32 $0x0, s20;
	[sflag:s22] =	ssyncset.done $0x0  }
0xa6: {  	[sflag:s22] =	ssyncadd.s32 s5;
	_ =	sdelay $0x1  }
0xa7: {  	s23 =	simm.s32 $0x1B8B  }
0xa8: {  	_ =	swait.ge [sflag:s23], $0x1  }
0xa9: {  	[sflag:s23] =	ssyncset.done $0x0  }
0xaa: {  	s25 =	simm.s32 $0x1B8E;
	s24 =	sld [smem:$0x3FFE];
	[sflag:s23] =	ssyncadd.s32 $0xFFFFFFFF  }
0xab: {  	s26 =	simm.s32 $execute0_lowered;
	[smem:$0x3FD2] =	sst s25  }
0xac: {  	s6 =	sshll.u32 s26, $0x1;
	_ =	strace $0x80000046;
	[dreg:$0x1] =	wrdreg $0xFFFFFFFF  }
0xad: {  	s28 =	simm.s32 $_size_execute0_lowered;
	s4 =	sadd.s32 s4, s6;
	[dreg:$0x0] =	wrdreg $0x0  }
0xae: {  	s6 =	sshll.u32 s28, $0x1;
	[dreg:$0x2] =	wrdreg s4  }
0xaf: {  	[dreg:$0x3] =	wrdreg s6  }
0xb0: {  	[dreg:$0x4] =	wrdreg $0xC0  }
0xb1: {  	_ =	task [dreg:s8], $0x5FFFF  }
0xb2: {  	[dreg:$0x1] =	wrdreg $0xFFFFFFFF  }
0xb3: {  	[dreg:$0x0] =	wrdreg $0x60  }
0xb4: {  	[dreg:$0x2] =	wrdreg s24  }
0xb5: {  	[dreg:$0x3] =	wrdreg s16  }
0xb6: {  	[dreg:$0x4] =	wrdreg s17  }
0xb7: {  	[dreg:$0x5] =	wrdreg $0x9  }
0xb8: {  	_ =	task.clear_ibuf [dreg:s8], $0x6FFFF;
	_ =	strace $0x90000046  }
0xb9: {  	s29 =	simm.s32 $0x9;
	_ =	strace $0x80000048  }
0xba: {  	_ =	swait.ge [sflag:s29], $0x1  }
0xbb: {  	[sflag:s29] =	ssyncadd.s32 $0xFFFFFFFF  }
0xbc: {  	_ =	strace $0x90000048  }
0xbd: {  	_ =	sfence  }
0xbe: {  	s30 =	sld [smem:$0x0];
	_ =	sdelay $0x2  }
0xbf: {  	s31 =	sshll.u32 s1, $0xD;
	s1 =	sshrl.u32 s1, $0x2  }
0xc0: {  	s3 =	sand.u32 $0x4000, s31;
	s1 =	sadd.s32 s1, s30  }
0xc1: {  	s0 =	sor.u32 s3, s0;
	s1 =	sshll.u32 s1, $0x11  }
0xc2: {  	s0 =	sor.u32 s1, s0  }
0xc3: {  	s0 =	sadd.s32 $0x8F2B, s0  }
0xc4: {  	[sflag:s0] =	ssyncadd.remote.s32 $0x1  }
0xc5: {  	_ =	sfence.sel $0xFFFF  }
0xc6: {  	[dreg:$0x0] =	wrdreg $0xFFFFFFFF;
	(pc) =	sbr.abs _section_cstart, $3  }
0xc7: {  	[dreg:$0x1] =	wrdreg $0xFFFFFFFF  }
0xc8: {  	_ =	task.clear_ibuf [dreg:s8], $0x2FFFF;
	_ =	strace $0x9FFFFFFF  }
0xc9: {  	(tm) =	ssettm $0x7FFFFFFF  }
tec
execute0_lowered:
.L_overlay_start_1:
0x0: {  	(tag) =	ssettag $0x1  }
0x1: {  	s0 =	rddreg [dreg:$0x0]  }
0x2: {  	s30 =	rddreg [dreg:$0x1]  }
0x3: {  	s24 =	rddreg [dreg:$0x2];
	s3 =	simm.s32 $0x0  }
0x4: {  	s1 =	srdreg.scid;
	s4 =	stileid.u32;
	s5 =	simm.s32 $0x80  }
0x5: {  	s14 =	simm.s32 $0x400;
	s18 =	simm.s32 $0xA000;
	s19 =	simm.s32 $0x8000  }
0x6: {  	s20 =	simm.s32 $0x9000;
	s21 =	simm.s32 $0x2000;
	[smem:$0x7FF] =	sst s3  }
0x7: {  	s31 =	sadd.s32 $0xC00, s0;
	s1 =	sand.u32 $0x1, s1;
	s4 =	sshll.u32 s4, $0x4  }
0x8: {  	s0 =	sadd.s32 $0x40C00, s0;
	s2 =	ssub.s32 $0x2, s1;
	s1 =	sshll.u32 s1, $0x3  }
0x9: {  	_ =	strace $0x80000047;
	[dreg:$0x4] =	wrdreg s0;
	s1 =	sor.u32 s1, s4  }
0xa: {  	s23 =	sshrl.u32 s2, $0x1;
	s25 =	sshll.u32 s1, $0xA;
	s26 =	sshll.u32 s1, $0xD  }
0xb: {  	s4 =	sshrl.u32 s1, $0x3;
	s1 =	sor.u32 $0x2, s1;
	[dreg:$0x6] =	wrdreg s26  }
0xc: {  	s0 =	ssub.s32 s2, s23;
	s2 =	sadd.s32 s31, s25;
	[dreg:$0x9] =	wrdreg s1  }
0xd: {  	v0 =	vlaneseq.u32;
	s28 =	smul.u32 $0x30000, s4;
	s0 =	smax.u32 s0, $0x1;
	[dreg:$0x5] =	wrdreg s2  }
0xe: {  	s22 =	simm.s32 $0x6000;
	v1 =	vmul.u32 $0x3, v0;
	s29 =	smul.u32 $0x1800, s4;
	[dreg:$0xa] =	wrdreg s0  }
0xf: {  	v2 =	vimm.s32 $0x0;
	s23 =	simm.s32 $0x4000;
	s25 =	simm.s32 $0x10000;
	[dreg:$0x7] =	wrdreg s28  }
0x10: {  	v3 =	vimm.s32 $0x1;
	v4 =	vadd.s32 $0x1, v1;
	v5 =	vadd.s32 $0x2, v1;
	s26 =	simm.s32 $0x16000;
	s2 =	simm.s32 $0x0;
	[dreg:$0x8] =	wrdreg s29  }
.LBB2_1:
0x11: {  	[dreg:$0xb] =	wrdreg s2;
	s0 =	simm.s32 $0x40;
	s1 =	simm.s32 $0x0  }
.LBB2_2:
0x12: {  	p0 =	sne.s32 s0, $0x3FC0;
	[tilespmem:s1+$0x8000] =	vst v2;
	s1 =	smov.u32 s0;
	s0 =	sadd.s32 $0x40, s0  }
.Ltmp0:
0x13: {  	(pc) =	sbr.rel @p0 .LBB2_2-.Ltmp0, $2  }
0x14: {  	_ =	sdelay $0x2  }
0x15: {  	s1 =	sshra.s32 s1, $0x2  }
0x16: {  	[tilespmem:s1+$0x8000] =	vst v2;
	s0 =	rddreg [dreg:$0x5];
	s28 =	simm.s32 $0x16300;
	s29 =	simm.s32 $0x5  }
0x17: {  	[tilespmem:s28], [sflag:$0x5] =	stream.strided.gather [hbm4b:s0+s5], $0x2000, s14, s5, $0x38;
	[tilespmem:$0x1A300] =	vst v63  }
0x18: {  	_ =	swait.ge [sflag:s29], $0x2000  }
0x19: {  	[sflag:s29] =	ssyncset.done $0x0  }
0x1a: {  	s0 =	simm.s32 $0x0;
	[sflag:s29] =	ssyncadd.s32 $0xFFFFE000  }
.LBB2_4:
0x1b: {  	p0 =	seq.s32 s0, $0x0  }
0x1c: {  	s1 =	simm.s32 @!p0 $0x4  }
0x1d: {  	s15 =	sshll.u32 s0, $0x8;
	_ =	swait.ge @!p0 [sflag:s1], $0x2000  }
0x1e: {  	s4 =	sor.u32 $0x80, s15;
	s2 =	rddreg [dreg:$0x6]  }
0x1f: {  	s13 =	smov.u32 s31;
	s2 =	sadd.s32 s2, s4  }
0x20: {  	s29 =	simm.s32 $0x18300;
	[sflag:s1] =	ssyncset.done @!p0 $0x0;
	s2 =	sshrl.u32 s2, $0x3  }
0x21: {  	[sflag:s1] =	ssyncadd.s32 @!p0 $0xFFFFE000;
	s28 =	sadd.s32 s31, s2;
	s31 =	rddreg [dreg:$0x7]  }
0x22: {  	[tilespmem:s29], [sflag:$0x4] =	stream.strided.gather [hbm4b:s28+s5], $0x2000, s14, s5, $0x38;
	[tilespmem:$0x1A300] =	vst v63  }
0x23: {  	s1 =	sor.u32 s31, s15  }
0x24: {  	s12 =	sshrl.u32 s1, $0x3  }
0x25: {  	s10 =	smov.u32 s30;
	s1 =	sadd.s32 s30, s12  }
0x26: {  	[tilespmem:s18], [sflag:$0x1] =	stream.strided.gather [hbm4b:s1+s5], $0x6000, s14, s5, $0x38;
	[tilespmem:$0x1A300] =	vst v63  }
0x27: {  	s7 =	sshll.u32 s0, $0x1;
	s2 =	simm.s32 $0x16320;
	s1 =	simm.s32 $0xFFFFFFFC  }
.LBB2_5:
0x28: {  	v6 =	vld [tilespmem:s2+$0xFFFFFFE0];
	_ =	sdelay $0x4  }
0x29: {  	v6 =	vshll.u32 v6, $0x4  }
0x2a: {  	v6 =	vor.u32 v0, v6  }
0x2b: {  	v6 =	vand.u32 $0xFFF, v6;
	_ =	sdelay $0x4  }
0x2c: {  	[tilespmem:v6+s19+$0x0] =	vst.idx.add.s32.msk $0xffff, v3  }
0x2d: {  	v6 =	vld [tilespmem:s2+$0xFFFFFFF0];
	_ =	sdelay $0x4  }
0x2e: {  	v6 =	vshll.u32 v6, $0x4  }
0x2f: {  	v6 =	vor.u32 v0, v6  }
0x30: {  	v6 =	vand.u32 $0xFFF, v6;
	_ =	sdelay $0x4  }
0x31: {  	[tilespmem:v6+s19+$0x0] =	vst.idx.add.s32.msk $0xffff, v3  }
0x32: {  	v6 =	vld [tilespmem:s2+$0x0];
	_ =	sdelay $0x4  }
0x33: {  	v6 =	vshll.u32 v6, $0x4  }
0x34: {  	v6 =	vor.u32 v0, v6  }
0x35: {  	v6 =	vand.u32 $0xFFF, v6;
	_ =	sdelay $0x4  }
0x36: {  	[tilespmem:v6+s19+$0x0] =	vst.idx.add.s32.msk $0xffff, v3  }
0x37: {  	v6 =	vld [tilespmem:s2+$0x10];
	_ =	sdelay $0x4  }
0x38: {  	v6 =	vshll.u32 v6, $0x4  }
0x39: {  	s1 =	sadd.s32 $0x4, s1;
	v6 =	vor.u32 v0, v6  }
0x3a: {  	p1 =	slt.u32 s1, $0x1FC;
	v6 =	vand.u32 $0xFFF, v6  }
.Ltmp1:
0x3b: {  	_ = 	snop;
	(pc) =	sbr.rel @p1 .LBB2_5-.Ltmp1, $2  }
0x3c: {  	_ =	sdelay $0x2  }
0x3d: {  	s31 =	simm.s32 $0x0;
	s2 =	sadd.s32 $0x40, s2;
	[tilespmem:v6+s19+$0x0] =	vst.idx.add.s32.msk $0xffff, v3  }
0x3e: {  	s11 =	simm.s32 $0x0  }
0x3f: {  	v6 =	vld [tilespmem:s11+$0x8000]  }
0x40: {  	s2 =	simm.s32 $0x10;
	[tilespmem:s11+$0x8000] =	vst v2  }
0x41: {  	s17 =	simm.s32 $0x20;
	v8 =	vld [tilespmem:s2+$0x8000];
	[tilespmem:s2+$0x8000] =	vst v2  }
0x42: {  	v7 =	vld [tilespmem:s17+$0x8000];
	_ =	sdelay $0x1  }
0x43: {  	(xrf0) =	vadd.scan.msk.s32 $0xffff, v6;
	_ =	sdelay $0x1  }
0x44: {  	(xrf0) =	vadd.scan.msk.s32 $0xffff, v8  }
0x45: {  	(xrf0) =	vadd.scan.msk.s32 $0xffff, v7;
	_ =	sdelay $0x2  }
0x46: {  	v12, _, _ =	vpop (xrf0)  }
0x47: {  	(v2sf) =	vpush v12, $0xF  }
0x48: {  	v11, _, _ =	vpop (xrf0)  }
0x49: {  	(v2sf) =	vpush v11, $0xF;
	v10, _, _ =	vpop (xrf0)  }
0x4a: {  	(v2sf) =	vpush v10, $0xF;
	_ =	sdelay $0x1  }
0x4b: {  	s16 =	simm.s32 $0x30;
	[tilespmem:s17+$0x8000] =	vst v2  }
0x4c: {  	v9 =	vld [tilespmem:s16+$0x8000];
	_ =	sdelay $0x3  }
0x4d: {  	s1 =	simm.s32 $0x40;
	s30 =	simm.s32 $0x140;
	s28 =	simm.s32 $0x180;
	[tilespmem:s16+$0x8000] =	vst v2;
	v13 =	vsub.s32 s31, v6  }
0x4e: {  	s29 =	simm.s32 $0x1C0;
	s8 =	simm.s32 $0x200;
	s5 =	simm.s32 $0x240;
	v6 =	vld [tilespmem:s1+$0x8000];
	[tilespmem:s1+$0x8000] =	vst v2;
	(xrf0) =	vadd.scan.msk.s32 $0xffff, v9;
	v12 =	vadd.s32 v12, v13  }
.LBB2_7:
0x4f: {  	p1 =	sne.s32 s5, $0x3FC0  }
0x50: {  	[tilespmem:s11+$0x9000] =	vst v12;
	s6 =	smov.u32 s5;
	s5 =	sadd.s32 $0x40, s5;
	s11 =	smov.u32 s2  }
.Ltmp2:
0x51: {  	s2 =	smov.u32 s17;
	s17 =	smov.u32 s16;
	(pc) =	sbr.rel @p1 .LBB2_7-.Ltmp2, $4  }
0x52: {  	s16 =	smov.u32 s1;
	s9 =	spop (v2sf)  }
0x53: {  	s31 =	sadd.s32 s31, s9  }
0x54: {  	s1 =	sshra.s32 s30, $0x2;
	s30 =	smov.u32 s28;
	s28 =	smov.u32 s29;
	(xrf0) =	vadd.scan.msk.s32 $0xffff, v6;
	v13, _, _ =	vpop (xrf0);
	v12 =	vsub.s32 s31, v8;
	v8 =	vmov v7;
	v7 =	vmov v9  }
0x55: {  	s29 =	smov.u32 s8;
	s8 =	smov.u32 s6;
	v9 =	vmovc v6;
	[tilespmem:s1+$0x8000] =	vst v2;
	(v2sf) =	vpush v13, $0xF;
	v12 =	vadd.s32 v11, v12;
	v11 =	vmovc v10;
	v10 =	vmov v13;
	v6 =	vld [tilespmem:s1+$0x8000]  }
0x56: {  	_ =	sdelay $0x7  }
0x57: {  	s5 =	spop (v2sf)  }
0x58: {  	s5 =	sadd.s32 s31, s5  }
0x59: {  	[tilespmem:s11+$0x9000] =	vst v12;
	s6 =	sshra.s32 s30, $0x2;
	s9 =	spop (v2sf);
	v8 =	vsub.s32 s5, v8  }
0x5a: {  	v12 =	vld [tilespmem:s6+$0x8000];
	[tilespmem:s6+$0x8000] =	vst v2;
	s11 =	sadd.s32 s5, s9;
	v8 =	vadd.s32 v11, v8  }
0x5b: {  	s5 =	sshra.s32 s28, $0x2;
	v7 =	vsub.s32 s11, v7;
	[tilespmem:s2+$0x9000] =	vst v8  }
0x5c: {  	v7 =	vadd.s32 v10, v7;
	v8 =	vld [tilespmem:s5+$0x8000];
	[tilespmem:s5+$0x8000] =	vst v2  }
0x5d: {  	s9 =	sshra.s32 s29, $0x2;
	[tilespmem:s17+$0x9000] =	vst v7;
	s28 =	spop (v2sf)  }
0x5e: {  	v62 =	vld [tilespmem:s9+$0x8000];
	s2 =	sadd.s32 s11, s28  }
0x5f: {  	v7, _, _ =	vpop (xrf0);
	v9 =	vsub.s32 s2, v9  }
0x60: {  	[tilespmem:s9+$0x8000] =	vst v2;
	(xrf0) =	vadd.scan.msk.s32 $0xffff, v6;
	v9 =	vadd.s32 v7, v9  }
0x61: {  	s8 =	sshra.s32 s8, $0x2;
	(xrf0) =	vadd.scan.msk.s32 $0xffff, v12;
	[tilespmem:s16+$0x9000] =	vst v9  }
0x62: {  	(xrf0) =	vadd.scan.msk.s32 $0xffff, v8;
	v9 =	vld [tilespmem:s8+$0x8000]  }
0x63: {  	(xrf0) =	vadd.scan.msk.s32 $0xffff, v62;
	_ =	sdelay $0x2  }
0x64: {  	(v2sf) =	vpush v7, $0xF;
	v7, _, _ =	vpop (xrf0)  }
0x65: {  	v63, _, _ =	vpop (xrf0);
	(v2sf) =	vpush v7, $0xF;
	(xrf0) =	vadd.scan.msk.s32 $0xffff, v9  }
0x66: {  	v13, _, _ =	vpop (xrf0);
	(v2sf) =	vpush v63, $0xF  }
0x67: {  	(v2sf) =	vpush v13, $0xF;
	v14, _, _ =	vpop (xrf0)  }
0x68: {  	(v2sf) =	vpush v14, $0xF;
	_ =	sdelay $0x2  }
0x69: {  	v15, _, _ =	vpop (xrf0)  }
0x6a: {  	(v2sf) =	vpush v15, $0xF;
	_ =	sdelay $0x6  }
0x6b: {  	s30 =	spop (v2sf)  }
0x6c: {  	s2 =	sadd.s32 s2, s30;
	s31 =	spop (v2sf)  }
0x6d: {  	v6 =	vsub.s32 s2, v6;
	s17 =	spop (v2sf);
	s2 =	sadd.s32 s2, s31  }
0x6e: {  	[tilespmem:s8+$0x8000] =	vst v2;
	v6 =	vadd.s32 v7, v6;
	v7 =	vsub.s32 s2, v12;
	s2 =	sadd.s32 s2, s17;
	s28 =	spop (v2sf)  }
0x6f: {  	[tilespmem:s1+$0x9000] =	vst v6;
	v6 =	vadd.s32 v63, v7;
	v7 =	vsub.s32 s2, v8;
	s29 =	sadd.s32 s2, s28;
	s30 =	spop (v2sf)  }
0x70: {  	[tilespmem:s6+$0x9000] =	vst v6;
	v6 =	vadd.s32 v13, v7;
	v7 =	vsub.s32 s29, v62;
	s1 =	sadd.s32 s29, s30  }
0x71: {  	[tilespmem:s5+$0x9000] =	vst v6;
	v6 =	vadd.s32 v14, v7;
	v7 =	vsub.s32 s1, v9  }
0x72: {  	s2 =	simm.s32 $0x16310;
	[tilespmem:s9+$0x9000] =	vst v6;
	v6 =	vadd.s32 v15, v7  }
0x73: {  	s1 =	simm.s32 $0xFFFFFFFE;
	s5 =	simm.s32 $0x10;
	[tilespmem:s8+$0x9000] =	vst v6;
	s31 =	spop (v2sf)  }
.LBB2_9:
0x74: {  	v6 =	vld [tilespmem:s2+$0xFFFFFFF0];
	_ =	sdelay $0x4  }
0x75: {  	v7 =	vshll.u32 v6, $0x4  }
0x76: {  	v7 =	vor.u32 v0, v7  }
0x77: {  	v7 =	vand.u32 $0xFFF, v7;
	_ =	sdelay $0x4  }
0x78: {  	v8 =	vld.idx.msk [tilespmem:v7+s20+$0x0], $0xffff;
	_ =	sdelay $0x4  }
0x79: {  	v9 =	vshll.u32 v8, $0x4  }
0x7a: {  	v10 =	vshra.s32 v8, $0x9;
	v9 =	vand.u32 $0x1FF0, v9  }
0x7b: {  	v9 =	vadd.s32 v10, v9;
	_ =	sdelay $0x2  }
0x7c: {  	v8 =	vadd.s32 $0x1, v8  }
0x7d: {  	s6 =	sadd.s32 $0xFFFFFFF0, s5;
	[tilespmem:v7+s20+$0x0] =	vst.idx.msk $0xffff, v8  }
0x7e: {  	v7 =	vor.u32 s6, v0;
	[tilespmem:v9+s21+$0x0] =	vst.idx.msk $0xffff, v6  }
0x7f: {  	[tilespmem:v9+s22+$0x0] =	vst.idx.msk $0xffff, v7  }
0x80: {  	v6 =	vld [tilespmem:s2+$0x0];
	_ =	sdelay $0x4  }
0x81: {  	v7 =	vshll.u32 v6, $0x4  }
0x82: {  	v7 =	vor.u32 v0, v7  }
0x83: {  	v7 =	vand.u32 $0xFFF, v7;
	_ =	sdelay $0x4  }
0x84: {  	v8 =	vld.idx.msk [tilespmem:v7+s20+$0x0], $0xffff;
	_ =	sdelay $0x4  }
0x85: {  	v62 =	vshll.u32 v8, $0x4  }
0x86: {  	v63 =	vshra.s32 v8, $0x9;
	v9 =	vand.u32 $0x1FF0, v62  }
0x87: {  	s1 =	sadd.s32 $0x2, s1;
	v9 =	vadd.s32 v63, v9  }
0x88: {  	p1 =	slt.u32 s1, $0x1FE  }
.Ltmp3:
0x89: {  	_ = 	snop;
	(pc) =	sbr.rel @p1 .LBB2_9-.Ltmp3, $4  }
0x8a: {  	v8 =	vadd.s32 $0x1, v8  }
0x8b: {  	[tilespmem:v7+s20+$0x0] =	vst.idx.msk $0xffff, v8  }
0x8c: {  	s8 =	simm.s32 $0xFFFFFFFC;
	v7 =	vor.u32 s5, v0;
	[tilespmem:v9+s21+$0x0] =	vst.idx.msk $0xffff, v6  }
0x8d: {  	s11 =	simm.s32 $0x2020;
	s2 =	sadd.s32 $0x20, s2;
	s5 =	sadd.s32 $0x20, s5;
	[tilespmem:v9+s22+$0x0] =	vst.idx.msk $0xffff, v7  }
.LBB2_10:
0x8e: {  	v6 =	vld [tilespmem:s11+$0xFFFFFFE0];
	_ =	sdelay $0x4  }
0x8f: {  	v6 =	vshrl.u32 v6, $0x4  }
0x90: {  	v6 =	vand.u32 $0xFF0, v6  }
0x91: {  	v6 =	vor.u32 v0, v6;
	_ =	sdelay $0x4  }
0x92: {  	[tilespmem:v6+s19+$0x0] =	vst.idx.add.s32.msk $0xffff, v3  }
0x93: {  	v6 =	vld [tilespmem:s11+$0xFFFFFFF0];
	_ =	sdelay $0x4  }
0x94: {  	v6 =	vshrl.u32 v6, $0x4  }
0x95: {  	v6 =	vand.u32 $0xFF0, v6  }
0x96: {  	v6 =	vor.u32 v0, v6;
	_ =	sdelay $0x4  }
0x97: {  	[tilespmem:v6+s19+$0x0] =	vst.idx.add.s32.msk $0xffff, v3  }
0x98: {  	v6 =	vld [tilespmem:s11+$0x0];
	_ =	sdelay $0x4  }
0x99: {  	v6 =	vshrl.u32 v6, $0x4  }
0x9a: {  	v6 =	vand.u32 $0xFF0, v6  }
0x9b: {  	v6 =	vor.u32 v0, v6;
	_ =	sdelay $0x4  }
0x9c: {  	[tilespmem:v6+s19+$0x0] =	vst.idx.add.s32.msk $0xffff, v3  }
0x9d: {  	v6 =	vld [tilespmem:s11+$0x10];
	_ =	sdelay $0x4  }
0x9e: {  	v6 =	vshrl.u32 v6, $0x4  }
0x9f: {  	s8 =	sadd.s32 $0x4, s8;
	v6 =	vand.u32 $0xFF0, v6  }
0xa0: {  	p1 =	slt.u32 s8, $0x1FC;
	v6 =	vor.u32 v0, v6  }
.Ltmp4:
0xa1: {  	_ = 	snop;
	(pc) =	sbr.rel @p1 .LBB2_10-.Ltmp4, $2  }
0xa2: {  	_ =	sdelay $0x2  }
0xa3: {  	s31 =	simm.s32 $0x0;
	s11 =	sadd.s32 $0x40, s11;
	[tilespmem:v6+s19+$0x0] =	vst.idx.add.s32.msk $0xffff, v3  }
0xa4: {  	s11 =	simm.s32 $0x0  }
0xa5: {  	v6 =	vld [tilespmem:s11+$0x8000]  }
0xa6: {  	s2 =	simm.s32 $0x10;
	[tilespmem:s11+$0x8000] =	vst v2  }
0xa7: {  	s17 =	simm.s32 $0x20;
	v8 =	vld [tilespmem:s2+$0x8000];
	[tilespmem:s2+$0x8000] =	vst v2  }
0xa8: {  	v7 =	vld [tilespmem:s17+$0x8000];
	_ =	sdelay $0x1  }
0xa9: {  	(xrf0) =	vadd.scan.msk.s32 $0xffff, v6;
	_ =	sdelay $0x1  }
0xaa: {  	(xrf0) =	vadd.scan.msk.s32 $0xffff, v8  }
0xab: {  	(xrf0) =	vadd.scan.msk.s32 $0xffff, v7;
	_ =	sdelay $0x2  }
0xac: {  	v12, _, _ =	vpop (xrf0)  }
0xad: {  	(v2sf) =	vpush v12, $0xF  }
0xae: {  	v11, _, _ =	vpop (xrf0)  }
0xaf: {  	(v2sf) =	vpush v11, $0xF;
	v10, _, _ =	vpop (xrf0)  }
0xb0: {  	(v2sf) =	vpush v10, $0xF;
	_ =	sdelay $0x1  }
0xb1: {  	s16 =	simm.s32 $0x30;
	[tilespmem:s17+$0x8000] =	vst v2  }
0xb2: {  	v9 =	vld [tilespmem:s16+$0x8000];
	_ =	sdelay $0x3  }
0xb3: {  	s1 =	simm.s32 $0x40;
	s30 =	simm.s32 $0x140;
	s28 =	simm.s32 $0x180;
	[tilespmem:s16+$0x8000] =	vst v2;
	v13 =	vsub.s32 s31, v6  }
0xb4: {  	s29 =	simm.s32 $0x1C0;
	s8 =	simm.s32 $0x200;
	s5 =	simm.s32 $0x240;
	v6 =	vld [tilespmem:s1+$0x8000];
	[tilespmem:s1+$0x8000] =	vst v2;
	(xrf0) =	vadd.scan.msk.s32 $0xffff, v9;
	v12 =	vadd.s32 v12, v13  }
.LBB2_12:
0xb5: {  	p1 =	sne.s32 s5, $0x3FC0  }
0xb6: {  	[tilespmem:s11+$0x9000] =	vst v12;
	s6 =	smov.u32 s5;
	s5 =	sadd.s32 $0x40, s5;
	s11 =	smov.u32 s2  }
.Ltmp5:
0xb7: {  	s2 =	smov.u32 s17;
	s17 =	smov.u32 s16;
	(pc) =	sbr.rel @p1 .LBB2_12-.Ltmp5, $4  }
0xb8: {  	s16 =	smov.u32 s1;
	s9 =	spop (v2sf)  }
0xb9: {  	s31 =	sadd.s32 s31, s9  }
0xba: {  	s1 =	sshra.s32 s30, $0x2;
	s30 =	smov.u32 s28;
	s28 =	smov.u32 s29;
	(xrf0) =	vadd.scan.msk.s32 $0xffff, v6;
	v13, _, _ =	vpop (xrf0);
	v12 =	vsub.s32 s31, v8;
	v8 =	vmov v7;
	v7 =	vmov v9  }
0xbb: {  	s29 =	smov.u32 s8;
	s8 =	smov.u32 s6;
	v9 =	vmovc v6;
	[tilespmem:s1+$0x8000] =	vst v2;
	(v2sf) =	vpush v13, $0xF;
	v12 =	vadd.s32 v11, v12;
	v11 =	vmovc v10;
	v10 =	vmov v13;
	v6 =	vld [tilespmem:s1+$0x8000]  }
0xbc: {  	_ =	sdelay $0x7  }
0xbd: {  	s5 =	spop (v2sf)  }
0xbe: {  	s5 =	sadd.s32 s31, s5  }
0xbf: {  	[tilespmem:s11+$0x9000] =	vst v12;
	s6 =	sshra.s32 s30, $0x2;
	s9 =	spop (v2sf);
	v8 =	vsub.s32 s5, v8  }
0xc0: {  	v12 =	vld [tilespmem:s6+$0x8000];
	[tilespmem:s6+$0x8000] =	vst v2;
	s11 =	sadd.s32 s5, s9;
	v8 =	vadd.s32 v11, v8  }
0xc1: {  	s5 =	sshra.s32 s28, $0x2;
	v7 =	vsub.s32 s11, v7;
	[tilespmem:s2+$0x9000] =	vst v8  }
0xc2: {  	v7 =	vadd.s32 v10, v7;
	v8 =	vld [tilespmem:s5+$0x8000];
	[tilespmem:s5+$0x8000] =	vst v2  }
0xc3: {  	s9 =	sshra.s32 s29, $0x2;
	[tilespmem:s17+$0x9000] =	vst v7;
	s28 =	spop (v2sf)  }
0xc4: {  	v62 =	vld [tilespmem:s9+$0x8000];
	s2 =	sadd.s32 s11, s28  }
0xc5: {  	v7, _, _ =	vpop (xrf0);
	v9 =	vsub.s32 s2, v9  }
0xc6: {  	[tilespmem:s9+$0x8000] =	vst v2;
	(xrf0) =	vadd.scan.msk.s32 $0xffff, v6;
	v9 =	vadd.s32 v7, v9  }
0xc7: {  	s8 =	sshra.s32 s8, $0x2;
	(xrf0) =	vadd.scan.msk.s32 $0xffff, v12;
	[tilespmem:s16+$0x9000] =	vst v9  }
0xc8: {  	(xrf0) =	vadd.scan.msk.s32 $0xffff, v8;
	v9 =	vld [tilespmem:s8+$0x8000]  }
0xc9: {  	(xrf0) =	vadd.scan.msk.s32 $0xffff, v62;
	_ =	sdelay $0x2  }
0xca: {  	(v2sf) =	vpush v7, $0xF;
	v7, _, _ =	vpop (xrf0)  }
0xcb: {  	v63, _, _ =	vpop (xrf0);
	(v2sf) =	vpush v7, $0xF;
	(xrf0) =	vadd.scan.msk.s32 $0xffff, v9  }
0xcc: {  	v13, _, _ =	vpop (xrf0);
	(v2sf) =	vpush v63, $0xF  }
0xcd: {  	(v2sf) =	vpush v13, $0xF;
	v14, _, _ =	vpop (xrf0)  }
0xce: {  	(v2sf) =	vpush v14, $0xF;
	_ =	sdelay $0x2  }
0xcf: {  	v15, _, _ =	vpop (xrf0)  }
0xd0: {  	(v2sf) =	vpush v15, $0xF;
	_ =	sdelay $0x6  }
0xd1: {  	s30 =	spop (v2sf)  }
0xd2: {  	s2 =	sadd.s32 s2, s30;
	s31 =	spop (v2sf)  }
0xd3: {  	v6 =	vsub.s32 s2, v6;
	s17 =	spop (v2sf);
	s2 =	sadd.s32 s2, s31  }
0xd4: {  	[tilespmem:s8+$0x8000] =	vst v2;
	v6 =	vadd.s32 v7, v6;
	v7 =	vsub.s32 s2, v12;
	s2 =	sadd.s32 s2, s17;
	s28 =	spop (v2sf)  }
0xd5: {  	[tilespmem:s1+$0x9000] =	vst v6;
	v6 =	vadd.s32 v63, v7;
	v7 =	vsub.s32 s2, v8;
	s29 =	sadd.s32 s2, s28;
	s30 =	spop (v2sf)  }
0xd6: {  	[tilespmem:s6+$0x9000] =	vst v6;
	v6 =	vadd.s32 v13, v7;
	v7 =	vsub.s32 s29, v62;
	s1 =	sadd.s32 s29, s30  }
0xd7: {  	[tilespmem:s5+$0x9000] =	vst v6;
	v6 =	vadd.s32 v14, v7;
	v7 =	vsub.s32 s1, v9  }
0xd8: {  	s2 =	simm.s32 $0x6010;
	[tilespmem:s9+$0x9000] =	vst v6;
	v6 =	vadd.s32 v15, v7  }
0xd9: {  	s1 =	simm.s32 $0xFFFFFFFE;
	s5 =	simm.s32 $0x2010;
	[tilespmem:s8+$0x9000] =	vst v6;
	s31 =	spop (v2sf)  }
.LBB2_14:
0xda: {  	v6 =	vld [tilespmem:s5+$0xFFFFFFF0];
	_ =	sdelay $0x4  }
0xdb: {  	v7 =	vshrl.u32 v6, $0x4  }
0xdc: {  	v7 =	vand.u32 $0xFF0, v7  }
0xdd: {  	v7 =	vor.u32 v0, v7;
	_ =	sdelay $0x4  }
0xde: {  	v8 =	vld.idx.msk [tilespmem:v7+s20+$0x0], $0xffff;
	_ =	sdelay $0x4  }
0xdf: {  	v9 =	vshll.u32 v8, $0x4  }
0xe0: {  	v10 =	vshra.s32 v8, $0x9;
	v9 =	vand.u32 $0x1FF0, v9  }
0xe1: {  	v9 =	vadd.s32 v10, v9  }
0xe2: {  	v60 =	vld [tilespmem:s2+$0xFFFFFFF0];
	_ =	sdelay $0x1  }
0xe3: {  	v8 =	vadd.s32 $0x1, v8  }
0xe4: {  	[tilespmem:v7+s20+$0x0] =	vst.idx.msk $0xffff, v8  }
0xe5: {  	[tilespmem:v9+s3+$0x0] =	vst.idx.msk $0xffff, v6  }
0xe6: {  	[tilespmem:v9+s23+$0x0] =	vst.idx.msk $0xffff, v60  }
0xe7: {  	v6 =	vld [tilespmem:s5+$0x0];
	_ =	sdelay $0x4  }
0xe8: {  	v7 =	vshrl.u32 v6, $0x4  }
0xe9: {  	v7 =	vand.u32 $0xFF0, v7  }
0xea: {  	v7 =	vor.u32 v0, v7;
	_ =	sdelay $0x4  }
0xeb: {  	v8 =	vld.idx.msk [tilespmem:v7+s20+$0x0], $0xffff;
	_ =	sdelay $0x4  }
0xec: {  	v61 =	vshll.u32 v8, $0x4  }
0xed: {  	v62 =	vshra.s32 v8, $0x9;
	v9 =	vand.u32 $0x1FF0, v61  }
0xee: {  	s1 =	sadd.s32 $0x2, s1;
	v9 =	vadd.s32 v62, v9  }
0xef: {  	p1 =	slt.u32 s1, $0x1FE;
	v63 =	vld [tilespmem:s2+$0x0]  }
.Ltmp6:
0xf0: {  	_ = 	snop;
	(pc) =	sbr.rel @p1 .LBB2_14-.Ltmp6, $4  }
0xf1: {  	v8 =	vadd.s32 $0x1, v8  }
0xf2: {  	[tilespmem:v7+s20+$0x0] =	vst.idx.msk $0xffff, v8  }
0xf3: {  	s8 =	simm.s32 $0xFFFFFFFC;
	[tilespmem:v9+s3+$0x0] =	vst.idx.msk $0xffff, v6  }
0xf4: {  	s11 =	simm.s32 $0x20;
	s2 =	sadd.s32 $0x20, s2;
	s5 =	sadd.s32 $0x20, s5;
	[tilespmem:v9+s23+$0x0] =	vst.idx.msk $0xffff, v63  }
.LBB2_15:
0xf5: {  	v6 =	vld [tilespmem:s11+$0xFFFFFFE0];
	_ =	sdelay $0x4  }
0xf6: {  	v6 =	vshrl.u32 v6, $0xC  }
0xf7: {  	v6 =	vand.u32 $0xFF0, v6  }
0xf8: {  	v6 =	vor.u32 v0, v6;
	_ =	sdelay $0x4  }
0xf9: {  	[tilespmem:v6+s19+$0x0] =	vst.idx.add.s32.msk $0xffff, v3  }
0xfa: {  	v6 =	vld [tilespmem:s11+$0xFFFFFFF0];
	_ =	sdelay $0x4  }
0xfb: {  	v6 =	vshrl.u32 v6, $0xC  }
0xfc: {  	v6 =	vand.u32 $0xFF0, v6  }
0xfd: {  	v6 =	vor.u32 v0, v6;
	_ =	sdelay $0x4  }
0xfe: {  	[tilespmem:v6+s19+$0x0] =	vst.idx.add.s32.msk $0xffff, v3  }
0xff: {  	v6 =	vld [tilespmem:s11+$0x0];
	_ =	sdelay $0x4  }
0x100: {  	v6 =	vshrl.u32 v6, $0xC  }
0x101: {  	v6 =	vand.u32 $0xFF0, v6  }
0x102: {  	v6 =	vor.u32 v0, v6;
	_ =	sdelay $0x4  }
0x103: {  	[tilespmem:v6+s19+$0x0] =	vst.idx.add.s32.msk $0xffff, v3  }
0x104: {  	v6 =	vld [tilespmem:s11+$0x10];
	_ =	sdelay $0x4  }
0x105: {  	v6 =	vshrl.u32 v6, $0xC  }
0x106: {  	s8 =	sadd.s32 $0x4, s8;
	v6 =	vand.u32 $0xFF0, v6  }
0x107: {  	p1 =	slt.u32 s8, $0x1FC;
	v6 =	vor.u32 v0, v6  }
.Ltmp7:
0x108: {  	_ = 	snop;
	(pc) =	sbr.rel @p1 .LBB2_15-.Ltmp7, $2  }
0x109: {  	_ =	sdelay $0x2  }
0x10a: {  	s31 =	simm.s32 $0x0;
	s11 =	sadd.s32 $0x40, s11;
	[tilespmem:v6+s19+$0x0] =	vst.idx.add.s32.msk $0xffff, v3  }
0x10b: {  	s11 =	simm.s32 $0x0  }
0x10c: {  	v6 =	vld [tilespmem:s11+$0x8000]  }
0x10d: {  	s2 =	simm.s32 $0x10;
	[tilespmem:s11+$0x8000] =	vst v2  }
0x10e: {  	s17 =	simm.s32 $0x20;
	v8 =	vld [tilespmem:s2+$0x8000];
	[tilespmem:s2+$0x8000] =	vst v2  }
0x10f: {  	v7 =	vld [tilespmem:s17+$0x8000];
	_ =	sdelay $0x1  }
0x110: {  	(xrf0) =	vadd.scan.msk.s32 $0xffff, v6;
	_ =	sdelay $0x1  }
0x111: {  	(xrf0) =	vadd.scan.msk.s32 $0xffff, v8  }
0x112: {  	(xrf0) =	vadd.scan.msk.s32 $0xffff, v7;
	_ =	sdelay $0x2  }
0x113: {  	v12, _, _ =	vpop (xrf0)  }
0x114: {  	(v2sf) =	vpush v12, $0xF  }
0x115: {  	v11, _, _ =	vpop (xrf0)  }
0x116: {  	(v2sf) =	vpush v11, $0xF;
	v10, _, _ =	vpop (xrf0)  }
0x117: {  	(v2sf) =	vpush v10, $0xF;
	_ =	sdelay $0x1  }
0x118: {  	s16 =	simm.s32 $0x30;
	[tilespmem:s17+$0x8000] =	vst v2  }
0x119: {  	v9 =	vld [tilespmem:s16+$0x8000];
	_ =	sdelay $0x3  }
0x11a: {  	s1 =	simm.s32 $0x40;
	s30 =	simm.s32 $0x140;
	s28 =	simm.s32 $0x180;
	[tilespmem:s16+$0x8000] =	vst v2;
	v13 =	vsub.s32 s31, v6  }
0x11b: {  	s29 =	simm.s32 $0x1C0;
	s8 =	simm.s32 $0x200;
	s5 =	simm.s32 $0x240;
	v6 =	vld [tilespmem:s1+$0x8000];
	[tilespmem:s1+$0x8000] =	vst v2;
	(xrf0) =	vadd.scan.msk.s32 $0xffff, v9;
	v12 =	vadd.s32 v12, v13  }
.LBB2_17:
0x11c: {  	p1 =	sne.s32 s5, $0x3FC0  }
0x11d: {  	[tilespmem:s11+$0x9000] =	vst v12;
	s6 =	smov.u32 s5;
	s5 =	sadd.s32 $0x40, s5;
	s11 =	smov.u32 s2  }
.Ltmp8:
0x11e: {  	s2 =	smov.u32 s17;
	s17 =	smov.u32 s16;
	(pc) =	sbr.rel @p1 .LBB2_17-.Ltmp8, $4  }
0x11f: {  	s16 =	smov.u32 s1;
	s9 =	spop (v2sf)  }
0x120: {  	s31 =	sadd.s32 s31, s9  }
0x121: {  	s1 =	sshra.s32 s30, $0x2;
	s30 =	smov.u32 s28;
	s28 =	smov.u32 s29;
	(xrf0) =	vadd.scan.msk.s32 $0xffff, v6;
	v13, _, _ =	vpop (xrf0);
	v12 =	vsub.s32 s31, v8;
	v8 =	vmov v7;
	v7 =	vmov v9  }
0x122: {  	s29 =	smov.u32 s8;
	s8 =	smov.u32 s6;
	v9 =	vmovc v6;
	[tilespmem:s1+$0x8000] =	vst v2;
	(v2sf) =	vpush v13, $0xF;
	v12 =	vadd.s32 v11, v12;
	v11 =	vmovc v10;
	v10 =	vmov v13;
	v6 =	vld [tilespmem:s1+$0x8000]  }
0x123: {  	_ =	sdelay $0x7  }
0x124: {  	s5 =	spop (v2sf)  }
0x125: {  	s5 =	sadd.s32 s31, s5  }
0x126: {  	[tilespmem:s11+$0x9000] =	vst v12;
	s6 =	sshra.s32 s30, $0x2;
	s9 =	spop (v2sf);
	v8 =	vsub.s32 s5, v8  }
0x127: {  	v12 =	vld [tilespmem:s6+$0x8000];
	[tilespmem:s6+$0x8000] =	vst v2;
	s11 =	sadd.s32 s5, s9;
	v8 =	vadd.s32 v11, v8  }
0x128: {  	s5 =	sshra.s32 s28, $0x2;
	v7 =	vsub.s32 s11, v7;
	[tilespmem:s2+$0x9000] =	vst v8  }
0x129: {  	v7 =	vadd.s32 v10, v7;
	v8 =	vld [tilespmem:s5+$0x8000];
	[tilespmem:s5+$0x8000] =	vst v2  }
0x12a: {  	s9 =	sshra.s32 s29, $0x2;
	[tilespmem:s17+$0x9000] =	vst v7;
	s28 =	spop (v2sf)  }
0x12b: {  	v62 =	vld [tilespmem:s9+$0x8000];
	s2 =	sadd.s32 s11, s28  }
0x12c: {  	v7, _, _ =	vpop (xrf0);
	v9 =	vsub.s32 s2, v9  }
0x12d: {  	[tilespmem:s9+$0x8000] =	vst v2;
	(xrf0) =	vadd.scan.msk.s32 $0xffff, v6;
	v9 =	vadd.s32 v7, v9  }
0x12e: {  	s8 =	sshra.s32 s8, $0x2;
	(xrf0) =	vadd.scan.msk.s32 $0xffff, v12;
	[tilespmem:s16+$0x9000] =	vst v9  }
0x12f: {  	(xrf0) =	vadd.scan.msk.s32 $0xffff, v8;
	v9 =	vld [tilespmem:s8+$0x8000]  }
0x130: {  	(xrf0) =	vadd.scan.msk.s32 $0xffff, v62;
	_ =	sdelay $0x2  }
0x131: {  	(v2sf) =	vpush v7, $0xF;
	v7, _, _ =	vpop (xrf0)  }
0x132: {  	v63, _, _ =	vpop (xrf0);
	(v2sf) =	vpush v7, $0xF;
	(xrf0) =	vadd.scan.msk.s32 $0xffff, v9  }
0x133: {  	v13, _, _ =	vpop (xrf0);
	(v2sf) =	vpush v63, $0xF  }
0x134: {  	(v2sf) =	vpush v13, $0xF;
	v14, _, _ =	vpop (xrf0)  }
0x135: {  	(v2sf) =	vpush v14, $0xF;
	_ =	sdelay $0x2  }
0x136: {  	v15, _, _ =	vpop (xrf0)  }
0x137: {  	(v2sf) =	vpush v15, $0xF;
	_ =	sdelay $0x6  }
0x138: {  	s30 =	spop (v2sf)  }
0x139: {  	s2 =	sadd.s32 s2, s30;
	s31 =	spop (v2sf)  }
0x13a: {  	v6 =	vsub.s32 s2, v6;
	s17 =	spop (v2sf);
	s2 =	sadd.s32 s2, s31  }
0x13b: {  	[tilespmem:s8+$0x8000] =	vst v2;
	v6 =	vadd.s32 v7, v6;
	v7 =	vsub.s32 s2, v12;
	s2 =	sadd.s32 s2, s17;
	s28 =	spop (v2sf)  }
0x13c: {  	[tilespmem:s1+$0x9000] =	vst v6;
	v6 =	vadd.s32 v63, v7;
	v7 =	vsub.s32 s2, v8;
	s29 =	sadd.s32 s2, s28;
	s30 =	spop (v2sf)  }
0x13d: {  	[tilespmem:s6+$0x9000] =	vst v6;
	v6 =	vadd.s32 v13, v7;
	v7 =	vsub.s32 s29, v62;
	s1 =	sadd.s32 s29, s30  }
0x13e: {  	[tilespmem:s5+$0x9000] =	vst v6;
	v6 =	vadd.s32 v14, v7;
	v7 =	vsub.s32 s1, v9  }
0x13f: {  	s2 =	simm.s32 $0x4010;
	[tilespmem:s9+$0x9000] =	vst v6;
	v6 =	vadd.s32 v15, v7  }
0x140: {  	s1 =	simm.s32 $0xFFFFFFFE;
	s5 =	simm.s32 $0x10;
	[tilespmem:s8+$0x9000] =	vst v6;
	s31 =	spop (v2sf)  }
.LBB2_19:
0x141: {  	v6 =	vld [tilespmem:s5+$0xFFFFFFF0];
	_ =	sdelay $0x4  }
0x142: {  	v7 =	vshrl.u32 v6, $0xC  }
0x143: {  	v7 =	vand.u32 $0xFF0, v7  }
0x144: {  	v7 =	vor.u32 v0, v7;
	_ =	sdelay $0x4  }
0x145: {  	v8 =	vld.idx.msk [tilespmem:v7+s20+$0x0], $0xffff;
	_ =	sdelay $0x4  }
0x146: {  	v9 =	vshll.u32 v8, $0x4  }
0x147: {  	v10 =	vshra.s32 v8, $0x9;
	v9 =	vand.u32 $0x1FF0, v9  }
0x148: {  	v9 =	vadd.s32 v10, v9  }
0x149: {  	v60 =	vld [tilespmem:s2+$0xFFFFFFF0];
	_ =	sdelay $0x1  }
0x14a: {  	v8 =	vadd.s32 $0x1, v8  }
0x14b: {  	[tilespmem:v7+s20+$0x0] =	vst.idx.msk $0xffff, v8  }
0x14c: {  	[tilespmem:v9+s21+$0x0] =	vst.idx.msk $0xffff, v6  }
0x14d: {  	[tilespmem:v9+s22+$0x0] =	vst.idx.msk $0xffff, v60  }
0x14e: {  	v6 =	vld [tilespmem:s5+$0x0];
	_ =	sdelay $0x4  }
0x14f: {  	v7 =	vshrl.u32 v6, $0xC  }
0x150: {  	v7 =	vand.u32 $0xFF0, v7  }
0x151: {  	v7 =	vor.u32 v0, v7;
	_ =	sdelay $0x4  }
0x152: {  	v8 =	vld.idx.msk [tilespmem:v7+s20+$0x0], $0xffff;
	_ =	sdelay $0x4  }
0x153: {  	v61 =	vshll.u32 v8, $0x4  }
0x154: {  	v62 =	vshra.s32 v8, $0x9;
	v9 =	vand.u32 $0x1FF0, v61  }
0x155: {  	s1 =	sadd.s32 $0x2, s1;
	v9 =	vadd.s32 v62, v9  }
0x156: {  	p1 =	slt.u32 s1, $0x1FE;
	v63 =	vld [tilespmem:s2+$0x0]  }
.Ltmp9:
0x157: {  	_ = 	snop;
	(pc) =	sbr.rel @p1 .LBB2_19-.Ltmp9, $4  }
0x158: {  	v8 =	vadd.s32 $0x1, v8  }
0x159: {  	[tilespmem:v7+s20+$0x0] =	vst.idx.msk $0xffff, v8  }
0x15a: {  	s8 =	simm.s32 $0xFFFFFFFC;
	[tilespmem:v9+s21+$0x0] =	vst.idx.msk $0xffff, v6  }
0x15b: {  	s11 =	simm.s32 $0x2020;
	s2 =	sadd.s32 $0x20, s2;
	s5 =	sadd.s32 $0x20, s5;
	[tilespmem:v9+s22+$0x0] =	vst.idx.msk $0xffff, v63  }
.LBB2_20:
0x15c: {  	v6 =	vld [tilespmem:s11+$0xFFFFFFE0];
	_ =	sdelay $0x4  }
0x15d: {  	v6 =	vshrl.u32 v6, $0x14  }
0x15e: {  	v6 =	vand.u32 $0x3F0, v6  }
0x15f: {  	v6 =	vor.u32 v0, v6;
	_ =	sdelay $0x4  }
0x160: {  	[tilespmem:v6+s19+$0x0] =	vst.idx.add.s32.msk $0xffff, v3  }
0x161: {  	v6 =	vld [tilespmem:s11+$0xFFFFFFF0];
	_ =	sdelay $0x4  }
0x162: {  	v6 =	vshrl.u32 v6, $0x14  }
0x163: {  	v6 =	vand.u32 $0x3F0, v6  }
0x164: {  	v6 =	vor.u32 v0, v6;
	_ =	sdelay $0x4  }
0x165: {  	[tilespmem:v6+s19+$0x0] =	vst.idx.add.s32.msk $0xffff, v3  }
0x166: {  	v6 =	vld [tilespmem:s11+$0x0];
	_ =	sdelay $0x4  }
0x167: {  	v6 =	vshrl.u32 v6, $0x14  }
0x168: {  	v6 =	vand.u32 $0x3F0, v6  }
0x169: {  	v6 =	vor.u32 v0, v6;
	_ =	sdelay $0x4  }
0x16a: {  	[tilespmem:v6+s19+$0x0] =	vst.idx.add.s32.msk $0xffff, v3  }
0x16b: {  	v6 =	vld [tilespmem:s11+$0x10];
	_ =	sdelay $0x4  }
0x16c: {  	v6 =	vshrl.u32 v6, $0x14  }
0x16d: {  	s8 =	sadd.s32 $0x4, s8;
	v6 =	vand.u32 $0x3F0, v6  }
0x16e: {  	p1 =	slt.u32 s8, $0x1FC;
	v6 =	vor.u32 v0, v6  }
.Ltmp10:
0x16f: {  	_ = 	snop;
	(pc) =	sbr.rel @p1 .LBB2_20-.Ltmp10, $2  }
0x170: {  	_ =	sdelay $0x2  }
0x171: {  	s31 =	simm.s32 $0x0;
	s11 =	sadd.s32 $0x40, s11;
	[tilespmem:v6+s19+$0x0] =	vst.idx.add.s32.msk $0xffff, v3  }
0x172: {  	s11 =	simm.s32 $0x0  }
0x173: {  	v6 =	vld [tilespmem:s11+$0x8000]  }
0x174: {  	s2 =	simm.s32 $0x10;
	[tilespmem:s11+$0x8000] =	vst v2  }
0x175: {  	s17 =	simm.s32 $0x20;
	v8 =	vld [tilespmem:s2+$0x8000];
	[tilespmem:s2+$0x8000] =	vst v2  }
0x176: {  	v7 =	vld [tilespmem:s17+$0x8000];
	_ =	sdelay $0x1  }
0x177: {  	(xrf0) =	vadd.scan.msk.s32 $0xffff, v6;
	_ =	sdelay $0x1  }
0x178: {  	(xrf0) =	vadd.scan.msk.s32 $0xffff, v8  }
0x179: {  	(xrf0) =	vadd.scan.msk.s32 $0xffff, v7;
	_ =	sdelay $0x2  }
0x17a: {  	v12, _, _ =	vpop (xrf0)  }
0x17b: {  	(v2sf) =	vpush v12, $0xF  }
0x17c: {  	v11, _, _ =	vpop (xrf0)  }
0x17d: {  	(v2sf) =	vpush v11, $0xF;
	v10, _, _ =	vpop (xrf0)  }
0x17e: {  	(v2sf) =	vpush v10, $0xF;
	_ =	sdelay $0x1  }
0x17f: {  	s16 =	simm.s32 $0x30;
	[tilespmem:s17+$0x8000] =	vst v2  }
0x180: {  	v9 =	vld [tilespmem:s16+$0x8000];
	_ =	sdelay $0x3  }
0x181: {  	s1 =	simm.s32 $0x40;
	s30 =	simm.s32 $0x140;
	s28 =	simm.s32 $0x180;
	[tilespmem:s16+$0x8000] =	vst v2;
	v13 =	vsub.s32 s31, v6  }
0x182: {  	s29 =	simm.s32 $0x1C0;
	s8 =	simm.s32 $0x200;
	s5 =	simm.s32 $0x240;
	v6 =	vld [tilespmem:s1+$0x8000];
	[tilespmem:s1+$0x8000] =	vst v2;
	(xrf0) =	vadd.scan.msk.s32 $0xffff, v9;
	v12 =	vadd.s32 v12, v13  }
.LBB2_22:
0x183: {  	p1 =	sne.s32 s5, $0xFC0  }
0x184: {  	[tilespmem:s11+$0x9000] =	vst v12;
	s6 =	smov.u32 s5;
	s5 =	sadd.s32 $0x40, s5;
	s11 =	smov.u32 s2  }
.Ltmp11:
0x185: {  	s2 =	smov.u32 s17;
	s17 =	smov.u32 s16;
	(pc) =	sbr.rel @p1 .LBB2_22-.Ltmp11, $4  }
0x186: {  	s16 =	smov.u32 s1;
	s9 =	spop (v2sf)  }
0x187: {  	s31 =	sadd.s32 s31, s9  }
0x188: {  	s1 =	sshra.s32 s30, $0x2;
	s30 =	smov.u32 s28;
	s28 =	smov.u32 s29;
	(xrf0) =	vadd.scan.msk.s32 $0xffff, v6;
	v13, _, _ =	vpop (xrf0);
	v12 =	vsub.s32 s31, v8;
	v8 =	vmov v7;
	v7 =	vmov v9  }
0x189: {  	s29 =	smov.u32 s8;
	s8 =	smov.u32 s6;
	v9 =	vmovc v6;
	[tilespmem:s1+$0x8000] =	vst v2;
	(v2sf) =	vpush v13, $0xF;
	v12 =	vadd.s32 v11, v12;
	v11 =	vmovc v10;
	v10 =	vmov v13;
	v6 =	vld [tilespmem:s1+$0x8000]  }
0x18a: {  	_ =	sdelay $0x7  }
0x18b: {  	s5 =	spop (v2sf)  }
0x18c: {  	s5 =	sadd.s32 s31, s5  }
0x18d: {  	[tilespmem:s11+$0x9000] =	vst v12;
	s6 =	sshra.s32 s30, $0x2;
	s9 =	spop (v2sf);
	v8 =	vsub.s32 s5, v8  }
0x18e: {  	v12 =	vld [tilespmem:s6+$0x8000];
	[tilespmem:s6+$0x8000] =	vst v2;
	s11 =	sadd.s32 s5, s9;
	v8 =	vadd.s32 v11, v8  }
0x18f: {  	s5 =	sshra.s32 s28, $0x2;
	v7 =	vsub.s32 s11, v7;
	[tilespmem:s2+$0x9000] =	vst v8  }
0x190: {  	v7 =	vadd.s32 v10, v7;
	v8 =	vld [tilespmem:s5+$0x8000];
	[tilespmem:s5+$0x8000] =	vst v2  }
0x191: {  	s9 =	sshra.s32 s29, $0x2;
	[tilespmem:s17+$0x9000] =	vst v7;
	s28 =	spop (v2sf)  }
0x192: {  	v62 =	vld [tilespmem:s9+$0x8000];
	s2 =	sadd.s32 s11, s28  }
0x193: {  	v7, _, _ =	vpop (xrf0);
	v9 =	vsub.s32 s2, v9  }
0x194: {  	[tilespmem:s9+$0x8000] =	vst v2;
	(xrf0) =	vadd.scan.msk.s32 $0xffff, v6;
	v9 =	vadd.s32 v7, v9  }
0x195: {  	s8 =	sshra.s32 s8, $0x2;
	(xrf0) =	vadd.scan.msk.s32 $0xffff, v12;
	[tilespmem:s16+$0x9000] =	vst v9  }
0x196: {  	(xrf0) =	vadd.scan.msk.s32 $0xffff, v8;
	v9 =	vld [tilespmem:s8+$0x8000]  }
0x197: {  	(xrf0) =	vadd.scan.msk.s32 $0xffff, v62;
	_ =	sdelay $0x2  }
0x198: {  	(v2sf) =	vpush v7, $0xF;
	v7, _, _ =	vpop (xrf0)  }
0x199: {  	v63, _, _ =	vpop (xrf0);
	(v2sf) =	vpush v7, $0xF;
	(xrf0) =	vadd.scan.msk.s32 $0xffff, v9  }
0x19a: {  	v13, _, _ =	vpop (xrf0);
	(v2sf) =	vpush v63, $0xF  }
0x19b: {  	(v2sf) =	vpush v13, $0xF;
	v14, _, _ =	vpop (xrf0)  }
0x19c: {  	(v2sf) =	vpush v14, $0xF;
	_ =	sdelay $0x2  }
0x19d: {  	v15, _, _ =	vpop (xrf0)  }
0x19e: {  	(v2sf) =	vpush v15, $0xF;
	_ =	sdelay $0x6  }
0x19f: {  	s30 =	spop (v2sf)  }
0x1a0: {  	s2 =	sadd.s32 s2, s30;
	s31 =	spop (v2sf)  }
0x1a1: {  	v6 =	vsub.s32 s2, v6;
	s17 =	spop (v2sf);
	s2 =	sadd.s32 s2, s31  }
0x1a2: {  	[tilespmem:s8+$0x8000] =	vst v2;
	v6 =	vadd.s32 v7, v6;
	v7 =	vsub.s32 s2, v12;
	s2 =	sadd.s32 s2, s17;
	s28 =	spop (v2sf)  }
0x1a3: {  	[tilespmem:s1+$0x9000] =	vst v6;
	v6 =	vadd.s32 v63, v7;
	v7 =	vsub.s32 s2, v8;
	s29 =	sadd.s32 s2, s28;
	s30 =	spop (v2sf)  }
0x1a4: {  	[tilespmem:s6+$0x9000] =	vst v6;
	v6 =	vadd.s32 v13, v7;
	v7 =	vsub.s32 s29, v62;
	s1 =	sadd.s32 s29, s30  }
0x1a5: {  	[tilespmem:s5+$0x9000] =	vst v6;
	v6 =	vadd.s32 v14, v7;
	v7 =	vsub.s32 s1, v9  }
0x1a6: {  	s2 =	simm.s32 $0x6010;
	[tilespmem:s9+$0x9000] =	vst v6;
	v6 =	vadd.s32 v15, v7  }
0x1a7: {  	s1 =	simm.s32 $0xFFFFFFFE;
	s5 =	simm.s32 $0x2010;
	[tilespmem:s8+$0x9000] =	vst v6;
	s31 =	spop (v2sf)  }
.LBB2_24:
0x1a8: {  	v6 =	vld [tilespmem:s5+$0xFFFFFFF0];
	_ =	sdelay $0x4  }
0x1a9: {  	v6 =	vshrl.u32 v6, $0x14  }
0x1aa: {  	v6 =	vand.u32 $0x3F0, v6  }
0x1ab: {  	v6 =	vor.u32 v0, v6;
	_ =	sdelay $0x4  }
0x1ac: {  	v7 =	vld.idx.msk [tilespmem:v6+s20+$0x0], $0xffff;
	_ =	sdelay $0x2  }
0x1ad: {  	v8 =	vld [tilespmem:s2+$0xFFFFFFF0];
	_ =	sdelay $0x2  }
0x1ae: {  	v9 =	vadd.s32 $0x1, v7  }
0x1af: {  	[tilespmem:v6+s20+$0x0] =	vst.idx.msk $0xffff, v9  }
0x1b0: {  	[tilespmem:v7+s23+$0x0] =	vst.idx.msk $0xffff, v8  }
0x1b1: {  	v6 =	vld [tilespmem:s5+$0x0];
	_ =	sdelay $0x4  }
0x1b2: {  	v6 =	vshrl.u32 v6, $0x14  }
0x1b3: {  	v6 =	vand.u32 $0x3F0, v6  }
0x1b4: {  	v6 =	vor.u32 v0, v6;
	_ =	sdelay $0x4  }
0x1b5: {  	v7 =	vld.idx.msk [tilespmem:v6+s20+$0x0], $0xffff;
	_ =	sdelay $0x1  }
0x1b6: {  	s1 =	sadd.s32 $0x2, s1  }
0x1b7: {  	p1 =	slt.u32 s1, $0x1FE;
	v8 =	vld [tilespmem:s2+$0x0]  }
.Ltmp12:
0x1b8: {  	_ = 	snop;
	(pc) =	sbr.rel @p1 .LBB2_24-.Ltmp12, $4  }
0x1b9: {  	_ = 	snop  }
0x1ba: {  	v63 =	vadd.s32 $0x1, v7  }
0x1bb: {  	[tilespmem:v6+s20+$0x0] =	vst.idx.msk $0xffff, v63  }
0x1bc: {  	s2 =	sadd.s32 $0x20, s2;
	s5 =	sadd.s32 $0x20, s5;
	[tilespmem:v7+s23+$0x0] =	vst.idx.msk $0xffff, v8  }
0x1bd: {  	s1 =	simm.s32 $0x1  }
0x1be: {  	_ =	swait.ge [sflag:s1], $0x6000  }
0x1bf: {  	[sflag:s1] =	ssyncset.done $0x0  }
0x1c0: {  	[sflag:s1] =	ssyncadd.s32 $0xFFFFA000;
	s1 =	simm.s32 @!p0 $0x2  }
0x1c1: {  	_ =	swait.ge @!p0 [sflag:s1], $0x6000  }
0x1c2: {  	[sflag:s1] =	ssyncset.done @!p0 $0x0  }
0x1c3: {  	[sflag:s1] =	ssyncadd.s32 @!p0 $0xFFFFA000;
	s1 =	simm.s32 @!p0 $0x3  }
0x1c4: {  	s16 =	simm.s32 $0xFFFFFFFE;
	_ =	swait.ge @!p0 [sflag:s1], $0x300  }
0x1c5: {  	s31 =	simm.s32 $0x0;
	s17 =	simm.s32 $0x4020;
	[sflag:s1] =	ssyncset.done @!p0 $0x0  }
0x1c6: {  	s30 =	smov.u32 s10;
	[sflag:s1] =	ssyncadd.s32 @!p0 $0xFFFFFD00;
	s1 =	simm.s32 $0x5  }
.LBB2_26:
0x1c7: {  	v6 =	vld [tilespmem:s17+$0xFFFFFFE0];
	_ =	sdelay $0x4  }
0x1c8: {  	v6 =	vmul.u32 $0x3, v6;
	_ =	sdelay $0x1  }
0x1c9: {  	v7 =	vadd.s32 $0x1, v6  }
0x1ca: {  	v8 =	vadd.s32 $0x2, v6;
	_ =	sdelay $0x2  }
0x1cb: {  	v9 =	vor.u32 s31, v1;
	v6 =	vld.idx.msk [tilespmem:v6+s18+$0x0], $0xffff  }
0x1cc: {  	v10 =	vor.u32 s31, v4;
	v7 =	vld.idx.msk [tilespmem:v7+s18+$0x0], $0xffff  }
0x1cd: {  	v11 =	vor.u32 s31, v5;
	v8 =	vld.idx.msk [tilespmem:v8+s18+$0x0], $0xffff;
	_ =	sdelay $0x2  }
0x1ce: {  	[tilespmem:v9+s25+$0x0] =	vst.idx.msk $0xffff, v6  }
0x1cf: {  	[tilespmem:v10+s25+$0x0] =	vst.idx.msk $0xffff, v7  }
0x1d0: {  	[tilespmem:v11+s25+$0x0] =	vst.idx.msk $0xffff, v8  }
0x1d1: {  	v9 =	vld [tilespmem:s17+$0xFFFFFFF0];
	_ =	sdelay $0x4  }
0x1d2: {  	v9 =	vmul.u32 $0x3, v9;
	_ =	sdelay $0x1  }
0x1d3: {  	v45 =	vadd.s32 $0x1, v9  }
0x1d4: {  	v46 =	vadd.s32 $0x2, v9;
	_ =	sdelay $0x2  }
0x1d5: {  	v9 =	vld.idx.msk [tilespmem:v9+s18+$0x0], $0xffff  }
0x1d6: {  	v10 =	vld.idx.msk [tilespmem:v45+s18+$0x0], $0xffff  }
0x1d7: {  	v11 =	vld.idx.msk [tilespmem:v46+s18+$0x0], $0xffff  }
0x1d8: {  	v6 =	vadd.f32 $0.0e+00, v6  }
0x1d9: {  	v7 =	vadd.f32 $0.0e+00, v7  }
0x1da: {  	v8 =	vadd.f32 $0.0e+00, v8;
	v6 =	vadd.f32 v9, v6  }
0x1db: {  	v7 =	vadd.f32 v10, v7  }
0x1dc: {  	(xrf2) =	vadd.scan.msk.f32 $0xffff, v6;
	v6 =	vadd.f32 v11, v8  }
0x1dd: {  	(xrf2) =	vadd.scan.msk.f32 $0xffff, v7  }
0x1de: {  	(xrf2) =	vadd.scan.msk.f32 $0xffff, v6;
	_ =	sdelay $0x7  }
0x1df: {  	v6, _, _ =	vpop (xrf2)  }
0x1e0: {  	(v2sf) =	vpush v6, $0xF;
	v6, _, _ =	vpop (xrf2)  }
0x1e1: {  	(v2sf) =	vpush v6, $0xF;
	v6, _, _ =	vpop (xrf2)  }
0x1e2: {  	(v2sf) =	vpush v6, $0xF;
	_ =	sdelay $0xb  }
0x1e3: {  	s2 =	sadd.s32 $0x30, s31;
	s6 =	sadd.s32 $0xFFFFFFFB, s1  }
0x1e4: {  	v7 =	vmov s6;
	v6 =	vadd.s32 s2, v1;
	s5 =	spop (v2sf)  }
0x1e5: {  	s9 =	sadd.s32 $0xFFFFFFFD, s1;
	v47 =	vadd.s32 s2, v4;
	v7 =	vand.u32 $0xFFFFFFFE, v7;
	s5 =	smul.f32 $3.125000000e-02, s5;
	s8 =	spop (v2sf)  }
0x1e6: {  	s11 =	sadd.s32 $0xFFFFFFFC, s1;
	v12 =	vadd.s32 s2, v5;
	v14 =	vmov s9;
	v7 =	vbroadcast v7, $0x0;
	s2 =	smul.f32 $3.125000000e-02, s8;
	s10 =	spop (v2sf)  }
0x1e7: {  	v15 =	vmov s11;
	v14 =	vand.u32 $0xFFFFFFFE, v14;
	v13 =	vmov s5;
	s5 =	smul.f32 $3.125000000e-02, s10  }
0x1e8: {  	v14 =	vbroadcast v14, $0x0;
	v13 =	vadd.f32 $0.0e+00, v13;
	v16 =	vmov s2  }
0x1e9: {  	[tilespmem:v6+s25+$0x0] =	vst.idx.msk $0xffff, v9;
	v6 =	vadd.f32 $0.0e+00, v16;
	v48 =	vmov s5  }
0x1ea: {  	[tilespmem:v47+s25+$0x0] =	vst.idx.msk $0xffff, v10;
	v49 =	vbroadcast v13, $0x0;
	v9 =	vadd.f32 $0.0e+00, v48  }
0x1eb: {  	[tilespmem:v12+s25+$0x0] =	vst.idx.msk $0xffff, v11;
	v6 =	vbroadcast v6, $0x0  }
0x1ec: {  	[tilespmem:v7+s26+$0x0] =	vst.idx.msk $0x1, v49;
	v7 =	vbroadcast v9, $0x0  }
0x1ed: {  	[tilespmem:v15+s26+$0x0] =	vst.idx.msk $0x1, v6  }
0x1ee: {  	[tilespmem:v14+s26+$0x0] =	vst.idx.msk $0x1, v7  }
0x1ef: {  	v6 =	vld [tilespmem:s17+$0x0];
	_ =	sdelay $0x4  }
0x1f0: {  	v6 =	vmul.u32 $0x3, v6;
	_ =	sdelay $0x1  }
0x1f1: {  	v7 =	vadd.s32 $0x1, v6  }
0x1f2: {  	v50 =	vadd.s32 $0x2, v6;
	_ =	sdelay $0x1  }
0x1f3: {  	s28 =	sadd.s32 $0x60, s31  }
0x1f4: {  	v51 =	vadd.s32 s28, v1;
	v6 =	vld.idx.msk [tilespmem:v6+s18+$0x0], $0xffff  }
0x1f5: {  	v52 =	vadd.s32 s28, v4;
	v7 =	vld.idx.msk [tilespmem:v7+s18+$0x0], $0xffff  }
0x1f6: {  	v53 =	vadd.s32 s28, v5;
	v8 =	vld.idx.msk [tilespmem:v50+s18+$0x0], $0xffff;
	_ =	sdelay $0x2  }
0x1f7: {  	[tilespmem:v51+s25+$0x0] =	vst.idx.msk $0xffff, v6  }
0x1f8: {  	[tilespmem:v52+s25+$0x0] =	vst.idx.msk $0xffff, v7  }
0x1f9: {  	[tilespmem:v53+s25+$0x0] =	vst.idx.msk $0xffff, v8  }
0x1fa: {  	v9 =	vld [tilespmem:s17+$0x10];
	_ =	sdelay $0x4  }
0x1fb: {  	v9 =	vmul.u32 $0x3, v9;
	_ =	sdelay $0x1  }
0x1fc: {  	v54 =	vadd.s32 $0x1, v9  }
0x1fd: {  	v55 =	vadd.s32 $0x2, v9;
	_ =	sdelay $0x2  }
0x1fe: {  	v9 =	vld.idx.msk [tilespmem:v9+s18+$0x0], $0xffff  }
0x1ff: {  	v10 =	vld.idx.msk [tilespmem:v54+s18+$0x0], $0xffff  }
0x200: {  	v11 =	vld.idx.msk [tilespmem:v55+s18+$0x0], $0xffff  }
0x201: {  	v6 =	vadd.f32 $0.0e+00, v6  }
0x202: {  	v7 =	vadd.f32 $0.0e+00, v7  }
0x203: {  	v8 =	vadd.f32 $0.0e+00, v8;
	v6 =	vadd.f32 v9, v6  }
0x204: {  	v7 =	vadd.f32 v10, v7  }
0x205: {  	v8 =	vadd.f32 v11, v8;
	(xrf2) =	vadd.scan.msk.f32 $0xffff, v6  }
0x206: {  	(xrf2) =	vadd.scan.msk.f32 $0xffff, v7  }
0x207: {  	(xrf2) =	vadd.scan.msk.f32 $0xffff, v8;
	_ =	sdelay $0x7  }
0x208: {  	v6, _, _ =	vpop (xrf2)  }
0x209: {  	v7, _, _ =	vpop (xrf2);
	(v2sf) =	vpush v6, $0xF  }
0x20a: {  	(v2sf) =	vpush v7, $0xF;
	v6, _, _ =	vpop (xrf2)  }
0x20b: {  	(v2sf) =	vpush v6, $0xF;
	_ =	sdelay $0xb  }
0x20c: {  	s29 =	sadd.s32 $0x90, s31  }
0x20d: {  	s9 =	sadd.s32 $0xFFFFFFFF, s1;
	v6 =	vadd.s32 s29, v1;
	s6 =	spop (v2sf)  }
0x20e: {  	v56 =	vmov s9;
	v7 =	vadd.s32 s29, v4;
	s8 =	spop (v2sf);
	s5 =	smul.f32 $3.125000000e-02, s6  }
0x20f: {  	v57 =	vadd.s32 s29, v5;
	s10 =	sadd.s32 $0xFFFFFFFE, s1;
	v8 =	vand.u32 $0xFFFFFFFE, v56;
	s11 =	smul.f32 $3.125000000e-02, s8;
	s28 =	spop (v2sf)  }
0x210: {  	v58 =	vmov s10;
	v8 =	vbroadcast v8, $0x0;
	v59 =	vmov s5;
	s29 =	smul.f32 $3.125000000e-02, s28  }
0x211: {  	s16 =	sadd.s32 $0x2, s16;
	v14 =	vadd.f32 $0.0e+00, v59;
	v60 =	vmov s11  }
0x212: {  	v61 =	vmov s1;
	p0 =	slt.u32 s16, $0xFE;
	[tilespmem:v6+s25+$0x0] =	vst.idx.msk $0xffff, v9;
	v6 =	vadd.f32 $0.0e+00, v60;
	v62 =	vmov s29  }
.Ltmp13:
0x213: {  	[tilespmem:v7+s25+$0x0] =	vst.idx.msk $0xffff, v10;
	v7 =	vbroadcast v14, $0x0;
	v63 =	vadd.f32 $0.0e+00, v62;
	(pc) =	sbr.rel @p0 .LBB2_26-.Ltmp13, $4  }
0x214: {  	[tilespmem:v57+s25+$0x0] =	vst.idx.msk $0xffff, v11;
	v6 =	vbroadcast v6, $0x0  }
0x215: {  	[tilespmem:v58+s26+$0x0] =	vst.idx.msk $0x1, v7;
	v7 =	vbroadcast v63, $0x0  }
0x216: {  	[tilespmem:v8+s26+$0x0] =	vst.idx.msk $0x1, v6  }
0x217: {  	s31 =	sadd.s32 $0xC0, s31;
	s1 =	sadd.s32 $0x6, s1;
	s17 =	sadd.s32 $0x40, s17;
	[tilespmem:v61+s26+$0x0] =	vst.idx.msk $0x1, v7  }
0x218: {  	s1 =	rddreg [dreg:$0x4]  }
0x219: {  	s8 =	simm.s32 $0x80;
	s28 =	rddreg [dreg:$0x8];
	s1 =	sadd.s32 s1, s12  }
0x21a: {  	[hbm4b:s1+s8] =	stream.strided.scatter [tilespmem:s25], [sflag:$0x2], $0x6000, s14, s8, $0x38;
	[tilespmem:$0x1A300] =	vst v63  }
0x21b: {  	s1 =	sor.u32 s28, s15  }
0x21c: {  	s1 =	sshrl.u32 s1, $0x3  }
0x21d: {  	s1 =	sadd.s32 s24, s1  }
0x21e: {  	[hbm4b:s1+s8] =	stream.strided.scatter [tilespmem:s26], [sflag:$0x3], $0x300, s14, s8, $0x38;
	[tilespmem:$0x1A300] =	vst v63  }
0x21f: {  	p0 =	seq.s32 s0, $0x3;
	s1 =	rddreg [dreg:$0x9]  }
0x220: {  	s5 =	simm.s32 $0x4;
	s6 =	simm.s32 @!p0 $0x16300;
	s1 =	sadd.s32 @!p0 s7, s1  }
0x221: {  	_ =	swait.ge [sflag:s5], $0x2000;
	s2 =	sshll.u32 @!p0 s1, $0x4;
	s1 =	sshll.u32 @!p0 s1, $0xA  }
0x222: {  	[sflag:s5] =	ssyncset.done $0x0;
	s29 =	rddreg [dreg:$0x7];
	s2 =	sand.u32 @!p0 $0x60, s2  }
0x223: {  	s1 =	sand.u32 @!p0 $0xFFFE000, s1;
	[sflag:s5] =	ssyncadd.s32 $0xFFFFE000;
	s2 =	sadd.s32 @!p0 s13, s2  }
0x224: {  	s5 =	simm.s32 @!p0 $0x400;
	s1 =	sadd.s32 @!p0 s1, s2;
	s2 =	simm.s32 @!p0 $0x80  }
0x225: {  	[tilespmem:s6], [sflag:$0x4] =	stream.strided.gather @!p0 [hbm4b:s1+s2], $0x2000, s5, s2, $0x38;
	[tilespmem:$0x1A300] =	vst v63  }
0x226: {  	s1 =	sor.u32 s29, s4  }
0x227: {  	s7 =	sshrl.u32 s1, $0x3  }
0x228: {  	s1 =	sadd.s32 s30, s7  }
0x229: {  	[tilespmem:s18], [sflag:$0x1] =	stream.strided.gather [hbm4b:s1+s8], $0x6000, s14, s8, $0x38;
	[tilespmem:$0x1A300] =	vst v63  }
0x22a: {  	s31 =	smov.u32 s13;
	s2 =	simm.s32 $0x18320;
	s1 =	simm.s32 $0xFFFFFFFC  }
.LBB2_28:
0x22b: {  	v6 =	vld [tilespmem:s2+$0xFFFFFFE0];
	_ =	sdelay $0x4  }
0x22c: {  	v6 =	vshll.u32 v6, $0x4  }
0x22d: {  	v6 =	vor.u32 v0, v6  }
0x22e: {  	v6 =	vand.u32 $0xFFF, v6;
	_ =	sdelay $0x4  }
0x22f: {  	[tilespmem:v6+s19+$0x0] =	vst.idx.add.s32.msk $0xffff, v3  }
0x230: {  	v6 =	vld [tilespmem:s2+$0xFFFFFFF0];
	_ =	sdelay $0x4  }
0x231: {  	v6 =	vshll.u32 v6, $0x4  }
0x232: {  	v6 =	vor.u32 v0, v6  }
0x233: {  	v6 =	vand.u32 $0xFFF, v6;
	_ =	sdelay $0x4  }
0x234: {  	[tilespmem:v6+s19+$0x0] =	vst.idx.add.s32.msk $0xffff, v3  }
0x235: {  	v6 =	vld [tilespmem:s2+$0x0];
	_ =	sdelay $0x4  }
0x236: {  	v6 =	vshll.u32 v6, $0x4  }
0x237: {  	v6 =	vor.u32 v0, v6  }
0x238: {  	v6 =	vand.u32 $0xFFF, v6;
	_ =	sdelay $0x4  }
0x239: {  	[tilespmem:v6+s19+$0x0] =	vst.idx.add.s32.msk $0xffff, v3  }
0x23a: {  	v6 =	vld [tilespmem:s2+$0x10];
	_ =	sdelay $0x4  }
0x23b: {  	v6 =	vshll.u32 v6, $0x4  }
0x23c: {  	s1 =	sadd.s32 $0x4, s1;
	v6 =	vor.u32 v0, v6  }
0x23d: {  	p0 =	slt.u32 s1, $0x1FC;
	v6 =	vand.u32 $0xFFF, v6  }
.Ltmp14:
0x23e: {  	_ = 	snop;
	(pc) =	sbr.rel @p0 .LBB2_28-.Ltmp14, $2  }
0x23f: {  	_ =	sdelay $0x2  }
0x240: {  	s16 =	simm.s32 $0x0;
	s2 =	sadd.s32 $0x40, s2;
	[tilespmem:v6+s19+$0x0] =	vst.idx.add.s32.msk $0xffff, v3  }
0x241: {  	s11 =	simm.s32 $0x0  }
0x242: {  	v6 =	vld [tilespmem:s11+$0x8000]  }
0x243: {  	s2 =	simm.s32 $0x10;
	[tilespmem:s11+$0x8000] =	vst v2  }
0x244: {  	s15 =	simm.s32 $0x20;
	v8 =	vld [tilespmem:s2+$0x8000];
	[tilespmem:s2+$0x8000] =	vst v2  }
0x245: {  	v7 =	vld [tilespmem:s15+$0x8000];
	_ =	sdelay $0x1  }
0x246: {  	(xrf0) =	vadd.scan.msk.s32 $0xffff, v6;
	_ =	sdelay $0x1  }
0x247: {  	(xrf0) =	vadd.scan.msk.s32 $0xffff, v8  }
0x248: {  	(xrf0) =	vadd.scan.msk.s32 $0xffff, v7;
	_ =	sdelay $0x2  }
0x249: {  	v12, _, _ =	vpop (xrf0)  }
0x24a: {  	(v2sf) =	vpush v12, $0xF  }
0x24b: {  	v11, _, _ =	vpop (xrf0)  }
0x24c: {  	(v2sf) =	vpush v11, $0xF;
	v10, _, _ =	vpop (xrf0)  }
0x24d: {  	(v2sf) =	vpush v10, $0xF;
	_ =	sdelay $0x1  }
0x24e: {  	s12 =	simm.s32 $0x30;
	[tilespmem:s15+$0x8000] =	vst v2  }
0x24f: {  	v9 =	vld [tilespmem:s12+$0x8000];
	_ =	sdelay $0x3  }
0x250: {  	s1 =	simm.s32 $0x40;
	s29 =	simm.s32 $0x140;
	s17 =	simm.s32 $0x180;
	[tilespmem:s12+$0x8000] =	vst v2;
	v13 =	vsub.s32 s16, v6  }
0x251: {  	s28 =	simm.s32 $0x1C0;
	s8 =	simm.s32 $0x200;
	s5 =	simm.s32 $0x240;
	v6 =	vld [tilespmem:s1+$0x8000];
	[tilespmem:s1+$0x8000] =	vst v2;
	(xrf0) =	vadd.scan.msk.s32 $0xffff, v9;
	v12 =	vadd.s32 v12, v13  }
.LBB2_30:
0x252: {  	p0 =	sne.s32 s5, $0x3FC0  }
0x253: {  	[tilespmem:s11+$0x9000] =	vst v12;
	s6 =	smov.u32 s5;
	s5 =	sadd.s32 $0x40, s5;
	s11 =	smov.u32 s2  }
.Ltmp15:
0x254: {  	s2 =	smov.u32 s15;
	s15 =	smov.u32 s12;
	(pc) =	sbr.rel @p0 .LBB2_30-.Ltmp15, $4  }
0x255: {  	s12 =	smov.u32 s1;
	s9 =	spop (v2sf)  }
0x256: {  	s16 =	sadd.s32 s16, s9  }
0x257: {  	s1 =	sshra.s32 s29, $0x2;
	s29 =	smov.u32 s17;
	s17 =	smov.u32 s28;
	(xrf0) =	vadd.scan.msk.s32 $0xffff, v6;
	v13, _, _ =	vpop (xrf0);
	v12 =	vsub.s32 s16, v8;
	v8 =	vmov v7;
	v7 =	vmov v9  }
0x258: {  	s28 =	smov.u32 s8;
	s8 =	smov.u32 s6;
	v9 =	vmovc v6;
	[tilespmem:s1+$0x8000] =	vst v2;
	(v2sf) =	vpush v13, $0xF;
	v12 =	vadd.s32 v11, v12;
	v11 =	vmovc v10;
	v10 =	vmov v13;
	v6 =	vld [tilespmem:s1+$0x8000]  }
0x259: {  	_ =	sdelay $0x7  }
0x25a: {  	s5 =	spop (v2sf)  }
0x25b: {  	s5 =	sadd.s32 s16, s5  }
0x25c: {  	[tilespmem:s11+$0x9000] =	vst v12;
	s6 =	sshra.s32 s29, $0x2;
	s9 =	spop (v2sf);
	v8 =	vsub.s32 s5, v8  }
0x25d: {  	v12 =	vld [tilespmem:s6+$0x8000];
	[tilespmem:s6+$0x8000] =	vst v2;
	s16 =	sadd.s32 s5, s9;
	v8 =	vadd.s32 v11, v8  }
0x25e: {  	s5 =	sshra.s32 s17, $0x2;
	v7 =	vsub.s32 s16, v7;
	[tilespmem:s2+$0x9000] =	vst v8  }
0x25f: {  	v7 =	vadd.s32 v10, v7;
	v8 =	vld [tilespmem:s5+$0x8000];
	[tilespmem:s5+$0x8000] =	vst v2  }
0x260: {  	s10 =	sshra.s32 s28, $0x2;
	[tilespmem:s15+$0x9000] =	vst v7;
	s29 =	spop (v2sf)  }
0x261: {  	v62 =	vld [tilespmem:s10+$0x8000];
	s2 =	sadd.s32 s16, s29  }
0x262: {  	v7, _, _ =	vpop (xrf0);
	v9 =	vsub.s32 s2, v9  }
0x263: {  	[tilespmem:s10+$0x8000] =	vst v2;
	(xrf0) =	vadd.scan.msk.s32 $0xffff, v6;
	v9 =	vadd.s32 v7, v9  }
0x264: {  	s8 =	sshra.s32 s8, $0x2;
	(xrf0) =	vadd.scan.msk.s32 $0xffff, v12;
	[tilespmem:s12+$0x9000] =	vst v9  }
0x265: {  	(xrf0) =	vadd.scan.msk.s32 $0xffff, v8;
	v9 =	vld [tilespmem:s8+$0x8000]  }
0x266: {  	(xrf0) =	vadd.scan.msk.s32 $0xffff, v62;
	_ =	sdelay $0x2  }
0x267: {  	(v2sf) =	vpush v7, $0xF;
	v7, _, _ =	vpop (xrf0)  }
0x268: {  	v63, _, _ =	vpop (xrf0);
	(v2sf) =	vpush v7, $0xF;
	(xrf0) =	vadd.scan.msk.s32 $0xffff, v9  }
0x269: {  	v13, _, _ =	vpop (xrf0);
	(v2sf) =	vpush v63, $0xF  }
0x26a: {  	(v2sf) =	vpush v13, $0xF;
	v14, _, _ =	vpop (xrf0)  }
0x26b: {  	(v2sf) =	vpush v14, $0xF;
	_ =	sdelay $0x2  }
0x26c: {  	v15, _, _ =	vpop (xrf0)  }
0x26d: {  	(v2sf) =	vpush v15, $0xF;
	_ =	sdelay $0x6  }
0x26e: {  	s12 =	spop (v2sf)  }
0x26f: {  	s2 =	sadd.s32 s2, s12;
	s13 =	spop (v2sf)  }
0x270: {  	v6 =	vsub.s32 s2, v6;
	s15 =	spop (v2sf);
	s2 =	sadd.s32 s2, s13  }
0x271: {  	[tilespmem:s8+$0x8000] =	vst v2;
	v6 =	vadd.s32 v7, v6;
	v7 =	vsub.s32 s2, v12;
	s2 =	sadd.s32 s2, s15;
	s16 =	spop (v2sf)  }
0x272: {  	[tilespmem:s1+$0x9000] =	vst v6;
	v6 =	vadd.s32 v63, v7;
	v7 =	vsub.s32 s2, v8;
	s17 =	sadd.s32 s2, s16;
	s28 =	spop (v2sf)  }
0x273: {  	[tilespmem:s6+$0x9000] =	vst v6;
	v6 =	vadd.s32 v13, v7;
	v7 =	vsub.s32 s17, v62;
	s1 =	sadd.s32 s17, s28  }
0x274: {  	[tilespmem:s5+$0x9000] =	vst v6;
	v6 =	vadd.s32 v14, v7;
	v7 =	vsub.s32 s1, v9  }
0x275: {  	s2 =	simm.s32 $0x18310;
	[tilespmem:s10+$0x9000] =	vst v6;
	v6 =	vadd.s32 v15, v7  }
0x276: {  	s1 =	simm.s32 $0xFFFFFFFE;
	s5 =	simm.s32 $0x10;
	[tilespmem:s8+$0x9000] =	vst v6;
	s29 =	spop (v2sf)  }
.LBB2_32:
0x277: {  	v6 =	vld [tilespmem:s2+$0xFFFFFFF0];
	_ =	sdelay $0x4  }
0x278: {  	v7 =	vshll.u32 v6, $0x4  }
0x279: {  	v7 =	vor.u32 v0, v7  }
0x27a: {  	v7 =	vand.u32 $0xFFF, v7;
	_ =	sdelay $0x4  }
0x27b: {  	v8 =	vld.idx.msk [tilespmem:v7+s20+$0x0], $0xffff;
	_ =	sdelay $0x4  }
0x27c: {  	v9 =	vshll.u32 v8, $0x4  }
0x27d: {  	v10 =	vshra.s32 v8, $0x9;
	v9 =	vand.u32 $0x1FF0, v9  }
0x27e: {  	v9 =	vadd.s32 v10, v9;
	_ =	sdelay $0x2  }
0x27f: {  	v8 =	vadd.s32 $0x1, v8  }
0x280: {  	s6 =	sadd.s32 $0xFFFFFFF0, s5;
	[tilespmem:v7+s20+$0x0] =	vst.idx.msk $0xffff, v8  }
0x281: {  	v7 =	vor.u32 s6, v0;
	[tilespmem:v9+s21+$0x0] =	vst.idx.msk $0xffff, v6  }
0x282: {  	[tilespmem:v9+s22+$0x0] =	vst.idx.msk $0xffff, v7  }
0x283: {  	v6 =	vld [tilespmem:s2+$0x0];
	_ =	sdelay $0x4  }
0x284: {  	v7 =	vshll.u32 v6, $0x4  }
0x285: {  	v7 =	vor.u32 v0, v7  }
0x286: {  	v7 =	vand.u32 $0xFFF, v7;
	_ =	sdelay $0x4  }
0x287: {  	v8 =	vld.idx.msk [tilespmem:v7+s20+$0x0], $0xffff;
	_ =	sdelay $0x4  }
0x288: {  	v62 =	vshll.u32 v8, $0x4  }
0x289: {  	v63 =	vshra.s32 v8, $0x9;
	v9 =	vand.u32 $0x1FF0, v62  }
0x28a: {  	s1 =	sadd.s32 $0x2, s1;
	v9 =	vadd.s32 v63, v9  }
0x28b: {  	p0 =	slt.u32 s1, $0x1FE  }
.Ltmp16:
0x28c: {  	_ = 	snop;
	(pc) =	sbr.rel @p0 .LBB2_32-.Ltmp16, $4  }
0x28d: {  	v8 =	vadd.s32 $0x1, v8  }
0x28e: {  	[tilespmem:v7+s20+$0x0] =	vst.idx.msk $0xffff, v8  }
0x28f: {  	s8 =	simm.s32 $0xFFFFFFFC;
	v7 =	vor.u32 s5, v0;
	[tilespmem:v9+s21+$0x0] =	vst.idx.msk $0xffff, v6  }
0x290: {  	s11 =	simm.s32 $0x2020;
	s2 =	sadd.s32 $0x20, s2;
	s5 =	sadd.s32 $0x20, s5;
	[tilespmem:v9+s22+$0x0] =	vst.idx.msk $0xffff, v7  }
.LBB2_33:
0x291: {  	v6 =	vld [tilespmem:s11+$0xFFFFFFE0];
	_ =	sdelay $0x4  }
0x292: {  	v6 =	vshrl.u32 v6, $0x4  }
0x293: {  	v6 =	vand.u32 $0xFF0, v6  }
0x294: {  	v6 =	vor.u32 v0, v6;
	_ =	sdelay $0x4  }
0x295: {  	[tilespmem:v6+s19+$0x0] =	vst.idx.add.s32.msk $0xffff, v3  }
0x296: {  	v6 =	vld [tilespmem:s11+$0xFFFFFFF0];
	_ =	sdelay $0x4  }
0x297: {  	v6 =	vshrl.u32 v6, $0x4  }
0x298: {  	v6 =	vand.u32 $0xFF0, v6  }
0x299: {  	v6 =	vor.u32 v0, v6;
	_ =	sdelay $0x4  }
0x29a: {  	[tilespmem:v6+s19+$0x0] =	vst.idx.add.s32.msk $0xffff, v3  }
0x29b: {  	v6 =	vld [tilespmem:s11+$0x0];
	_ =	sdelay $0x4  }
0x29c: {  	v6 =	vshrl.u32 v6, $0x4  }
0x29d: {  	v6 =	vand.u32 $0xFF0, v6  }
0x29e: {  	v6 =	vor.u32 v0, v6;
	_ =	sdelay $0x4  }
0x29f: {  	[tilespmem:v6+s19+$0x0] =	vst.idx.add.s32.msk $0xffff, v3  }
0x2a0: {  	v6 =	vld [tilespmem:s11+$0x10];
	_ =	sdelay $0x4  }
0x2a1: {  	v6 =	vshrl.u32 v6, $0x4  }
0x2a2: {  	s8 =	sadd.s32 $0x4, s8;
	v6 =	vand.u32 $0xFF0, v6  }
0x2a3: {  	p0 =	slt.u32 s8, $0x1FC;
	v6 =	vor.u32 v0, v6  }
.Ltmp17:
0x2a4: {  	_ = 	snop;
	(pc) =	sbr.rel @p0 .LBB2_33-.Ltmp17, $2  }
0x2a5: {  	_ =	sdelay $0x2  }
0x2a6: {  	s16 =	simm.s32 $0x0;
	s11 =	sadd.s32 $0x40, s11;
	[tilespmem:v6+s19+$0x0] =	vst.idx.add.s32.msk $0xffff, v3  }
0x2a7: {  	s11 =	simm.s32 $0x0  }
0x2a8: {  	v6 =	vld [tilespmem:s11+$0x8000]  }
0x2a9: {  	s2 =	simm.s32 $0x10;
	[tilespmem:s11+$0x8000] =	vst v2  }
0x2aa: {  	s15 =	simm.s32 $0x20;
	v8 =	vld [tilespmem:s2+$0x8000];
	[tilespmem:s2+$0x8000] =	vst v2  }
0x2ab: {  	v7 =	vld [tilespmem:s15+$0x8000];
	_ =	sdelay $0x1  }
0x2ac: {  	(xrf0) =	vadd.scan.msk.s32 $0xffff, v6;
	_ =	sdelay $0x1  }
0x2ad: {  	(xrf0) =	vadd.scan.msk.s32 $0xffff, v8  }
0x2ae: {  	(xrf0) =	vadd.scan.msk.s32 $0xffff, v7;
	_ =	sdelay $0x2  }
0x2af: {  	v12, _, _ =	vpop (xrf0)  }
0x2b0: {  	(v2sf) =	vpush v12, $0xF  }
0x2b1: {  	v11, _, _ =	vpop (xrf0)  }
0x2b2: {  	(v2sf) =	vpush v11, $0xF;
	v10, _, _ =	vpop (xrf0)  }
0x2b3: {  	(v2sf) =	vpush v10, $0xF;
	_ =	sdelay $0x1  }
0x2b4: {  	s12 =	simm.s32 $0x30;
	[tilespmem:s15+$0x8000] =	vst v2  }
0x2b5: {  	v9 =	vld [tilespmem:s12+$0x8000];
	_ =	sdelay $0x3  }
0x2b6: {  	s1 =	simm.s32 $0x40;
	s29 =	simm.s32 $0x140;
	s17 =	simm.s32 $0x180;
	[tilespmem:s12+$0x8000] =	vst v2;
	v13 =	vsub.s32 s16, v6  }
0x2b7: {  	s28 =	simm.s32 $0x1C0;
	s8 =	simm.s32 $0x200;
	s5 =	simm.s32 $0x240;
	v6 =	vld [tilespmem:s1+$0x8000];
	[tilespmem:s1+$0x8000] =	vst v2;
	(xrf0) =	vadd.scan.msk.s32 $0xffff, v9;
	v12 =	vadd.s32 v12, v13  }
.LBB2_35:
0x2b8: {  	p0 =	sne.s32 s5, $0x3FC0  }
0x2b9: {  	[tilespmem:s11+$0x9000] =	vst v12;
	s6 =	smov.u32 s5;
	s5 =	sadd.s32 $0x40, s5;
	s11 =	smov.u32 s2  }
.Ltmp18:
0x2ba: {  	s2 =	smov.u32 s15;
	s15 =	smov.u32 s12;
	(pc) =	sbr.rel @p0 .LBB2_35-.Ltmp18, $4  }
0x2bb: {  	s12 =	smov.u32 s1;
	s9 =	spop (v2sf)  }
0x2bc: {  	s16 =	sadd.s32 s16, s9  }
0x2bd: {  	s1 =	sshra.s32 s29, $0x2;
	s29 =	smov.u32 s17;
	s17 =	smov.u32 s28;
	(xrf0) =	vadd.scan.msk.s32 $0xffff, v6;
	v13, _, _ =	vpop (xrf0);
	v12 =	vsub.s32 s16, v8;
	v8 =	vmov v7;
	v7 =	vmov v9  }
0x2be: {  	s28 =	smov.u32 s8;
	s8 =	smov.u32 s6;
	v9 =	vmovc v6;
	[tilespmem:s1+$0x8000] =	vst v2;
	(v2sf) =	vpush v13, $0xF;
	v12 =	vadd.s32 v11, v12;
	v11 =	vmovc v10;
	v10 =	vmov v13;
	v6 =	vld [tilespmem:s1+$0x8000]  }
0x2bf: {  	_ =	sdelay $0x7  }
0x2c0: {  	s5 =	spop (v2sf)  }
0x2c1: {  	s5 =	sadd.s32 s16, s5  }
0x2c2: {  	[tilespmem:s11+$0x9000] =	vst v12;
	s6 =	sshra.s32 s29, $0x2;
	s9 =	spop (v2sf);
	v8 =	vsub.s32 s5, v8  }
0x2c3: {  	v12 =	vld [tilespmem:s6+$0x8000];
	[tilespmem:s6+$0x8000] =	vst v2;
	s16 =	sadd.s32 s5, s9;
	v8 =	vadd.s32 v11, v8  }
0x2c4: {  	s5 =	sshra.s32 s17, $0x2;
	v7 =	vsub.s32 s16, v7;
	[tilespmem:s2+$0x9000] =	vst v8  }
0x2c5: {  	v7 =	vadd.s32 v10, v7;
	v8 =	vld [tilespmem:s5+$0x8000];
	[tilespmem:s5+$0x8000] =	vst v2  }
0x2c6: {  	s10 =	sshra.s32 s28, $0x2;
	[tilespmem:s15+$0x9000] =	vst v7;
	s29 =	spop (v2sf)  }
0x2c7: {  	v62 =	vld [tilespmem:s10+$0x8000];
	s2 =	sadd.s32 s16, s29  }
0x2c8: {  	v7, _, _ =	vpop (xrf0);
	v9 =	vsub.s32 s2, v9  }
0x2c9: {  	[tilespmem:s10+$0x8000] =	vst v2;
	(xrf0) =	vadd.scan.msk.s32 $0xffff, v6;
	v9 =	vadd.s32 v7, v9  }
0x2ca: {  	s8 =	sshra.s32 s8, $0x2;
	(xrf0) =	vadd.scan.msk.s32 $0xffff, v12;
	[tilespmem:s12+$0x9000] =	vst v9  }
0x2cb: {  	(xrf0) =	vadd.scan.msk.s32 $0xffff, v8;
	v9 =	vld [tilespmem:s8+$0x8000]  }
0x2cc: {  	(xrf0) =	vadd.scan.msk.s32 $0xffff, v62;
	_ =	sdelay $0x2  }
0x2cd: {  	(v2sf) =	vpush v7, $0xF;
	v7, _, _ =	vpop (xrf0)  }
0x2ce: {  	v63, _, _ =	vpop (xrf0);
	(v2sf) =	vpush v7, $0xF;
	(xrf0) =	vadd.scan.msk.s32 $0xffff, v9  }
0x2cf: {  	v13, _, _ =	vpop (xrf0);
	(v2sf) =	vpush v63, $0xF  }
0x2d0: {  	(v2sf) =	vpush v13, $0xF;
	v14, _, _ =	vpop (xrf0)  }
0x2d1: {  	(v2sf) =	vpush v14, $0xF;
	_ =	sdelay $0x2  }
0x2d2: {  	v15, _, _ =	vpop (xrf0)  }
0x2d3: {  	(v2sf) =	vpush v15, $0xF;
	_ =	sdelay $0x6  }
0x2d4: {  	s12 =	spop (v2sf)  }
0x2d5: {  	s2 =	sadd.s32 s2, s12;
	s13 =	spop (v2sf)  }
0x2d6: {  	v6 =	vsub.s32 s2, v6;
	s15 =	spop (v2sf);
	s2 =	sadd.s32 s2, s13  }
0x2d7: {  	[tilespmem:s8+$0x8000] =	vst v2;
	v6 =	vadd.s32 v7, v6;
	v7 =	vsub.s32 s2, v12;
	s2 =	sadd.s32 s2, s15;
	s16 =	spop (v2sf)  }
0x2d8: {  	[tilespmem:s1+$0x9000] =	vst v6;
	v6 =	vadd.s32 v63, v7;
	v7 =	vsub.s32 s2, v8;
	s17 =	sadd.s32 s2, s16;
	s28 =	spop (v2sf)  }
0x2d9: {  	[tilespmem:s6+$0x9000] =	vst v6;
	v6 =	vadd.s32 v13, v7;
	v7 =	vsub.s32 s17, v62;
	s1 =	sadd.s32 s17, s28  }
0x2da: {  	[tilespmem:s5+$0x9000] =	vst v6;
	v6 =	vadd.s32 v14, v7;
	v7 =	vsub.s32 s1, v9  }
0x2db: {  	s2 =	simm.s32 $0x6010;
	[tilespmem:s10+$0x9000] =	vst v6;
	v6 =	vadd.s32 v15, v7  }
0x2dc: {  	s1 =	simm.s32 $0xFFFFFFFE;
	s5 =	simm.s32 $0x2010;
	[tilespmem:s8+$0x9000] =	vst v6;
	s29 =	spop (v2sf)  }
.LBB2_37:
0x2dd: {  	v6 =	vld [tilespmem:s5+$0xFFFFFFF0];
	_ =	sdelay $0x4  }
0x2de: {  	v7 =	vshrl.u32 v6, $0x4  }
0x2df: {  	v7 =	vand.u32 $0xFF0, v7  }
0x2e0: {  	v7 =	vor.u32 v0, v7;
	_ =	sdelay $0x4  }
0x2e1: {  	v8 =	vld.idx.msk [tilespmem:v7+s20+$0x0], $0xffff;
	_ =	sdelay $0x4  }
0x2e2: {  	v9 =	vshll.u32 v8, $0x4  }
0x2e3: {  	v10 =	vshra.s32 v8, $0x9;
	v9 =	vand.u32 $0x1FF0, v9  }
0x2e4: {  	v9 =	vadd.s32 v10, v9  }
0x2e5: {  	v60 =	vld [tilespmem:s2+$0xFFFFFFF0];
	_ =	sdelay $0x1  }
0x2e6: {  	v8 =	vadd.s32 $0x1, v8  }
0x2e7: {  	[tilespmem:v7+s20+$0x0] =	vst.idx.msk $0xffff, v8  }
0x2e8: {  	[tilespmem:v9+s3+$0x0] =	vst.idx.msk $0xffff, v6  }
0x2e9: {  	[tilespmem:v9+s23+$0x0] =	vst.idx.msk $0xffff, v60  }
0x2ea: {  	v6 =	vld [tilespmem:s5+$0x0];
	_ =	sdelay $0x4  }
0x2eb: {  	v7 =	vshrl.u32 v6, $0x4  }
0x2ec: {  	v7 =	vand.u32 $0xFF0, v7  }
0x2ed: {  	v7 =	vor.u32 v0, v7;
	_ =	sdelay $0x4  }
0x2ee: {  	v8 =	vld.idx.msk [tilespmem:v7+s20+$0x0], $0xffff;
	_ =	sdelay $0x4  }
0x2ef: {  	v61 =	vshll.u32 v8, $0x4  }
0x2f0: {  	v62 =	vshra.s32 v8, $0x9;
	v9 =	vand.u32 $0x1FF0, v61  }
0x2f1: {  	s1 =	sadd.s32 $0x2, s1;
	v9 =	vadd.s32 v62, v9  }
0x2f2: {  	p0 =	slt.u32 s1, $0x1FE;
	v63 =	vld [tilespmem:s2+$0x0]  }
.Ltmp19:
0x2f3: {  	_ = 	snop;
	(pc) =	sbr.rel @p0 .LBB2_37-.Ltmp19, $4  }
0x2f4: {  	v8 =	vadd.s32 $0x1, v8  }
0x2f5: {  	[tilespmem:v7+s20+$0x0] =	vst.idx.msk $0xffff, v8  }
0x2f6: {  	s8 =	simm.s32 $0xFFFFFFFC;
	[tilespmem:v9+s3+$0x0] =	vst.idx.msk $0xffff, v6  }
0x2f7: {  	s11 =	simm.s32 $0x20;
	s2 =	sadd.s32 $0x20, s2;
	s5 =	sadd.s32 $0x20, s5;
	[tilespmem:v9+s23+$0x0] =	vst.idx.msk $0xffff, v63  }
.LBB2_38:
0x2f8: {  	v6 =	vld [tilespmem:s11+$0xFFFFFFE0];
	_ =	sdelay $0x4  }
0x2f9: {  	v6 =	vshrl.u32 v6, $0xC  }
0x2fa: {  	v6 =	vand.u32 $0xFF0, v6  }
0x2fb: {  	v6 =	vor.u32 v0, v6;
	_ =	sdelay $0x4  }
0x2fc: {  	[tilespmem:v6+s19+$0x0] =	vst.idx.add.s32.msk $0xffff, v3  }
0x2fd: {  	v6 =	vld [tilespmem:s11+$0xFFFFFFF0];
	_ =	sdelay $0x4  }
0x2fe: {  	v6 =	vshrl.u32 v6, $0xC  }
0x2ff: {  	v6 =	vand.u32 $0xFF0, v6  }
0x300: {  	v6 =	vor.u32 v0, v6;
	_ =	sdelay $0x4  }
0x301: {  	[tilespmem:v6+s19+$0x0] =	vst.idx.add.s32.msk $0xffff, v3  }
0x302: {  	v6 =	vld [tilespmem:s11+$0x0];
	_ =	sdelay $0x4  }
0x303: {  	v6 =	vshrl.u32 v6, $0xC  }
0x304: {  	v6 =	vand.u32 $0xFF0, v6  }
0x305: {  	v6 =	vor.u32 v0, v6;
	_ =	sdelay $0x4  }
0x306: {  	[tilespmem:v6+s19+$0x0] =	vst.idx.add.s32.msk $0xffff, v3  }
0x307: {  	v6 =	vld [tilespmem:s11+$0x10];
	_ =	sdelay $0x4  }
0x308: {  	v6 =	vshrl.u32 v6, $0xC  }
0x309: {  	s8 =	sadd.s32 $0x4, s8;
	v6 =	vand.u32 $0xFF0, v6  }
0x30a: {  	p0 =	slt.u32 s8, $0x1FC;
	v6 =	vor.u32 v0, v6  }
.Ltmp20:
0x30b: {  	_ = 	snop;
	(pc) =	sbr.rel @p0 .LBB2_38-.Ltmp20, $2  }
0x30c: {  	_ =	sdelay $0x2  }
0x30d: {  	s16 =	simm.s32 $0x0;
	s11 =	sadd.s32 $0x40, s11;
	[tilespmem:v6+s19+$0x0] =	vst.idx.add.s32.msk $0xffff, v3  }
0x30e: {  	s11 =	simm.s32 $0x0  }
0x30f: {  	v6 =	vld [tilespmem:s11+$0x8000]  }
0x310: {  	s2 =	simm.s32 $0x10;
	[tilespmem:s11+$0x8000] =	vst v2  }
0x311: {  	s15 =	simm.s32 $0x20;
	v8 =	vld [tilespmem:s2+$0x8000];
	[tilespmem:s2+$0x8000] =	vst v2  }
0x312: {  	v7 =	vld [tilespmem:s15+$0x8000];
	_ =	sdelay $0x1  }
0x313: {  	(xrf0) =	vadd.scan.msk.s32 $0xffff, v6;
	_ =	sdelay $0x1  }
0x314: {  	(xrf0) =	vadd.scan.msk.s32 $0xffff, v8  }
0x315: {  	(xrf0) =	vadd.scan.msk.s32 $0xffff, v7;
	_ =	sdelay $0x2  }
0x316: {  	v12, _, _ =	vpop (xrf0)  }
0x317: {  	(v2sf) =	vpush v12, $0xF  }
0x318: {  	v11, _, _ =	vpop (xrf0)  }
0x319: {  	(v2sf) =	vpush v11, $0xF;
	v10, _, _ =	vpop (xrf0)  }
0x31a: {  	(v2sf) =	vpush v10, $0xF;
	_ =	sdelay $0x1  }
0x31b: {  	s12 =	simm.s32 $0x30;
	[tilespmem:s15+$0x8000] =	vst v2  }
0x31c: {  	v9 =	vld [tilespmem:s12+$0x8000];
	_ =	sdelay $0x3  }
0x31d: {  	s1 =	simm.s32 $0x40;
	s29 =	simm.s32 $0x140;
	s17 =	simm.s32 $0x180;
	[tilespmem:s12+$0x8000] =	vst v2;
	v13 =	vsub.s32 s16, v6  }
0x31e: {  	s28 =	simm.s32 $0x1C0;
	s8 =	simm.s32 $0x200;
	s5 =	simm.s32 $0x240;
	v6 =	vld [tilespmem:s1+$0x8000];
	[tilespmem:s1+$0x8000] =	vst v2;
	(xrf0) =	vadd.scan.msk.s32 $0xffff, v9;
	v12 =	vadd.s32 v12, v13  }
.LBB2_40:
0x31f: {  	p0 =	sne.s32 s5, $0x3FC0  }
0x320: {  	[tilespmem:s11+$0x9000] =	vst v12;
	s6 =	smov.u32 s5;
	s5 =	sadd.s32 $0x40, s5;
	s11 =	smov.u32 s2  }
.Ltmp21:
0x321: {  	s2 =	smov.u32 s15;
	s15 =	smov.u32 s12;
	(pc) =	sbr.rel @p0 .LBB2_40-.Ltmp21, $4  }
0x322: {  	s12 =	smov.u32 s1;
	s9 =	spop (v2sf)  }
0x323: {  	s16 =	sadd.s32 s16, s9  }
0x324: {  	s1 =	sshra.s32 s29, $0x2;
	s29 =	smov.u32 s17;
	s17 =	smov.u32 s28;
	(xrf0) =	vadd.scan.msk.s32 $0xffff, v6;
	v13, _, _ =	vpop (xrf0);
	v12 =	vsub.s32 s16, v8;
	v8 =	vmov v7;
	v7 =	vmov v9  }
0x325: {  	s28 =	smov.u32 s8;
	s8 =	smov.u32 s6;
	v9 =	vmovc v6;
	[tilespmem:s1+$0x8000] =	vst v2;
	(v2sf) =	vpush v13, $0xF;
	v12 =	vadd.s32 v11, v12;
	v11 =	vmovc v10;
	v10 =	vmov v13;
	v6 =	vld [tilespmem:s1+$0x8000]  }
0x326: {  	_ =	sdelay $0x7  }
0x327: {  	s5 =	spop (v2sf)  }
0x328: {  	s5 =	sadd.s32 s16, s5  }
0x329: {  	[tilespmem:s11+$0x9000] =	vst v12;
	s6 =	sshra.s32 s29, $0x2;
	s9 =	spop (v2sf);
	v8 =	vsub.s32 s5, v8  }
0x32a: {  	v12 =	vld [tilespmem:s6+$0x8000];
	[tilespmem:s6+$0x8000] =	vst v2;
	s16 =	sadd.s32 s5, s9;
	v8 =	vadd.s32 v11, v8  }
0x32b: {  	s5 =	sshra.s32 s17, $0x2;
	v7 =	vsub.s32 s16, v7;
	[tilespmem:s2+$0x9000] =	vst v8  }
0x32c: {  	v7 =	vadd.s32 v10, v7;
	v8 =	vld [tilespmem:s5+$0x8000];
	[tilespmem:s5+$0x8000] =	vst v2  }
0x32d: {  	s10 =	sshra.s32 s28, $0x2;
	[tilespmem:s15+$0x9000] =	vst v7;
	s29 =	spop (v2sf)  }
0x32e: {  	v62 =	vld [tilespmem:s10+$0x8000];
	s2 =	sadd.s32 s16, s29  }
0x32f: {  	v7, _, _ =	vpop (xrf0);
	v9 =	vsub.s32 s2, v9  }
0x330: {  	[tilespmem:s10+$0x8000] =	vst v2;
	(xrf0) =	vadd.scan.msk.s32 $0xffff, v6;
	v9 =	vadd.s32 v7, v9  }
0x331: {  	s8 =	sshra.s32 s8, $0x2;
	(xrf0) =	vadd.scan.msk.s32 $0xffff, v12;
	[tilespmem:s12+$0x9000] =	vst v9  }
0x332: {  	(xrf0) =	vadd.scan.msk.s32 $0xffff, v8;
	v9 =	vld [tilespmem:s8+$0x8000]  }
0x333: {  	(xrf0) =	vadd.scan.msk.s32 $0xffff, v62;
	_ =	sdelay $0x2  }
0x334: {  	(v2sf) =	vpush v7, $0xF;
	v7, _, _ =	vpop (xrf0)  }
0x335: {  	v63, _, _ =	vpop (xrf0);
	(v2sf) =	vpush v7, $0xF;
	(xrf0) =	vadd.scan.msk.s32 $0xffff, v9  }
0x336: {  	v13, _, _ =	vpop (xrf0);
	(v2sf) =	vpush v63, $0xF  }
0x337: {  	(v2sf) =	vpush v13, $0xF;
	v14, _, _ =	vpop (xrf0)  }
0x338: {  	(v2sf) =	vpush v14, $0xF;
	_ =	sdelay $0x2  }
0x339: {  	v15, _, _ =	vpop (xrf0)  }
0x33a: {  	(v2sf) =	vpush v15, $0xF;
	_ =	sdelay $0x6  }
0x33b: {  	s12 =	spop (v2sf)  }
0x33c: {  	s2 =	sadd.s32 s2, s12;
	s13 =	spop (v2sf)  }
0x33d: {  	v6 =	vsub.s32 s2, v6;
	s15 =	spop (v2sf);
	s2 =	sadd.s32 s2, s13  }
0x33e: {  	[tilespmem:s8+$0x8000] =	vst v2;
	v6 =	vadd.s32 v7, v6;
	v7 =	vsub.s32 s2, v12;
	s2 =	sadd.s32 s2, s15;
	s16 =	spop (v2sf)  }
0x33f: {  	[tilespmem:s1+$0x9000] =	vst v6;
	v6 =	vadd.s32 v63, v7;
	v7 =	vsub.s32 s2, v8;
	s17 =	sadd.s32 s2, s16;
	s28 =	spop (v2sf)  }
0x340: {  	[tilespmem:s6+$0x9000] =	vst v6;
	v6 =	vadd.s32 v13, v7;
	v7 =	vsub.s32 s17, v62;
	s1 =	sadd.s32 s17, s28  }
0x341: {  	[tilespmem:s5+$0x9000] =	vst v6;
	v6 =	vadd.s32 v14, v7;
	v7 =	vsub.s32 s1, v9  }
0x342: {  	s2 =	simm.s32 $0x4010;
	[tilespmem:s10+$0x9000] =	vst v6;
	v6 =	vadd.s32 v15, v7  }
0x343: {  	s1 =	simm.s32 $0xFFFFFFFE;
	s5 =	simm.s32 $0x10;
	[tilespmem:s8+$0x9000] =	vst v6;
	s29 =	spop (v2sf)  }
.LBB2_42:
0x344: {  	v6 =	vld [tilespmem:s5+$0xFFFFFFF0];
	_ =	sdelay $0x4  }
0x345: {  	v7 =	vshrl.u32 v6, $0xC  }
0x346: {  	v7 =	vand.u32 $0xFF0, v7  }
0x347: {  	v7 =	vor.u32 v0, v7;
	_ =	sdelay $0x4  }
0x348: {  	v8 =	vld.idx.msk [tilespmem:v7+s20+$0x0], $0xffff;
	_ =	sdelay $0x4  }
0x349: {  	v9 =	vshll.u32 v8, $0x4  }
0x34a: {  	v10 =	vshra.s32 v8, $0x9;
	v9 =	vand.u32 $0x1FF0, v9  }
0x34b: {  	v9 =	vadd.s32 v10, v9  }
0x34c: {  	v60 =	vld [tilespmem:s2+$0xFFFFFFF0];
	_ =	sdelay $0x1  }
0x34d: {  	v8 =	vadd.s32 $0x1, v8  }
0x34e: {  	[tilespmem:v7+s20+$0x0] =	vst.idx.msk $0xffff, v8  }
0x34f: {  	[tilespmem:v9+s21+$0x0] =	vst.idx.msk $0xffff, v6  }
0x350: {  	[tilespmem:v9+s22+$0x0] =	vst.idx.msk $0xffff, v60  }
0x351: {  	v6 =	vld [tilespmem:s5+$0x0];
	_ =	sdelay $0x4  }
0x352: {  	v7 =	vshrl.u32 v6, $0xC  }
0x353: {  	v7 =	vand.u32 $0xFF0, v7  }
0x354: {  	v7 =	vor.u32 v0, v7;
	_ =	sdelay $0x4  }
0x355: {  	v8 =	vld.idx.msk [tilespmem:v7+s20+$0x0], $0xffff;
	_ =	sdelay $0x4  }
0x356: {  	v61 =	vshll.u32 v8, $0x4  }
0x357: {  	v62 =	vshra.s32 v8, $0x9;
	v9 =	vand.u32 $0x1FF0, v61  }
0x358: {  	s1 =	sadd.s32 $0x2, s1;
	v9 =	vadd.s32 v62, v9  }
0x359: {  	p0 =	slt.u32 s1, $0x1FE;
	v63 =	vld [tilespmem:s2+$0x0]  }
.Ltmp22:
0x35a: {  	_ = 	snop;
	(pc) =	sbr.rel @p0 .LBB2_42-.Ltmp22, $4  }
0x35b: {  	v8 =	vadd.s32 $0x1, v8  }
0x35c: {  	[tilespmem:v7+s20+$0x0] =	vst.idx.msk $0xffff, v8  }
0x35d: {  	s8 =	simm.s32 $0xFFFFFFFC;
	[tilespmem:v9+s21+$0x0] =	vst.idx.msk $0xffff, v6  }
0x35e: {  	s11 =	simm.s32 $0x2020;
	s2 =	sadd.s32 $0x20, s2;
	s5 =	sadd.s32 $0x20, s5;
	[tilespmem:v9+s22+$0x0] =	vst.idx.msk $0xffff, v63  }
.LBB2_43:
0x35f: {  	v6 =	vld [tilespmem:s11+$0xFFFFFFE0];
	_ =	sdelay $0x4  }
0x360: {  	v6 =	vshrl.u32 v6, $0x14  }
0x361: {  	v6 =	vand.u32 $0x3F0, v6  }
0x362: {  	v6 =	vor.u32 v0, v6;
	_ =	sdelay $0x4  }
0x363: {  	[tilespmem:v6+s19+$0x0] =	vst.idx.add.s32.msk $0xffff, v3  }
0x364: {  	v6 =	vld [tilespmem:s11+$0xFFFFFFF0];
	_ =	sdelay $0x4  }
0x365: {  	v6 =	vshrl.u32 v6, $0x14  }
0x366: {  	v6 =	vand.u32 $0x3F0, v6  }
0x367: {  	v6 =	vor.u32 v0, v6;
	_ =	sdelay $0x4  }
0x368: {  	[tilespmem:v6+s19+$0x0] =	vst.idx.add.s32.msk $0xffff, v3  }
0x369: {  	v6 =	vld [tilespmem:s11+$0x0];
	_ =	sdelay $0x4  }
0x36a: {  	v6 =	vshrl.u32 v6, $0x14  }
0x36b: {  	v6 =	vand.u32 $0x3F0, v6  }
0x36c: {  	v6 =	vor.u32 v0, v6;
	_ =	sdelay $0x4  }
0x36d: {  	[tilespmem:v6+s19+$0x0] =	vst.idx.add.s32.msk $0xffff, v3  }
0x36e: {  	v6 =	vld [tilespmem:s11+$0x10];
	_ =	sdelay $0x4  }
0x36f: {  	v6 =	vshrl.u32 v6, $0x14  }
0x370: {  	s8 =	sadd.s32 $0x4, s8;
	v6 =	vand.u32 $0x3F0, v6  }
0x371: {  	p0 =	slt.u32 s8, $0x1FC;
	v6 =	vor.u32 v0, v6  }
.Ltmp23:
0x372: {  	_ = 	snop;
	(pc) =	sbr.rel @p0 .LBB2_43-.Ltmp23, $2  }
0x373: {  	_ =	sdelay $0x2  }
0x374: {  	s16 =	simm.s32 $0x0;
	s11 =	sadd.s32 $0x40, s11;
	[tilespmem:v6+s19+$0x0] =	vst.idx.add.s32.msk $0xffff, v3  }
0x375: {  	s11 =	simm.s32 $0x0  }
0x376: {  	v6 =	vld [tilespmem:s11+$0x8000]  }
0x377: {  	s2 =	simm.s32 $0x10;
	[tilespmem:s11+$0x8000] =	vst v2  }
0x378: {  	s15 =	simm.s32 $0x20;
	v8 =	vld [tilespmem:s2+$0x8000];
	[tilespmem:s2+$0x8000] =	vst v2  }
0x379: {  	v7 =	vld [tilespmem:s15+$0x8000];
	_ =	sdelay $0x1  }
0x37a: {  	(xrf0) =	vadd.scan.msk.s32 $0xffff, v6;
	_ =	sdelay $0x1  }
0x37b: {  	(xrf0) =	vadd.scan.msk.s32 $0xffff, v8  }
0x37c: {  	(xrf0) =	vadd.scan.msk.s32 $0xffff, v7;
	_ =	sdelay $0x2  }
0x37d: {  	v12, _, _ =	vpop (xrf0)  }
0x37e: {  	(v2sf) =	vpush v12, $0xF  }
0x37f: {  	v11, _, _ =	vpop (xrf0)  }
0x380: {  	(v2sf) =	vpush v11, $0xF;
	v10, _, _ =	vpop (xrf0)  }
0x381: {  	(v2sf) =	vpush v10, $0xF;
	_ =	sdelay $0x1  }
0x382: {  	s12 =	simm.s32 $0x30;
	[tilespmem:s15+$0x8000] =	vst v2  }
0x383: {  	v9 =	vld [tilespmem:s12+$0x8000];
	_ =	sdelay $0x3  }
0x384: {  	s1 =	simm.s32 $0x40;
	s29 =	simm.s32 $0x140;
	s17 =	simm.s32 $0x180;
	[tilespmem:s12+$0x8000] =	vst v2;
	v13 =	vsub.s32 s16, v6  }
0x385: {  	s28 =	simm.s32 $0x1C0;
	s8 =	simm.s32 $0x200;
	s5 =	simm.s32 $0x240;
	v6 =	vld [tilespmem:s1+$0x8000];
	[tilespmem:s1+$0x8000] =	vst v2;
	(xrf0) =	vadd.scan.msk.s32 $0xffff, v9;
	v12 =	vadd.s32 v12, v13  }
.LBB2_45:
0x386: {  	p0 =	sne.s32 s5, $0xFC0  }
0x387: {  	[tilespmem:s11+$0x9000] =	vst v12;
	s6 =	smov.u32 s5;
	s5 =	sadd.s32 $0x40, s5;
	s11 =	smov.u32 s2  }
.Ltmp24:
0x388: {  	s2 =	smov.u32 s15;
	s15 =	smov.u32 s12;
	(pc) =	sbr.rel @p0 .LBB2_45-.Ltmp24, $4  }
0x389: {  	s12 =	smov.u32 s1;
	s9 =	spop (v2sf)  }
0x38a: {  	s16 =	sadd.s32 s16, s9  }
0x38b: {  	s1 =	sshra.s32 s29, $0x2;
	s29 =	smov.u32 s17;
	s17 =	smov.u32 s28;
	(xrf0) =	vadd.scan.msk.s32 $0xffff, v6;
	v13, _, _ =	vpop (xrf0);
	v12 =	vsub.s32 s16, v8;
	v8 =	vmov v7;
	v7 =	vmov v9  }
0x38c: {  	s28 =	smov.u32 s8;
	s8 =	smov.u32 s6;
	v9 =	vmovc v6;
	[tilespmem:s1+$0x8000] =	vst v2;
	(v2sf) =	vpush v13, $0xF;
	v12 =	vadd.s32 v11, v12;
	v11 =	vmovc v10;
	v10 =	vmov v13;
	v6 =	vld [tilespmem:s1+$0x8000]  }
0x38d: {  	_ =	sdelay $0x7  }
0x38e: {  	s5 =	spop (v2sf)  }
0x38f: {  	s5 =	sadd.s32 s16, s5  }
0x390: {  	[tilespmem:s11+$0x9000] =	vst v12;
	s6 =	sshra.s32 s29, $0x2;
	s9 =	spop (v2sf);
	v8 =	vsub.s32 s5, v8  }
0x391: {  	v12 =	vld [tilespmem:s6+$0x8000];
	[tilespmem:s6+$0x8000] =	vst v2;
	s16 =	sadd.s32 s5, s9;
	v8 =	vadd.s32 v11, v8  }
0x392: {  	s5 =	sshra.s32 s17, $0x2;
	v7 =	vsub.s32 s16, v7;
	[tilespmem:s2+$0x9000] =	vst v8  }
0x393: {  	v7 =	vadd.s32 v10, v7;
	v8 =	vld [tilespmem:s5+$0x8000];
	[tilespmem:s5+$0x8000] =	vst v2  }
0x394: {  	s10 =	sshra.s32 s28, $0x2;
	[tilespmem:s15+$0x9000] =	vst v7;
	s29 =	spop (v2sf)  }
0x395: {  	v62 =	vld [tilespmem:s10+$0x8000];
	s2 =	sadd.s32 s16, s29  }
0x396: {  	v7, _, _ =	vpop (xrf0);
	v9 =	vsub.s32 s2, v9  }
0x397: {  	[tilespmem:s10+$0x8000] =	vst v2;
	(xrf0) =	vadd.scan.msk.s32 $0xffff, v6;
	v9 =	vadd.s32 v7, v9  }
0x398: {  	s8 =	sshra.s32 s8, $0x2;
	(xrf0) =	vadd.scan.msk.s32 $0xffff, v12;
	[tilespmem:s12+$0x9000] =	vst v9  }
0x399: {  	(xrf0) =	vadd.scan.msk.s32 $0xffff, v8;
	v9 =	vld [tilespmem:s8+$0x8000]  }
0x39a: {  	(xrf0) =	vadd.scan.msk.s32 $0xffff, v62;
	_ =	sdelay $0x2  }
0x39b: {  	(v2sf) =	vpush v7, $0xF;
	v7, _, _ =	vpop (xrf0)  }
0x39c: {  	v63, _, _ =	vpop (xrf0);
	(v2sf) =	vpush v7, $0xF;
	(xrf0) =	vadd.scan.msk.s32 $0xffff, v9  }
0x39d: {  	v13, _, _ =	vpop (xrf0);
	(v2sf) =	vpush v63, $0xF  }
0x39e: {  	(v2sf) =	vpush v13, $0xF;
	v14, _, _ =	vpop (xrf0)  }
0x39f: {  	(v2sf) =	vpush v14, $0xF;
	_ =	sdelay $0x2  }
0x3a0: {  	v15, _, _ =	vpop (xrf0)  }
0x3a1: {  	(v2sf) =	vpush v15, $0xF;
	_ =	sdelay $0x6  }
0x3a2: {  	s12 =	spop (v2sf)  }
0x3a3: {  	s2 =	sadd.s32 s2, s12;
	s13 =	spop (v2sf)  }
0x3a4: {  	v6 =	vsub.s32 s2, v6;
	s15 =	spop (v2sf);
	s2 =	sadd.s32 s2, s13  }
0x3a5: {  	[tilespmem:s8+$0x8000] =	vst v2;
	v6 =	vadd.s32 v7, v6;
	v7 =	vsub.s32 s2, v12;
	s2 =	sadd.s32 s2, s15;
	s16 =	spop (v2sf)  }
0x3a6: {  	[tilespmem:s1+$0x9000] =	vst v6;
	v6 =	vadd.s32 v63, v7;
	v7 =	vsub.s32 s2, v8;
	s17 =	sadd.s32 s2, s16;
	s28 =	spop (v2sf)  }
0x3a7: {  	[tilespmem:s6+$0x9000] =	vst v6;
	v6 =	vadd.s32 v13, v7;
	v7 =	vsub.s32 s17, v62;
	s1 =	sadd.s32 s17, s28  }
0x3a8: {  	[tilespmem:s5+$0x9000] =	vst v6;
	v6 =	vadd.s32 v14, v7;
	v7 =	vsub.s32 s1, v9  }
0x3a9: {  	s2 =	simm.s32 $0x6010;
	[tilespmem:s10+$0x9000] =	vst v6;
	v6 =	vadd.s32 v15, v7  }
0x3aa: {  	s1 =	simm.s32 $0xFFFFFFFE;
	s5 =	simm.s32 $0x2010;
	[tilespmem:s8+$0x9000] =	vst v6;
	s29 =	spop (v2sf)  }
.LBB2_47:
0x3ab: {  	v6 =	vld [tilespmem:s5+$0xFFFFFFF0];
	_ =	sdelay $0x4  }
0x3ac: {  	v6 =	vshrl.u32 v6, $0x14  }
0x3ad: {  	v6 =	vand.u32 $0x3F0, v6  }
0x3ae: {  	v6 =	vor.u32 v0, v6;
	_ =	sdelay $0x4  }
0x3af: {  	v7 =	vld.idx.msk [tilespmem:v6+s20+$0x0], $0xffff;
	_ =	sdelay $0x2  }
0x3b0: {  	v8 =	vld [tilespmem:s2+$0xFFFFFFF0];
	_ =	sdelay $0x2  }
0x3b1: {  	v9 =	vadd.s32 $0x1, v7  }
0x3b2: {  	[tilespmem:v6+s20+$0x0] =	vst.idx.msk $0xffff, v9  }
0x3b3: {  	[tilespmem:v7+s23+$0x0] =	vst.idx.msk $0xffff, v8  }
0x3b4: {  	v6 =	vld [tilespmem:s5+$0x0];
	_ =	sdelay $0x4  }
0x3b5: {  	v6 =	vshrl.u32 v6, $0x14  }
0x3b6: {  	v6 =	vand.u32 $0x3F0, v6  }
0x3b7: {  	v6 =	vor.u32 v0, v6;
	_ =	sdelay $0x4  }
0x3b8: {  	v7 =	vld.idx.msk [tilespmem:v6+s20+$0x0], $0xffff;
	_ =	sdelay $0x1  }
0x3b9: {  	s1 =	sadd.s32 $0x2, s1  }
0x3ba: {  	p0 =	slt.u32 s1, $0x1FE;
	v8 =	vld [tilespmem:s2+$0x0]  }
.Ltmp25:
0x3bb: {  	_ = 	snop;
	(pc) =	sbr.rel @p0 .LBB2_47-.Ltmp25, $4  }
0x3bc: {  	_ = 	snop  }
0x3bd: {  	v63 =	vadd.s32 $0x1, v7  }
0x3be: {  	[tilespmem:v6+s20+$0x0] =	vst.idx.msk $0xffff, v63  }
0x3bf: {  	s2 =	sadd.s32 $0x20, s2;
	s5 =	sadd.s32 $0x20, s5;
	[tilespmem:v7+s23+$0x0] =	vst.idx.msk $0xffff, v8  }
0x3c0: {  	s1 =	simm.s32 $0x1  }
0x3c1: {  	_ =	swait.ge [sflag:s1], $0x6000  }
0x3c2: {  	[sflag:s1] =	ssyncset.done $0x0  }
0x3c3: {  	s28 =	simm.s32 $0x2;
	[sflag:s1] =	ssyncadd.s32 $0xFFFFA000  }
0x3c4: {  	_ =	swait.ge [sflag:s28], $0x6000  }
0x3c5: {  	[sflag:s28] =	ssyncset.done $0x0  }
0x3c6: {  	s5 =	simm.s32 $0x3;
	s12 =	simm.s32 $0xFFFFFFFE;
	[sflag:s28] =	ssyncadd.s32 $0xFFFFA000  }
0x3c7: {  	s15 =	simm.s32 $0x0;
	s29 =	rddreg [dreg:$0x8];
	_ =	swait.ge [sflag:s5], $0x300  }
0x3c8: {  	s16 =	simm.s32 $0x4020;
	s1 =	sor.u32 s29, s4;
	s2 =	rddreg [dreg:$0x4]  }
0x3c9: {  	s1 =	sshrl.u32 s1, $0x3;
	[sflag:s5] =	ssyncset.done $0x0;
	s4 =	sadd.s32 s2, s7  }
0x3ca: {  	s7 =	sadd.s32 s24, s1;
	[sflag:s5] =	ssyncadd.s32 $0xFFFFFD00;
	s1 =	simm.s32 $0x5  }
.LBB2_49:
0x3cb: {  	v6 =	vld [tilespmem:s16+$0xFFFFFFE0];
	_ =	sdelay $0x4  }
0x3cc: {  	v6 =	vmul.u32 $0x3, v6;
	_ =	sdelay $0x1  }
0x3cd: {  	v7 =	vadd.s32 $0x1, v6  }
0x3ce: {  	v8 =	vadd.s32 $0x2, v6;
	_ =	sdelay $0x2  }
0x3cf: {  	v9 =	vor.u32 s15, v1;
	v6 =	vld.idx.msk [tilespmem:v6+s18+$0x0], $0xffff  }
0x3d0: {  	v10 =	vor.u32 s15, v4;
	v7 =	vld.idx.msk [tilespmem:v7+s18+$0x0], $0xffff  }
0x3d1: {  	v11 =	vor.u32 s15, v5;
	v8 =	vld.idx.msk [tilespmem:v8+s18+$0x0], $0xffff;
	_ =	sdelay $0x2  }
0x3d2: {  	[tilespmem:v9+s25+$0x0] =	vst.idx.msk $0xffff, v6  }
0x3d3: {  	[tilespmem:v10+s25+$0x0] =	vst.idx.msk $0xffff, v7  }
0x3d4: {  	[tilespmem:v11+s25+$0x0] =	vst.idx.msk $0xffff, v8  }
0x3d5: {  	v9 =	vld [tilespmem:s16+$0xFFFFFFF0];
	_ =	sdelay $0x4  }
0x3d6: {  	v9 =	vmul.u32 $0x3, v9;
	_ =	sdelay $0x1  }
0x3d7: {  	v45 =	vadd.s32 $0x1, v9  }
0x3d8: {  	v46 =	vadd.s32 $0x2, v9;
	_ =	sdelay $0x2  }
0x3d9: {  	v9 =	vld.idx.msk [tilespmem:v9+s18+$0x0], $0xffff  }
0x3da: {  	v10 =	vld.idx.msk [tilespmem:v45+s18+$0x0], $0xffff  }
0x3db: {  	v11 =	vld.idx.msk [tilespmem:v46+s18+$0x0], $0xffff  }
0x3dc: {  	v6 =	vadd.f32 $0.0e+00, v6  }
0x3dd: {  	v7 =	vadd.f32 $0.0e+00, v7  }
0x3de: {  	v8 =	vadd.f32 $0.0e+00, v8;
	v6 =	vadd.f32 v9, v6  }
0x3df: {  	v7 =	vadd.f32 v10, v7  }
0x3e0: {  	(xrf2) =	vadd.scan.msk.f32 $0xffff, v6;
	v6 =	vadd.f32 v11, v8  }
0x3e1: {  	(xrf2) =	vadd.scan.msk.f32 $0xffff, v7  }
0x3e2: {  	(xrf2) =	vadd.scan.msk.f32 $0xffff, v6;
	_ =	sdelay $0x7  }
0x3e3: {  	v6, _, _ =	vpop (xrf2)  }
0x3e4: {  	(v2sf) =	vpush v6, $0xF;
	v6, _, _ =	vpop (xrf2)  }
0x3e5: {  	(v2sf) =	vpush v6, $0xF;
	v6, _, _ =	vpop (xrf2)  }
0x3e6: {  	(v2sf) =	vpush v6, $0xF;
	_ =	sdelay $0xb  }
0x3e7: {  	s2 =	sadd.s32 $0x30, s15;
	s6 =	sadd.s32 $0xFFFFFFFB, s1  }
0x3e8: {  	v7 =	vmov s6;
	v6 =	vadd.s32 s2, v1;
	s5 =	spop (v2sf)  }
0x3e9: {  	s17 =	sadd.s32 $0xFFFFFFFD, s1;
	v47 =	vadd.s32 s2, v4;
	v7 =	vand.u32 $0xFFFFFFFE, v7;
	s5 =	smul.f32 $3.125000000e-02, s5;
	s13 =	spop (v2sf)  }
0x3ea: {  	s29 =	sadd.s32 $0xFFFFFFFC, s1;
	v12 =	vadd.s32 s2, v5;
	v14 =	vmov s17;
	v7 =	vbroadcast v7, $0x0;
	s2 =	smul.f32 $3.125000000e-02, s13;
	s28 =	spop (v2sf)  }
0x3eb: {  	v15 =	vmov s29;
	v14 =	vand.u32 $0xFFFFFFFE, v14;
	v13 =	vmov s5;
	s5 =	smul.f32 $3.125000000e-02, s28  }
0x3ec: {  	v14 =	vbroadcast v14, $0x0;
	v13 =	vadd.f32 $0.0e+00, v13;
	v16 =	vmov s2  }
0x3ed: {  	[tilespmem:v6+s25+$0x0] =	vst.idx.msk $0xffff, v9;
	v6 =	vadd.f32 $0.0e+00, v16;
	v48 =	vmov s5  }
0x3ee: {  	[tilespmem:v47+s25+$0x0] =	vst.idx.msk $0xffff, v10;
	v49 =	vbroadcast v13, $0x0;
	v9 =	vadd.f32 $0.0e+00, v48  }
0x3ef: {  	[tilespmem:v12+s25+$0x0] =	vst.idx.msk $0xffff, v11;
	v6 =	vbroadcast v6, $0x0  }
0x3f0: {  	[tilespmem:v7+s26+$0x0] =	vst.idx.msk $0x1, v49;
	v7 =	vbroadcast v9, $0x0  }
0x3f1: {  	[tilespmem:v15+s26+$0x0] =	vst.idx.msk $0x1, v6  }
0x3f2: {  	[tilespmem:v14+s26+$0x0] =	vst.idx.msk $0x1, v7  }
0x3f3: {  	v6 =	vld [tilespmem:s16+$0x0];
	_ =	sdelay $0x4  }
0x3f4: {  	v6 =	vmul.u32 $0x3, v6;
	_ =	sdelay $0x1  }
0x3f5: {  	v7 =	vadd.s32 $0x1, v6  }
0x3f6: {  	v50 =	vadd.s32 $0x2, v6;
	_ =	sdelay $0x1  }
0x3f7: {  	s8 =	sadd.s32 $0x60, s15  }
0x3f8: {  	v51 =	vadd.s32 s8, v1;
	v6 =	vld.idx.msk [tilespmem:v6+s18+$0x0], $0xffff  }
0x3f9: {  	v52 =	vadd.s32 s8, v4;
	v7 =	vld.idx.msk [tilespmem:v7+s18+$0x0], $0xffff  }
0x3fa: {  	v53 =	vadd.s32 s8, v5;
	v8 =	vld.idx.msk [tilespmem:v50+s18+$0x0], $0xffff;
	_ =	sdelay $0x2  }
0x3fb: {  	[tilespmem:v51+s25+$0x0] =	vst.idx.msk $0xffff, v6  }
0x3fc: {  	[tilespmem:v52+s25+$0x0] =	vst.idx.msk $0xffff, v7  }
0x3fd: {  	[tilespmem:v53+s25+$0x0] =	vst.idx.msk $0xffff, v8  }
0x3fe: {  	v9 =	vld [tilespmem:s16+$0x10];
	_ =	sdelay $0x4  }
0x3ff: {  	v9 =	vmul.u32 $0x3, v9;
	_ =	sdelay $0x1  }
0x400: {  	v54 =	vadd.s32 $0x1, v9  }
0x401: {  	v55 =	vadd.s32 $0x2, v9;
	_ =	sdelay $0x2  }
0x402: {  	v9 =	vld.idx.msk [tilespmem:v9+s18+$0x0], $0xffff  }
0x403: {  	v10 =	vld.idx.msk [tilespmem:v54+s18+$0x0], $0xffff  }
0x404: {  	v11 =	vld.idx.msk [tilespmem:v55+s18+$0x0], $0xffff  }
0x405: {  	v6 =	vadd.f32 $0.0e+00, v6  }
0x406: {  	v7 =	vadd.f32 $0.0e+00, v7  }
0x407: {  	v8 =	vadd.f32 $0.0e+00, v8;
	v6 =	vadd.f32 v9, v6  }
0x408: {  	v7 =	vadd.f32 v10, v7  }
0x409: {  	v8 =	vadd.f32 v11, v8;
	(xrf2) =	vadd.scan.msk.f32 $0xffff, v6  }
0x40a: {  	(xrf2) =	vadd.scan.msk.f32 $0xffff, v7  }
0x40b: {  	(xrf2) =	vadd.scan.msk.f32 $0xffff, v8;
	_ =	sdelay $0x7  }
0x40c: {  	v6, _, _ =	vpop (xrf2)  }
0x40d: {  	v7, _, _ =	vpop (xrf2);
	(v2sf) =	vpush v6, $0xF  }
0x40e: {  	(v2sf) =	vpush v7, $0xF;
	v6, _, _ =	vpop (xrf2)  }
0x40f: {  	(v2sf) =	vpush v6, $0xF;
	_ =	sdelay $0xb  }
0x410: {  	s9 =	sadd.s32 $0x90, s15  }
0x411: {  	s11 =	sadd.s32 $0xFFFFFFFF, s1;
	v6 =	vadd.s32 s9, v1;
	s10 =	spop (v2sf)  }
0x412: {  	v56 =	vmov s11;
	v7 =	vadd.s32 s9, v4;
	s8 =	spop (v2sf);
	s5 =	smul.f32 $3.125000000e-02, s10  }
0x413: {  	v57 =	vadd.s32 s9, v5;
	s13 =	sadd.s32 $0xFFFFFFFE, s1;
	v8 =	vand.u32 $0xFFFFFFFE, v56;
	s17 =	smul.f32 $3.125000000e-02, s8;
	s28 =	spop (v2sf)  }
0x414: {  	v58 =	vmov s13;
	v8 =	vbroadcast v8, $0x0;
	v59 =	vmov s5;
	s29 =	smul.f32 $3.125000000e-02, s28  }
0x415: {  	s12 =	sadd.s32 $0x2, s12;
	v14 =	vadd.f32 $0.0e+00, v59;
	v60 =	vmov s17  }
0x416: {  	v61 =	vmov s1;
	p0 =	slt.u32 s12, $0xFE;
	[tilespmem:v6+s25+$0x0] =	vst.idx.msk $0xffff, v9;
	v6 =	vadd.f32 $0.0e+00, v60;
	v62 =	vmov s29  }
.Ltmp26:
0x417: {  	[tilespmem:v7+s25+$0x0] =	vst.idx.msk $0xffff, v10;
	v7 =	vbroadcast v14, $0x0;
	v63 =	vadd.f32 $0.0e+00, v62;
	(pc) =	sbr.rel @p0 .LBB2_49-.Ltmp26, $4  }
0x418: {  	[tilespmem:v57+s25+$0x0] =	vst.idx.msk $0xffff, v11;
	v6 =	vbroadcast v6, $0x0  }
0x419: {  	[tilespmem:v58+s26+$0x0] =	vst.idx.msk $0x1, v7;
	v7 =	vbroadcast v63, $0x0  }
0x41a: {  	[tilespmem:v8+s26+$0x0] =	vst.idx.msk $0x1, v6  }
0x41b: {  	s15 =	sadd.s32 $0xC0, s15;
	s1 =	sadd.s32 $0x6, s1;
	s16 =	sadd.s32 $0x40, s16;
	[tilespmem:v61+s26+$0x0] =	vst.idx.msk $0x1, v7  }
0x41c: {  	s0 =	sadd.s32 $0x1, s0  }
0x41d: {  	p0 =	sne.s32 s0, $0x4  }
.Ltmp27:
0x41e: {  	_ = 	snop;
	(pc) =	sbr.rel @p0 .LBB2_4-.Ltmp27, $4  }
0x41f: {  	s5 =	simm.s32 $0x80  }
0x420: {  	[hbm4b:s4+s5] =	stream.strided.scatter [tilespmem:s25], [sflag:$0x2], $0x6000, s14, s5, $0x38;
	[tilespmem:$0x1A300] =	vst v63  }
0x421: {  	_ = 	snop  }
0x422: {  	[hbm4b:s7+s5] =	stream.strided.scatter [tilespmem:s26], [sflag:$0x3], $0x300, s14, s5, $0x38;
	[tilespmem:$0x1A300] =	vst v63  }
0x423: {  	s0 =	simm.s32 $0x2  }
0x424: {  	_ =	swait.ge [sflag:s0], $0x6000  }
0x425: {  	[sflag:s0] =	ssyncset.done $0x0  }
0x426: {  	s1 =	simm.s32 $0x3;
	[sflag:s0] =	ssyncadd.s32 $0xFFFFA000  }
0x427: {  	_ =	swait.ge [sflag:s1], $0x300  }
0x428: {  	s2 =	rddreg [dreg:$0xb]  }
0x429: {  	s29 =	rddreg [dreg:$0xa];
	s2 =	sadd.s32 $0x1, s2  }
0x42a: {  	p0 =	sne.s32 s2, s29  }
.Ltmp28:
0x42b: {  	_ = 	snop;
	(pc) =	sbr.rel @p0 .LBB2_1-.Ltmp28, $3  }
0x42c: {  	_ =	sdelay $0x1  }
0x42d: {  	[sflag:s1] =	ssyncset.done $0x0  }
0x42e: {  	[sflag:s1] =	ssyncadd.s32 $0xFFFFFD00  }
0x42f: {  	_ =	sfence.sel $0x180000  }
0x430: {  	[bflag:$0x0] =	sbarrier.arrive $0xFFFF  }
0x431: {  	_ =	strace $0x90000047  }
0x432: {  	s0 =	stileid.u32;
	[bflag:$0x2] =	sbarrier.arrive $0xFFFF  }
0x433: {  	p0 =	sne.s32 s0, $0x0;
	s0 =	rddreg [dreg:$0x3]  }
0x434: {  	s0 =	sadd.s32 @!p0 $0x100000, s0  }
0x435: {  	[sflag:s0] =	ssyncadd.tile.s32 @!p0 $0x1;
	_ =	shalt  }
.Lfunc_end2:
_tile_overlayer_lowered:
.L_overlay_start_2:
0x436: {  	(tag) =	ssettag $0x2  }
0x437: {  	s0 =	rddreg [dreg:$0x0];
	s2 =	stileid.u32  }
0x438: {  	s1 =	rddreg [dreg:$0x1];
	p0 =	sne.s32 s2, $0x0  }
0x439: {  	s3 =	rddreg [dreg:$0x2];
	[bflag:$0x3] =	sbarrier.arrive $0xFFFF;
	s2 =	simm.s32 @!p0 $0x1C05  }
0x43a: {  	[timem:s3], [sflag:s2] =	dma.local @!p0 [hbm:s0], s1  }
0x43b: {  	s0 =	simm.s32 @!p0 $0x5  }
0x43c: {  	_ =	swait.ge @!p0 [sflag:s0], s1  }
0x43d: {  	s1 =	ssub.s32 @!p0 $0x0, s1;
	[sflag:s0] =	ssyncset.done @!p0 $0x0  }
0x43e: {  	[sflag:s0] =	ssyncadd.s32 @!p0 s1  }
0x43f: {  	[bflag:$0x3] =	sbarrier.arrive $0xFFFF  }
0x440: {  	_ =	shalt  }

</sc_bundles>
